<compile_context>
chip_gen: v7x
topology: tpu7x:2x2x1
jax: 0.10.2.dev20260603
libtpu: 0.0.44.dev20260713+nightly
codegen_flags: <defaults>
</compile_context>

<pallas_src>
import functools

import jax
import jax.numpy as jnp
from jax import lax
from jax.experimental import pallas as pl
from jax.experimental.pallas import tpu as pltpu
from jax.experimental.pallas import tpu_sc as plsc

N = 10000
E = 320000
D = 128
G = 128

NC = 2
NT = 16
CH = 128
IB = 16
NBLK = 10
E_PAD = NT * CH * IB * NBLK
RPT = 632
NP = NT * RPT

BN = 400
NB = N // BN



def _sc_agg_body(h_hbm, e_hbm, z_hbm, o1_hbm, o2_hbm,
                 agg_sh, s0, d0, s1, d1, rows0, rows1,
                 isem0, isem1, rsem0, rsem1):
    c = lax.axis_index("c")
    s = lax.axis_index("s")
    base = s * RPT

    pltpu.sync_copy(z_hbm, agg_sh.at[pl.ds(base, RPT)])
    plsc.subcore_barrier()

    def fetch_idx(k, sv, dv, isem):
        pltpu.async_copy(e_hbm.at[c, s, k, 0], sv, isem)
        pltpu.async_copy(e_hbm.at[c, s, k, 1], dv, isem)

    def wait_idx(k, sv, dv, isem):
        pltpu.make_async_copy(e_hbm.at[c, s, k, 0], sv, isem).wait()
        pltpu.make_async_copy(e_hbm.at[c, s, k, 1], dv, isem).wait()

    def process_block(sv, dv):
        pltpu.async_copy(h_hbm.at[sv.at[0]], rows0, rsem0)
        pltpu.async_copy(h_hbm.at[sv.at[1]], rows1, rsem1)

        @pl.loop(0, IB, step=2)
        def _steps(j):
            pltpu.make_async_copy(h_hbm.at[sv.at[j]], rows0, rsem0).wait()
            pltpu.sync_copy(rows0, agg_sh.at[dv.at[j]], add=True)

            @pl.when(j + 2 < IB)
            def _():
                pltpu.async_copy(h_hbm.at[sv.at[j + 2]], rows0, rsem0)

            pltpu.make_async_copy(h_hbm.at[sv.at[j + 1]], rows1, rsem1).wait()
            pltpu.sync_copy(rows1, agg_sh.at[dv.at[j + 1]], add=True)

            @pl.when(j + 3 < IB)
            def _():
                pltpu.async_copy(h_hbm.at[sv.at[j + 3]], rows1, rsem1)

    fetch_idx(0, s0, d0, isem0)

    @pl.loop(0, NBLK, step=2)
    def _blocks(k):
        wait_idx(k, s0, d0, isem0)

        @pl.when(k + 1 < NBLK)
        def _():
            fetch_idx(k + 1, s1, d1, isem1)

        process_block(s0, d0)
        wait_idx(k + 1, s1, d1, isem1)

        @pl.when(k + 2 < NBLK)
        def _():
            fetch_idx(k + 2, s0, d0, isem0)

        process_block(s1, d1)

    plsc.subcore_barrier()

    @pl.when(c == 0)
    def _():
        pltpu.sync_copy(agg_sh.at[pl.ds(base, RPT)], o1_hbm.at[pl.ds(base, RPT)])

    @pl.when(c == 1)
    def _():
        pltpu.sync_copy(agg_sh.at[pl.ds(base, RPT)], o2_hbm.at[pl.ds(base, RPT)])


_sc_agg = pl.kernel(
    _sc_agg_body,
    out_type=(jax.ShapeDtypeStruct((NP, D), jnp.float32),
              jax.ShapeDtypeStruct((NP, D), jnp.float32)),
    mesh=plsc.VectorSubcoreMesh(core_axis_name="c", subcore_axis_name="s"),
    scratch_types=[
        pltpu.VMEM_SHARED((NP, D), jnp.float32),
        pltpu.VMEM((IB, CH), jnp.int32),
        pltpu.VMEM((IB, CH), jnp.int32),
        pltpu.VMEM((IB, CH), jnp.int32),
        pltpu.VMEM((IB, CH), jnp.int32),
        pltpu.VMEM((CH, D), jnp.float32),
        pltpu.VMEM((CH, D), jnp.float32),
        pltpu.SemaphoreType.DMA,
        pltpu.SemaphoreType.DMA,
        pltpu.SemaphoreType.DMA,
        pltpu.SemaphoreType.DMA,
    ],
)



def _tc_layer_body(h, a1, a2, w1a, b1a, w2a, b2a, w1b, b1b, w2b, b2b, o):
    x1 = h[...] + a1[...]
    z1 = jnp.maximum(lax.dot(x1, w1a[...],
                             preferred_element_type=jnp.float32) + b1a[...], 0.0)
    h1 = jnp.maximum(lax.dot(z1, w2a[...],
                             preferred_element_type=jnp.float32) + b2a[...], 0.0)
    x2 = h[...] + a2[...]
    z2 = jnp.maximum(lax.dot(x2, w1b[...],
                             preferred_element_type=jnp.float32) + b1b[...], 0.0)
    h2 = jnp.maximum(lax.dot(z2, w2b[...],
                             preferred_element_type=jnp.float32) + b2b[...], 0.0)
    o[...] = h1 + h2


def _tc_layer(h, a1, a2, wa, wb):
    row = pl.BlockSpec((BN, D), lambda i: (i, 0))
    wsp = pl.BlockSpec((D, D), lambda i: (0, 0))
    bsp = pl.BlockSpec((1, D), lambda i: (0, 0))
    return pl.pallas_call(
        _tc_layer_body,
        grid=(NB,),
        in_specs=[row, row, row, wsp, bsp, wsp, bsp, wsp, bsp, wsp, bsp],
        out_specs=row,
        out_shape=jax.ShapeDtypeStruct((N, D), jnp.float32),
    )(h, a1, a2, wa[0], wa[1], wa[2], wa[3], wb[0], wb[1], wb[2], wb[3])


def _tc_final_body(h, bat, fw1, fb1, fw2, fb2, o, acc):
    i = pl.program_id(0)

    @pl.when(i == 0)
    def _():
        acc[...] = jnp.zeros_like(acc)

    onehot = (bat[0] == lax.broadcasted_iota(jnp.int32, (BN, G), 1))
    onehot = onehot.astype(jnp.float32)
    acc[...] += lax.dot_general(onehot, h[...], (((0,), (0,)), ((), ())),
                                preferred_element_type=jnp.float32)

    @pl.when(i == NB - 1)
    def _():
        g = jnp.maximum(lax.dot(acc[...], fw1[...],
                                preferred_element_type=jnp.float32) + fb1[...], 0.0)
        o[...] = lax.dot(g, fw2[...],
                         preferred_element_type=jnp.float32) + fb2[...]


def _tc_final(h, batch_r, fp):
    row = pl.BlockSpec((BN, D), lambda i: (i, 0))
    bat = pl.BlockSpec((1, BN, 1), lambda i: (i, 0, 0))
    wsp = pl.BlockSpec((D, D), lambda i: (0, 0))
    bsp = pl.BlockSpec((1, D), lambda i: (0, 0))
    osp = pl.BlockSpec((G, D), lambda i: (0, 0))
    return pl.pallas_call(
        _tc_final_body,
        grid=(NB,),
        in_specs=[row, bat, wsp, bsp, wsp, bsp],
        out_specs=osp,
        out_shape=jax.ShapeDtypeStruct((G, D), jnp.float32),
        scratch_shapes=[pltpu.VMEM((G, D), jnp.float32)],
    )(h, batch_r, fp["W1"], fp["b1"].reshape(1, D), fp["W2"],
      fp["b2"].reshape(1, D))



def _fold_bn(p):
    s = p["gamma"] / jnp.sqrt(1.0 + 1e-5)
    w1 = p["W1"] * s[None, :]
    b1 = (p["b1"] * s + p["beta"]).reshape(1, D)
    return (w1, b1, p["W2"], p["b2"].reshape(1, D))


def kernel(x, edge_index, edge_index_diff, batch, params):
    e = jnp.stack([edge_index, edge_index_diff])
    pad = E_PAD - E
    src = jnp.pad(e[:, 0, :], ((0, 0), (0, pad))).reshape(2, NT, NBLK, IB, CH)
    dst = jnp.pad(e[:, 1, :], ((0, 0), (0, pad)),
                  constant_values=N).reshape(2, NT, NBLK, IB, CH)
    e_r = jnp.stack([src, dst], axis=3)
    zinit = jnp.zeros((RPT, D), jnp.float32)

    h = x
    for lp in params["layers"]:
        a1, a2 = _sc_agg(h, e_r, zinit)
        h = _tc_layer(h, a1, a2, _fold_bn(lp["conv"]), _fold_bn(lp["conv_diff"]))

    return _tc_final(h, batch.reshape(NB, BN, 1), params["final"])

# --- scband reference (transcript-rebuilt; emitter-appended) ---
"""Pipeline reference for scband-diff-gin-42322607735063 (READ-ONLY COPY).

The authoritative reference and input builder live on the scoring server;
editing this copy changes nothing except your own understanding.
"""

import jax, jax.numpy as jnp
import numpy as np

N = 10000
E = 320000
D_IN = 128
D_HID = 128
D_OUT = 128
NUM_LAYERS = 3
NUM_GRAPHS = 128
BN_EPS = 1e-5


def _lin_params(k, fin, fout):
    w = jax.random.normal(k, (fin, fout), dtype=jnp.float32) * (1.0 / np.sqrt(fin))
    b = jnp.zeros((fout,), dtype=jnp.float32)
    return w, b


def _gin_mlp_params(k, fin, fhid):
    k1, k2 = jax.random.split(k)
    W1, b1 = _lin_params(k1, fin, fhid)
    W2, b2 = _lin_params(k2, fhid, fhid)
    return {"W1": W1, "b1": b1, "gamma": jnp.ones((fhid,), jnp.float32), "beta": jnp.zeros((fhid,), jnp.float32), "W2": W2, "b2": b2}


def setup_inputs(seed: int = 0) -> dict:
    key = jax.random.key(seed)
    ks = jax.random.split(key, 16)
    x = jax.random.normal(ks[0], (N, D_IN), dtype=jnp.float32)
    edge_index = jax.random.randint(ks[1], (2, E), 0, N, dtype=jnp.int32)
    edge_index_diff = jax.random.randint(ks[2], (2, E), 0, N, dtype=jnp.int32)
    batch = jnp.sort(jax.random.randint(ks[3], (N,), 0, NUM_GRAPHS, dtype=jnp.int32))
    layers = []
    for l in range(NUM_LAYERS):
        fin = D_IN if l == 0 else D_HID
        kc = jax.random.fold_in(ks[4], 2 * l)
        kd = jax.random.fold_in(ks[4], 2 * l + 1)
        layers.append({"conv": _gin_mlp_params(kc, fin, D_HID), "conv_diff": _gin_mlp_params(kd, fin, D_HID)})
    kf1, kf2 = jax.random.split(ks[5])
    fW1, fb1 = _lin_params(kf1, D_HID, D_HID)
    fW2, fb2 = _lin_params(kf2, D_HID, D_OUT)
    params = {"layers": layers, "final": {"W1": fW1, "b1": fb1, "W2": fW2, "b2": fb2}}
    return {"x": x, "edge_index": edge_index, "edge_index_diff": edge_index_diff, "batch": batch, "params": params}


def _mlp_bn(h, p):
    h = h @ p["W1"] + p["b1"]
    # BatchNorm1d in eval mode: running_mean=0, running_var=1
    h = h * (p["gamma"] / jnp.sqrt(1.0 + BN_EPS)) + p["beta"]
    h = jax.nn.relu(h)
    return h @ p["W2"] + p["b2"]


def _gin_conv(x, edge_index, p):
    src = edge_index[0]
    dst = edge_index[1]
    agg = jax.ops.segment_sum(x[src], dst, num_segments=N)
    # GINConv with eps=0 (train_eps=False): nn((1+eps)*x + sum_neighbors)
    return _mlp_bn(x + agg, p)


def reference(x, edge_index, edge_index_diff, batch, params):
    h = x
    for lp in params["layers"]:
        h1 = jax.nn.relu(_gin_conv(h, edge_index, lp["conv"]))
        h2 = jax.nn.relu(_gin_conv(h, edge_index_diff, lp["conv_diff"]))
        h = h1 + h2
    pooled = jax.ops.segment_sum(h, batch, num_segments=NUM_GRAPHS)
    fp = params["final"]
    g = jax.nn.relu(pooled @ fp["W1"] + fp["b1"])
    # dropout(0.5) is identity in eval mode
    out = g @ fp["W2"] + fp["b2"]
    return out

if __name__ == "__main__":
    import jax
    _d = setup_inputs()
    print(jax.jit(kernel)(*tuple(_d.values())))

</pallas_src>

<mosaic_0001>
#map = affine_map<(d0, d1) -> (0, 0)>
#map1 = affine_map<(d0, d1) -> (0, 0, 0, 0, 0, 0)>
module attributes {stable_mosaic.version = 14 : i64} {
  func.func @_sc_agg_body(%arg0: i32, %arg1: i32, %arg2: memref<10000x128xf32, #tpu.memory_space<hbm>>, %arg3: memref<2x16x10x2x16x128xi32, #tpu.memory_space<hbm>>, %arg4: memref<632x128xf32, #tpu.memory_space<hbm>>, %arg5: memref<10112x128xf32, #tpu.memory_space<hbm>>, %arg6: memref<10112x128xf32, #tpu.memory_space<hbm>>, %arg7: memref<10112x128xf32, #tpu.memory_space<vmem_shared>>, %arg8: memref<16x128xi32, #tpu.memory_space<vmem>>, %arg9: memref<16x128xi32, #tpu.memory_space<vmem>>, %arg10: memref<16x128xi32, #tpu.memory_space<vmem>>, %arg11: memref<16x128xi32, #tpu.memory_space<vmem>>, %arg12: memref<128x128xf32, #tpu.memory_space<vmem>>, %arg13: memref<128x128xf32, #tpu.memory_space<vmem>>, %arg14: memref<!tpu.dma_semaphore, #tpu.memory_space<semaphore_mem>>, %arg15: memref<!tpu.dma_semaphore, #tpu.memory_space<semaphore_mem>>, %arg16: memref<!tpu.dma_semaphore, #tpu.memory_space<semaphore_mem>>, %arg17: memref<!tpu.dma_semaphore, #tpu.memory_space<semaphore_mem>>) attributes {dimension_semantics = [#tpu.dimension_semantics<core_parallel>, #tpu.dimension_semantics<subcore_parallel>], iteration_bounds = array<i64: 2, 16>, scalar_prefetch = 0 : i64, scratch_operands = 11 : i64, tpu.core_type = #tpu.core_type<sc_vector_subcore>, window_params = [{transform_indices = #map}, {transform_indices = #map1}, {transform_indices = #map}, {transform_indices = #map}, {transform_indices = #map}]} {
    %mul3A = arith.constant 632 : i32
    %mul3A_0 = arith.muli %arg1, %mul3A : i32
    "tpu.region"() ({
      %run_scoped3A = tpu.sem_alloc : memref<!tpu.dma_semaphore, #tpu.memory_space<semaphore_mem>>
      %dma_start3A_32 = arith.constant 0 : i32
      %dma_start3A_33 = tpu.memref_slice %arg7[%mul3A_0, %dma_start3A_32] : memref<10112x128xf32, #tpu.memory_space<vmem_shared>> -> memref<632x128xf32, #tpu.memory_space<vmem_shared>>
      tpu.enqueue_dma source(%arg4 : memref<632x128xf32, #tpu.memory_space<hbm>>) target(%dma_start3A_33 : memref<632x128xf32, #tpu.memory_space<vmem_shared>>) target_semaphore(%run_scoped3A : memref<!tpu.dma_semaphore, #tpu.memory_space<semaphore_mem>>)
      %dma_wait3A = arith.constant 0 : i32
      %dma_wait3A_34 = tpu.memref_slice %arg7[%mul3A_0, %dma_wait3A] : memref<10112x128xf32, #tpu.memory_space<vmem_shared>> -> memref<632x128xf32, #tpu.memory_space<vmem_shared>>
      tpu.wait_dma2 semaphore(%run_scoped3A : memref<!tpu.dma_semaphore, #tpu.memory_space<semaphore_mem>>) src(%arg4 : memref<632x128xf32, #tpu.memory_space<hbm>>) dst(%dma_wait3A_34 : memref<632x128xf32, #tpu.memory_space<vmem_shared>>)
      tpu.yield
    }) : () -> ()
    %barrier3A = arith.constant 0 : index
    tpu.barrier barrier_id(%barrier3A)
    %dma_start3A = arith.constant 0 : i32
    %dma_start3A_1 = arith.constant 0 : i32
    %dma_start3A_2 = arith.constant 0 : i32
    %dma_start3A_3 = arith.constant 0 : i32
    %dma_start3A_4 = tpu.memref_slice %arg3[%arg0, %arg1, %dma_start3A, %dma_start3A_1, %dma_start3A_2, %dma_start3A_3] : memref<2x16x10x2x16x128xi32, #tpu.memory_space<hbm>> -> memref<1x1x1x1x16x128xi32, #tpu.memory_space<hbm>>
    %dma_start3A_5 = tpu.memref_squeeze %dma_start3A_4 : memref<1x1x1x1x16x128xi32, #tpu.memory_space<hbm>> -> memref<16x128xi32, #tpu.memory_space<hbm>>
    %dma_start3A_6 = arith.constant 0 : i32
    %dma_start3A_7 = arith.constant 0 : i32
    %dma_start3A_8 = tpu.memref_slice %arg3[%arg0, %arg1, %dma_start3A, %dma_start3A_1, %dma_start3A_6, %dma_start3A_7] : memref<2x16x10x2x16x128xi32, #tpu.memory_space<hbm>> -> memref<1x1x1x1x16x128xi32, #tpu.memory_space<hbm>>
    %dma_start3A_9 = tpu.memref_squeeze %dma_start3A_8 : memref<1x1x1x1x16x128xi32, #tpu.memory_space<hbm>> -> memref<16x128xi32, #tpu.memory_space<hbm>>
    tpu.enqueue_dma source(%dma_start3A_9 : memref<16x128xi32, #tpu.memory_space<hbm>>) target(%arg8 : memref<16x128xi32, #tpu.memory_space<vmem>>) target_semaphore(%arg14 : memref<!tpu.dma_semaphore, #tpu.memory_space<semaphore_mem>>)
    %dma_start3A_10 = arith.constant 0 : i32
    %dma_start3A_11 = arith.constant 1 : i32
    %dma_start3A_12 = arith.constant 0 : i32
    %dma_start3A_13 = arith.constant 0 : i32
    %dma_start3A_14 = tpu.memref_slice %arg3[%arg0, %arg1, %dma_start3A_10, %dma_start3A_11, %dma_start3A_12, %dma_start3A_13] : memref<2x16x10x2x16x128xi32, #tpu.memory_space<hbm>> -> memref<1x1x1x1x16x128xi32, #tpu.memory_space<hbm>>
    %dma_start3A_15 = tpu.memref_squeeze %dma_start3A_14 : memref<1x1x1x1x16x128xi32, #tpu.memory_space<hbm>> -> memref<16x128xi32, #tpu.memory_space<hbm>>
    %dma_start3A_16 = arith.constant 0 : i32
    %dma_start3A_17 = arith.constant 0 : i32
    %dma_start3A_18 = tpu.memref_slice %arg3[%arg0, %arg1, %dma_start3A_10, %dma_start3A_11, %dma_start3A_16, %dma_start3A_17] : memref<2x16x10x2x16x128xi32, #tpu.memory_space<hbm>> -> memref<1x1x1x1x16x128xi32, #tpu.memory_space<hbm>>
    %dma_start3A_19 = tpu.memref_squeeze %dma_start3A_18 : memref<1x1x1x1x16x128xi32, #tpu.memory_space<hbm>> -> memref<16x128xi32, #tpu.memory_space<hbm>>
    tpu.enqueue_dma source(%dma_start3A_19 : memref<16x128xi32, #tpu.memory_space<hbm>>) target(%arg9 : memref<16x128xi32, #tpu.memory_space<vmem>>) target_semaphore(%arg14 : memref<!tpu.dma_semaphore, #tpu.memory_space<semaphore_mem>>)
    %scan3A = arith.constant 0 : i32
    %scan3A_20 = arith.constant 5 : i32
    %scan3A_21 = arith.addi %scan3A, %scan3A_20 : i32
    %scan3A_22 = arith.constant 1 : i32
    scf.for %scan3A_32 = %scan3A to %scan3A_21 step %scan3A_22  : i32 {
      %mul3A_33 = arith.constant 2 : i32
      %mul3A_34 = arith.muli %scan3A_32, %mul3A_33 : i32
      %add3A = arith.constant 0 : i32
      %add3A_35 = arith.addi %add3A, %mul3A_34 : i32
      %dma_wait3A = arith.constant 0 : i32
      %dma_wait3A_36 = arith.constant 0 : i32
      %dma_wait3A_37 = arith.constant 0 : i32
      %dma_wait3A_38 = tpu.memref_slice %arg3[%arg0, %arg1, %add3A_35, %dma_wait3A, %dma_wait3A_36, %dma_wait3A_37] : memref<2x16x10x2x16x128xi32, #tpu.memory_space<hbm>> -> memref<1x1x1x1x16x128xi32, #tpu.memory_space<hbm>>
      %dma_wait3A_39 = tpu.memref_squeeze %dma_wait3A_38 : memref<1x1x1x1x16x128xi32, #tpu.memory_space<hbm>> -> memref<16x128xi32, #tpu.memory_space<hbm>>
      %dma_wait3A_40 = arith.constant 0 : i32
      %dma_wait3A_41 = arith.constant 0 : i32
      %dma_wait3A_42 = tpu.memref_slice %arg3[%arg0, %arg1, %add3A_35, %dma_wait3A, %dma_wait3A_40, %dma_wait3A_41] : memref<2x16x10x2x16x128xi32, #tpu.memory_space<hbm>> -> memref<1x1x1x1x16x128xi32, #tpu.memory_space<hbm>>
      %dma_wait3A_43 = tpu.memref_squeeze %dma_wait3A_42 : memref<1x1x1x1x16x128xi32, #tpu.memory_space<hbm>> -> memref<16x128xi32, #tpu.memory_space<hbm>>
      tpu.wait_dma2 semaphore(%arg14 : memref<!tpu.dma_semaphore, #tpu.memory_space<semaphore_mem>>) src(%dma_wait3A_43 : memref<16x128xi32, #tpu.memory_space<hbm>>) dst(%arg8 : memref<16x128xi32, #tpu.memory_space<vmem>>)
      %dma_wait3A_44 = arith.constant 1 : i32
      %dma_wait3A_45 = arith.constant 0 : i32
      %dma_wait3A_46 = arith.constant 0 : i32
      %dma_wait3A_47 = tpu.memref_slice %arg3[%arg0, %arg1, %add3A_35, %dma_wait3A_44, %dma_wait3A_45, %dma_wait3A_46] : memref<2x16x10x2x16x128xi32, #tpu.memory_space<hbm>> -> memref<1x1x1x1x16x128xi32, #tpu.memory_space<hbm>>
      %dma_wait3A_48 = tpu.memref_squeeze %dma_wait3A_47 : memref<1x1x1x1x16x128xi32, #tpu.memory_space<hbm>> -> memref<16x128xi32, #tpu.memory_space<hbm>>
      %dma_wait3A_49 = arith.constant 0 : i32
      %dma_wait3A_50 = arith.constant 0 : i32
      %dma_wait3A_51 = tpu.memref_slice %arg3[%arg0, %arg1, %add3A_35, %dma_wait3A_44, %dma_wait3A_49, %dma_wait3A_50] : memref<2x16x10x2x16x128xi32, #tpu.memory_space<hbm>> -> memref<1x1x1x1x16x128xi32, #tpu.memory_space<hbm>>
      %dma_wait3A_52 = tpu.memref_squeeze %dma_wait3A_51 : memref<1x1x1x1x16x128xi32, #tpu.memory_space<hbm>> -> memref<16x128xi32, #tpu.memory_space<hbm>>
      tpu.wait_dma2 semaphore(%arg14 : memref<!tpu.dma_semaphore, #tpu.memory_space<semaphore_mem>>) src(%dma_wait3A_52 : memref<16x128xi32, #tpu.memory_space<hbm>>) dst(%arg9 : memref<16x128xi32, #tpu.memory_space<vmem>>)
      %add3A_53 = arith.constant 1 : i32
      %add3A_54 = arith.addi %add3A_35, %add3A_53 : i32
      %lt3A = arith.constant 10 : i32
      %lt3A_55 = arith.cmpi slt, %add3A_54, %lt3A : i32
      %convert_element_type3A_56 = arith.extui %lt3A_55 : i1 to i32
      %cond3A_57 = arith.constant 0 : i32
      %cond3A_58 = arith.cmpi ne, %convert_element_type3A_56, %cond3A_57 : i32
      scf.if %cond3A_58 {
        %add3A_124 = arith.constant 1 : i32
        %add3A_125 = arith.addi %add3A_35, %add3A_124 : i32
        %dma_start3A_126 = arith.constant 0 : i32
        %dma_start3A_127 = arith.constant 0 : i32
        %dma_start3A_128 = arith.constant 0 : i32
        %dma_start3A_129 = tpu.memref_slice %arg3[%arg0, %arg1, %add3A_125, %dma_start3A_126, %dma_start3A_127, %dma_start3A_128] : memref<2x16x10x2x16x128xi32, #tpu.memory_space<hbm>> -> memref<1x1x1x1x16x128xi32, #tpu.memory_space<hbm>>
        %dma_start3A_130 = tpu.memref_squeeze %dma_start3A_129 : memref<1x1x1x1x16x128xi32, #tpu.memory_space<hbm>> -> memref<16x128xi32, #tpu.memory_space<hbm>>
        %dma_start3A_131 = arith.constant 0 : i32
        %dma_start3A_132 = arith.constant 0 : i32
        %dma_start3A_133 = tpu.memref_slice %arg3[%arg0, %arg1, %add3A_125, %dma_start3A_126, %dma_start3A_131, %dma_start3A_132] : memref<2x16x10x2x16x128xi32, #tpu.memory_space<hbm>> -> memref<1x1x1x1x16x128xi32, #tpu.memory_space<hbm>>
        %dma_start3A_134 = tpu.memref_squeeze %dma_start3A_133 : memref<1x1x1x1x16x128xi32, #tpu.memory_space<hbm>> -> memref<16x128xi32, #tpu.memory_space<hbm>>
        tpu.enqueue_dma source(%dma_start3A_134 : memref<16x128xi32, #tpu.memory_space<hbm>>) target(%arg10 : memref<16x128xi32, #tpu.memory_space<vmem>>) target_semaphore(%arg15 : memref<!tpu.dma_semaphore, #tpu.memory_space<semaphore_mem>>)
        %dma_start3A_135 = arith.constant 1 : i32
        %dma_start3A_136 = arith.constant 0 : i32
        %dma_start3A_137 = arith.constant 0 : i32
        %dma_start3A_138 = tpu.memref_slice %arg3[%arg0, %arg1, %add3A_125, %dma_start3A_135, %dma_start3A_136, %dma_start3A_137] : memref<2x16x10x2x16x128xi32, #tpu.memory_space<hbm>> -> memref<1x1x1x1x16x128xi32, #tpu.memory_space<hbm>>
        %dma_start3A_139 = tpu.memref_squeeze %dma_start3A_138 : memref<1x1x1x1x16x128xi32, #tpu.memory_space<hbm>> -> memref<16x128xi32, #tpu.memory_space<hbm>>
        %dma_start3A_140 = arith.constant 0 : i32
        %dma_start3A_141 = arith.constant 0 : i32
        %dma_start3A_142 = tpu.memref_slice %arg3[%arg0, %arg1, %add3A_125, %dma_start3A_135, %dma_start3A_140, %dma_start3A_141] : memref<2x16x10x2x16x128xi32, #tpu.memory_space<hbm>> -> memref<1x1x1x1x16x128xi32, #tpu.memory_space<hbm>>
        %dma_start3A_143 = tpu.memref_squeeze %dma_start3A_142 : memref<1x1x1x1x16x128xi32, #tpu.memory_space<hbm>> -> memref<16x128xi32, #tpu.memory_space<hbm>>
        tpu.enqueue_dma source(%dma_start3A_143 : memref<16x128xi32, #tpu.memory_space<hbm>>) target(%arg11 : memref<16x128xi32, #tpu.memory_space<vmem>>) target_semaphore(%arg15 : memref<!tpu.dma_semaphore, #tpu.memory_space<semaphore_mem>>)
      } else {
      }
      %dma_start3A_59 = arith.constant 0 : i32
      %dma_start3A_60 = arith.constant 0 : i32
      %dma_start3A_61 = tpu.memref_slice %arg8[%dma_start3A_59, %dma_start3A_60] : memref<16x128xi32, #tpu.memory_space<vmem>> -> memref<1x128xi32, #tpu.memory_space<vmem>>
      %dma_start3A_62 = tpu.memref_squeeze %dma_start3A_61 : memref<1x128xi32, #tpu.memory_space<vmem>> -> memref<128xi32, #tpu.memory_space<vmem>>
      %dma_start3A_63 = arith.constant 0 : i32
      %dma_start3A_64 = arith.constant 0 : i32
      %dma_start3A_65 = tpu.memref_slice %arg2[%dma_start3A_63, %dma_start3A_64] : memref<10000x128xf32, #tpu.memory_space<hbm>> -> memref<10000x128xf32, #tpu.memory_space<hbm>>
      tpu.enqueue_indirect_dma source(%dma_start3A_65 : memref<10000x128xf32, #tpu.memory_space<hbm>>) target(%arg12 : memref<128x128xf32, #tpu.memory_space<vmem>>) offsets(%dma_start3A_62 : memref<128xi32, #tpu.memory_space<vmem>>) semaphore(%arg16 : memref<!tpu.dma_semaphore, #tpu.memory_space<semaphore_mem>>)
      %dma_start3A_66 = arith.constant 1 : i32
      %dma_start3A_67 = arith.constant 0 : i32
      %dma_start3A_68 = tpu.memref_slice %arg8[%dma_start3A_66, %dma_start3A_67] : memref<16x128xi32, #tpu.memory_space<vmem>> -> memref<1x128xi32, #tpu.memory_space<vmem>>
      %dma_start3A_69 = tpu.memref_squeeze %dma_start3A_68 : memref<1x128xi32, #tpu.memory_space<vmem>> -> memref<128xi32, #tpu.memory_space<vmem>>
      %dma_start3A_70 = arith.constant 0 : i32
      %dma_start3A_71 = arith.constant 0 : i32
      %dma_start3A_72 = tpu.memref_slice %arg2[%dma_start3A_70, %dma_start3A_71] : memref<10000x128xf32, #tpu.memory_space<hbm>> -> memref<10000x128xf32, #tpu.memory_space<hbm>>
      tpu.enqueue_indirect_dma source(%dma_start3A_72 : memref<10000x128xf32, #tpu.memory_space<hbm>>) target(%arg13 : memref<128x128xf32, #tpu.memory_space<vmem>>) offsets(%dma_start3A_69 : memref<128xi32, #tpu.memory_space<vmem>>) semaphore(%arg17 : memref<!tpu.dma_semaphore, #tpu.memory_space<semaphore_mem>>)
      %scan3A_73 = arith.constant 0 : i32
      %scan3A_74 = arith.constant 8 : i32
      %scan3A_75 = arith.addi %scan3A_73, %scan3A_74 : i32
      %scan3A_76 = arith.constant 1 : i32
      scf.for %scan3A_124 = %scan3A_73 to %scan3A_75 step %scan3A_76  : i32 {
        %mul3A_125 = arith.constant 2 : i32
        %mul3A_126 = arith.muli %scan3A_124, %mul3A_125 : i32
        %add3A_127 = arith.constant 0 : i32
        %add3A_128 = arith.addi %add3A_127, %mul3A_126 : i32
        %dma_wait3A_129 = arith.constant 0 : i32
        %dma_wait3A_130 = tpu.memref_slice %arg8[%add3A_128, %dma_wait3A_129] : memref<16x128xi32, #tpu.memory_space<vmem>> -> memref<1x128xi32, #tpu.memory_space<vmem>>
        %dma_wait3A_131 = tpu.memref_squeeze %dma_wait3A_130 : memref<1x128xi32, #tpu.memory_space<vmem>> -> memref<128xi32, #tpu.memory_space<vmem>>
        %dma_wait3A_132 = arith.constant 0 : i32
        %dma_wait3A_133 = arith.constant 0 : i32
        %dma_wait3A_134 = tpu.memref_slice %arg2[%dma_wait3A_132, %dma_wait3A_133] : memref<10000x128xf32, #tpu.memory_space<hbm>> -> memref<10000x128xf32, #tpu.memory_space<hbm>>
        tpu.wait_indirect_dma semaphore(%arg16 : memref<!tpu.dma_semaphore, #tpu.memory_space<semaphore_mem>>) src(%dma_wait3A_134 : memref<10000x128xf32, #tpu.memory_space<hbm>>) dst(%arg12 : memref<128x128xf32, #tpu.memory_space<vmem>>)
        "tpu.region"() ({
          %run_scoped3A = tpu.sem_alloc : memref<!tpu.dma_semaphore, #tpu.memory_space<semaphore_mem>>
          %dma_start3A_159 = arith.constant 0 : i32
          %dma_start3A_160 = tpu.memref_slice %arg9[%add3A_128, %dma_start3A_159] : memref<16x128xi32, #tpu.memory_space<vmem>> -> memref<1x128xi32, #tpu.memory_space<vmem>>
          %dma_start3A_161 = tpu.memref_squeeze %dma_start3A_160 : memref<1x128xi32, #tpu.memory_space<vmem>> -> memref<128xi32, #tpu.memory_space<vmem>>
          %dma_start3A_162 = arith.constant 0 : i32
          %dma_start3A_163 = arith.constant 0 : i32
          %dma_start3A_164 = tpu.memref_slice %arg7[%dma_start3A_162, %dma_start3A_163] : memref<10112x128xf32, #tpu.memory_space<vmem_shared>> -> memref<10112x128xf32, #tpu.memory_space<vmem_shared>>
          tpu.enqueue_indirect_dma source(%arg12 : memref<128x128xf32, #tpu.memory_space<vmem>>) target(%dma_start3A_164 : memref<10112x128xf32, #tpu.memory_space<vmem_shared>>) offsets(%dma_start3A_161 : memref<128xi32, #tpu.memory_space<vmem>>) semaphore(%run_scoped3A : memref<!tpu.dma_semaphore, #tpu.memory_space<semaphore_mem>>) {add = true}
          %dma_wait3A_165 = arith.constant 0 : i32
          %dma_wait3A_166 = tpu.memref_slice %arg9[%add3A_128, %dma_wait3A_165] : memref<16x128xi32, #tpu.memory_space<vmem>> -> memref<1x128xi32, #tpu.memory_space<vmem>>
          %dma_wait3A_167 = tpu.memref_squeeze %dma_wait3A_166 : memref<1x128xi32, #tpu.memory_space<vmem>> -> memref<128xi32, #tpu.memory_space<vmem>>
          %dma_wait3A_168 = arith.constant 0 : i32
          %dma_wait3A_169 = arith.constant 0 : i32
          %dma_wait3A_170 = tpu.memref_slice %arg7[%dma_wait3A_168, %dma_wait3A_169] : memref<10112x128xf32, #tpu.memory_space<vmem_shared>> -> memref<10112x128xf32, #tpu.memory_space<vmem_shared>>
          tpu.wait_indirect_dma semaphore(%run_scoped3A : memref<!tpu.dma_semaphore, #tpu.memory_space<semaphore_mem>>) src(%arg12 : memref<128x128xf32, #tpu.memory_space<vmem>>) dst(%dma_wait3A_170 : memref<10112x128xf32, #tpu.memory_space<vmem_shared>>)
          tpu.yield
        }) : () -> ()
        %add3A_135 = arith.constant 2 : i32
        %add3A_136 = arith.addi %add3A_128, %add3A_135 : i32
        %lt3A_137 = arith.constant 16 : i32
        %lt3A_138 = arith.cmpi slt, %add3A_136, %lt3A_137 : i32
        %convert_element_type3A_139 = arith.extui %lt3A_138 : i1 to i32
        %cond3A_140 = arith.constant 0 : i32
        %cond3A_141 = arith.cmpi ne, %convert_element_type3A_139, %cond3A_140 : i32
        scf.if %cond3A_141 {
          %add3A_159 = arith.constant 2 : i32
          %add3A_160 = arith.addi %add3A_128, %add3A_159 : i32
          %dma_start3A_161 = arith.constant 0 : i32
          %dma_start3A_162 = tpu.memref_slice %arg8[%add3A_160, %dma_start3A_161] : memref<16x128xi32, #tpu.memory_space<vmem>> -> memref<1x128xi32, #tpu.memory_space<vmem>>
          %dma_start3A_163 = tpu.memref_squeeze %dma_start3A_162 : memref<1x128xi32, #tpu.memory_space<vmem>> -> memref<128xi32, #tpu.memory_space<vmem>>
          %dma_start3A_164 = arith.constant 0 : i32
          %dma_start3A_165 = arith.constant 0 : i32
          %dma_start3A_166 = tpu.memref_slice %arg2[%dma_start3A_164, %dma_start3A_165] : memref<10000x128xf32, #tpu.memory_space<hbm>> -> memref<10000x128xf32, #tpu.memory_space<hbm>>
          tpu.enqueue_indirect_dma source(%dma_start3A_166 : memref<10000x128xf32, #tpu.memory_space<hbm>>) target(%arg12 : memref<128x128xf32, #tpu.memory_space<vmem>>) offsets(%dma_start3A_163 : memref<128xi32, #tpu.memory_space<vmem>>) semaphore(%arg16 : memref<!tpu.dma_semaphore, #tpu.memory_space<semaphore_mem>>)
        } else {
        }
        %add3A_142 = arith.constant 1 : i32
        %add3A_143 = arith.addi %add3A_128, %add3A_142 : i32
        %dma_wait3A_144 = arith.constant 0 : i32
        %dma_wait3A_145 = tpu.memref_slice %arg8[%add3A_143, %dma_wait3A_144] : memref<16x128xi32, #tpu.memory_space<vmem>> -> memref<1x128xi32, #tpu.memory_space<vmem>>
        %dma_wait3A_146 = tpu.memref_squeeze %dma_wait3A_145 : memref<1x128xi32, #tpu.memory_space<vmem>> -> memref<128xi32, #tpu.memory_space<vmem>>
        %dma_wait3A_147 = arith.constant 0 : i32
        %dma_wait3A_148 = arith.constant 0 : i32
        %dma_wait3A_149 = tpu.memref_slice %arg2[%dma_wait3A_147, %dma_wait3A_148] : memref<10000x128xf32, #tpu.memory_space<hbm>> -> memref<10000x128xf32, #tpu.memory_space<hbm>>
        tpu.wait_indirect_dma semaphore(%arg17 : memref<!tpu.dma_semaphore, #tpu.memory_space<semaphore_mem>>) src(%dma_wait3A_149 : memref<10000x128xf32, #tpu.memory_space<hbm>>) dst(%arg13 : memref<128x128xf32, #tpu.memory_space<vmem>>)
        %add3A_150 = arith.constant 1 : i32
        %add3A_151 = arith.addi %add3A_128, %add3A_150 : i32
        "tpu.region"() ({
          %run_scoped3A = tpu.sem_alloc : memref<!tpu.dma_semaphore, #tpu.memory_space<semaphore_mem>>
          %dma_start3A_159 = arith.constant 0 : i32
          %dma_start3A_160 = tpu.memref_slice %arg9[%add3A_151, %dma_start3A_159] : memref<16x128xi32, #tpu.memory_space<vmem>> -> memref<1x128xi32, #tpu.memory_space<vmem>>
          %dma_start3A_161 = tpu.memref_squeeze %dma_start3A_160 : memref<1x128xi32, #tpu.memory_space<vmem>> -> memref<128xi32, #tpu.memory_space<vmem>>
          %dma_start3A_162 = arith.constant 0 : i32
          %dma_start3A_163 = arith.constant 0 : i32
          %dma_start3A_164 = tpu.memref_slice %arg7[%dma_start3A_162, %dma_start3A_163] : memref<10112x128xf32, #tpu.memory_space<vmem_shared>> -> memref<10112x128xf32, #tpu.memory_space<vmem_shared>>
          tpu.enqueue_indirect_dma source(%arg13 : memref<128x128xf32, #tpu.memory_space<vmem>>) target(%dma_start3A_164 : memref<10112x128xf32, #tpu.memory_space<vmem_shared>>) offsets(%dma_start3A_161 : memref<128xi32, #tpu.memory_space<vmem>>) semaphore(%run_scoped3A : memref<!tpu.dma_semaphore, #tpu.memory_space<semaphore_mem>>) {add = true}
          %dma_wait3A_165 = arith.constant 0 : i32
          %dma_wait3A_166 = tpu.memref_slice %arg9[%add3A_151, %dma_wait3A_165] : memref<16x128xi32, #tpu.memory_space<vmem>> -> memref<1x128xi32, #tpu.memory_space<vmem>>
          %dma_wait3A_167 = tpu.memref_squeeze %dma_wait3A_166 : memref<1x128xi32, #tpu.memory_space<vmem>> -> memref<128xi32, #tpu.memory_space<vmem>>
          %dma_wait3A_168 = arith.constant 0 : i32
          %dma_wait3A_169 = arith.constant 0 : i32
          %dma_wait3A_170 = tpu.memref_slice %arg7[%dma_wait3A_168, %dma_wait3A_169] : memref<10112x128xf32, #tpu.memory_space<vmem_shared>> -> memref<10112x128xf32, #tpu.memory_space<vmem_shared>>
          tpu.wait_indirect_dma semaphore(%run_scoped3A : memref<!tpu.dma_semaphore, #tpu.memory_space<semaphore_mem>>) src(%arg13 : memref<128x128xf32, #tpu.memory_space<vmem>>) dst(%dma_wait3A_170 : memref<10112x128xf32, #tpu.memory_space<vmem_shared>>)
          tpu.yield
        }) : () -> ()
        %add3A_152 = arith.constant 3 : i32
        %add3A_153 = arith.addi %add3A_128, %add3A_152 : i32
        %lt3A_154 = arith.constant 16 : i32
        %lt3A_155 = arith.cmpi slt, %add3A_153, %lt3A_154 : i32
        %convert_element_type3A_156 = arith.extui %lt3A_155 : i1 to i32
        %cond3A_157 = arith.constant 0 : i32
        %cond3A_158 = arith.cmpi ne, %convert_element_type3A_156, %cond3A_157 : i32
        scf.if %cond3A_158 {
          %add3A_159 = arith.constant 3 : i32
          %add3A_160 = arith.addi %add3A_128, %add3A_159 : i32
          %dma_start3A_161 = arith.constant 0 : i32
          %dma_start3A_162 = tpu.memref_slice %arg8[%add3A_160, %dma_start3A_161] : memref<16x128xi32, #tpu.memory_space<vmem>> -> memref<1x128xi32, #tpu.memory_space<vmem>>
          %dma_start3A_163 = tpu.memref_squeeze %dma_start3A_162 : memref<1x128xi32, #tpu.memory_space<vmem>> -> memref<128xi32, #tpu.memory_space<vmem>>
          %dma_start3A_164 = arith.constant 0 : i32
          %dma_start3A_165 = arith.constant 0 : i32
          %dma_start3A_166 = tpu.memref_slice %arg2[%dma_start3A_164, %dma_start3A_165] : memref<10000x128xf32, #tpu.memory_space<hbm>> -> memref<10000x128xf32, #tpu.memory_space<hbm>>
          tpu.enqueue_indirect_dma source(%dma_start3A_166 : memref<10000x128xf32, #tpu.memory_space<hbm>>) target(%arg13 : memref<128x128xf32, #tpu.memory_space<vmem>>) offsets(%dma_start3A_163 : memref<128xi32, #tpu.memory_space<vmem>>) semaphore(%arg17 : memref<!tpu.dma_semaphore, #tpu.memory_space<semaphore_mem>>)
        } else {
        }
      }
      %scan3A_77 = arith.constant 8 : i32
      %add3A_78 = arith.constant 1 : i32
      %add3A_79 = arith.addi %add3A_35, %add3A_78 : i32
      %dma_wait3A_80 = arith.constant 0 : i32
      %dma_wait3A_81 = arith.constant 0 : i32
      %dma_wait3A_82 = arith.constant 0 : i32
      %dma_wait3A_83 = tpu.memref_slice %arg3[%arg0, %arg1, %add3A_79, %dma_wait3A_80, %dma_wait3A_81, %dma_wait3A_82] : memref<2x16x10x2x16x128xi32, #tpu.memory_space<hbm>> -> memref<1x1x1x1x16x128xi32, #tpu.memory_space<hbm>>
      %dma_wait3A_84 = tpu.memref_squeeze %dma_wait3A_83 : memref<1x1x1x1x16x128xi32, #tpu.memory_space<hbm>> -> memref<16x128xi32, #tpu.memory_space<hbm>>
      %dma_wait3A_85 = arith.constant 0 : i32
      %dma_wait3A_86 = arith.constant 0 : i32
      %dma_wait3A_87 = tpu.memref_slice %arg3[%arg0, %arg1, %add3A_79, %dma_wait3A_80, %dma_wait3A_85, %dma_wait3A_86] : memref<2x16x10x2x16x128xi32, #tpu.memory_space<hbm>> -> memref<1x1x1x1x16x128xi32, #tpu.memory_space<hbm>>
      %dma_wait3A_88 = tpu.memref_squeeze %dma_wait3A_87 : memref<1x1x1x1x16x128xi32, #tpu.memory_space<hbm>> -> memref<16x128xi32, #tpu.memory_space<hbm>>
      tpu.wait_dma2 semaphore(%arg15 : memref<!tpu.dma_semaphore, #tpu.memory_space<semaphore_mem>>) src(%dma_wait3A_88 : memref<16x128xi32, #tpu.memory_space<hbm>>) dst(%arg10 : memref<16x128xi32, #tpu.memory_space<vmem>>)
      %dma_wait3A_89 = arith.constant 1 : i32
      %dma_wait3A_90 = arith.constant 0 : i32
      %dma_wait3A_91 = arith.constant 0 : i32
      %dma_wait3A_92 = tpu.memref_slice %arg3[%arg0, %arg1, %add3A_79, %dma_wait3A_89, %dma_wait3A_90, %dma_wait3A_91] : memref<2x16x10x2x16x128xi32, #tpu.memory_space<hbm>> -> memref<1x1x1x1x16x128xi32, #tpu.memory_space<hbm>>
      %dma_wait3A_93 = tpu.memref_squeeze %dma_wait3A_92 : memref<1x1x1x1x16x128xi32, #tpu.memory_space<hbm>> -> memref<16x128xi32, #tpu.memory_space<hbm>>
      %dma_wait3A_94 = arith.constant 0 : i32
      %dma_wait3A_95 = arith.constant 0 : i32
      %dma_wait3A_96 = tpu.memref_slice %arg3[%arg0, %arg1, %add3A_79, %dma_wait3A_89, %dma_wait3A_94, %dma_wait3A_95] : memref<2x16x10x2x16x128xi32, #tpu.memory_space<hbm>> -> memref<1x1x1x1x16x128xi32, #tpu.memory_space<hbm>>
      %dma_wait3A_97 = tpu.memref_squeeze %dma_wait3A_96 : memref<1x1x1x1x16x128xi32, #tpu.memory_space<hbm>> -> memref<16x128xi32, #tpu.memory_space<hbm>>
      tpu.wait_dma2 semaphore(%arg15 : memref<!tpu.dma_semaphore, #tpu.memory_space<semaphore_mem>>) src(%dma_wait3A_97 : memref<16x128xi32, #tpu.memory_space<hbm>>) dst(%arg11 : memref<16x128xi32, #tpu.memory_space<vmem>>)
      %add3A_98 = arith.constant 2 : i32
      %add3A_99 = arith.addi %add3A_35, %add3A_98 : i32
      %lt3A_100 = arith.constant 10 : i32
      %lt3A_101 = arith.cmpi slt, %add3A_99, %lt3A_100 : i32
      %convert_element_type3A_102 = arith.extui %lt3A_101 : i1 to i32
      %cond3A_103 = arith.constant 0 : i32
      %cond3A_104 = arith.cmpi ne, %convert_element_type3A_102, %cond3A_103 : i32
      scf.if %cond3A_104 {
        %add3A_124 = arith.constant 2 : i32
        %add3A_125 = arith.addi %add3A_35, %add3A_124 : i32
        %dma_start3A_126 = arith.constant 0 : i32
        %dma_start3A_127 = arith.constant 0 : i32
        %dma_start3A_128 = arith.constant 0 : i32
        %dma_start3A_129 = tpu.memref_slice %arg3[%arg0, %arg1, %add3A_125, %dma_start3A_126, %dma_start3A_127, %dma_start3A_128] : memref<2x16x10x2x16x128xi32, #tpu.memory_space<hbm>> -> memref<1x1x1x1x16x128xi32, #tpu.memory_space<hbm>>
        %dma_start3A_130 = tpu.memref_squeeze %dma_start3A_129 : memref<1x1x1x1x16x128xi32, #tpu.memory_space<hbm>> -> memref<16x128xi32, #tpu.memory_space<hbm>>
        %dma_start3A_131 = arith.constant 0 : i32
        %dma_start3A_132 = arith.constant 0 : i32
        %dma_start3A_133 = tpu.memref_slice %arg3[%arg0, %arg1, %add3A_125, %dma_start3A_126, %dma_start3A_131, %dma_start3A_132] : memref<2x16x10x2x16x128xi32, #tpu.memory_space<hbm>> -> memref<1x1x1x1x16x128xi32, #tpu.memory_space<hbm>>
        %dma_start3A_134 = tpu.memref_squeeze %dma_start3A_133 : memref<1x1x1x1x16x128xi32, #tpu.memory_space<hbm>> -> memref<16x128xi32, #tpu.memory_space<hbm>>
        tpu.enqueue_dma source(%dma_start3A_134 : memref<16x128xi32, #tpu.memory_space<hbm>>) target(%arg8 : memref<16x128xi32, #tpu.memory_space<vmem>>) target_semaphore(%arg14 : memref<!tpu.dma_semaphore, #tpu.memory_space<semaphore_mem>>)
        %dma_start3A_135 = arith.constant 1 : i32
        %dma_start3A_136 = arith.constant 0 : i32
        %dma_start3A_137 = arith.constant 0 : i32
        %dma_start3A_138 = tpu.memref_slice %arg3[%arg0, %arg1, %add3A_125, %dma_start3A_135, %dma_start3A_136, %dma_start3A_137] : memref<2x16x10x2x16x128xi32, #tpu.memory_space<hbm>> -> memref<1x1x1x1x16x128xi32, #tpu.memory_space<hbm>>
        %dma_start3A_139 = tpu.memref_squeeze %dma_start3A_138 : memref<1x1x1x1x16x128xi32, #tpu.memory_space<hbm>> -> memref<16x128xi32, #tpu.memory_space<hbm>>
        %dma_start3A_140 = arith.constant 0 : i32
        %dma_start3A_141 = arith.constant 0 : i32
        %dma_start3A_142 = tpu.memref_slice %arg3[%arg0, %arg1, %add3A_125, %dma_start3A_135, %dma_start3A_140, %dma_start3A_141] : memref<2x16x10x2x16x128xi32, #tpu.memory_space<hbm>> -> memref<1x1x1x1x16x128xi32, #tpu.memory_space<hbm>>
        %dma_start3A_143 = tpu.memref_squeeze %dma_start3A_142 : memref<1x1x1x1x16x128xi32, #tpu.memory_space<hbm>> -> memref<16x128xi32, #tpu.memory_space<hbm>>
        tpu.enqueue_dma source(%dma_start3A_143 : memref<16x128xi32, #tpu.memory_space<hbm>>) target(%arg9 : memref<16x128xi32, #tpu.memory_space<vmem>>) target_semaphore(%arg14 : memref<!tpu.dma_semaphore, #tpu.memory_space<semaphore_mem>>)
      } else {
      }
      %dma_start3A_105 = arith.constant 0 : i32
      %dma_start3A_106 = arith.constant 0 : i32
      %dma_start3A_107 = tpu.memref_slice %arg10[%dma_start3A_105, %dma_start3A_106] : memref<16x128xi32, #tpu.memory_space<vmem>> -> memref<1x128xi32, #tpu.memory_space<vmem>>
      %dma_start3A_108 = tpu.memref_squeeze %dma_start3A_107 : memref<1x128xi32, #tpu.memory_space<vmem>> -> memref<128xi32, #tpu.memory_space<vmem>>
      %dma_start3A_109 = arith.constant 0 : i32
      %dma_start3A_110 = arith.constant 0 : i32
      %dma_start3A_111 = tpu.memref_slice %arg2[%dma_start3A_109, %dma_start3A_110] : memref<10000x128xf32, #tpu.memory_space<hbm>> -> memref<10000x128xf32, #tpu.memory_space<hbm>>
      tpu.enqueue_indirect_dma source(%dma_start3A_111 : memref<10000x128xf32, #tpu.memory_space<hbm>>) target(%arg12 : memref<128x128xf32, #tpu.memory_space<vmem>>) offsets(%dma_start3A_108 : memref<128xi32, #tpu.memory_space<vmem>>) semaphore(%arg16 : memref<!tpu.dma_semaphore, #tpu.memory_space<semaphore_mem>>)
      %dma_start3A_112 = arith.constant 1 : i32
      %dma_start3A_113 = arith.constant 0 : i32
      %dma_start3A_114 = tpu.memref_slice %arg10[%dma_start3A_112, %dma_start3A_113] : memref<16x128xi32, #tpu.memory_space<vmem>> -> memref<1x128xi32, #tpu.memory_space<vmem>>
      %dma_start3A_115 = tpu.memref_squeeze %dma_start3A_114 : memref<1x128xi32, #tpu.memory_space<vmem>> -> memref<128xi32, #tpu.memory_space<vmem>>
      %dma_start3A_116 = arith.constant 0 : i32
      %dma_start3A_117 = arith.constant 0 : i32
      %dma_start3A_118 = tpu.memref_slice %arg2[%dma_start3A_116, %dma_start3A_117] : memref<10000x128xf32, #tpu.memory_space<hbm>> -> memref<10000x128xf32, #tpu.memory_space<hbm>>
      tpu.enqueue_indirect_dma source(%dma_start3A_118 : memref<10000x128xf32, #tpu.memory_space<hbm>>) target(%arg13 : memref<128x128xf32, #tpu.memory_space<vmem>>) offsets(%dma_start3A_115 : memref<128xi32, #tpu.memory_space<vmem>>) semaphore(%arg17 : memref<!tpu.dma_semaphore, #tpu.memory_space<semaphore_mem>>)
      %scan3A_119 = arith.constant 0 : i32
      %scan3A_120 = arith.constant 8 : i32
      %scan3A_121 = arith.addi %scan3A_119, %scan3A_120 : i32
      %scan3A_122 = arith.constant 1 : i32
      scf.for %scan3A_124 = %scan3A_119 to %scan3A_121 step %scan3A_122  : i32 {
        %mul3A_125 = arith.constant 2 : i32
        %mul3A_126 = arith.muli %scan3A_124, %mul3A_125 : i32
        %add3A_127 = arith.constant 0 : i32
        %add3A_128 = arith.addi %add3A_127, %mul3A_126 : i32
        %dma_wait3A_129 = arith.constant 0 : i32
        %dma_wait3A_130 = tpu.memref_slice %arg10[%add3A_128, %dma_wait3A_129] : memref<16x128xi32, #tpu.memory_space<vmem>> -> memref<1x128xi32, #tpu.memory_space<vmem>>
        %dma_wait3A_131 = tpu.memref_squeeze %dma_wait3A_130 : memref<1x128xi32, #tpu.memory_space<vmem>> -> memref<128xi32, #tpu.memory_space<vmem>>
        %dma_wait3A_132 = arith.constant 0 : i32
        %dma_wait3A_133 = arith.constant 0 : i32
        %dma_wait3A_134 = tpu.memref_slice %arg2[%dma_wait3A_132, %dma_wait3A_133] : memref<10000x128xf32, #tpu.memory_space<hbm>> -> memref<10000x128xf32, #tpu.memory_space<hbm>>
        tpu.wait_indirect_dma semaphore(%arg16 : memref<!tpu.dma_semaphore, #tpu.memory_space<semaphore_mem>>) src(%dma_wait3A_134 : memref<10000x128xf32, #tpu.memory_space<hbm>>) dst(%arg12 : memref<128x128xf32, #tpu.memory_space<vmem>>)
        "tpu.region"() ({
          %run_scoped3A = tpu.sem_alloc : memref<!tpu.dma_semaphore, #tpu.memory_space<semaphore_mem>>
          %dma_start3A_159 = arith.constant 0 : i32
          %dma_start3A_160 = tpu.memref_slice %arg11[%add3A_128, %dma_start3A_159] : memref<16x128xi32, #tpu.memory_space<vmem>> -> memref<1x128xi32, #tpu.memory_space<vmem>>
          %dma_start3A_161 = tpu.memref_squeeze %dma_start3A_160 : memref<1x128xi32, #tpu.memory_space<vmem>> -> memref<128xi32, #tpu.memory_space<vmem>>
          %dma_start3A_162 = arith.constant 0 : i32
          %dma_start3A_163 = arith.constant 0 : i32
          %dma_start3A_164 = tpu.memref_slice %arg7[%dma_start3A_162, %dma_start3A_163] : memref<10112x128xf32, #tpu.memory_space<vmem_shared>> -> memref<10112x128xf32, #tpu.memory_space<vmem_shared>>
          tpu.enqueue_indirect_dma source(%arg12 : memref<128x128xf32, #tpu.memory_space<vmem>>) target(%dma_start3A_164 : memref<10112x128xf32, #tpu.memory_space<vmem_shared>>) offsets(%dma_start3A_161 : memref<128xi32, #tpu.memory_space<vmem>>) semaphore(%run_scoped3A : memref<!tpu.dma_semaphore, #tpu.memory_space<semaphore_mem>>) {add = true}
          %dma_wait3A_165 = arith.constant 0 : i32
          %dma_wait3A_166 = tpu.memref_slice %arg11[%add3A_128, %dma_wait3A_165] : memref<16x128xi32, #tpu.memory_space<vmem>> -> memref<1x128xi32, #tpu.memory_space<vmem>>
          %dma_wait3A_167 = tpu.memref_squeeze %dma_wait3A_166 : memref<1x128xi32, #tpu.memory_space<vmem>> -> memref<128xi32, #tpu.memory_space<vmem>>
          %dma_wait3A_168 = arith.constant 0 : i32
          %dma_wait3A_169 = arith.constant 0 : i32
          %dma_wait3A_170 = tpu.memref_slice %arg7[%dma_wait3A_168, %dma_wait3A_169] : memref<10112x128xf32, #tpu.memory_space<vmem_shared>> -> memref<10112x128xf32, #tpu.memory_space<vmem_shared>>
          tpu.wait_indirect_dma semaphore(%run_scoped3A : memref<!tpu.dma_semaphore, #tpu.memory_space<semaphore_mem>>) src(%arg12 : memref<128x128xf32, #tpu.memory_space<vmem>>) dst(%dma_wait3A_170 : memref<10112x128xf32, #tpu.memory_space<vmem_shared>>)
          tpu.yield
        }) : () -> ()
        %add3A_135 = arith.constant 2 : i32
        %add3A_136 = arith.addi %add3A_128, %add3A_135 : i32
        %lt3A_137 = arith.constant 16 : i32
        %lt3A_138 = arith.cmpi slt, %add3A_136, %lt3A_137 : i32
        %convert_element_type3A_139 = arith.extui %lt3A_138 : i1 to i32
        %cond3A_140 = arith.constant 0 : i32
        %cond3A_141 = arith.cmpi ne, %convert_element_type3A_139, %cond3A_140 : i32
        scf.if %cond3A_141 {
          %add3A_159 = arith.constant 2 : i32
          %add3A_160 = arith.addi %add3A_128, %add3A_159 : i32
          %dma_start3A_161 = arith.constant 0 : i32
          %dma_start3A_162 = tpu.memref_slice %arg10[%add3A_160, %dma_start3A_161] : memref<16x128xi32, #tpu.memory_space<vmem>> -> memref<1x128xi32, #tpu.memory_space<vmem>>
          %dma_start3A_163 = tpu.memref_squeeze %dma_start3A_162 : memref<1x128xi32, #tpu.memory_space<vmem>> -> memref<128xi32, #tpu.memory_space<vmem>>
          %dma_start3A_164 = arith.constant 0 : i32
          %dma_start3A_165 = arith.constant 0 : i32
          %dma_start3A_166 = tpu.memref_slice %arg2[%dma_start3A_164, %dma_start3A_165] : memref<10000x128xf32, #tpu.memory_space<hbm>> -> memref<10000x128xf32, #tpu.memory_space<hbm>>
          tpu.enqueue_indirect_dma source(%dma_start3A_166 : memref<10000x128xf32, #tpu.memory_space<hbm>>) target(%arg12 : memref<128x128xf32, #tpu.memory_space<vmem>>) offsets(%dma_start3A_163 : memref<128xi32, #tpu.memory_space<vmem>>) semaphore(%arg16 : memref<!tpu.dma_semaphore, #tpu.memory_space<semaphore_mem>>)
        } else {
        }
        %add3A_142 = arith.constant 1 : i32
        %add3A_143 = arith.addi %add3A_128, %add3A_142 : i32
        %dma_wait3A_144 = arith.constant 0 : i32
        %dma_wait3A_145 = tpu.memref_slice %arg10[%add3A_143, %dma_wait3A_144] : memref<16x128xi32, #tpu.memory_space<vmem>> -> memref<1x128xi32, #tpu.memory_space<vmem>>
        %dma_wait3A_146 = tpu.memref_squeeze %dma_wait3A_145 : memref<1x128xi32, #tpu.memory_space<vmem>> -> memref<128xi32, #tpu.memory_space<vmem>>
        %dma_wait3A_147 = arith.constant 0 : i32
        %dma_wait3A_148 = arith.constant 0 : i32
        %dma_wait3A_149 = tpu.memref_slice %arg2[%dma_wait3A_147, %dma_wait3A_148] : memref<10000x128xf32, #tpu.memory_space<hbm>> -> memref<10000x128xf32, #tpu.memory_space<hbm>>
        tpu.wait_indirect_dma semaphore(%arg17 : memref<!tpu.dma_semaphore, #tpu.memory_space<semaphore_mem>>) src(%dma_wait3A_149 : memref<10000x128xf32, #tpu.memory_space<hbm>>) dst(%arg13 : memref<128x128xf32, #tpu.memory_space<vmem>>)
        %add3A_150 = arith.constant 1 : i32
        %add3A_151 = arith.addi %add3A_128, %add3A_150 : i32
        "tpu.region"() ({
          %run_scoped3A = tpu.sem_alloc : memref<!tpu.dma_semaphore, #tpu.memory_space<semaphore_mem>>
          %dma_start3A_159 = arith.constant 0 : i32
          %dma_start3A_160 = tpu.memref_slice %arg11[%add3A_151, %dma_start3A_159] : memref<16x128xi32, #tpu.memory_space<vmem>> -> memref<1x128xi32, #tpu.memory_space<vmem>>
          %dma_start3A_161 = tpu.memref_squeeze %dma_start3A_160 : memref<1x128xi32, #tpu.memory_space<vmem>> -> memref<128xi32, #tpu.memory_space<vmem>>
          %dma_start3A_162 = arith.constant 0 : i32
          %dma_start3A_163 = arith.constant 0 : i32
          %dma_start3A_164 = tpu.memref_slice %arg7[%dma_start3A_162, %dma_start3A_163] : memref<10112x128xf32, #tpu.memory_space<vmem_shared>> -> memref<10112x128xf32, #tpu.memory_space<vmem_shared>>
          tpu.enqueue_indirect_dma source(%arg13 : memref<128x128xf32, #tpu.memory_space<vmem>>) target(%dma_start3A_164 : memref<10112x128xf32, #tpu.memory_space<vmem_shared>>) offsets(%dma_start3A_161 : memref<128xi32, #tpu.memory_space<vmem>>) semaphore(%run_scoped3A : memref<!tpu.dma_semaphore, #tpu.memory_space<semaphore_mem>>) {add = true}
          %dma_wait3A_165 = arith.constant 0 : i32
          %dma_wait3A_166 = tpu.memref_slice %arg11[%add3A_151, %dma_wait3A_165] : memref<16x128xi32, #tpu.memory_space<vmem>> -> memref<1x128xi32, #tpu.memory_space<vmem>>
          %dma_wait3A_167 = tpu.memref_squeeze %dma_wait3A_166 : memref<1x128xi32, #tpu.memory_space<vmem>> -> memref<128xi32, #tpu.memory_space<vmem>>
          %dma_wait3A_168 = arith.constant 0 : i32
          %dma_wait3A_169 = arith.constant 0 : i32
          %dma_wait3A_170 = tpu.memref_slice %arg7[%dma_wait3A_168, %dma_wait3A_169] : memref<10112x128xf32, #tpu.memory_space<vmem_shared>> -> memref<10112x128xf32, #tpu.memory_space<vmem_shared>>
          tpu.wait_indirect_dma semaphore(%run_scoped3A : memref<!tpu.dma_semaphore, #tpu.memory_space<semaphore_mem>>) src(%arg13 : memref<128x128xf32, #tpu.memory_space<vmem>>) dst(%dma_wait3A_170 : memref<10112x128xf32, #tpu.memory_space<vmem_shared>>)
          tpu.yield
        }) : () -> ()
        %add3A_152 = arith.constant 3 : i32
        %add3A_153 = arith.addi %add3A_128, %add3A_152 : i32
        %lt3A_154 = arith.constant 16 : i32
        %lt3A_155 = arith.cmpi slt, %add3A_153, %lt3A_154 : i32
        %convert_element_type3A_156 = arith.extui %lt3A_155 : i1 to i32
        %cond3A_157 = arith.constant 0 : i32
        %cond3A_158 = arith.cmpi ne, %convert_element_type3A_156, %cond3A_157 : i32
        scf.if %cond3A_158 {
          %add3A_159 = arith.constant 3 : i32
          %add3A_160 = arith.addi %add3A_128, %add3A_159 : i32
          %dma_start3A_161 = arith.constant 0 : i32
          %dma_start3A_162 = tpu.memref_slice %arg10[%add3A_160, %dma_start3A_161] : memref<16x128xi32, #tpu.memory_space<vmem>> -> memref<1x128xi32, #tpu.memory_space<vmem>>
          %dma_start3A_163 = tpu.memref_squeeze %dma_start3A_162 : memref<1x128xi32, #tpu.memory_space<vmem>> -> memref<128xi32, #tpu.memory_space<vmem>>
          %dma_start3A_164 = arith.constant 0 : i32
          %dma_start3A_165 = arith.constant 0 : i32
          %dma_start3A_166 = tpu.memref_slice %arg2[%dma_start3A_164, %dma_start3A_165] : memref<10000x128xf32, #tpu.memory_space<hbm>> -> memref<10000x128xf32, #tpu.memory_space<hbm>>
          tpu.enqueue_indirect_dma source(%dma_start3A_166 : memref<10000x128xf32, #tpu.memory_space<hbm>>) target(%arg13 : memref<128x128xf32, #tpu.memory_space<vmem>>) offsets(%dma_start3A_163 : memref<128xi32, #tpu.memory_space<vmem>>) semaphore(%arg17 : memref<!tpu.dma_semaphore, #tpu.memory_space<semaphore_mem>>)
        } else {
        }
      }
      %scan3A_123 = arith.constant 8 : i32
    }
    %scan3A_23 = arith.constant 5 : i32
    %barrier3A_24 = arith.constant 0 : index
    tpu.barrier barrier_id(%barrier3A_24)
    %eq3A = arith.constant 0 : i32
    %eq3A_25 = arith.cmpi eq, %arg0, %eq3A : i32
    %convert_element_type3A = arith.extui %eq3A_25 : i1 to i32
    %cond3A = arith.constant 0 : i32
    %cond3A_26 = arith.cmpi ne, %convert_element_type3A, %cond3A : i32
    scf.if %cond3A_26 {
      "tpu.region"() ({
        %run_scoped3A = tpu.sem_alloc : memref<!tpu.dma_semaphore, #tpu.memory_space<semaphore_mem>>
        %dma_start3A_32 = arith.constant 0 : i32
        %dma_start3A_33 = tpu.memref_slice %arg5[%mul3A_0, %dma_start3A_32] : memref<10112x128xf32, #tpu.memory_space<hbm>> -> memref<632x128xf32, #tpu.memory_space<hbm>>
        %dma_start3A_34 = arith.constant 0 : i32
        %dma_start3A_35 = tpu.memref_slice %arg7[%mul3A_0, %dma_start3A_34] : memref<10112x128xf32, #tpu.memory_space<vmem_shared>> -> memref<632x128xf32, #tpu.memory_space<vmem_shared>>
        tpu.enqueue_dma source(%dma_start3A_35 : memref<632x128xf32, #tpu.memory_space<vmem_shared>>) target(%dma_start3A_33 : memref<632x128xf32, #tpu.memory_space<hbm>>) target_semaphore(%run_scoped3A : memref<!tpu.dma_semaphore, #tpu.memory_space<semaphore_mem>>)
        %dma_wait3A = arith.constant 0 : i32
        %dma_wait3A_36 = tpu.memref_slice %arg5[%mul3A_0, %dma_wait3A] : memref<10112x128xf32, #tpu.memory_space<hbm>> -> memref<632x128xf32, #tpu.memory_space<hbm>>
        %dma_wait3A_37 = arith.constant 0 : i32
        %dma_wait3A_38 = tpu.memref_slice %arg7[%mul3A_0, %dma_wait3A_37] : memref<10112x128xf32, #tpu.memory_space<vmem_shared>> -> memref<632x128xf32, #tpu.memory_space<vmem_shared>>
        tpu.wait_dma2 semaphore(%run_scoped3A : memref<!tpu.dma_semaphore, #tpu.memory_space<semaphore_mem>>) src(%dma_wait3A_38 : memref<632x128xf32, #tpu.memory_space<vmem_shared>>) dst(%dma_wait3A_36 : memref<632x128xf32, #tpu.memory_space<hbm>>)
        tpu.yield
      }) : () -> ()
    } else {
    }
    %eq3A_27 = arith.constant 1 : i32
    %eq3A_28 = arith.cmpi eq, %arg0, %eq3A_27 : i32
    %convert_element_type3A_29 = arith.extui %eq3A_28 : i1 to i32
    %cond3A_30 = arith.constant 0 : i32
    %cond3A_31 = arith.cmpi ne, %convert_element_type3A_29, %cond3A_30 : i32
    scf.if %cond3A_31 {
      "tpu.region"() ({
        %run_scoped3A = tpu.sem_alloc : memref<!tpu.dma_semaphore, #tpu.memory_space<semaphore_mem>>
        %dma_start3A_32 = arith.constant 0 : i32
        %dma_start3A_33 = tpu.memref_slice %arg6[%mul3A_0, %dma_start3A_32] : memref<10112x128xf32, #tpu.memory_space<hbm>> -> memref<632x128xf32, #tpu.memory_space<hbm>>
        %dma_start3A_34 = arith.constant 0 : i32
        %dma_start3A_35 = tpu.memref_slice %arg7[%mul3A_0, %dma_start3A_34] : memref<10112x128xf32, #tpu.memory_space<vmem_shared>> -> memref<632x128xf32, #tpu.memory_space<vmem_shared>>
        tpu.enqueue_dma source(%dma_start3A_35 : memref<632x128xf32, #tpu.memory_space<vmem_shared>>) target(%dma_start3A_33 : memref<632x128xf32, #tpu.memory_space<hbm>>) target_semaphore(%run_scoped3A : memref<!tpu.dma_semaphore, #tpu.memory_space<semaphore_mem>>)
        %dma_wait3A = arith.constant 0 : i32
        %dma_wait3A_36 = tpu.memref_slice %arg6[%mul3A_0, %dma_wait3A] : memref<10112x128xf32, #tpu.memory_space<hbm>> -> memref<632x128xf32, #tpu.memory_space<hbm>>
        %dma_wait3A_37 = arith.constant 0 : i32
        %dma_wait3A_38 = tpu.memref_slice %arg7[%mul3A_0, %dma_wait3A_37] : memref<10112x128xf32, #tpu.memory_space<vmem_shared>> -> memref<632x128xf32, #tpu.memory_space<vmem_shared>>
        tpu.wait_dma2 semaphore(%run_scoped3A : memref<!tpu.dma_semaphore, #tpu.memory_space<semaphore_mem>>) src(%dma_wait3A_38 : memref<632x128xf32, #tpu.memory_space<vmem_shared>>) dst(%dma_wait3A_36 : memref<632x128xf32, #tpu.memory_space<hbm>>)
        tpu.yield
      }) : () -> ()
    } else {
    }
    return
  }
}

#map = affine_map<(d0, d1) -> (0, 0)>
#map1 = affine_map<(d0, d1) -> (0, 0, 0, 0, 0, 0)>
module attributes {stable_mosaic.version = 14 : i64} {
  func.func @_sc_agg_body(%arg0: i32, %arg1: i32, %arg2: memref<10000x128xf32, #tpu.memory_space<hbm>>, %arg3: memref<2x16x10x2x16x128xi32, #tpu.memory_space<hbm>>, %arg4: memref<632x128xf32, #tpu.memory_space<hbm>>, %arg5: memref<10112x128xf32, #tpu.memory_space<hbm>>, %arg6: memref<10112x128xf32, #tpu.memory_space<hbm>>, %arg7: memref<10112x128xf32, #tpu.memory_space<vmem_shared>>, %arg8: memref<16x128xi32, #tpu.memory_space<vmem>>, %arg9: memref<16x128xi32, #tpu.memory_space<vmem>>, %arg10: memref<16x128xi32, #tpu.memory_space<vmem>>, %arg11: memref<16x128xi32, #tpu.memory_space<vmem>>, %arg12: memref<128x128xf32, #tpu.memory_space<vmem>>, %arg13: memref<128x128xf32, #tpu.memory_space<vmem>>, %arg14: memref<!tpu.dma_semaphore, #tpu.memory_space<semaphore_mem>>, %arg15: memref<!tpu.dma_semaphore, #tpu.memory_space<semaphore_mem>>, %arg16: memref<!tpu.dma_semaphore, #tpu.memory_space<semaphore_mem>>, %arg17: memref<!tpu.dma_semaphore, #tpu.memory_space<semaphore_mem>>) attributes {dimension_semantics = [#tpu.dimension_semantics<core_parallel>, #tpu.dimension_semantics<subcore_parallel>], iteration_bounds = array<i64: 2, 16>, scalar_prefetch = 0 : i64, scratch_operands = 11 : i64, tpu.core_type = #tpu.core_type<sc_vector_subcore>, window_params = [{transform_indices = #map}, {transform_indices = #map1}, {transform_indices = #map}, {transform_indices = #map}, {transform_indices = #map}]} {
    %mul3A = arith.constant 632 : i32
    %mul3A_0 = arith.muli %arg1, %mul3A : i32
    "tpu.region"() ({
      %run_scoped3A = tpu.sem_alloc : memref<!tpu.dma_semaphore, #tpu.memory_space<semaphore_mem>>
      %dma_start3A_32 = arith.constant 0 : i32
      %dma_start3A_33 = tpu.memref_slice %arg7[%mul3A_0, %dma_start3A_32] : memref<10112x128xf32, #tpu.memory_space<vmem_shared>> -> memref<632x128xf32, #tpu.memory_space<vmem_shared>>
      tpu.enqueue_dma source(%arg4 : memref<632x128xf32, #tpu.memory_space<hbm>>) target(%dma_start3A_33 : memref<632x128xf32, #tpu.memory_space<vmem_shared>>) target_semaphore(%run_scoped3A : memref<!tpu.dma_semaphore, #tpu.memory_space<semaphore_mem>>)
      %dma_wait3A = arith.constant 0 : i32
      %dma_wait3A_34 = tpu.memref_slice %arg7[%mul3A_0, %dma_wait3A] : memref<10112x128xf32, #tpu.memory_space<vmem_shared>> -> memref<632x128xf32, #tpu.memory_space<vmem_shared>>
      tpu.wait_dma2 semaphore(%run_scoped3A : memref<!tpu.dma_semaphore, #tpu.memory_space<semaphore_mem>>) src(%arg4 : memref<632x128xf32, #tpu.memory_space<hbm>>) dst(%dma_wait3A_34 : memref<632x128xf32, #tpu.memory_space<vmem_shared>>)
      tpu.yield
    }) : () -> ()
    %barrier3A = arith.constant 0 : index
    tpu.barrier barrier_id(%barrier3A)
    %dma_start3A = arith.constant 0 : i32
    %dma_start3A_1 = arith.constant 0 : i32
    %dma_start3A_2 = arith.constant 0 : i32
    %dma_start3A_3 = arith.constant 0 : i32
    %dma_start3A_4 = tpu.memref_slice %arg3[%arg0, %arg1, %dma_start3A, %dma_start3A_1, %dma_start3A_2, %dma_start3A_3] : memref<2x16x10x2x16x128xi32, #tpu.memory_space<hbm>> -> memref<1x1x1x1x16x128xi32, #tpu.memory_space<hbm>>
    %dma_start3A_5 = tpu.memref_squeeze %dma_start3A_4 : memref<1x1x1x1x16x128xi32, #tpu.memory_space<hbm>> -> memref<16x128xi32, #tpu.memory_space<hbm>>
    %dma_start3A_6 = arith.constant 0 : i32
    %dma_start3A_7 = arith.constant 0 : i32
    %dma_start3A_8 = tpu.memref_slice %arg3[%arg0, %arg1, %dma_start3A, %dma_start3A_1, %dma_start3A_6, %dma_start3A_7] : memref<2x16x10x2x16x128xi32, #tpu.memory_space<hbm>> -> memref<1x1x1x1x16x128xi32, #tpu.memory_space<hbm>>
    %dma_start3A_9 = tpu.memref_squeeze %dma_start3A_8 : memref<1x1x1x1x16x128xi32, #tpu.memory_space<hbm>> -> memref<16x128xi32, #tpu.memory_space<hbm>>
    tpu.enqueue_dma source(%dma_start3A_9 : memref<16x128xi32, #tpu.memory_space<hbm>>) target(%arg8 : memref<16x128xi32, #tpu.memory_space<vmem>>) target_semaphore(%arg14 : memref<!tpu.dma_semaphore, #tpu.memory_space<semaphore_mem>>)
    %dma_start3A_10 = arith.constant 0 : i32
    %dma_start3A_11 = arith.constant 1 : i32
    %dma_start3A_12 = arith.constant 0 : i32
    %dma_start3A_13 = arith.constant 0 : i32
    %dma_start3A_14 = tpu.memref_slice %arg3[%arg0, %arg1, %dma_start3A_10, %dma_start3A_11, %dma_start3A_12, %dma_start3A_13] : memref<2x16x10x2x16x128xi32, #tpu.memory_space<hbm>> -> memref<1x1x1x1x16x128xi32, #tpu.memory_space<hbm>>
    %dma_start3A_15 = tpu.memref_squeeze %dma_start3A_14 : memref<1x1x1x1x16x128xi32, #tpu.memory_space<hbm>> -> memref<16x128xi32, #tpu.memory_space<hbm>>
    %dma_start3A_16 = arith.constant 0 : i32
    %dma_start3A_17 = arith.constant 0 : i32
    %dma_start3A_18 = tpu.memref_slice %arg3[%arg0, %arg1, %dma_start3A_10, %dma_start3A_11, %dma_start3A_16, %dma_start3A_17] : memref<2x16x10x2x16x128xi32, #tpu.memory_space<hbm>> -> memref<1x1x1x1x16x128xi32, #tpu.memory_space<hbm>>
    %dma_start3A_19 = tpu.memref_squeeze %dma_start3A_18 : memref<1x1x1x1x16x128xi32, #tpu.memory_space<hbm>> -> memref<16x128xi32, #tpu.memory_space<hbm>>
    tpu.enqueue_dma source(%dma_start3A_19 : memref<16x128xi32, #tpu.memory_space<hbm>>) target(%arg9 : memref<16x128xi32, #tpu.memory_space<vmem>>) target_semaphore(%arg14 : memref<!tpu.dma_semaphore, #tpu.memory_space<semaphore_mem>>)
    %scan3A = arith.constant 0 : i32
    %scan3A_20 = arith.constant 5 : i32
    %scan3A_21 = arith.addi %scan3A, %scan3A_20 : i32
    %scan3A_22 = arith.constant 1 : i32
    scf.for %scan3A_32 = %scan3A to %scan3A_21 step %scan3A_22  : i32 {
      %mul3A_33 = arith.constant 2 : i32
      %mul3A_34 = arith.muli %scan3A_32, %mul3A_33 : i32
      %add3A = arith.constant 0 : i32
      %add3A_35 = arith.addi %add3A, %mul3A_34 : i32
      %dma_wait3A = arith.constant 0 : i32
      %dma_wait3A_36 = arith.constant 0 : i32
      %dma_wait3A_37 = arith.constant 0 : i32
      %dma_wait3A_38 = tpu.memref_slice %arg3[%arg0, %arg1, %add3A_35, %dma_wait3A, %dma_wait3A_36, %dma_wait3A_37] : memref<2x16x10x2x16x128xi32, #tpu.memory_space<hbm>> -> memref<1x1x1x1x16x128xi32, #tpu.memory_space<hbm>>
      %dma_wait3A_39 = tpu.memref_squeeze %dma_wait3A_38 : memref<1x1x1x1x16x128xi32, #tpu.memory_space<hbm>> -> memref<16x128xi32, #tpu.memory_space<hbm>>
      %dma_wait3A_40 = arith.constant 0 : i32
      %dma_wait3A_41 = arith.constant 0 : i32
      %dma_wait3A_42 = tpu.memref_slice %arg3[%arg0, %arg1, %add3A_35, %dma_wait3A, %dma_wait3A_40, %dma_wait3A_41] : memref<2x16x10x2x16x128xi32, #tpu.memory_space<hbm>> -> memref<1x1x1x1x16x128xi32, #tpu.memory_space<hbm>>
      %dma_wait3A_43 = tpu.memref_squeeze %dma_wait3A_42 : memref<1x1x1x1x16x128xi32, #tpu.memory_space<hbm>> -> memref<16x128xi32, #tpu.memory_space<hbm>>
      tpu.wait_dma2 semaphore(%arg14 : memref<!tpu.dma_semaphore, #tpu.memory_space<semaphore_mem>>) src(%dma_wait3A_43 : memref<16x128xi32, #tpu.memory_space<hbm>>) dst(%arg8 : memref<16x128xi32, #tpu.memory_space<vmem>>)
      %dma_wait3A_44 = arith.constant 1 : i32
      %dma_wait3A_45 = arith.constant 0 : i32
      %dma_wait3A_46 = arith.constant 0 : i32
      %dma_wait3A_47 = tpu.memref_slice %arg3[%arg0, %arg1, %add3A_35, %dma_wait3A_44, %dma_wait3A_45, %dma_wait3A_46] : memref<2x16x10x2x16x128xi32, #tpu.memory_space<hbm>> -> memref<1x1x1x1x16x128xi32, #tpu.memory_space<hbm>>
      %dma_wait3A_48 = tpu.memref_squeeze %dma_wait3A_47 : memref<1x1x1x1x16x128xi32, #tpu.memory_space<hbm>> -> memref<16x128xi32, #tpu.memory_space<hbm>>
      %dma_wait3A_49 = arith.constant 0 : i32
      %dma_wait3A_50 = arith.constant 0 : i32
      %dma_wait3A_51 = tpu.memref_slice %arg3[%arg0, %arg1, %add3A_35, %dma_wait3A_44, %dma_wait3A_49, %dma_wait3A_50] : memref<2x16x10x2x16x128xi32, #tpu.memory_space<hbm>> -> memref<1x1x1x1x16x128xi32, #tpu.memory_space<hbm>>
      %dma_wait3A_52 = tpu.memref_squeeze %dma_wait3A_51 : memref<1x1x1x1x16x128xi32, #tpu.memory_space<hbm>> -> memref<16x128xi32, #tpu.memory_space<hbm>>
      tpu.wait_dma2 semaphore(%arg14 : memref<!tpu.dma_semaphore, #tpu.memory_space<semaphore_mem>>) src(%dma_wait3A_52 : memref<16x128xi32, #tpu.memory_space<hbm>>) dst(%arg9 : memref<16x128xi32, #tpu.memory_space<vmem>>)
      %add3A_53 = arith.constant 1 : i32
      %add3A_54 = arith.addi %add3A_35, %add3A_53 : i32
      %lt3A = arith.constant 10 : i32
      %lt3A_55 = arith.cmpi slt, %add3A_54, %lt3A : i32
      %convert_element_type3A_56 = arith.extui %lt3A_55 : i1 to i32
      %cond3A_57 = arith.constant 0 : i32
      %cond3A_58 = arith.cmpi ne, %convert_element_type3A_56, %cond3A_57 : i32
      scf.if %cond3A_58 {
        %add3A_124 = arith.constant 1 : i32
        %add3A_125 = arith.addi %add3A_35, %add3A_124 : i32
        %dma_start3A_126 = arith.constant 0 : i32
        %dma_start3A_127 = arith.constant 0 : i32
        %dma_start3A_128 = arith.constant 0 : i32
        %dma_start3A_129 = tpu.memref_slice %arg3[%arg0, %arg1, %add3A_125, %dma_start3A_126, %dma_start3A_127, %dma_start3A_128] : memref<2x16x10x2x16x128xi32, #tpu.memory_space<hbm>> -> memref<1x1x1x1x16x128xi32, #tpu.memory_space<hbm>>
        %dma_start3A_130 = tpu.memref_squeeze %dma_start3A_129 : memref<1x1x1x1x16x128xi32, #tpu.memory_space<hbm>> -> memref<16x128xi32, #tpu.memory_space<hbm>>
        %dma_start3A_131 = arith.constant 0 : i32
        %dma_start3A_132 = arith.constant 0 : i32
        %dma_start3A_133 = tpu.memref_slice %arg3[%arg0, %arg1, %add3A_125, %dma_start3A_126, %dma_start3A_131, %dma_start3A_132] : memref<2x16x10x2x16x128xi32, #tpu.memory_space<hbm>> -> memref<1x1x1x1x16x128xi32, #tpu.memory_space<hbm>>
        %dma_start3A_134 = tpu.memref_squeeze %dma_start3A_133 : memref<1x1x1x1x16x128xi32, #tpu.memory_space<hbm>> -> memref<16x128xi32, #tpu.memory_space<hbm>>
        tpu.enqueue_dma source(%dma_start3A_134 : memref<16x128xi32, #tpu.memory_space<hbm>>) target(%arg10 : memref<16x128xi32, #tpu.memory_space<vmem>>) target_semaphore(%arg15 : memref<!tpu.dma_semaphore, #tpu.memory_space<semaphore_mem>>)
        %dma_start3A_135 = arith.constant 1 : i32
        %dma_start3A_136 = arith.constant 0 : i32
        %dma_start3A_137 = arith.constant 0 : i32
        %dma_start3A_138 = tpu.memref_slice %arg3[%arg0, %arg1, %add3A_125, %dma_start3A_135, %dma_start3A_136, %dma_start3A_137] : memref<2x16x10x2x16x128xi32, #tpu.memory_space<hbm>> -> memref<1x1x1x1x16x128xi32, #tpu.memory_space<hbm>>
        %dma_start3A_139 = tpu.memref_squeeze %dma_start3A_138 : memref<1x1x1x1x16x128xi32, #tpu.memory_space<hbm>> -> memref<16x128xi32, #tpu.memory_space<hbm>>
        %dma_start3A_140 = arith.constant 0 : i32
        %dma_start3A_141 = arith.constant 0 : i32
        %dma_start3A_142 = tpu.memref_slice %arg3[%arg0, %arg1, %add3A_125, %dma_start3A_135, %dma_start3A_140, %dma_start3A_141] : memref<2x16x10x2x16x128xi32, #tpu.memory_space<hbm>> -> memref<1x1x1x1x16x128xi32, #tpu.memory_space<hbm>>
        %dma_start3A_143 = tpu.memref_squeeze %dma_start3A_142 : memref<1x1x1x1x16x128xi32, #tpu.memory_space<hbm>> -> memref<16x128xi32, #tpu.memory_space<hbm>>
        tpu.enqueue_dma source(%dma_start3A_143 : memref<16x128xi32, #tpu.memory_space<hbm>>) target(%arg11 : memref<16x128xi32, #tpu.memory_space<vmem>>) target_semaphore(%arg15 : memref<!tpu.dma_semaphore, #tpu.memory_space<semaphore_mem>>)
      } else {
      }
      %dma_start3A_59 = arith.constant 0 : i32
      %dma_start3A_60 = arith.constant 0 : i32
      %dma_start3A_61 = tpu.memref_slice %arg8[%dma_start3A_59, %dma_start3A_60] : memref<16x128xi32, #tpu.memory_space<vmem>> -> memref<1x128xi32, #tpu.memory_space<vmem>>
      %dma_start3A_62 = tpu.memref_squeeze %dma_start3A_61 : memref<1x128xi32, #tpu.memory_space<vmem>> -> memref<128xi32, #tpu.memory_space<vmem>>
      %dma_start3A_63 = arith.constant 0 : i32
      %dma_start3A_64 = arith.constant 0 : i32
      %dma_start3A_65 = tpu.memref_slice %arg2[%dma_start3A_63, %dma_start3A_64] : memref<10000x128xf32, #tpu.memory_space<hbm>> -> memref<10000x128xf32, #tpu.memory_space<hbm>>
      tpu.enqueue_indirect_dma source(%dma_start3A_65 : memref<10000x128xf32, #tpu.memory_space<hbm>>) target(%arg12 : memref<128x128xf32, #tpu.memory_space<vmem>>) offsets(%dma_start3A_62 : memref<128xi32, #tpu.memory_space<vmem>>) semaphore(%arg16 : memref<!tpu.dma_semaphore, #tpu.memory_space<semaphore_mem>>)
      %dma_start3A_66 = arith.constant 1 : i32
      %dma_start3A_67 = arith.constant 0 : i32
      %dma_start3A_68 = tpu.memref_slice %arg8[%dma_start3A_66, %dma_start3A_67] : memref<16x128xi32, #tpu.memory_space<vmem>> -> memref<1x128xi32, #tpu.memory_space<vmem>>
      %dma_start3A_69 = tpu.memref_squeeze %dma_start3A_68 : memref<1x128xi32, #tpu.memory_space<vmem>> -> memref<128xi32, #tpu.memory_space<vmem>>
      %dma_start3A_70 = arith.constant 0 : i32
      %dma_start3A_71 = arith.constant 0 : i32
      %dma_start3A_72 = tpu.memref_slice %arg2[%dma_start3A_70, %dma_start3A_71] : memref<10000x128xf32, #tpu.memory_space<hbm>> -> memref<10000x128xf32, #tpu.memory_space<hbm>>
      tpu.enqueue_indirect_dma source(%dma_start3A_72 : memref<10000x128xf32, #tpu.memory_space<hbm>>) target(%arg13 : memref<128x128xf32, #tpu.memory_space<vmem>>) offsets(%dma_start3A_69 : memref<128xi32, #tpu.memory_space<vmem>>) semaphore(%arg17 : memref<!tpu.dma_semaphore, #tpu.memory_space<semaphore_mem>>)
      %scan3A_73 = arith.constant 0 : i32
      %scan3A_74 = arith.constant 8 : i32
      %scan3A_75 = arith.addi %scan3A_73, %scan3A_74 : i32
      %scan3A_76 = arith.constant 1 : i32
      scf.for %scan3A_124 = %scan3A_73 to %scan3A_75 step %scan3A_76  : i32 {
        %mul3A_125 = arith.constant 2 : i32
        %mul3A_126 = arith.muli %scan3A_124, %mul3A_125 : i32
        %add3A_127 = arith.constant 0 : i32
        %add3A_128 = arith.addi %add3A_127, %mul3A_126 : i32
        %dma_wait3A_129 = arith.constant 0 : i32
        %dma_wait3A_130 = tpu.memref_slice %arg8[%add3A_128, %dma_wait3A_129] : memref<16x128xi32, #tpu.memory_space<vmem>> -> memref<1x128xi32, #tpu.memory_space<vmem>>
        %dma_wait3A_131 = tpu.memref_squeeze %dma_wait3A_130 : memref<1x128xi32, #tpu.memory_space<vmem>> -> memref<128xi32, #tpu.memory_space<vmem>>
        %dma_wait3A_132 = arith.constant 0 : i32
        %dma_wait3A_133 = arith.constant 0 : i32
        %dma_wait3A_134 = tpu.memref_slice %arg2[%dma_wait3A_132, %dma_wait3A_133] : memref<10000x128xf32, #tpu.memory_space<hbm>> -> memref<10000x128xf32, #tpu.memory_space<hbm>>
        tpu.wait_indirect_dma semaphore(%arg16 : memref<!tpu.dma_semaphore, #tpu.memory_space<semaphore_mem>>) src(%dma_wait3A_134 : memref<10000x128xf32, #tpu.memory_space<hbm>>) dst(%arg12 : memref<128x128xf32, #tpu.memory_space<vmem>>)
        "tpu.region"() ({
          %run_scoped3A = tpu.sem_alloc : memref<!tpu.dma_semaphore, #tpu.memory_space<semaphore_mem>>
          %dma_start3A_159 = arith.constant 0 : i32
          %dma_start3A_160 = tpu.memref_slice %arg9[%add3A_128, %dma_start3A_159] : memref<16x128xi32, #tpu.memory_space<vmem>> -> memref<1x128xi32, #tpu.memory_space<vmem>>
          %dma_start3A_161 = tpu.memref_squeeze %dma_start3A_160 : memref<1x128xi32, #tpu.memory_space<vmem>> -> memref<128xi32, #tpu.memory_space<vmem>>
          %dma_start3A_162 = arith.constant 0 : i32
          %dma_start3A_163 = arith.constant 0 : i32
          %dma_start3A_164 = tpu.memref_slice %arg7[%dma_start3A_162, %dma_start3A_163] : memref<10112x128xf32, #tpu.memory_space<vmem_shared>> -> memref<10112x128xf32, #tpu.memory_space<vmem_shared>>
          tpu.enqueue_indirect_dma source(%arg12 : memref<128x128xf32, #tpu.memory_space<vmem>>) target(%dma_start3A_164 : memref<10112x128xf32, #tpu.memory_space<vmem_shared>>) offsets(%dma_start3A_161 : memref<128xi32, #tpu.memory_space<vmem>>) semaphore(%run_scoped3A : memref<!tpu.dma_semaphore, #tpu.memory_space<semaphore_mem>>) {add = true}
          %dma_wait3A_165 = arith.constant 0 : i32
          %dma_wait3A_166 = tpu.memref_slice %arg9[%add3A_128, %dma_wait3A_165] : memref<16x128xi32, #tpu.memory_space<vmem>> -> memref<1x128xi32, #tpu.memory_space<vmem>>
          %dma_wait3A_167 = tpu.memref_squeeze %dma_wait3A_166 : memref<1x128xi32, #tpu.memory_space<vmem>> -> memref<128xi32, #tpu.memory_space<vmem>>
          %dma_wait3A_168 = arith.constant 0 : i32
          %dma_wait3A_169 = arith.constant 0 : i32
          %dma_wait3A_170 = tpu.memref_slice %arg7[%dma_wait3A_168, %dma_wait3A_169] : memref<10112x128xf32, #tpu.memory_space<vmem_shared>> -> memref<10112x128xf32, #tpu.memory_space<vmem_shared>>
          tpu.wait_indirect_dma semaphore(%run_scoped3A : memref<!tpu.dma_semaphore, #tpu.memory_space<semaphore_mem>>) src(%arg12 : memref<128x128xf32, #tpu.memory_space<vmem>>) dst(%dma_wait3A_170 : memref<10112x128xf32, #tpu.memory_space<vmem_shared>>)
          tpu.yield
        }) : () -> ()
        %add3A_135 = arith.constant 2 : i32
        %add3A_136 = arith.addi %add3A_128, %add3A_135 : i32
        %lt3A_137 = arith.constant 16 : i32
        %lt3A_138 = arith.cmpi slt, %add3A_136, %lt3A_137 : i32
        %convert_element_type3A_139 = arith.extui %lt3A_138 : i1 to i32
        %cond3A_140 = arith.constant 0 : i32
        %cond3A_141 = arith.cmpi ne, %convert_element_type3A_139, %cond3A_140 : i32
        scf.if %cond3A_141 {
          %add3A_159 = arith.constant 2 : i32
          %add3A_160 = arith.addi %add3A_128, %add3A_159 : i32
          %dma_start3A_161 = arith.constant 0 : i32
          %dma_start3A_162 = tpu.memref_slice %arg8[%add3A_160, %dma_start3A_161] : memref<16x128xi32, #tpu.memory_space<vmem>> -> memref<1x128xi32, #tpu.memory_space<vmem>>
          %dma_start3A_163 = tpu.memref_squeeze %dma_start3A_162 : memref<1x128xi32, #tpu.memory_space<vmem>> -> memref<128xi32, #tpu.memory_space<vmem>>
          %dma_start3A_164 = arith.constant 0 : i32
          %dma_start3A_165 = arith.constant 0 : i32
          %dma_start3A_166 = tpu.memref_slice %arg2[%dma_start3A_164, %dma_start3A_165] : memref<10000x128xf32, #tpu.memory_space<hbm>> -> memref<10000x128xf32, #tpu.memory_space<hbm>>
          tpu.enqueue_indirect_dma source(%dma_start3A_166 : memref<10000x128xf32, #tpu.memory_space<hbm>>) target(%arg12 : memref<128x128xf32, #tpu.memory_space<vmem>>) offsets(%dma_start3A_163 : memref<128xi32, #tpu.memory_space<vmem>>) semaphore(%arg16 : memref<!tpu.dma_semaphore, #tpu.memory_space<semaphore_mem>>)
        } else {
        }
        %add3A_142 = arith.constant 1 : i32
        %add3A_143 = arith.addi %add3A_128, %add3A_142 : i32
        %dma_wait3A_144 = arith.constant 0 : i32
        %dma_wait3A_145 = tpu.memref_slice %arg8[%add3A_143, %dma_wait3A_144] : memref<16x128xi32, #tpu.memory_space<vmem>> -> memref<1x128xi32, #tpu.memory_space<vmem>>
        %dma_wait3A_146 = tpu.memref_squeeze %dma_wait3A_145 : memref<1x128xi32, #tpu.memory_space<vmem>> -> memref<128xi32, #tpu.memory_space<vmem>>
        %dma_wait3A_147 = arith.constant 0 : i32
        %dma_wait3A_148 = arith.constant 0 : i32
        %dma_wait3A_149 = tpu.memref_slice %arg2[%dma_wait3A_147, %dma_wait3A_148] : memref<10000x128xf32, #tpu.memory_space<hbm>> -> memref<10000x128xf32, #tpu.memory_space<hbm>>
        tpu.wait_indirect_dma semaphore(%arg17 : memref<!tpu.dma_semaphore, #tpu.memory_space<semaphore_mem>>) src(%dma_wait3A_149 : memref<10000x128xf32, #tpu.memory_space<hbm>>) dst(%arg13 : memref<128x128xf32, #tpu.memory_space<vmem>>)
        %add3A_150 = arith.constant 1 : i32
        %add3A_151 = arith.addi %add3A_128, %add3A_150 : i32
        "tpu.region"() ({
          %run_scoped3A = tpu.sem_alloc : memref<!tpu.dma_semaphore, #tpu.memory_space<semaphore_mem>>
          %dma_start3A_159 = arith.constant 0 : i32
          %dma_start3A_160 = tpu.memref_slice %arg9[%add3A_151, %dma_start3A_159] : memref<16x128xi32, #tpu.memory_space<vmem>> -> memref<1x128xi32, #tpu.memory_space<vmem>>
          %dma_start3A_161 = tpu.memref_squeeze %dma_start3A_160 : memref<1x128xi32, #tpu.memory_space<vmem>> -> memref<128xi32, #tpu.memory_space<vmem>>
          %dma_start3A_162 = arith.constant 0 : i32
          %dma_start3A_163 = arith.constant 0 : i32
          %dma_start3A_164 = tpu.memref_slice %arg7[%dma_start3A_162, %dma_start3A_163] : memref<10112x128xf32, #tpu.memory_space<vmem_shared>> -> memref<10112x128xf32, #tpu.memory_space<vmem_shared>>
          tpu.enqueue_indirect_dma source(%arg13 : memref<128x128xf32, #tpu.memory_space<vmem>>) target(%dma_start3A_164 : memref<10112x128xf32, #tpu.memory_space<vmem_shared>>) offsets(%dma_start3A_161 : memref<128xi32, #tpu.memory_space<vmem>>) semaphore(%run_scoped3A : memref<!tpu.dma_semaphore, #tpu.memory_space<semaphore_mem>>) {add = true}
          %dma_wait3A_165 = arith.constant 0 : i32
          %dma_wait3A_166 = tpu.memref_slice %arg9[%add3A_151, %dma_wait3A_165] : memref<16x128xi32, #tpu.memory_space<vmem>> -> memref<1x128xi32, #tpu.memory_space<vmem>>
          %dma_wait3A_167 = tpu.memref_squeeze %dma_wait3A_166 : memref<1x128xi32, #tpu.memory_space<vmem>> -> memref<128xi32, #tpu.memory_space<vmem>>
          %dma_wait3A_168 = arith.constant 0 : i32
          %dma_wait3A_169 = arith.constant 0 : i32
          %dma_wait3A_170 = tpu.memref_slice %arg7[%dma_wait3A_168, %dma_wait3A_169] : memref<10112x128xf32, #tpu.memory_space<vmem_shared>> -> memref<10112x128xf32, #tpu.memory_space<vmem_shared>>
          tpu.wait_indirect_dma semaphore(%run_scoped3A : memref<!tpu.dma_semaphore, #tpu.memory_space<semaphore_mem>>) src(%arg13 : memref<128x128xf32, #tpu.memory_space<vmem>>) dst(%dma_wait3A_170 : memref<10112x128xf32, #tpu.memory_space<vmem_shared>>)
          tpu.yield
        }) : () -> ()
        %add3A_152 = arith.constant 3 : i32
        %add3A_153 = arith.addi %add3A_128, %add3A_152 : i32
        %lt3A_154 = arith.constant 16 : i32
        %lt3A_155 = arith.cmpi slt, %add3A_153, %lt3A_154 : i32
        %convert_element_type3A_156 = arith.extui %lt3A_155 : i1 to i32
        %cond3A_157 = arith.constant 0 : i32
        %cond3A_158 = arith.cmpi ne, %convert_element_type3A_156, %cond3A_157 : i32
        scf.if %cond3A_158 {
          %add3A_159 = arith.constant 3 : i32
          %add3A_160 = arith.addi %add3A_128, %add3A_159 : i32
          %dma_start3A_161 = arith.constant 0 : i32
          %dma_start3A_162 = tpu.memref_slice %arg8[%add3A_160, %dma_start3A_161] : memref<16x128xi32, #tpu.memory_space<vmem>> -> memref<1x128xi32, #tpu.memory_space<vmem>>
          %dma_start3A_163 = tpu.memref_squeeze %dma_start3A_162 : memref<1x128xi32, #tpu.memory_space<vmem>> -> memref<128xi32, #tpu.memory_space<vmem>>
          %dma_start3A_164 = arith.constant 0 : i32
          %dma_start3A_165 = arith.constant 0 : i32
          %dma_start3A_166 = tpu.memref_slice %arg2[%dma_start3A_164, %dma_start3A_165] : memref<10000x128xf32, #tpu.memory_space<hbm>> -> memref<10000x128xf32, #tpu.memory_space<hbm>>
          tpu.enqueue_indirect_dma source(%dma_start3A_166 : memref<10000x128xf32, #tpu.memory_space<hbm>>) target(%arg13 : memref<128x128xf32, #tpu.memory_space<vmem>>) offsets(%dma_start3A_163 : memref<128xi32, #tpu.memory_space<vmem>>) semaphore(%arg17 : memref<!tpu.dma_semaphore, #tpu.memory_space<semaphore_mem>>)
        } else {
        }
      }
      %scan3A_77 = arith.constant 8 : i32
      %add3A_78 = arith.constant 1 : i32
      %add3A_79 = arith.addi %add3A_35, %add3A_78 : i32
      %dma_wait3A_80 = arith.constant 0 : i32
      %dma_wait3A_81 = arith.constant 0 : i32
      %dma_wait3A_82 = arith.constant 0 : i32
      %dma_wait3A_83 = tpu.memref_slice %arg3[%arg0, %arg1, %add3A_79, %dma_wait3A_80, %dma_wait3A_81, %dma_wait3A_82] : memref<2x16x10x2x16x128xi32, #tpu.memory_space<hbm>> -> memref<1x1x1x1x16x128xi32, #tpu.memory_space<hbm>>
      %dma_wait3A_84 = tpu.memref_squeeze %dma_wait3A_83 : memref<1x1x1x1x16x128xi32, #tpu.memory_space<hbm>> -> memref<16x128xi32, #tpu.memory_space<hbm>>
      %dma_wait3A_85 = arith.constant 0 : i32
      %dma_wait3A_86 = arith.constant 0 : i32
      %dma_wait3A_87 = tpu.memref_slice %arg3[%arg0, %arg1, %add3A_79, %dma_wait3A_80, %dma_wait3A_85, %dma_wait3A_86] : memref<2x16x10x2x16x128xi32, #tpu.memory_space<hbm>> -> memref<1x1x1x1x16x128xi32, #tpu.memory_space<hbm>>
      %dma_wait3A_88 = tpu.memref_squeeze %dma_wait3A_87 : memref<1x1x1x1x16x128xi32, #tpu.memory_space<hbm>> -> memref<16x128xi32, #tpu.memory_space<hbm>>
      tpu.wait_dma2 semaphore(%arg15 : memref<!tpu.dma_semaphore, #tpu.memory_space<semaphore_mem>>) src(%dma_wait3A_88 : memref<16x128xi32, #tpu.memory_space<hbm>>) dst(%arg10 : memref<16x128xi32, #tpu.memory_space<vmem>>)
      %dma_wait3A_89 = arith.constant 1 : i32
      %dma_wait3A_90 = arith.constant 0 : i32
      %dma_wait3A_91 = arith.constant 0 : i32
      %dma_wait3A_92 = tpu.memref_slice %arg3[%arg0, %arg1, %add3A_79, %dma_wait3A_89, %dma_wait3A_90, %dma_wait3A_91] : memref<2x16x10x2x16x128xi32, #tpu.memory_space<hbm>> -> memref<1x1x1x1x16x128xi32, #tpu.memory_space<hbm>>
      %dma_wait3A_93 = tpu.memref_squeeze %dma_wait3A_92 : memref<1x1x1x1x16x128xi32, #tpu.memory_space<hbm>> -> memref<16x128xi32, #tpu.memory_space<hbm>>
      %dma_wait3A_94 = arith.constant 0 : i32
      %dma_wait3A_95 = arith.constant 0 : i32
      %dma_wait3A_96 = tpu.memref_slice %arg3[%arg0, %arg1, %add3A_79, %dma_wait3A_89, %dma_wait3A_94, %dma_wait3A_95] : memref<2x16x10x2x16x128xi32, #tpu.memory_space<hbm>> -> memref<1x1x1x1x16x128xi32, #tpu.memory_space<hbm>>
      %dma_wait3A_97 = tpu.memref_squeeze %dma_wait3A_96 : memref<1x1x1x1x16x128xi32, #tpu.memory_space<hbm>> -> memref<16x128xi32, #tpu.memory_space<hbm>>
      tpu.wait_dma2 semaphore(%arg15 : memref<!tpu.dma_semaphore, #tpu.memory_space<semaphore_mem>>) src(%dma_wait3A_97 : memref<16x128xi32, #tpu.memory_space<hbm>>) dst(%arg11 : memref<16x128xi32, #tpu.memory_space<vmem>>)
      %add3A_98 = arith.constant 2 : i32
      %add3A_99 = arith.addi %add3A_35, %add3A_98 : i32
      %lt3A_100 = arith.constant 10 : i32
      %lt3A_101 = arith.cmpi slt, %add3A_99, %lt3A_100 : i32
      %convert_element_type3A_102 = arith.extui %lt3A_101 : i1 to i32
      %cond3A_103 = arith.constant 0 : i32
      %cond3A_104 = arith.cmpi ne, %convert_element_type3A_102, %cond3A_103 : i32
      scf.if %cond3A_104 {
        %add3A_124 = arith.constant 2 : i32
        %add3A_125 = arith.addi %add3A_35, %add3A_124 : i32
        %dma_start3A_126 = arith.constant 0 : i32
        %dma_start3A_127 = arith.constant 0 : i32
        %dma_start3A_128 = arith.constant 0 : i32
        %dma_start3A_129 = tpu.memref_slice %arg3[%arg0, %arg1, %add3A_125, %dma_start3A_126, %dma_start3A_127, %dma_start3A_128] : memref<2x16x10x2x16x128xi32, #tpu.memory_space<hbm>> -> memref<1x1x1x1x16x128xi32, #tpu.memory_space<hbm>>
        %dma_start3A_130 = tpu.memref_squeeze %dma_start3A_129 : memref<1x1x1x1x16x128xi32, #tpu.memory_space<hbm>> -> memref<16x128xi32, #tpu.memory_space<hbm>>
        %dma_start3A_131 = arith.constant 0 : i32
        %dma_start3A_132 = arith.constant 0 : i32
        %dma_start3A_133 = tpu.memref_slice %arg3[%arg0, %arg1, %add3A_125, %dma_start3A_126, %dma_start3A_131, %dma_start3A_132] : memref<2x16x10x2x16x128xi32, #tpu.memory_space<hbm>> -> memref<1x1x1x1x16x128xi32, #tpu.memory_space<hbm>>
        %dma_start3A_134 = tpu.memref_squeeze %dma_start3A_133 : memref<1x1x1x1x16x128xi32, #tpu.memory_space<hbm>> -> memref<16x128xi32, #tpu.memory_space<hbm>>
        tpu.enqueue_dma source(%dma_start3A_134 : memref<16x128xi32, #tpu.memory_space<hbm>>) target(%arg8 : memref<16x128xi32, #tpu.memory_space<vmem>>) target_semaphore(%arg14 : memref<!tpu.dma_semaphore, #tpu.memory_space<semaphore_mem>>)
        %dma_start3A_135 = arith.constant 1 : i32
        %dma_start3A_136 = arith.constant 0 : i32
        %dma_start3A_137 = arith.constant 0 : i32
        %dma_start3A_138 = tpu.memref_slice %arg3[%arg0, %arg1, %add3A_125, %dma_start3A_135, %dma_start3A_136, %dma_start3A_137] : memref<2x16x10x2x16x128xi32, #tpu.memory_space<hbm>> -> memref<1x1x1x1x16x128xi32, #tpu.memory_space<hbm>>
        %dma_start3A_139 = tpu.memref_squeeze %dma_start3A_138 : memref<1x1x1x1x16x128xi32, #tpu.memory_space<hbm>> -> memref<16x128xi32, #tpu.memory_space<hbm>>
        %dma_start3A_140 = arith.constant 0 : i32
        %dma_start3A_141 = arith.constant 0 : i32
        %dma_start3A_142 = tpu.memref_slice %arg3[%arg0, %arg1, %add3A_125, %dma_start3A_135, %dma_start3A_140, %dma_start3A_141] : memref<2x16x10x2x16x128xi32, #tpu.memory_space<hbm>> -> memref<1x1x1x1x16x128xi32, #tpu.memory_space<hbm>>
        %dma_start3A_143 = tpu.memref_squeeze %dma_start3A_142 : memref<1x1x1x1x16x128xi32, #tpu.memory_space<hbm>> -> memref<16x128xi32, #tpu.memory_space<hbm>>
        tpu.enqueue_dma source(%dma_start3A_143 : memref<16x128xi32, #tpu.memory_space<hbm>>) target(%arg9 : memref<16x128xi32, #tpu.memory_space<vmem>>) target_semaphore(%arg14 : memref<!tpu.dma_semaphore, #tpu.memory_space<semaphore_mem>>)
      } else {
      }
      %dma_start3A_105 = arith.constant 0 : i32
      %dma_start3A_106 = arith.constant 0 : i32
      %dma_start3A_107 = tpu.memref_slice %arg10[%dma_start3A_105, %dma_start3A_106] : memref<16x128xi32, #tpu.memory_space<vmem>> -> memref<1x128xi32, #tpu.memory_space<vmem>>
      %dma_start3A_108 = tpu.memref_squeeze %dma_start3A_107 : memref<1x128xi32, #tpu.memory_space<vmem>> -> memref<128xi32, #tpu.memory_space<vmem>>
      %dma_start3A_109 = arith.constant 0 : i32
      %dma_start3A_110 = arith.constant 0 : i32
      %dma_start3A_111 = tpu.memref_slice %arg2[%dma_start3A_109, %dma_start3A_110] : memref<10000x128xf32, #tpu.memory_space<hbm>> -> memref<10000x128xf32, #tpu.memory_space<hbm>>
      tpu.enqueue_indirect_dma source(%dma_start3A_111 : memref<10000x128xf32, #tpu.memory_space<hbm>>) target(%arg12 : memref<128x128xf32, #tpu.memory_space<vmem>>) offsets(%dma_start3A_108 : memref<128xi32, #tpu.memory_space<vmem>>) semaphore(%arg16 : memref<!tpu.dma_semaphore, #tpu.memory_space<semaphore_mem>>)
      %dma_start3A_112 = arith.constant 1 : i32
      %dma_start3A_113 = arith.constant 0 : i32
      %dma_start3A_114 = tpu.memref_slice %arg10[%dma_start3A_112, %dma_start3A_113] : memref<16x128xi32, #tpu.memory_space<vmem>> -> memref<1x128xi32, #tpu.memory_space<vmem>>
      %dma_start3A_115 = tpu.memref_squeeze %dma_start3A_114 : memref<1x128xi32, #tpu.memory_space<vmem>> -> memref<128xi32, #tpu.memory_space<vmem>>
      %dma_start3A_116 = arith.constant 0 : i32
      %dma_start3A_117 = arith.constant 0 : i32
      %dma_start3A_118 = tpu.memref_slice %arg2[%dma_start3A_116, %dma_start3A_117] : memref<10000x128xf32, #tpu.memory_space<hbm>> -> memref<10000x128xf32, #tpu.memory_space<hbm>>
      tpu.enqueue_indirect_dma source(%dma_start3A_118 : memref<10000x128xf32, #tpu.memory_space<hbm>>) target(%arg13 : memref<128x128xf32, #tpu.memory_space<vmem>>) offsets(%dma_start3A_115 : memref<128xi32, #tpu.memory_space<vmem>>) semaphore(%arg17 : memref<!tpu.dma_semaphore, #tpu.memory_space<semaphore_mem>>)
      %scan3A_119 = arith.constant 0 : i32
      %scan3A_120 = arith.constant 8 : i32
      %scan3A_121 = arith.addi %scan3A_119, %scan3A_120 : i32
      %scan3A_122 = arith.constant 1 : i32
      scf.for %scan3A_124 = %scan3A_119 to %scan3A_121 step %scan3A_122  : i32 {
        %mul3A_125 = arith.constant 2 : i32
        %mul3A_126 = arith.muli %scan3A_124, %mul3A_125 : i32
        %add3A_127 = arith.constant 0 : i32
        %add3A_128 = arith.addi %add3A_127, %mul3A_126 : i32
        %dma_wait3A_129 = arith.constant 0 : i32
        %dma_wait3A_130 = tpu.memref_slice %arg10[%add3A_128, %dma_wait3A_129] : memref<16x128xi32, #tpu.memory_space<vmem>> -> memref<1x128xi32, #tpu.memory_space<vmem>>
        %dma_wait3A_131 = tpu.memref_squeeze %dma_wait3A_130 : memref<1x128xi32, #tpu.memory_space<vmem>> -> memref<128xi32, #tpu.memory_space<vmem>>
        %dma_wait3A_132 = arith.constant 0 : i32
        %dma_wait3A_133 = arith.constant 0 : i32
        %dma_wait3A_134 = tpu.memref_slice %arg2[%dma_wait3A_132, %dma_wait3A_133] : memref<10000x128xf32, #tpu.memory_space<hbm>> -> memref<10000x128xf32, #tpu.memory_space<hbm>>
        tpu.wait_indirect_dma semaphore(%arg16 : memref<!tpu.dma_semaphore, #tpu.memory_space<semaphore_mem>>) src(%dma_wait3A_134 : memref<10000x128xf32, #tpu.memory_space<hbm>>) dst(%arg12 : memref<128x128xf32, #tpu.memory_space<vmem>>)
        "tpu.region"() ({
          %run_scoped3A = tpu.sem_alloc : memref<!tpu.dma_semaphore, #tpu.memory_space<semaphore_mem>>
          %dma_start3A_159 = arith.constant 0 : i32
          %dma_start3A_160 = tpu.memref_slice %arg11[%add3A_128, %dma_start3A_159] : memref<16x128xi32, #tpu.memory_space<vmem>> -> memref<1x128xi32, #tpu.memory_space<vmem>>
          %dma_start3A_161 = tpu.memref_squeeze %dma_start3A_160 : memref<1x128xi32, #tpu.memory_space<vmem>> -> memref<128xi32, #tpu.memory_space<vmem>>
          %dma_start3A_162 = arith.constant 0 : i32
          %dma_start3A_163 = arith.constant 0 : i32
          %dma_start3A_164 = tpu.memref_slice %arg7[%dma_start3A_162, %dma_start3A_163] : memref<10112x128xf32, #tpu.memory_space<vmem_shared>> -> memref<10112x128xf32, #tpu.memory_space<vmem_shared>>
          tpu.enqueue_indirect_dma source(%arg12 : memref<128x128xf32, #tpu.memory_space<vmem>>) target(%dma_start3A_164 : memref<10112x128xf32, #tpu.memory_space<vmem_shared>>) offsets(%dma_start3A_161 : memref<128xi32, #tpu.memory_space<vmem>>) semaphore(%run_scoped3A : memref<!tpu.dma_semaphore, #tpu.memory_space<semaphore_mem>>) {add = true}
          %dma_wait3A_165 = arith.constant 0 : i32
          %dma_wait3A_166 = tpu.memref_slice %arg11[%add3A_128, %dma_wait3A_165] : memref<16x128xi32, #tpu.memory_space<vmem>> -> memref<1x128xi32, #tpu.memory_space<vmem>>
          %dma_wait3A_167 = tpu.memref_squeeze %dma_wait3A_166 : memref<1x128xi32, #tpu.memory_space<vmem>> -> memref<128xi32, #tpu.memory_space<vmem>>
          %dma_wait3A_168 = arith.constant 0 : i32
          %dma_wait3A_169 = arith.constant 0 : i32
          %dma_wait3A_170 = tpu.memref_slice %arg7[%dma_wait3A_168, %dma_wait3A_169] : memref<10112x128xf32, #tpu.memory_space<vmem_shared>> -> memref<10112x128xf32, #tpu.memory_space<vmem_shared>>
          tpu.wait_indirect_dma semaphore(%run_scoped3A : memref<!tpu.dma_semaphore, #tpu.memory_space<semaphore_mem>>) src(%arg12 : memref<128x128xf32, #tpu.memory_space<vmem>>) dst(%dma_wait3A_170 : memref<10112x128xf32, #tpu.memory_space<vmem_shared>>)
          tpu.yield
        }) : () -> ()
        %add3A_135 = arith.constant 2 : i32
        %add3A_136 = arith.addi %add3A_128, %add3A_135 : i32
        %lt3A_137 = arith.constant 16 : i32
        %lt3A_138 = arith.cmpi slt, %add3A_136, %lt3A_137 : i32
        %convert_element_type3A_139 = arith.extui %lt3A_138 : i1 to i32
        %cond3A_140 = arith.constant 0 : i32
        %cond3A_141 = arith.cmpi ne, %convert_element_type3A_139, %cond3A_140 : i32
        scf.if %cond3A_141 {
          %add3A_159 = arith.constant 2 : i32
          %add3A_160 = arith.addi %add3A_128, %add3A_159 : i32
          %dma_start3A_161 = arith.constant 0 : i32
          %dma_start3A_162 = tpu.memref_slice %arg10[%add3A_160, %dma_start3A_161] : memref<16x128xi32, #tpu.memory_space<vmem>> -> memref<1x128xi32, #tpu.memory_space<vmem>>
          %dma_start3A_163 = tpu.memref_squeeze %dma_start3A_162 : memref<1x128xi32, #tpu.memory_space<vmem>> -> memref<128xi32, #tpu.memory_space<vmem>>
          %dma_start3A_164 = arith.constant 0 : i32
          %dma_start3A_165 = arith.constant 0 : i32
          %dma_start3A_166 = tpu.memref_slice %arg2[%dma_start3A_164, %dma_start3A_165] : memref<10000x128xf32, #tpu.memory_space<hbm>> -> memref<10000x128xf32, #tpu.memory_space<hbm>>
          tpu.enqueue_indirect_dma source(%dma_start3A_166 : memref<10000x128xf32, #tpu.memory_space<hbm>>) target(%arg12 : memref<128x128xf32, #tpu.memory_space<vmem>>) offsets(%dma_start3A_163 : memref<128xi32, #tpu.memory_space<vmem>>) semaphore(%arg16 : memref<!tpu.dma_semaphore, #tpu.memory_space<semaphore_mem>>)
        } else {
        }
        %add3A_142 = arith.constant 1 : i32
        %add3A_143 = arith.addi %add3A_128, %add3A_142 : i32
        %dma_wait3A_144 = arith.constant 0 : i32
        %dma_wait3A_145 = tpu.memref_slice %arg10[%add3A_143, %dma_wait3A_144] : memref<16x128xi32, #tpu.memory_space<vmem>> -> memref<1x128xi32, #tpu.memory_space<vmem>>
        %dma_wait3A_146 = tpu.memref_squeeze %dma_wait3A_145 : memref<1x128xi32, #tpu.memory_space<vmem>> -> memref<128xi32, #tpu.memory_space<vmem>>
        %dma_wait3A_147 = arith.constant 0 : i32
        %dma_wait3A_148 = arith.constant 0 : i32
        %dma_wait3A_149 = tpu.memref_slice %arg2[%dma_wait3A_147, %dma_wait3A_148] : memref<10000x128xf32, #tpu.memory_space<hbm>> -> memref<10000x128xf32, #tpu.memory_space<hbm>>
        tpu.wait_indirect_dma semaphore(%arg17 : memref<!tpu.dma_semaphore, #tpu.memory_space<semaphore_mem>>) src(%dma_wait3A_149 : memref<10000x128xf32, #tpu.memory_space<hbm>>) dst(%arg13 : memref<128x128xf32, #tpu.memory_space<vmem>>)
        %add3A_150 = arith.constant 1 : i32
        %add3A_151 = arith.addi %add3A_128, %add3A_150 : i32
        "tpu.region"() ({
          %run_scoped3A = tpu.sem_alloc : memref<!tpu.dma_semaphore, #tpu.memory_space<semaphore_mem>>
          %dma_start3A_159 = arith.constant 0 : i32
          %dma_start3A_160 = tpu.memref_slice %arg11[%add3A_151, %dma_start3A_159] : memref<16x128xi32, #tpu.memory_space<vmem>> -> memref<1x128xi32, #tpu.memory_space<vmem>>
          %dma_start3A_161 = tpu.memref_squeeze %dma_start3A_160 : memref<1x128xi32, #tpu.memory_space<vmem>> -> memref<128xi32, #tpu.memory_space<vmem>>
          %dma_start3A_162 = arith.constant 0 : i32
          %dma_start3A_163 = arith.constant 0 : i32
          %dma_start3A_164 = tpu.memref_slice %arg7[%dma_start3A_162, %dma_start3A_163] : memref<10112x128xf32, #tpu.memory_space<vmem_shared>> -> memref<10112x128xf32, #tpu.memory_space<vmem_shared>>
          tpu.enqueue_indirect_dma source(%arg13 : memref<128x128xf32, #tpu.memory_space<vmem>>) target(%dma_start3A_164 : memref<10112x128xf32, #tpu.memory_space<vmem_shared>>) offsets(%dma_start3A_161 : memref<128xi32, #tpu.memory_space<vmem>>) semaphore(%run_scoped3A : memref<!tpu.dma_semaphore, #tpu.memory_space<semaphore_mem>>) {add = true}
          %dma_wait3A_165 = arith.constant 0 : i32
          %dma_wait3A_166 = tpu.memref_slice %arg11[%add3A_151, %dma_wait3A_165] : memref<16x128xi32, #tpu.memory_space<vmem>> -> memref<1x128xi32, #tpu.memory_space<vmem>>
          %dma_wait3A_167 = tpu.memref_squeeze %dma_wait3A_166 : memref<1x128xi32, #tpu.memory_space<vmem>> -> memref<128xi32, #tpu.memory_space<vmem>>
          %dma_wait3A_168 = arith.constant 0 : i32
          %dma_wait3A_169 = arith.constant 0 : i32
          %dma_wait3A_170 = tpu.memref_slice %arg7[%dma_wait3A_168, %dma_wait3A_169] : memref<10112x128xf32, #tpu.memory_space<vmem_shared>> -> memref<10112x128xf32, #tpu.memory_space<vmem_shared>>
          tpu.wait_indirect_dma semaphore(%run_scoped3A : memref<!tpu.dma_semaphore, #tpu.memory_space<semaphore_mem>>) src(%arg13 : memref<128x128xf32, #tpu.memory_space<vmem>>) dst(%dma_wait3A_170 : memref<10112x128xf32, #tpu.memory_space<vmem_shared>>)
          tpu.yield
        }) : () -> ()
        %add3A_152 = arith.constant 3 : i32
        %add3A_153 = arith.addi %add3A_128, %add3A_152 : i32
        %lt3A_154 = arith.constant 16 : i32
        %lt3A_155 = arith.cmpi slt, %add3A_153, %lt3A_154 : i32
        %convert_element_type3A_156 = arith.extui %lt3A_155 : i1 to i32
        %cond3A_157 = arith.constant 0 : i32
        %cond3A_158 = arith.cmpi ne, %convert_element_type3A_156, %cond3A_157 : i32
        scf.if %cond3A_158 {
          %add3A_159 = arith.constant 3 : i32
          %add3A_160 = arith.addi %add3A_128, %add3A_159 : i32
          %dma_start3A_161 = arith.constant 0 : i32
          %dma_start3A_162 = tpu.memref_slice %arg10[%add3A_160, %dma_start3A_161] : memref<16x128xi32, #tpu.memory_space<vmem>> -> memref<1x128xi32, #tpu.memory_space<vmem>>
          %dma_start3A_163 = tpu.memref_squeeze %dma_start3A_162 : memref<1x128xi32, #tpu.memory_space<vmem>> -> memref<128xi32, #tpu.memory_space<vmem>>
          %dma_start3A_164 = arith.constant 0 : i32
          %dma_start3A_165 = arith.constant 0 : i32
          %dma_start3A_166 = tpu.memref_slice %arg2[%dma_start3A_164, %dma_start3A_165] : memref<10000x128xf32, #tpu.memory_space<hbm>> -> memref<10000x128xf32, #tpu.memory_space<hbm>>
          tpu.enqueue_indirect_dma source(%dma_start3A_166 : memref<10000x128xf32, #tpu.memory_space<hbm>>) target(%arg13 : memref<128x128xf32, #tpu.memory_space<vmem>>) offsets(%dma_start3A_163 : memref<128xi32, #tpu.memory_space<vmem>>) semaphore(%arg17 : memref<!tpu.dma_semaphore, #tpu.memory_space<semaphore_mem>>)
        } else {
        }
      }
      %scan3A_123 = arith.constant 8 : i32
    }
    %scan3A_23 = arith.constant 5 : i32
    %barrier3A_24 = arith.constant 0 : index
    tpu.barrier barrier_id(%barrier3A_24)
    %eq3A = arith.constant 0 : i32
    %eq3A_25 = arith.cmpi eq, %arg0, %eq3A : i32
    %convert_element_type3A = arith.extui %eq3A_25 : i1 to i32
    %cond3A = arith.constant 0 : i32
    %cond3A_26 = arith.cmpi ne, %convert_element_type3A, %cond3A : i32
    scf.if %cond3A_26 {
      "tpu.region"() ({
        %run_scoped3A = tpu.sem_alloc : memref<!tpu.dma_semaphore, #tpu.memory_space<semaphore_mem>>
        %dma_start3A_32 = arith.constant 0 : i32
        %dma_start3A_33 = tpu.memref_slice %arg5[%mul3A_0, %dma_start3A_32] : memref<10112x128xf32, #tpu.memory_space<hbm>> -> memref<632x128xf32, #tpu.memory_space<hbm>>
        %dma_start3A_34 = arith.constant 0 : i32
        %dma_start3A_35 = tpu.memref_slice %arg7[%mul3A_0, %dma_start3A_34] : memref<10112x128xf32, #tpu.memory_space<vmem_shared>> -> memref<632x128xf32, #tpu.memory_space<vmem_shared>>
        tpu.enqueue_dma source(%dma_start3A_35 : memref<632x128xf32, #tpu.memory_space<vmem_shared>>) target(%dma_start3A_33 : memref<632x128xf32, #tpu.memory_space<hbm>>) target_semaphore(%run_scoped3A : memref<!tpu.dma_semaphore, #tpu.memory_space<semaphore_mem>>)
        %dma_wait3A = arith.constant 0 : i32
        %dma_wait3A_36 = tpu.memref_slice %arg5[%mul3A_0, %dma_wait3A] : memref<10112x128xf32, #tpu.memory_space<hbm>> -> memref<632x128xf32, #tpu.memory_space<hbm>>
        %dma_wait3A_37 = arith.constant 0 : i32
        %dma_wait3A_38 = tpu.memref_slice %arg7[%mul3A_0, %dma_wait3A_37] : memref<10112x128xf32, #tpu.memory_space<vmem_shared>> -> memref<632x128xf32, #tpu.memory_space<vmem_shared>>
        tpu.wait_dma2 semaphore(%run_scoped3A : memref<!tpu.dma_semaphore, #tpu.memory_space<semaphore_mem>>) src(%dma_wait3A_38 : memref<632x128xf32, #tpu.memory_space<vmem_shared>>) dst(%dma_wait3A_36 : memref<632x128xf32, #tpu.memory_space<hbm>>)
        tpu.yield
      }) : () -> ()
    } else {
    }
    %eq3A_27 = arith.constant 1 : i32
    %eq3A_28 = arith.cmpi eq, %arg0, %eq3A_27 : i32
    %convert_element_type3A_29 = arith.extui %eq3A_28 : i1 to i32
    %cond3A_30 = arith.constant 0 : i32
    %cond3A_31 = arith.cmpi ne, %convert_element_type3A_29, %cond3A_30 : i32
    scf.if %cond3A_31 {
      "tpu.region"() ({
        %run_scoped3A = tpu.sem_alloc : memref<!tpu.dma_semaphore, #tpu.memory_space<semaphore_mem>>
        %dma_start3A_32 = arith.constant 0 : i32
        %dma_start3A_33 = tpu.memref_slice %arg6[%mul3A_0, %dma_start3A_32] : memref<10112x128xf32, #tpu.memory_space<hbm>> -> memref<632x128xf32, #tpu.memory_space<hbm>>
        %dma_start3A_34 = arith.constant 0 : i32
        %dma_start3A_35 = tpu.memref_slice %arg7[%mul3A_0, %dma_start3A_34] : memref<10112x128xf32, #tpu.memory_space<vmem_shared>> -> memref<632x128xf32, #tpu.memory_space<vmem_shared>>
        tpu.enqueue_dma source(%dma_start3A_35 : memref<632x128xf32, #tpu.memory_space<vmem_shared>>) target(%dma_start3A_33 : memref<632x128xf32, #tpu.memory_space<hbm>>) target_semaphore(%run_scoped3A : memref<!tpu.dma_semaphore, #tpu.memory_space<semaphore_mem>>)
        %dma_wait3A = arith.constant 0 : i32
        %dma_wait3A_36 = tpu.memref_slice %arg6[%mul3A_0, %dma_wait3A] : memref<10112x128xf32, #tpu.memory_space<hbm>> -> memref<632x128xf32, #tpu.memory_space<hbm>>
        %dma_wait3A_37 = arith.constant 0 : i32
        %dma_wait3A_38 = tpu.memref_slice %arg7[%mul3A_0, %dma_wait3A_37] : memref<10112x128xf32, #tpu.memory_space<vmem_shared>> -> memref<632x128xf32, #tpu.memory_space<vmem_shared>>
        tpu.wait_dma2 semaphore(%run_scoped3A : memref<!tpu.dma_semaphore, #tpu.memory_space<semaphore_mem>>) src(%dma_wait3A_38 : memref<632x128xf32, #tpu.memory_space<vmem_shared>>) dst(%dma_wait3A_36 : memref<632x128xf32, #tpu.memory_space<hbm>>)
        tpu.yield
      }) : () -> ()
    } else {
    }
    return
  }
}

#map = affine_map<(d0, d1) -> (0, 0)>
#map1 = affine_map<(d0, d1) -> (0, 0, 0, 0, 0, 0)>
module attributes {stable_mosaic.version = 14 : i64} {
  func.func @_sc_agg_body(%arg0: i32, %arg1: i32, %arg2: memref<10000x128xf32, #tpu.memory_space<hbm>>, %arg3: memref<2x16x10x2x16x128xi32, #tpu.memory_space<hbm>>, %arg4: memref<632x128xf32, #tpu.memory_space<hbm>>, %arg5: memref<10112x128xf32, #tpu.memory_space<hbm>>, %arg6: memref<10112x128xf32, #tpu.memory_space<hbm>>, %arg7: memref<10112x128xf32, #tpu.memory_space<vmem_shared>>, %arg8: memref<16x128xi32, #tpu.memory_space<vmem>>, %arg9: memref<16x128xi32, #tpu.memory_space<vmem>>, %arg10: memref<16x128xi32, #tpu.memory_space<vmem>>, %arg11: memref<16x128xi32, #tpu.memory_space<vmem>>, %arg12: memref<128x128xf32, #tpu.memory_space<vmem>>, %arg13: memref<128x128xf32, #tpu.memory_space<vmem>>, %arg14: memref<!tpu.dma_semaphore, #tpu.memory_space<semaphore_mem>>, %arg15: memref<!tpu.dma_semaphore, #tpu.memory_space<semaphore_mem>>, %arg16: memref<!tpu.dma_semaphore, #tpu.memory_space<semaphore_mem>>, %arg17: memref<!tpu.dma_semaphore, #tpu.memory_space<semaphore_mem>>) attributes {dimension_semantics = [#tpu.dimension_semantics<core_parallel>, #tpu.dimension_semantics<subcore_parallel>], iteration_bounds = array<i64: 2, 16>, scalar_prefetch = 0 : i64, scratch_operands = 11 : i64, tpu.core_type = #tpu.core_type<sc_vector_subcore>, window_params = [{transform_indices = #map}, {transform_indices = #map1}, {transform_indices = #map}, {transform_indices = #map}, {transform_indices = #map}]} {
    %mul3A = arith.constant 632 : i32
    %mul3A_0 = arith.muli %arg1, %mul3A : i32
    "tpu.region"() ({
      %run_scoped3A = tpu.sem_alloc : memref<!tpu.dma_semaphore, #tpu.memory_space<semaphore_mem>>
      %dma_start3A_32 = arith.constant 0 : i32
      %dma_start3A_33 = tpu.memref_slice %arg7[%mul3A_0, %dma_start3A_32] : memref<10112x128xf32, #tpu.memory_space<vmem_shared>> -> memref<632x128xf32, #tpu.memory_space<vmem_shared>>
      tpu.enqueue_dma source(%arg4 : memref<632x128xf32, #tpu.memory_space<hbm>>) target(%dma_start3A_33 : memref<632x128xf32, #tpu.memory_space<vmem_shared>>) target_semaphore(%run_scoped3A : memref<!tpu.dma_semaphore, #tpu.memory_space<semaphore_mem>>)
      %dma_wait3A = arith.constant 0 : i32
      %dma_wait3A_34 = tpu.memref_slice %arg7[%mul3A_0, %dma_wait3A] : memref<10112x128xf32, #tpu.memory_space<vmem_shared>> -> memref<632x128xf32, #tpu.memory_space<vmem_shared>>
      tpu.wait_dma2 semaphore(%run_scoped3A : memref<!tpu.dma_semaphore, #tpu.memory_space<semaphore_mem>>) src(%arg4 : memref<632x128xf32, #tpu.memory_space<hbm>>) dst(%dma_wait3A_34 : memref<632x128xf32, #tpu.memory_space<vmem_shared>>)
      tpu.yield
    }) : () -> ()
    %barrier3A = arith.constant 0 : index
    tpu.barrier barrier_id(%barrier3A)
    %dma_start3A = arith.constant 0 : i32
    %dma_start3A_1 = arith.constant 0 : i32
    %dma_start3A_2 = arith.constant 0 : i32
    %dma_start3A_3 = arith.constant 0 : i32
    %dma_start3A_4 = tpu.memref_slice %arg3[%arg0, %arg1, %dma_start3A, %dma_start3A_1, %dma_start3A_2, %dma_start3A_3] : memref<2x16x10x2x16x128xi32, #tpu.memory_space<hbm>> -> memref<1x1x1x1x16x128xi32, #tpu.memory_space<hbm>>
    %dma_start3A_5 = tpu.memref_squeeze %dma_start3A_4 : memref<1x1x1x1x16x128xi32, #tpu.memory_space<hbm>> -> memref<16x128xi32, #tpu.memory_space<hbm>>
    %dma_start3A_6 = arith.constant 0 : i32
    %dma_start3A_7 = arith.constant 0 : i32
    %dma_start3A_8 = tpu.memref_slice %arg3[%arg0, %arg1, %dma_start3A, %dma_start3A_1, %dma_start3A_6, %dma_start3A_7] : memref<2x16x10x2x16x128xi32, #tpu.memory_space<hbm>> -> memref<1x1x1x1x16x128xi32, #tpu.memory_space<hbm>>
    %dma_start3A_9 = tpu.memref_squeeze %dma_start3A_8 : memref<1x1x1x1x16x128xi32, #tpu.memory_space<hbm>> -> memref<16x128xi32, #tpu.memory_space<hbm>>
    tpu.enqueue_dma source(%dma_start3A_9 : memref<16x128xi32, #tpu.memory_space<hbm>>) target(%arg8 : memref<16x128xi32, #tpu.memory_space<vmem>>) target_semaphore(%arg14 : memref<!tpu.dma_semaphore, #tpu.memory_space<semaphore_mem>>)
    %dma_start3A_10 = arith.constant 0 : i32
    %dma_start3A_11 = arith.constant 1 : i32
    %dma_start3A_12 = arith.constant 0 : i32
    %dma_start3A_13 = arith.constant 0 : i32
    %dma_start3A_14 = tpu.memref_slice %arg3[%arg0, %arg1, %dma_start3A_10, %dma_start3A_11, %dma_start3A_12, %dma_start3A_13] : memref<2x16x10x2x16x128xi32, #tpu.memory_space<hbm>> -> memref<1x1x1x1x16x128xi32, #tpu.memory_space<hbm>>
    %dma_start3A_15 = tpu.memref_squeeze %dma_start3A_14 : memref<1x1x1x1x16x128xi32, #tpu.memory_space<hbm>> -> memref<16x128xi32, #tpu.memory_space<hbm>>
    %dma_start3A_16 = arith.constant 0 : i32
    %dma_start3A_17 = arith.constant 0 : i32
    %dma_start3A_18 = tpu.memref_slice %arg3[%arg0, %arg1, %dma_start3A_10, %dma_start3A_11, %dma_start3A_16, %dma_start3A_17] : memref<2x16x10x2x16x128xi32, #tpu.memory_space<hbm>> -> memref<1x1x1x1x16x128xi32, #tpu.memory_space<hbm>>
    %dma_start3A_19 = tpu.memref_squeeze %dma_start3A_18 : memref<1x1x1x1x16x128xi32, #tpu.memory_space<hbm>> -> memref<16x128xi32, #tpu.memory_space<hbm>>
    tpu.enqueue_dma source(%dma_start3A_19 : memref<16x128xi32, #tpu.memory_space<hbm>>) target(%arg9 : memref<16x128xi32, #tpu.memory_space<vmem>>) target_semaphore(%arg14 : memref<!tpu.dma_semaphore, #tpu.memory_space<semaphore_mem>>)
    %scan3A = arith.constant 0 : i32
    %scan3A_20 = arith.constant 5 : i32
    %scan3A_21 = arith.addi %scan3A, %scan3A_20 : i32
    %scan3A_22 = arith.constant 1 : i32
    scf.for %scan3A_32 = %scan3A to %scan3A_21 step %scan3A_22  : i32 {
      %mul3A_33 = arith.constant 2 : i32
      %mul3A_34 = arith.muli %scan3A_32, %mul3A_33 : i32
      %add3A = arith.constant 0 : i32
      %add3A_35 = arith.addi %add3A, %mul3A_34 : i32
      %dma_wait3A = arith.constant 0 : i32
      %dma_wait3A_36 = arith.constant 0 : i32
      %dma_wait3A_37 = arith.constant 0 : i32
      %dma_wait3A_38 = tpu.memref_slice %arg3[%arg0, %arg1, %add3A_35, %dma_wait3A, %dma_wait3A_36, %dma_wait3A_37] : memref<2x16x10x2x16x128xi32, #tpu.memory_space<hbm>> -> memref<1x1x1x1x16x128xi32, #tpu.memory_space<hbm>>
      %dma_wait3A_39 = tpu.memref_squeeze %dma_wait3A_38 : memref<1x1x1x1x16x128xi32, #tpu.memory_space<hbm>> -> memref<16x128xi32, #tpu.memory_space<hbm>>
      %dma_wait3A_40 = arith.constant 0 : i32
      %dma_wait3A_41 = arith.constant 0 : i32
      %dma_wait3A_42 = tpu.memref_slice %arg3[%arg0, %arg1, %add3A_35, %dma_wait3A, %dma_wait3A_40, %dma_wait3A_41] : memref<2x16x10x2x16x128xi32, #tpu.memory_space<hbm>> -> memref<1x1x1x1x16x128xi32, #tpu.memory_space<hbm>>
      %dma_wait3A_43 = tpu.memref_squeeze %dma_wait3A_42 : memref<1x1x1x1x16x128xi32, #tpu.memory_space<hbm>> -> memref<16x128xi32, #tpu.memory_space<hbm>>
      tpu.wait_dma2 semaphore(%arg14 : memref<!tpu.dma_semaphore, #tpu.memory_space<semaphore_mem>>) src(%dma_wait3A_43 : memref<16x128xi32, #tpu.memory_space<hbm>>) dst(%arg8 : memref<16x128xi32, #tpu.memory_space<vmem>>)
      %dma_wait3A_44 = arith.constant 1 : i32
      %dma_wait3A_45 = arith.constant 0 : i32
      %dma_wait3A_46 = arith.constant 0 : i32
      %dma_wait3A_47 = tpu.memref_slice %arg3[%arg0, %arg1, %add3A_35, %dma_wait3A_44, %dma_wait3A_45, %dma_wait3A_46] : memref<2x16x10x2x16x128xi32, #tpu.memory_space<hbm>> -> memref<1x1x1x1x16x128xi32, #tpu.memory_space<hbm>>
      %dma_wait3A_48 = tpu.memref_squeeze %dma_wait3A_47 : memref<1x1x1x1x16x128xi32, #tpu.memory_space<hbm>> -> memref<16x128xi32, #tpu.memory_space<hbm>>
      %dma_wait3A_49 = arith.constant 0 : i32
      %dma_wait3A_50 = arith.constant 0 : i32
      %dma_wait3A_51 = tpu.memref_slice %arg3[%arg0, %arg1, %add3A_35, %dma_wait3A_44, %dma_wait3A_49, %dma_wait3A_50] : memref<2x16x10x2x16x128xi32, #tpu.memory_space<hbm>> -> memref<1x1x1x1x16x128xi32, #tpu.memory_space<hbm>>
      %dma_wait3A_52 = tpu.memref_squeeze %dma_wait3A_51 : memref<1x1x1x1x16x128xi32, #tpu.memory_space<hbm>> -> memref<16x128xi32, #tpu.memory_space<hbm>>
      tpu.wait_dma2 semaphore(%arg14 : memref<!tpu.dma_semaphore, #tpu.memory_space<semaphore_mem>>) src(%dma_wait3A_52 : memref<16x128xi32, #tpu.memory_space<hbm>>) dst(%arg9 : memref<16x128xi32, #tpu.memory_space<vmem>>)
      %add3A_53 = arith.constant 1 : i32
      %add3A_54 = arith.addi %add3A_35, %add3A_53 : i32
      %lt3A = arith.constant 10 : i32
      %lt3A_55 = arith.cmpi slt, %add3A_54, %lt3A : i32
      %convert_element_type3A_56 = arith.extui %lt3A_55 : i1 to i32
      %cond3A_57 = arith.constant 0 : i32
      %cond3A_58 = arith.cmpi ne, %convert_element_type3A_56, %cond3A_57 : i32
      scf.if %cond3A_58 {
        %add3A_124 = arith.constant 1 : i32
        %add3A_125 = arith.addi %add3A_35, %add3A_124 : i32
        %dma_start3A_126 = arith.constant 0 : i32
        %dma_start3A_127 = arith.constant 0 : i32
        %dma_start3A_128 = arith.constant 0 : i32
        %dma_start3A_129 = tpu.memref_slice %arg3[%arg0, %arg1, %add3A_125, %dma_start3A_126, %dma_start3A_127, %dma_start3A_128] : memref<2x16x10x2x16x128xi32, #tpu.memory_space<hbm>> -> memref<1x1x1x1x16x128xi32, #tpu.memory_space<hbm>>
        %dma_start3A_130 = tpu.memref_squeeze %dma_start3A_129 : memref<1x1x1x1x16x128xi32, #tpu.memory_space<hbm>> -> memref<16x128xi32, #tpu.memory_space<hbm>>
        %dma_start3A_131 = arith.constant 0 : i32
        %dma_start3A_132 = arith.constant 0 : i32
        %dma_start3A_133 = tpu.memref_slice %arg3[%arg0, %arg1, %add3A_125, %dma_start3A_126, %dma_start3A_131, %dma_start3A_132] : memref<2x16x10x2x16x128xi32, #tpu.memory_space<hbm>> -> memref<1x1x1x1x16x128xi32, #tpu.memory_space<hbm>>
        %dma_start3A_134 = tpu.memref_squeeze %dma_start3A_133 : memref<1x1x1x1x16x128xi32, #tpu.memory_space<hbm>> -> memref<16x128xi32, #tpu.memory_space<hbm>>
        tpu.enqueue_dma source(%dma_start3A_134 : memref<16x128xi32, #tpu.memory_space<hbm>>) target(%arg10 : memref<16x128xi32, #tpu.memory_space<vmem>>) target_semaphore(%arg15 : memref<!tpu.dma_semaphore, #tpu.memory_space<semaphore_mem>>)
        %dma_start3A_135 = arith.constant 1 : i32
        %dma_start3A_136 = arith.constant 0 : i32
        %dma_start3A_137 = arith.constant 0 : i32
        %dma_start3A_138 = tpu.memref_slice %arg3[%arg0, %arg1, %add3A_125, %dma_start3A_135, %dma_start3A_136, %dma_start3A_137] : memref<2x16x10x2x16x128xi32, #tpu.memory_space<hbm>> -> memref<1x1x1x1x16x128xi32, #tpu.memory_space<hbm>>
        %dma_start3A_139 = tpu.memref_squeeze %dma_start3A_138 : memref<1x1x1x1x16x128xi32, #tpu.memory_space<hbm>> -> memref<16x128xi32, #tpu.memory_space<hbm>>
        %dma_start3A_140 = arith.constant 0 : i32
        %dma_start3A_141 = arith.constant 0 : i32
        %dma_start3A_142 = tpu.memref_slice %arg3[%arg0, %arg1, %add3A_125, %dma_start3A_135, %dma_start3A_140, %dma_start3A_141] : memref<2x16x10x2x16x128xi32, #tpu.memory_space<hbm>> -> memref<1x1x1x1x16x128xi32, #tpu.memory_space<hbm>>
        %dma_start3A_143 = tpu.memref_squeeze %dma_start3A_142 : memref<1x1x1x1x16x128xi32, #tpu.memory_space<hbm>> -> memref<16x128xi32, #tpu.memory_space<hbm>>
        tpu.enqueue_dma source(%dma_start3A_143 : memref<16x128xi32, #tpu.memory_space<hbm>>) target(%arg11 : memref<16x128xi32, #tpu.memory_space<vmem>>) target_semaphore(%arg15 : memref<!tpu.dma_semaphore, #tpu.memory_space<semaphore_mem>>)
      } else {
      }
      %dma_start3A_59 = arith.constant 0 : i32
      %dma_start3A_60 = arith.constant 0 : i32
      %dma_start3A_61 = tpu.memref_slice %arg8[%dma_start3A_59, %dma_start3A_60] : memref<16x128xi32, #tpu.memory_space<vmem>> -> memref<1x128xi32, #tpu.memory_space<vmem>>
      %dma_start3A_62 = tpu.memref_squeeze %dma_start3A_61 : memref<1x128xi32, #tpu.memory_space<vmem>> -> memref<128xi32, #tpu.memory_space<vmem>>
      %dma_start3A_63 = arith.constant 0 : i32
      %dma_start3A_64 = arith.constant 0 : i32
      %dma_start3A_65 = tpu.memref_slice %arg2[%dma_start3A_63, %dma_start3A_64] : memref<10000x128xf32, #tpu.memory_space<hbm>> -> memref<10000x128xf32, #tpu.memory_space<hbm>>
      tpu.enqueue_indirect_dma source(%dma_start3A_65 : memref<10000x128xf32, #tpu.memory_space<hbm>>) target(%arg12 : memref<128x128xf32, #tpu.memory_space<vmem>>) offsets(%dma_start3A_62 : memref<128xi32, #tpu.memory_space<vmem>>) semaphore(%arg16 : memref<!tpu.dma_semaphore, #tpu.memory_space<semaphore_mem>>)
      %dma_start3A_66 = arith.constant 1 : i32
      %dma_start3A_67 = arith.constant 0 : i32
      %dma_start3A_68 = tpu.memref_slice %arg8[%dma_start3A_66, %dma_start3A_67] : memref<16x128xi32, #tpu.memory_space<vmem>> -> memref<1x128xi32, #tpu.memory_space<vmem>>
      %dma_start3A_69 = tpu.memref_squeeze %dma_start3A_68 : memref<1x128xi32, #tpu.memory_space<vmem>> -> memref<128xi32, #tpu.memory_space<vmem>>
      %dma_start3A_70 = arith.constant 0 : i32
      %dma_start3A_71 = arith.constant 0 : i32
      %dma_start3A_72 = tpu.memref_slice %arg2[%dma_start3A_70, %dma_start3A_71] : memref<10000x128xf32, #tpu.memory_space<hbm>> -> memref<10000x128xf32, #tpu.memory_space<hbm>>
      tpu.enqueue_indirect_dma source(%dma_start3A_72 : memref<10000x128xf32, #tpu.memory_space<hbm>>) target(%arg13 : memref<128x128xf32, #tpu.memory_space<vmem>>) offsets(%dma_start3A_69 : memref<128xi32, #tpu.memory_space<vmem>>) semaphore(%arg17 : memref<!tpu.dma_semaphore, #tpu.memory_space<semaphore_mem>>)
      %scan3A_73 = arith.constant 0 : i32
      %scan3A_74 = arith.constant 8 : i32
      %scan3A_75 = arith.addi %scan3A_73, %scan3A_74 : i32
      %scan3A_76 = arith.constant 1 : i32
      scf.for %scan3A_124 = %scan3A_73 to %scan3A_75 step %scan3A_76  : i32 {
        %mul3A_125 = arith.constant 2 : i32
        %mul3A_126 = arith.muli %scan3A_124, %mul3A_125 : i32
        %add3A_127 = arith.constant 0 : i32
        %add3A_128 = arith.addi %add3A_127, %mul3A_126 : i32
        %dma_wait3A_129 = arith.constant 0 : i32
        %dma_wait3A_130 = tpu.memref_slice %arg8[%add3A_128, %dma_wait3A_129] : memref<16x128xi32, #tpu.memory_space<vmem>> -> memref<1x128xi32, #tpu.memory_space<vmem>>
        %dma_wait3A_131 = tpu.memref_squeeze %dma_wait3A_130 : memref<1x128xi32, #tpu.memory_space<vmem>> -> memref<128xi32, #tpu.memory_space<vmem>>
        %dma_wait3A_132 = arith.constant 0 : i32
        %dma_wait3A_133 = arith.constant 0 : i32
        %dma_wait3A_134 = tpu.memref_slice %arg2[%dma_wait3A_132, %dma_wait3A_133] : memref<10000x128xf32, #tpu.memory_space<hbm>> -> memref<10000x128xf32, #tpu.memory_space<hbm>>
        tpu.wait_indirect_dma semaphore(%arg16 : memref<!tpu.dma_semaphore, #tpu.memory_space<semaphore_mem>>) src(%dma_wait3A_134 : memref<10000x128xf32, #tpu.memory_space<hbm>>) dst(%arg12 : memref<128x128xf32, #tpu.memory_space<vmem>>)
        "tpu.region"() ({
          %run_scoped3A = tpu.sem_alloc : memref<!tpu.dma_semaphore, #tpu.memory_space<semaphore_mem>>
          %dma_start3A_159 = arith.constant 0 : i32
          %dma_start3A_160 = tpu.memref_slice %arg9[%add3A_128, %dma_start3A_159] : memref<16x128xi32, #tpu.memory_space<vmem>> -> memref<1x128xi32, #tpu.memory_space<vmem>>
          %dma_start3A_161 = tpu.memref_squeeze %dma_start3A_160 : memref<1x128xi32, #tpu.memory_space<vmem>> -> memref<128xi32, #tpu.memory_space<vmem>>
          %dma_start3A_162 = arith.constant 0 : i32
          %dma_start3A_163 = arith.constant 0 : i32
          %dma_start3A_164 = tpu.memref_slice %arg7[%dma_start3A_162, %dma_start3A_163] : memref<10112x128xf32, #tpu.memory_space<vmem_shared>> -> memref<10112x128xf32, #tpu.memory_space<vmem_shared>>
          tpu.enqueue_indirect_dma source(%arg12 : memref<128x128xf32, #tpu.memory_space<vmem>>) target(%dma_start3A_164 : memref<10112x128xf32, #tpu.memory_space<vmem_shared>>) offsets(%dma_start3A_161 : memref<128xi32, #tpu.memory_space<vmem>>) semaphore(%run_scoped3A : memref<!tpu.dma_semaphore, #tpu.memory_space<semaphore_mem>>) {add = true}
          %dma_wait3A_165 = arith.constant 0 : i32
          %dma_wait3A_166 = tpu.memref_slice %arg9[%add3A_128, %dma_wait3A_165] : memref<16x128xi32, #tpu.memory_space<vmem>> -> memref<1x128xi32, #tpu.memory_space<vmem>>
          %dma_wait3A_167 = tpu.memref_squeeze %dma_wait3A_166 : memref<1x128xi32, #tpu.memory_space<vmem>> -> memref<128xi32, #tpu.memory_space<vmem>>
          %dma_wait3A_168 = arith.constant 0 : i32
          %dma_wait3A_169 = arith.constant 0 : i32
          %dma_wait3A_170 = tpu.memref_slice %arg7[%dma_wait3A_168, %dma_wait3A_169] : memref<10112x128xf32, #tpu.memory_space<vmem_shared>> -> memref<10112x128xf32, #tpu.memory_space<vmem_shared>>
          tpu.wait_indirect_dma semaphore(%run_scoped3A : memref<!tpu.dma_semaphore, #tpu.memory_space<semaphore_mem>>) src(%arg12 : memref<128x128xf32, #tpu.memory_space<vmem>>) dst(%dma_wait3A_170 : memref<10112x128xf32, #tpu.memory_space<vmem_shared>>)
          tpu.yield
        }) : () -> ()
        %add3A_135 = arith.constant 2 : i32
        %add3A_136 = arith.addi %add3A_128, %add3A_135 : i32
        %lt3A_137 = arith.constant 16 : i32
        %lt3A_138 = arith.cmpi slt, %add3A_136, %lt3A_137 : i32
        %convert_element_type3A_139 = arith.extui %lt3A_138 : i1 to i32
        %cond3A_140 = arith.constant 0 : i32
        %cond3A_141 = arith.cmpi ne, %convert_element_type3A_139, %cond3A_140 : i32
        scf.if %cond3A_141 {
          %add3A_159 = arith.constant 2 : i32
          %add3A_160 = arith.addi %add3A_128, %add3A_159 : i32
          %dma_start3A_161 = arith.constant 0 : i32
          %dma_start3A_162 = tpu.memref_slice %arg8[%add3A_160, %dma_start3A_161] : memref<16x128xi32, #tpu.memory_space<vmem>> -> memref<1x128xi32, #tpu.memory_space<vmem>>
          %dma_start3A_163 = tpu.memref_squeeze %dma_start3A_162 : memref<1x128xi32, #tpu.memory_space<vmem>> -> memref<128xi32, #tpu.memory_space<vmem>>
          %dma_start3A_164 = arith.constant 0 : i32
          %dma_start3A_165 = arith.constant 0 : i32
          %dma_start3A_166 = tpu.memref_slice %arg2[%dma_start3A_164, %dma_start3A_165] : memref<10000x128xf32, #tpu.memory_space<hbm>> -> memref<10000x128xf32, #tpu.memory_space<hbm>>
          tpu.enqueue_indirect_dma source(%dma_start3A_166 : memref<10000x128xf32, #tpu.memory_space<hbm>>) target(%arg12 : memref<128x128xf32, #tpu.memory_space<vmem>>) offsets(%dma_start3A_163 : memref<128xi32, #tpu.memory_space<vmem>>) semaphore(%arg16 : memref<!tpu.dma_semaphore, #tpu.memory_space<semaphore_mem>>)
        } else {
        }
        %add3A_142 = arith.constant 1 : i32
        %add3A_143 = arith.addi %add3A_128, %add3A_142 : i32
        %dma_wait3A_144 = arith.constant 0 : i32
        %dma_wait3A_145 = tpu.memref_slice %arg8[%add3A_143, %dma_wait3A_144] : memref<16x128xi32, #tpu.memory_space<vmem>> -> memref<1x128xi32, #tpu.memory_space<vmem>>
        %dma_wait3A_146 = tpu.memref_squeeze %dma_wait3A_145 : memref<1x128xi32, #tpu.memory_space<vmem>> -> memref<128xi32, #tpu.memory_space<vmem>>
        %dma_wait3A_147 = arith.constant 0 : i32
        %dma_wait3A_148 = arith.constant 0 : i32
        %dma_wait3A_149 = tpu.memref_slice %arg2[%dma_wait3A_147, %dma_wait3A_148] : memref<10000x128xf32, #tpu.memory_space<hbm>> -> memref<10000x128xf32, #tpu.memory_space<hbm>>
        tpu.wait_indirect_dma semaphore(%arg17 : memref<!tpu.dma_semaphore, #tpu.memory_space<semaphore_mem>>) src(%dma_wait3A_149 : memref<10000x128xf32, #tpu.memory_space<hbm>>) dst(%arg13 : memref<128x128xf32, #tpu.memory_space<vmem>>)
        %add3A_150 = arith.constant 1 : i32
        %add3A_151 = arith.addi %add3A_128, %add3A_150 : i32
        "tpu.region"() ({
          %run_scoped3A = tpu.sem_alloc : memref<!tpu.dma_semaphore, #tpu.memory_space<semaphore_mem>>
          %dma_start3A_159 = arith.constant 0 : i32
          %dma_start3A_160 = tpu.memref_slice %arg9[%add3A_151, %dma_start3A_159] : memref<16x128xi32, #tpu.memory_space<vmem>> -> memref<1x128xi32, #tpu.memory_space<vmem>>
          %dma_start3A_161 = tpu.memref_squeeze %dma_start3A_160 : memref<1x128xi32, #tpu.memory_space<vmem>> -> memref<128xi32, #tpu.memory_space<vmem>>
          %dma_start3A_162 = arith.constant 0 : i32
          %dma_start3A_163 = arith.constant 0 : i32
          %dma_start3A_164 = tpu.memref_slice %arg7[%dma_start3A_162, %dma_start3A_163] : memref<10112x128xf32, #tpu.memory_space<vmem_shared>> -> memref<10112x128xf32, #tpu.memory_space<vmem_shared>>
          tpu.enqueue_indirect_dma source(%arg13 : memref<128x128xf32, #tpu.memory_space<vmem>>) target(%dma_start3A_164 : memref<10112x128xf32, #tpu.memory_space<vmem_shared>>) offsets(%dma_start3A_161 : memref<128xi32, #tpu.memory_space<vmem>>) semaphore(%run_scoped3A : memref<!tpu.dma_semaphore, #tpu.memory_space<semaphore_mem>>) {add = true}
          %dma_wait3A_165 = arith.constant 0 : i32
          %dma_wait3A_166 = tpu.memref_slice %arg9[%add3A_151, %dma_wait3A_165] : memref<16x128xi32, #tpu.memory_space<vmem>> -> memref<1x128xi32, #tpu.memory_space<vmem>>
          %dma_wait3A_167 = tpu.memref_squeeze %dma_wait3A_166 : memref<1x128xi32, #tpu.memory_space<vmem>> -> memref<128xi32, #tpu.memory_space<vmem>>
          %dma_wait3A_168 = arith.constant 0 : i32
          %dma_wait3A_169 = arith.constant 0 : i32
          %dma_wait3A_170 = tpu.memref_slice %arg7[%dma_wait3A_168, %dma_wait3A_169] : memref<10112x128xf32, #tpu.memory_space<vmem_shared>> -> memref<10112x128xf32, #tpu.memory_space<vmem_shared>>
          tpu.wait_indirect_dma semaphore(%run_scoped3A : memref<!tpu.dma_semaphore, #tpu.memory_space<semaphore_mem>>) src(%arg13 : memref<128x128xf32, #tpu.memory_space<vmem>>) dst(%dma_wait3A_170 : memref<10112x128xf32, #tpu.memory_space<vmem_shared>>)
          tpu.yield
        }) : () -> ()
        %add3A_152 = arith.constant 3 : i32
        %add3A_153 = arith.addi %add3A_128, %add3A_152 : i32
        %lt3A_154 = arith.constant 16 : i32
        %lt3A_155 = arith.cmpi slt, %add3A_153, %lt3A_154 : i32
        %convert_element_type3A_156 = arith.extui %lt3A_155 : i1 to i32
        %cond3A_157 = arith.constant 0 : i32
        %cond3A_158 = arith.cmpi ne, %convert_element_type3A_156, %cond3A_157 : i32
        scf.if %cond3A_158 {
          %add3A_159 = arith.constant 3 : i32
          %add3A_160 = arith.addi %add3A_128, %add3A_159 : i32
          %dma_start3A_161 = arith.constant 0 : i32
          %dma_start3A_162 = tpu.memref_slice %arg8[%add3A_160, %dma_start3A_161] : memref<16x128xi32, #tpu.memory_space<vmem>> -> memref<1x128xi32, #tpu.memory_space<vmem>>
          %dma_start3A_163 = tpu.memref_squeeze %dma_start3A_162 : memref<1x128xi32, #tpu.memory_space<vmem>> -> memref<128xi32, #tpu.memory_space<vmem>>
          %dma_start3A_164 = arith.constant 0 : i32
          %dma_start3A_165 = arith.constant 0 : i32
          %dma_start3A_166 = tpu.memref_slice %arg2[%dma_start3A_164, %dma_start3A_165] : memref<10000x128xf32, #tpu.memory_space<hbm>> -> memref<10000x128xf32, #tpu.memory_space<hbm>>
          tpu.enqueue_indirect_dma source(%dma_start3A_166 : memref<10000x128xf32, #tpu.memory_space<hbm>>) target(%arg13 : memref<128x128xf32, #tpu.memory_space<vmem>>) offsets(%dma_start3A_163 : memref<128xi32, #tpu.memory_space<vmem>>) semaphore(%arg17 : memref<!tpu.dma_semaphore, #tpu.memory_space<semaphore_mem>>)
        } else {
        }
      }
      %scan3A_77 = arith.constant 8 : i32
      %add3A_78 = arith.constant 1 : i32
      %add3A_79 = arith.addi %add3A_35, %add3A_78 : i32
      %dma_wait3A_80 = arith.constant 0 : i32
      %dma_wait3A_81 = arith.constant 0 : i32
      %dma_wait3A_82 = arith.constant 0 : i32
      %dma_wait3A_83 = tpu.memref_slice %arg3[%arg0, %arg1, %add3A_79, %dma_wait3A_80, %dma_wait3A_81, %dma_wait3A_82] : memref<2x16x10x2x16x128xi32, #tpu.memory_space<hbm>> -> memref<1x1x1x1x16x128xi32, #tpu.memory_space<hbm>>
      %dma_wait3A_84 = tpu.memref_squeeze %dma_wait3A_83 : memref<1x1x1x1x16x128xi32, #tpu.memory_space<hbm>> -> memref<16x128xi32, #tpu.memory_space<hbm>>
      %dma_wait3A_85 = arith.constant 0 : i32
      %dma_wait3A_86 = arith.constant 0 : i32
      %dma_wait3A_87 = tpu.memref_slice %arg3[%arg0, %arg1, %add3A_79, %dma_wait3A_80, %dma_wait3A_85, %dma_wait3A_86] : memref<2x16x10x2x16x128xi32, #tpu.memory_space<hbm>> -> memref<1x1x1x1x16x128xi32, #tpu.memory_space<hbm>>
      %dma_wait3A_88 = tpu.memref_squeeze %dma_wait3A_87 : memref<1x1x1x1x16x128xi32, #tpu.memory_space<hbm>> -> memref<16x128xi32, #tpu.memory_space<hbm>>
      tpu.wait_dma2 semaphore(%arg15 : memref<!tpu.dma_semaphore, #tpu.memory_space<semaphore_mem>>) src(%dma_wait3A_88 : memref<16x128xi32, #tpu.memory_space<hbm>>) dst(%arg10 : memref<16x128xi32, #tpu.memory_space<vmem>>)
      %dma_wait3A_89 = arith.constant 1 : i32
      %dma_wait3A_90 = arith.constant 0 : i32
      %dma_wait3A_91 = arith.constant 0 : i32
      %dma_wait3A_92 = tpu.memref_slice %arg3[%arg0, %arg1, %add3A_79, %dma_wait3A_89, %dma_wait3A_90, %dma_wait3A_91] : memref<2x16x10x2x16x128xi32, #tpu.memory_space<hbm>> -> memref<1x1x1x1x16x128xi32, #tpu.memory_space<hbm>>
      %dma_wait3A_93 = tpu.memref_squeeze %dma_wait3A_92 : memref<1x1x1x1x16x128xi32, #tpu.memory_space<hbm>> -> memref<16x128xi32, #tpu.memory_space<hbm>>
      %dma_wait3A_94 = arith.constant 0 : i32
      %dma_wait3A_95 = arith.constant 0 : i32
      %dma_wait3A_96 = tpu.memref_slice %arg3[%arg0, %arg1, %add3A_79, %dma_wait3A_89, %dma_wait3A_94, %dma_wait3A_95] : memref<2x16x10x2x16x128xi32, #tpu.memory_space<hbm>> -> memref<1x1x1x1x16x128xi32, #tpu.memory_space<hbm>>
      %dma_wait3A_97 = tpu.memref_squeeze %dma_wait3A_96 : memref<1x1x1x1x16x128xi32, #tpu.memory_space<hbm>> -> memref<16x128xi32, #tpu.memory_space<hbm>>
      tpu.wait_dma2 semaphore(%arg15 : memref<!tpu.dma_semaphore, #tpu.memory_space<semaphore_mem>>) src(%dma_wait3A_97 : memref<16x128xi32, #tpu.memory_space<hbm>>) dst(%arg11 : memref<16x128xi32, #tpu.memory_space<vmem>>)
      %add3A_98 = arith.constant 2 : i32
      %add3A_99 = arith.addi %add3A_35, %add3A_98 : i32
      %lt3A_100 = arith.constant 10 : i32
      %lt3A_101 = arith.cmpi slt, %add3A_99, %lt3A_100 : i32
      %convert_element_type3A_102 = arith.extui %lt3A_101 : i1 to i32
      %cond3A_103 = arith.constant 0 : i32
      %cond3A_104 = arith.cmpi ne, %convert_element_type3A_102, %cond3A_103 : i32
      scf.if %cond3A_104 {
        %add3A_124 = arith.constant 2 : i32
        %add3A_125 = arith.addi %add3A_35, %add3A_124 : i32
        %dma_start3A_126 = arith.constant 0 : i32
        %dma_start3A_127 = arith.constant 0 : i32
        %dma_start3A_128 = arith.constant 0 : i32
        %dma_start3A_129 = tpu.memref_slice %arg3[%arg0, %arg1, %add3A_125, %dma_start3A_126, %dma_start3A_127, %dma_start3A_128] : memref<2x16x10x2x16x128xi32, #tpu.memory_space<hbm>> -> memref<1x1x1x1x16x128xi32, #tpu.memory_space<hbm>>
        %dma_start3A_130 = tpu.memref_squeeze %dma_start3A_129 : memref<1x1x1x1x16x128xi32, #tpu.memory_space<hbm>> -> memref<16x128xi32, #tpu.memory_space<hbm>>
        %dma_start3A_131 = arith.constant 0 : i32
        %dma_start3A_132 = arith.constant 0 : i32
        %dma_start3A_133 = tpu.memref_slice %arg3[%arg0, %arg1, %add3A_125, %dma_start3A_126, %dma_start3A_131, %dma_start3A_132] : memref<2x16x10x2x16x128xi32, #tpu.memory_space<hbm>> -> memref<1x1x1x1x16x128xi32, #tpu.memory_space<hbm>>
        %dma_start3A_134 = tpu.memref_squeeze %dma_start3A_133 : memref<1x1x1x1x16x128xi32, #tpu.memory_space<hbm>> -> memref<16x128xi32, #tpu.memory_space<hbm>>
        tpu.enqueue_dma source(%dma_start3A_134 : memref<16x128xi32, #tpu.memory_space<hbm>>) target(%arg8 : memref<16x128xi32, #tpu.memory_space<vmem>>) target_semaphore(%arg14 : memref<!tpu.dma_semaphore, #tpu.memory_space<semaphore_mem>>)
        %dma_start3A_135 = arith.constant 1 : i32
        %dma_start3A_136 = arith.constant 0 : i32
        %dma_start3A_137 = arith.constant 0 : i32
        %dma_start3A_138 = tpu.memref_slice %arg3[%arg0, %arg1, %add3A_125, %dma_start3A_135, %dma_start3A_136, %dma_start3A_137] : memref<2x16x10x2x16x128xi32, #tpu.memory_space<hbm>> -> memref<1x1x1x1x16x128xi32, #tpu.memory_space<hbm>>
        %dma_start3A_139 = tpu.memref_squeeze %dma_start3A_138 : memref<1x1x1x1x16x128xi32, #tpu.memory_space<hbm>> -> memref<16x128xi32, #tpu.memory_space<hbm>>
        %dma_start3A_140 = arith.constant 0 : i32
        %dma_start3A_141 = arith.constant 0 : i32
        %dma_start3A_142 = tpu.memref_slice %arg3[%arg0, %arg1, %add3A_125, %dma_start3A_135, %dma_start3A_140, %dma_start3A_141] : memref<2x16x10x2x16x128xi32, #tpu.memory_space<hbm>> -> memref<1x1x1x1x16x128xi32, #tpu.memory_space<hbm>>
        %dma_start3A_143 = tpu.memref_squeeze %dma_start3A_142 : memref<1x1x1x1x16x128xi32, #tpu.memory_space<hbm>> -> memref<16x128xi32, #tpu.memory_space<hbm>>
        tpu.enqueue_dma source(%dma_start3A_143 : memref<16x128xi32, #tpu.memory_space<hbm>>) target(%arg9 : memref<16x128xi32, #tpu.memory_space<vmem>>) target_semaphore(%arg14 : memref<!tpu.dma_semaphore, #tpu.memory_space<semaphore_mem>>)
      } else {
      }
      %dma_start3A_105 = arith.constant 0 : i32
      %dma_start3A_106 = arith.constant 0 : i32
      %dma_start3A_107 = tpu.memref_slice %arg10[%dma_start3A_105, %dma_start3A_106] : memref<16x128xi32, #tpu.memory_space<vmem>> -> memref<1x128xi32, #tpu.memory_space<vmem>>
      %dma_start3A_108 = tpu.memref_squeeze %dma_start3A_107 : memref<1x128xi32, #tpu.memory_space<vmem>> -> memref<128xi32, #tpu.memory_space<vmem>>
      %dma_start3A_109 = arith.constant 0 : i32
      %dma_start3A_110 = arith.constant 0 : i32
      %dma_start3A_111 = tpu.memref_slice %arg2[%dma_start3A_109, %dma_start3A_110] : memref<10000x128xf32, #tpu.memory_space<hbm>> -> memref<10000x128xf32, #tpu.memory_space<hbm>>
      tpu.enqueue_indirect_dma source(%dma_start3A_111 : memref<10000x128xf32, #tpu.memory_space<hbm>>) target(%arg12 : memref<128x128xf32, #tpu.memory_space<vmem>>) offsets(%dma_start3A_108 : memref<128xi32, #tpu.memory_space<vmem>>) semaphore(%arg16 : memref<!tpu.dma_semaphore, #tpu.memory_space<semaphore_mem>>)
      %dma_start3A_112 = arith.constant 1 : i32
      %dma_start3A_113 = arith.constant 0 : i32
      %dma_start3A_114 = tpu.memref_slice %arg10[%dma_start3A_112, %dma_start3A_113] : memref<16x128xi32, #tpu.memory_space<vmem>> -> memref<1x128xi32, #tpu.memory_space<vmem>>
      %dma_start3A_115 = tpu.memref_squeeze %dma_start3A_114 : memref<1x128xi32, #tpu.memory_space<vmem>> -> memref<128xi32, #tpu.memory_space<vmem>>
      %dma_start3A_116 = arith.constant 0 : i32
      %dma_start3A_117 = arith.constant 0 : i32
      %dma_start3A_118 = tpu.memref_slice %arg2[%dma_start3A_116, %dma_start3A_117] : memref<10000x128xf32, #tpu.memory_space<hbm>> -> memref<10000x128xf32, #tpu.memory_space<hbm>>
      tpu.enqueue_indirect_dma source(%dma_start3A_118 : memref<10000x128xf32, #tpu.memory_space<hbm>>) target(%arg13 : memref<128x128xf32, #tpu.memory_space<vmem>>) offsets(%dma_start3A_115 : memref<128xi32, #tpu.memory_space<vmem>>) semaphore(%arg17 : memref<!tpu.dma_semaphore, #tpu.memory_space<semaphore_mem>>)
      %scan3A_119 = arith.constant 0 : i32
      %scan3A_120 = arith.constant 8 : i32
      %scan3A_121 = arith.addi %scan3A_119, %scan3A_120 : i32
      %scan3A_122 = arith.constant 1 : i32
      scf.for %scan3A_124 = %scan3A_119 to %scan3A_121 step %scan3A_122  : i32 {
        %mul3A_125 = arith.constant 2 : i32
        %mul3A_126 = arith.muli %scan3A_124, %mul3A_125 : i32
        %add3A_127 = arith.constant 0 : i32
        %add3A_128 = arith.addi %add3A_127, %mul3A_126 : i32
        %dma_wait3A_129 = arith.constant 0 : i32
        %dma_wait3A_130 = tpu.memref_slice %arg10[%add3A_128, %dma_wait3A_129] : memref<16x128xi32, #tpu.memory_space<vmem>> -> memref<1x128xi32, #tpu.memory_space<vmem>>
        %dma_wait3A_131 = tpu.memref_squeeze %dma_wait3A_130 : memref<1x128xi32, #tpu.memory_space<vmem>> -> memref<128xi32, #tpu.memory_space<vmem>>
        %dma_wait3A_132 = arith.constant 0 : i32
        %dma_wait3A_133 = arith.constant 0 : i32
        %dma_wait3A_134 = tpu.memref_slice %arg2[%dma_wait3A_132, %dma_wait3A_133] : memref<10000x128xf32, #tpu.memory_space<hbm>> -> memref<10000x128xf32, #tpu.memory_space<hbm>>
        tpu.wait_indirect_dma semaphore(%arg16 : memref<!tpu.dma_semaphore, #tpu.memory_space<semaphore_mem>>) src(%dma_wait3A_134 : memref<10000x128xf32, #tpu.memory_space<hbm>>) dst(%arg12 : memref<128x128xf32, #tpu.memory_space<vmem>>)
        "tpu.region"() ({
          %run_scoped3A = tpu.sem_alloc : memref<!tpu.dma_semaphore, #tpu.memory_space<semaphore_mem>>
          %dma_start3A_159 = arith.constant 0 : i32
          %dma_start3A_160 = tpu.memref_slice %arg11[%add3A_128, %dma_start3A_159] : memref<16x128xi32, #tpu.memory_space<vmem>> -> memref<1x128xi32, #tpu.memory_space<vmem>>
          %dma_start3A_161 = tpu.memref_squeeze %dma_start3A_160 : memref<1x128xi32, #tpu.memory_space<vmem>> -> memref<128xi32, #tpu.memory_space<vmem>>
          %dma_start3A_162 = arith.constant 0 : i32
          %dma_start3A_163 = arith.constant 0 : i32
          %dma_start3A_164 = tpu.memref_slice %arg7[%dma_start3A_162, %dma_start3A_163] : memref<10112x128xf32, #tpu.memory_space<vmem_shared>> -> memref<10112x128xf32, #tpu.memory_space<vmem_shared>>
          tpu.enqueue_indirect_dma source(%arg12 : memref<128x128xf32, #tpu.memory_space<vmem>>) target(%dma_start3A_164 : memref<10112x128xf32, #tpu.memory_space<vmem_shared>>) offsets(%dma_start3A_161 : memref<128xi32, #tpu.memory_space<vmem>>) semaphore(%run_scoped3A : memref<!tpu.dma_semaphore, #tpu.memory_space<semaphore_mem>>) {add = true}
          %dma_wait3A_165 = arith.constant 0 : i32
          %dma_wait3A_166 = tpu.memref_slice %arg11[%add3A_128, %dma_wait3A_165] : memref<16x128xi32, #tpu.memory_space<vmem>> -> memref<1x128xi32, #tpu.memory_space<vmem>>
          %dma_wait3A_167 = tpu.memref_squeeze %dma_wait3A_166 : memref<1x128xi32, #tpu.memory_space<vmem>> -> memref<128xi32, #tpu.memory_space<vmem>>
          %dma_wait3A_168 = arith.constant 0 : i32
          %dma_wait3A_169 = arith.constant 0 : i32
          %dma_wait3A_170 = tpu.memref_slice %arg7[%dma_wait3A_168, %dma_wait3A_169] : memref<10112x128xf32, #tpu.memory_space<vmem_shared>> -> memref<10112x128xf32, #tpu.memory_space<vmem_shared>>
          tpu.wait_indirect_dma semaphore(%run_scoped3A : memref<!tpu.dma_semaphore, #tpu.memory_space<semaphore_mem>>) src(%arg12 : memref<128x128xf32, #tpu.memory_space<vmem>>) dst(%dma_wait3A_170 : memref<10112x128xf32, #tpu.memory_space<vmem_shared>>)
          tpu.yield
        }) : () -> ()
        %add3A_135 = arith.constant 2 : i32
        %add3A_136 = arith.addi %add3A_128, %add3A_135 : i32
        %lt3A_137 = arith.constant 16 : i32
        %lt3A_138 = arith.cmpi slt, %add3A_136, %lt3A_137 : i32
        %convert_element_type3A_139 = arith.extui %lt3A_138 : i1 to i32
        %cond3A_140 = arith.constant 0 : i32
        %cond3A_141 = arith.cmpi ne, %convert_element_type3A_139, %cond3A_140 : i32
        scf.if %cond3A_141 {
          %add3A_159 = arith.constant 2 : i32
          %add3A_160 = arith.addi %add3A_128, %add3A_159 : i32
          %dma_start3A_161 = arith.constant 0 : i32
          %dma_start3A_162 = tpu.memref_slice %arg10[%add3A_160, %dma_start3A_161] : memref<16x128xi32, #tpu.memory_space<vmem>> -> memref<1x128xi32, #tpu.memory_space<vmem>>
          %dma_start3A_163 = tpu.memref_squeeze %dma_start3A_162 : memref<1x128xi32, #tpu.memory_space<vmem>> -> memref<128xi32, #tpu.memory_space<vmem>>
          %dma_start3A_164 = arith.constant 0 : i32
          %dma_start3A_165 = arith.constant 0 : i32
          %dma_start3A_166 = tpu.memref_slice %arg2[%dma_start3A_164, %dma_start3A_165] : memref<10000x128xf32, #tpu.memory_space<hbm>> -> memref<10000x128xf32, #tpu.memory_space<hbm>>
          tpu.enqueue_indirect_dma source(%dma_start3A_166 : memref<10000x128xf32, #tpu.memory_space<hbm>>) target(%arg12 : memref<128x128xf32, #tpu.memory_space<vmem>>) offsets(%dma_start3A_163 : memref<128xi32, #tpu.memory_space<vmem>>) semaphore(%arg16 : memref<!tpu.dma_semaphore, #tpu.memory_space<semaphore_mem>>)
        } else {
        }
        %add3A_142 = arith.constant 1 : i32
        %add3A_143 = arith.addi %add3A_128, %add3A_142 : i32
        %dma_wait3A_144 = arith.constant 0 : i32
        %dma_wait3A_145 = tpu.memref_slice %arg10[%add3A_143, %dma_wait3A_144] : memref<16x128xi32, #tpu.memory_space<vmem>> -> memref<1x128xi32, #tpu.memory_space<vmem>>
        %dma_wait3A_146 = tpu.memref_squeeze %dma_wait3A_145 : memref<1x128xi32, #tpu.memory_space<vmem>> -> memref<128xi32, #tpu.memory_space<vmem>>
        %dma_wait3A_147 = arith.constant 0 : i32
        %dma_wait3A_148 = arith.constant 0 : i32
        %dma_wait3A_149 = tpu.memref_slice %arg2[%dma_wait3A_147, %dma_wait3A_148] : memref<10000x128xf32, #tpu.memory_space<hbm>> -> memref<10000x128xf32, #tpu.memory_space<hbm>>
        tpu.wait_indirect_dma semaphore(%arg17 : memref<!tpu.dma_semaphore, #tpu.memory_space<semaphore_mem>>) src(%dma_wait3A_149 : memref<10000x128xf32, #tpu.memory_space<hbm>>) dst(%arg13 : memref<128x128xf32, #tpu.memory_space<vmem>>)
        %add3A_150 = arith.constant 1 : i32
        %add3A_151 = arith.addi %add3A_128, %add3A_150 : i32
        "tpu.region"() ({
          %run_scoped3A = tpu.sem_alloc : memref<!tpu.dma_semaphore, #tpu.memory_space<semaphore_mem>>
          %dma_start3A_159 = arith.constant 0 : i32
          %dma_start3A_160 = tpu.memref_slice %arg11[%add3A_151, %dma_start3A_159] : memref<16x128xi32, #tpu.memory_space<vmem>> -> memref<1x128xi32, #tpu.memory_space<vmem>>
          %dma_start3A_161 = tpu.memref_squeeze %dma_start3A_160 : memref<1x128xi32, #tpu.memory_space<vmem>> -> memref<128xi32, #tpu.memory_space<vmem>>
          %dma_start3A_162 = arith.constant 0 : i32
          %dma_start3A_163 = arith.constant 0 : i32
          %dma_start3A_164 = tpu.memref_slice %arg7[%dma_start3A_162, %dma_start3A_163] : memref<10112x128xf32, #tpu.memory_space<vmem_shared>> -> memref<10112x128xf32, #tpu.memory_space<vmem_shared>>
          tpu.enqueue_indirect_dma source(%arg13 : memref<128x128xf32, #tpu.memory_space<vmem>>) target(%dma_start3A_164 : memref<10112x128xf32, #tpu.memory_space<vmem_shared>>) offsets(%dma_start3A_161 : memref<128xi32, #tpu.memory_space<vmem>>) semaphore(%run_scoped3A : memref<!tpu.dma_semaphore, #tpu.memory_space<semaphore_mem>>) {add = true}
          %dma_wait3A_165 = arith.constant 0 : i32
          %dma_wait3A_166 = tpu.memref_slice %arg11[%add3A_151, %dma_wait3A_165] : memref<16x128xi32, #tpu.memory_space<vmem>> -> memref<1x128xi32, #tpu.memory_space<vmem>>
          %dma_wait3A_167 = tpu.memref_squeeze %dma_wait3A_166 : memref<1x128xi32, #tpu.memory_space<vmem>> -> memref<128xi32, #tpu.memory_space<vmem>>
          %dma_wait3A_168 = arith.constant 0 : i32
          %dma_wait3A_169 = arith.constant 0 : i32
          %dma_wait3A_170 = tpu.memref_slice %arg7[%dma_wait3A_168, %dma_wait3A_169] : memref<10112x128xf32, #tpu.memory_space<vmem_shared>> -> memref<10112x128xf32, #tpu.memory_space<vmem_shared>>
          tpu.wait_indirect_dma semaphore(%run_scoped3A : memref<!tpu.dma_semaphore, #tpu.memory_space<semaphore_mem>>) src(%arg13 : memref<128x128xf32, #tpu.memory_space<vmem>>) dst(%dma_wait3A_170 : memref<10112x128xf32, #tpu.memory_space<vmem_shared>>)
          tpu.yield
        }) : () -> ()
        %add3A_152 = arith.constant 3 : i32
        %add3A_153 = arith.addi %add3A_128, %add3A_152 : i32
        %lt3A_154 = arith.constant 16 : i32
        %lt3A_155 = arith.cmpi slt, %add3A_153, %lt3A_154 : i32
        %convert_element_type3A_156 = arith.extui %lt3A_155 : i1 to i32
        %cond3A_157 = arith.constant 0 : i32
        %cond3A_158 = arith.cmpi ne, %convert_element_type3A_156, %cond3A_157 : i32
        scf.if %cond3A_158 {
          %add3A_159 = arith.constant 3 : i32
          %add3A_160 = arith.addi %add3A_128, %add3A_159 : i32
          %dma_start3A_161 = arith.constant 0 : i32
          %dma_start3A_162 = tpu.memref_slice %arg10[%add3A_160, %dma_start3A_161] : memref<16x128xi32, #tpu.memory_space<vmem>> -> memref<1x128xi32, #tpu.memory_space<vmem>>
          %dma_start3A_163 = tpu.memref_squeeze %dma_start3A_162 : memref<1x128xi32, #tpu.memory_space<vmem>> -> memref<128xi32, #tpu.memory_space<vmem>>
          %dma_start3A_164 = arith.constant 0 : i32
          %dma_start3A_165 = arith.constant 0 : i32
          %dma_start3A_166 = tpu.memref_slice %arg2[%dma_start3A_164, %dma_start3A_165] : memref<10000x128xf32, #tpu.memory_space<hbm>> -> memref<10000x128xf32, #tpu.memory_space<hbm>>
          tpu.enqueue_indirect_dma source(%dma_start3A_166 : memref<10000x128xf32, #tpu.memory_space<hbm>>) target(%arg13 : memref<128x128xf32, #tpu.memory_space<vmem>>) offsets(%dma_start3A_163 : memref<128xi32, #tpu.memory_space<vmem>>) semaphore(%arg17 : memref<!tpu.dma_semaphore, #tpu.memory_space<semaphore_mem>>)
        } else {
        }
      }
      %scan3A_123 = arith.constant 8 : i32
    }
    %scan3A_23 = arith.constant 5 : i32
    %barrier3A_24 = arith.constant 0 : index
    tpu.barrier barrier_id(%barrier3A_24)
    %eq3A = arith.constant 0 : i32
    %eq3A_25 = arith.cmpi eq, %arg0, %eq3A : i32
    %convert_element_type3A = arith.extui %eq3A_25 : i1 to i32
    %cond3A = arith.constant 0 : i32
    %cond3A_26 = arith.cmpi ne, %convert_element_type3A, %cond3A : i32
    scf.if %cond3A_26 {
      "tpu.region"() ({
        %run_scoped3A = tpu.sem_alloc : memref<!tpu.dma_semaphore, #tpu.memory_space<semaphore_mem>>
        %dma_start3A_32 = arith.constant 0 : i32
        %dma_start3A_33 = tpu.memref_slice %arg5[%mul3A_0, %dma_start3A_32] : memref<10112x128xf32, #tpu.memory_space<hbm>> -> memref<632x128xf32, #tpu.memory_space<hbm>>
        %dma_start3A_34 = arith.constant 0 : i32
        %dma_start3A_35 = tpu.memref_slice %arg7[%mul3A_0, %dma_start3A_34] : memref<10112x128xf32, #tpu.memory_space<vmem_shared>> -> memref<632x128xf32, #tpu.memory_space<vmem_shared>>
        tpu.enqueue_dma source(%dma_start3A_35 : memref<632x128xf32, #tpu.memory_space<vmem_shared>>) target(%dma_start3A_33 : memref<632x128xf32, #tpu.memory_space<hbm>>) target_semaphore(%run_scoped3A : memref<!tpu.dma_semaphore, #tpu.memory_space<semaphore_mem>>)
        %dma_wait3A = arith.constant 0 : i32
        %dma_wait3A_36 = tpu.memref_slice %arg5[%mul3A_0, %dma_wait3A] : memref<10112x128xf32, #tpu.memory_space<hbm>> -> memref<632x128xf32, #tpu.memory_space<hbm>>
        %dma_wait3A_37 = arith.constant 0 : i32
        %dma_wait3A_38 = tpu.memref_slice %arg7[%mul3A_0, %dma_wait3A_37] : memref<10112x128xf32, #tpu.memory_space<vmem_shared>> -> memref<632x128xf32, #tpu.memory_space<vmem_shared>>
        tpu.wait_dma2 semaphore(%run_scoped3A : memref<!tpu.dma_semaphore, #tpu.memory_space<semaphore_mem>>) src(%dma_wait3A_38 : memref<632x128xf32, #tpu.memory_space<vmem_shared>>) dst(%dma_wait3A_36 : memref<632x128xf32, #tpu.memory_space<hbm>>)
        tpu.yield
      }) : () -> ()
    } else {
    }
    %eq3A_27 = arith.constant 1 : i32
    %eq3A_28 = arith.cmpi eq, %arg0, %eq3A_27 : i32
    %convert_element_type3A_29 = arith.extui %eq3A_28 : i1 to i32
    %cond3A_30 = arith.constant 0 : i32
    %cond3A_31 = arith.cmpi ne, %convert_element_type3A_29, %cond3A_30 : i32
    scf.if %cond3A_31 {
      "tpu.region"() ({
        %run_scoped3A = tpu.sem_alloc : memref<!tpu.dma_semaphore, #tpu.memory_space<semaphore_mem>>
        %dma_start3A_32 = arith.constant 0 : i32
        %dma_start3A_33 = tpu.memref_slice %arg6[%mul3A_0, %dma_start3A_32] : memref<10112x128xf32, #tpu.memory_space<hbm>> -> memref<632x128xf32, #tpu.memory_space<hbm>>
        %dma_start3A_34 = arith.constant 0 : i32
        %dma_start3A_35 = tpu.memref_slice %arg7[%mul3A_0, %dma_start3A_34] : memref<10112x128xf32, #tpu.memory_space<vmem_shared>> -> memref<632x128xf32, #tpu.memory_space<vmem_shared>>
        tpu.enqueue_dma source(%dma_start3A_35 : memref<632x128xf32, #tpu.memory_space<vmem_shared>>) target(%dma_start3A_33 : memref<632x128xf32, #tpu.memory_space<hbm>>) target_semaphore(%run_scoped3A : memref<!tpu.dma_semaphore, #tpu.memory_space<semaphore_mem>>)
        %dma_wait3A = arith.constant 0 : i32
        %dma_wait3A_36 = tpu.memref_slice %arg6[%mul3A_0, %dma_wait3A] : memref<10112x128xf32, #tpu.memory_space<hbm>> -> memref<632x128xf32, #tpu.memory_space<hbm>>
        %dma_wait3A_37 = arith.constant 0 : i32
        %dma_wait3A_38 = tpu.memref_slice %arg7[%mul3A_0, %dma_wait3A_37] : memref<10112x128xf32, #tpu.memory_space<vmem_shared>> -> memref<632x128xf32, #tpu.memory_space<vmem_shared>>
        tpu.wait_dma2 semaphore(%run_scoped3A : memref<!tpu.dma_semaphore, #tpu.memory_space<semaphore_mem>>) src(%dma_wait3A_38 : memref<632x128xf32, #tpu.memory_space<vmem_shared>>) dst(%dma_wait3A_36 : memref<632x128xf32, #tpu.memory_space<hbm>>)
        tpu.yield
      }) : () -> ()
    } else {
    }
    return
  }
}

module attributes {stable_mosaic.version = 14 : i64} {
  func.func @_tc_layer_body(%arg0: i32, %arg1: memref<400x128xf32, #tpu.memory_space<vmem>>, %arg2: memref<400x128xf32, #tpu.memory_space<vmem>>, %arg3: memref<400x128xf32, #tpu.memory_space<vmem>>, %arg4: memref<128x128xf32, #tpu.memory_space<vmem>>, %arg5: memref<1x128xf32, #tpu.memory_space<vmem>>, %arg6: memref<128x128xf32, #tpu.memory_space<vmem>>, %arg7: memref<1x128xf32, #tpu.memory_space<vmem>>, %arg8: memref<128x128xf32, #tpu.memory_space<vmem>>, %arg9: memref<1x128xf32, #tpu.memory_space<vmem>>, %arg10: memref<128x128xf32, #tpu.memory_space<vmem>>, %arg11: memref<1x128xf32, #tpu.memory_space<vmem>>, %arg12: memref<400x128xf32, #tpu.memory_space<vmem>>) attributes {dimension_semantics = [#tpu.dimension_semantics<arbitrary>], iteration_bounds = array<i64: 25>, scalar_prefetch = 0 : i64, scratch_operands = 0 : i64, tpu.core_type = #tpu.core_type<tc>, window_params = [{transform_indices = @transform_0, window_bounds = array<i64: 400, 128>}, {transform_indices = @transform_1, window_bounds = array<i64: 400, 128>}, {transform_indices = @transform_2, window_bounds = array<i64: 400, 128>}, {pipeline_mode = #tpu.pipeline_mode<synchronous>, transform_indices = @transform_3, window_bounds = array<i64: 128, 128>}, {pipeline_mode = #tpu.pipeline_mode<synchronous>, transform_indices = @transform_4, window_bounds = array<i64: 1, 128>}, {pipeline_mode = #tpu.pipeline_mode<synchronous>, transform_indices = @transform_5, window_bounds = array<i64: 128, 128>}, {pipeline_mode = #tpu.pipeline_mode<synchronous>, transform_indices = @transform_6, window_bounds = array<i64: 1, 128>}, {pipeline_mode = #tpu.pipeline_mode<synchronous>, transform_indices = @transform_7, window_bounds = array<i64: 128, 128>}, {pipeline_mode = #tpu.pipeline_mode<synchronous>, transform_indices = @transform_8, window_bounds = array<i64: 1, 128>}, {pipeline_mode = #tpu.pipeline_mode<synchronous>, transform_indices = @transform_9, window_bounds = array<i64: 128, 128>}, {pipeline_mode = #tpu.pipeline_mode<synchronous>, transform_indices = @transform_10, window_bounds = array<i64: 1, 128>}, {transform_indices = @transform_11, window_bounds = array<i64: 400, 128>}]} {
    %get3A = arith.constant 0 : index
    %get3A_0 = arith.constant 0 : index
    %get3A_1 = vector.load %arg1[%get3A, %get3A_0] : memref<400x128xf32, #tpu.memory_space<vmem>>, vector<400x128xf32>
    %get3A_2 = arith.constant 0 : index
    %get3A_3 = arith.constant 0 : index
    %get3A_4 = vector.load %arg2[%get3A_2, %get3A_3] : memref<400x128xf32, #tpu.memory_space<vmem>>, vector<400x128xf32>
    %add3A = arith.addf %get3A_1, %get3A_4 : vector<400x128xf32>
    %get3A_5 = arith.constant 0 : index
    %get3A_6 = arith.constant 0 : index
    %get3A_7 = vector.load %arg4[%get3A_5, %get3A_6] : memref<128x128xf32, #tpu.memory_space<vmem>>, vector<128x128xf32>
    %dot_general3A = arith.constant dense<0.000000e+00> : vector<400x128xf32>
    %dot_general3A_8 = tpu.matmul %add3A, %get3A_7, %dot_general3A {dimension_numbers = #tpu.dot_dimension_numbers<[1], [0], [0], [1], [0, 0, 1, 1], [], []>, transpose_lhs_hint = false} : vector<400x128xf32>, vector<128x128xf32>, vector<400x128xf32> -> vector<400x128xf32>
    %get3A_9 = arith.constant 0 : index
    %get3A_10 = arith.constant 0 : index
    %get3A_11 = vector.load %arg5[%get3A_9, %get3A_10] : memref<1x128xf32, #tpu.memory_space<vmem>>, vector<1x128xf32>
    %add3A_12 = vector.broadcast %get3A_11 : vector<1x128xf32> to vector<400x128xf32>
    %add3A_13 = arith.addf %dot_general3A_8, %add3A_12 : vector<400x128xf32>
    %max3A = arith.constant 0.000000e+00 : f32
    %max3A_14 = vector.broadcast %max3A : f32 to vector<400x128xf32>
    %max3A_15 = arith.maximumf %add3A_13, %max3A_14 : vector<400x128xf32>
    %get3A_16 = arith.constant 0 : index
    %get3A_17 = arith.constant 0 : index
    %get3A_18 = vector.load %arg6[%get3A_16, %get3A_17] : memref<128x128xf32, #tpu.memory_space<vmem>>, vector<128x128xf32>
    %dot_general3A_19 = arith.constant dense<0.000000e+00> : vector<400x128xf32>
    %dot_general3A_20 = tpu.matmul %max3A_15, %get3A_18, %dot_general3A_19 {dimension_numbers = #tpu.dot_dimension_numbers<[1], [0], [0], [1], [0, 0, 1, 1], [], []>, transpose_lhs_hint = false} : vector<400x128xf32>, vector<128x128xf32>, vector<400x128xf32> -> vector<400x128xf32>
    %get3A_21 = arith.constant 0 : index
    %get3A_22 = arith.constant 0 : index
    %get3A_23 = vector.load %arg7[%get3A_21, %get3A_22] : memref<1x128xf32, #tpu.memory_space<vmem>>, vector<1x128xf32>
    %add3A_24 = vector.broadcast %get3A_23 : vector<1x128xf32> to vector<400x128xf32>
    %add3A_25 = arith.addf %dot_general3A_20, %add3A_24 : vector<400x128xf32>
    %max3A_26 = arith.constant 0.000000e+00 : f32
    %max3A_27 = vector.broadcast %max3A_26 : f32 to vector<400x128xf32>
    %max3A_28 = arith.maximumf %add3A_25, %max3A_27 : vector<400x128xf32>
    %get3A_29 = arith.constant 0 : index
    %get3A_30 = arith.constant 0 : index
    %get3A_31 = vector.load %arg1[%get3A_29, %get3A_30] : memref<400x128xf32, #tpu.memory_space<vmem>>, vector<400x128xf32>
    %get3A_32 = arith.constant 0 : index
    %get3A_33 = arith.constant 0 : index
    %get3A_34 = vector.load %arg3[%get3A_32, %get3A_33] : memref<400x128xf32, #tpu.memory_space<vmem>>, vector<400x128xf32>
    %add3A_35 = arith.addf %get3A_31, %get3A_34 : vector<400x128xf32>
    %get3A_36 = arith.constant 0 : index
    %get3A_37 = arith.constant 0 : index
    %get3A_38 = vector.load %arg8[%get3A_36, %get3A_37] : memref<128x128xf32, #tpu.memory_space<vmem>>, vector<128x128xf32>
    %dot_general3A_39 = arith.constant dense<0.000000e+00> : vector<400x128xf32>
    %dot_general3A_40 = tpu.matmul %add3A_35, %get3A_38, %dot_general3A_39 {dimension_numbers = #tpu.dot_dimension_numbers<[1], [0], [0], [1], [0, 0, 1, 1], [], []>, transpose_lhs_hint = false} : vector<400x128xf32>, vector<128x128xf32>, vector<400x128xf32> -> vector<400x128xf32>
    %get3A_41 = arith.constant 0 : index
    %get3A_42 = arith.constant 0 : index
    %get3A_43 = vector.load %arg9[%get3A_41, %get3A_42] : memref<1x128xf32, #tpu.memory_space<vmem>>, vector<1x128xf32>
    %add3A_44 = vector.broadcast %get3A_43 : vector<1x128xf32> to vector<400x128xf32>
    %add3A_45 = arith.addf %dot_general3A_40, %add3A_44 : vector<400x128xf32>
    %max3A_46 = arith.constant 0.000000e+00 : f32
    %max3A_47 = vector.broadcast %max3A_46 : f32 to vector<400x128xf32>
    %max3A_48 = arith.maximumf %add3A_45, %max3A_47 : vector<400x128xf32>
    %get3A_49 = arith.constant 0 : index
    %get3A_50 = arith.constant 0 : index
    %get3A_51 = vector.load %arg10[%get3A_49, %get3A_50] : memref<128x128xf32, #tpu.memory_space<vmem>>, vector<128x128xf32>
    %dot_general3A_52 = arith.constant dense<0.000000e+00> : vector<400x128xf32>
    %dot_general3A_53 = tpu.matmul %max3A_48, %get3A_51, %dot_general3A_52 {dimension_numbers = #tpu.dot_dimension_numbers<[1], [0], [0], [1], [0, 0, 1, 1], [], []>, transpose_lhs_hint = false} : vector<400x128xf32>, vector<128x128xf32>, vector<400x128xf32> -> vector<400x128xf32>
    %get3A_54 = arith.constant 0 : index
    %get3A_55 = arith.constant 0 : index
    %get3A_56 = vector.load %arg11[%get3A_54, %get3A_55] : memref<1x128xf32, #tpu.memory_space<vmem>>, vector<1x128xf32>
    %add3A_57 = vector.broadcast %get3A_56 : vector<1x128xf32> to vector<400x128xf32>
    %add3A_58 = arith.addf %dot_general3A_53, %add3A_57 : vector<400x128xf32>
    %max3A_59 = arith.constant 0.000000e+00 : f32
    %max3A_60 = vector.broadcast %max3A_59 : f32 to vector<400x128xf32>
    %max3A_61 = arith.maximumf %add3A_58, %max3A_60 : vector<400x128xf32>
    %add3A_62 = arith.addf %max3A_28, %max3A_61 : vector<400x128xf32>
    %swap3A = arith.constant 0 : index
    %swap3A_63 = arith.constant 0 : index
    %swap3A_64 = vector.load %arg12[%swap3A, %swap3A_63] : memref<400x128xf32, #tpu.memory_space<vmem>>, vector<400x128xf32>
    tpu.vector_store %arg12[%swap3A, %swap3A_63], %add3A_62 {strides = array<i32>} : memref<400x128xf32, #tpu.memory_space<vmem>>, vector<400x128xf32>,
    return
  }
  func.func @transform_0(%arg0: i32) -> (i32, i32) {
    %c0_i32 = arith.constant 0 : i32
    %c0_i32_0 = arith.constant 0 : i32
    return %arg0, %c0_i32 : i32, i32
  }
  func.func @transform_1(%arg0: i32) -> (i32, i32) {
    %c0_i32 = arith.constant 0 : i32
    %c0_i32_0 = arith.constant 0 : i32
    return %arg0, %c0_i32 : i32, i32
  }
  func.func @transform_2(%arg0: i32) -> (i32, i32) {
    %c0_i32 = arith.constant 0 : i32
    %c0_i32_0 = arith.constant 0 : i32
    return %arg0, %c0_i32 : i32, i32
  }
  func.func @transform_3(%arg0: i32) -> (i32, i32) {
    %c0_i32 = arith.constant 0 : i32
    %c0_i32_0 = arith.constant 0 : i32
    %c0_i32_1 = arith.constant 0 : i32
    return %c0_i32, %c0_i32_0 : i32, i32
  }
  func.func @transform_4(%arg0: i32) -> (i32, i32) {
    %c0_i32 = arith.constant 0 : i32
    %c0_i32_0 = arith.constant 0 : i32
    %c0_i32_1 = arith.constant 0 : i32
    return %c0_i32, %c0_i32_0 : i32, i32
  }
  func.func @transform_5(%arg0: i32) -> (i32, i32) {
    %c0_i32 = arith.constant 0 : i32
    %c0_i32_0 = arith.constant 0 : i32
    %c0_i32_1 = arith.constant 0 : i32
    return %c0_i32, %c0_i32_0 : i32, i32
  }
  func.func @transform_6(%arg0: i32) -> (i32, i32) {
    %c0_i32 = arith.constant 0 : i32
    %c0_i32_0 = arith.constant 0 : i32
    %c0_i32_1 = arith.constant 0 : i32
    return %c0_i32, %c0_i32_0 : i32, i32
  }
  func.func @transform_7(%arg0: i32) -> (i32, i32) {
    %c0_i32 = arith.constant 0 : i32
    %c0_i32_0 = arith.constant 0 : i32
    %c0_i32_1 = arith.constant 0 : i32
    return %c0_i32, %c0_i32_0 : i32, i32
  }
  func.func @transform_8(%arg0: i32) -> (i32, i32) {
    %c0_i32 = arith.constant 0 : i32
    %c0_i32_0 = arith.constant 0 : i32
    %c0_i32_1 = arith.constant 0 : i32
    return %c0_i32, %c0_i32_0 : i32, i32
  }
  func.func @transform_9(%arg0: i32) -> (i32, i32) {
    %c0_i32 = arith.constant 0 : i32
    %c0_i32_0 = arith.constant 0 : i32
    %c0_i32_1 = arith.constant 0 : i32
    return %c0_i32, %c0_i32_0 : i32, i32
  }
  func.func @transform_10(%arg0: i32) -> (i32, i32) {
    %c0_i32 = arith.constant 0 : i32
    %c0_i32_0 = arith.constant 0 : i32
    %c0_i32_1 = arith.constant 0 : i32
    return %c0_i32, %c0_i32_0 : i32, i32
  }
  func.func @transform_11(%arg0: i32) -> (i32, i32) {
    %c0_i32 = arith.constant 0 : i32
    %c0_i32_0 = arith.constant 0 : i32
    return %arg0, %c0_i32 : i32, i32
  }
}

module attributes {stable_mosaic.version = 14 : i64} {
  func.func @_tc_final_body(%arg0: i32, %arg1: memref<400x128xf32, #tpu.memory_space<vmem>>, %arg2: memref<1x400x1xi32, #tpu.memory_space<vmem>>, %arg3: memref<128x128xf32, #tpu.memory_space<vmem>>, %arg4: memref<1x128xf32, #tpu.memory_space<vmem>>, %arg5: memref<128x128xf32, #tpu.memory_space<vmem>>, %arg6: memref<1x128xf32, #tpu.memory_space<vmem>>, %arg7: memref<128x128xf32, #tpu.memory_space<vmem>>, %arg8: memref<128x128xf32, #tpu.memory_space<vmem>>) attributes {dimension_semantics = [#tpu.dimension_semantics<arbitrary>], iteration_bounds = array<i64: 25>, scalar_prefetch = 0 : i64, scratch_operands = 1 : i64, tpu.core_type = #tpu.core_type<tc>, window_params = [{transform_indices = @transform_0, window_bounds = array<i64: 400, 128>}, {transform_indices = @transform_1, window_bounds = array<i64: 1, 400, 1>}, {pipeline_mode = #tpu.pipeline_mode<synchronous>, transform_indices = @transform_2, window_bounds = array<i64: 128, 128>}, {pipeline_mode = #tpu.pipeline_mode<synchronous>, transform_indices = @transform_3, window_bounds = array<i64: 1, 128>}, {pipeline_mode = #tpu.pipeline_mode<synchronous>, transform_indices = @transform_4, window_bounds = array<i64: 128, 128>}, {pipeline_mode = #tpu.pipeline_mode<synchronous>, transform_indices = @transform_5, window_bounds = array<i64: 1, 128>}, {pipeline_mode = #tpu.pipeline_mode<synchronous>, transform_indices = @transform_6, window_bounds = array<i64: 128, 128>}]} {
    %eq3A = arith.constant 0 : i32
    %eq3A_0 = arith.cmpi eq, %arg0, %eq3A : i32
    %convert_element_type3A = arith.extui %eq3A_0 : i1 to i32
    %cond3A = arith.constant 0 : i32
    %cond3A_1 = arith.cmpi ne, %convert_element_type3A, %cond3A : i32
    scf.if %cond3A_1 {
      %broadcast_in_dim3A = arith.constant 0.000000e+00 : f32
      %broadcast_in_dim3A_24 = vector.broadcast %broadcast_in_dim3A : f32 to vector<128x128xf32>
      %swap3A_25 = arith.constant 0 : index
      %swap3A_26 = arith.constant 0 : index
      %swap3A_27 = vector.load %arg8[%swap3A_25, %swap3A_26] : memref<128x128xf32, #tpu.memory_space<vmem>>, vector<128x128xf32>
      tpu.vector_store %arg8[%swap3A_25, %swap3A_26], %broadcast_in_dim3A_24 {strides = array<i32>} : memref<128x128xf32, #tpu.memory_space<vmem>>, vector<128x128xf32>,
    } else {
    }
    %get3A = arith.constant 0 : index
    %get3A_2 = arith.constant 0 : index
    %get3A_3 = arith.constant 0 : index
    %get3A_4 = vector.load %arg2[%get3A, %get3A_2, %get3A_3] : memref<1x400x1xi32, #tpu.memory_space<vmem>>, vector<1x400x1xi32>
    %get3A_5 = vector.shape_cast %get3A_4 : vector<1x400x1xi32> to vector<400x1xi32>
    %iota3A = tpu.iota {dimensions = array<i32: 1>} : vector<400x128xi32>
    %eq3A_6 = vector.broadcast %get3A_5 : vector<400x1xi32> to vector<400x128xi32>
    %eq3A_7 = arith.cmpi eq, %eq3A_6, %iota3A : vector<400x128xi32>
    %convert_element_type3A_8 = arith.extui %eq3A_7 : vector<400x128xi1> to vector<400x128xi32>
    %convert_element_type3A_9 = arith.sitofp %convert_element_type3A_8 : vector<400x128xi32> to vector<400x128xf32>
    %get3A_10 = arith.constant 0 : index
    %get3A_11 = arith.constant 0 : index
    %get3A_12 = vector.load %arg8[%get3A_10, %get3A_11] : memref<128x128xf32, #tpu.memory_space<vmem>>, vector<128x128xf32>
    %get3A_13 = arith.constant 0 : index
    %get3A_14 = arith.constant 0 : index
    %get3A_15 = vector.load %arg1[%get3A_13, %get3A_14] : memref<400x128xf32, #tpu.memory_space<vmem>>, vector<400x128xf32>
    %dot_general3A = arith.constant dense<0.000000e+00> : vector<128x128xf32>
    %dot_general3A_16 = tpu.matmul %convert_element_type3A_9, %get3A_15, %dot_general3A {dimension_numbers = #tpu.dot_dimension_numbers<[0], [0], [1], [1], [0, 1, 1, 1], [], []>, transpose_lhs_hint = false} : vector<400x128xf32>, vector<400x128xf32>, vector<128x128xf32> -> vector<128x128xf32>
    %add3A = arith.addf %get3A_12, %dot_general3A_16 : vector<128x128xf32>
    %swap3A = arith.constant 0 : index
    %swap3A_17 = arith.constant 0 : index
    %swap3A_18 = vector.load %arg8[%swap3A, %swap3A_17] : memref<128x128xf32, #tpu.memory_space<vmem>>, vector<128x128xf32>
    tpu.vector_store %arg8[%swap3A, %swap3A_17], %add3A {strides = array<i32>} : memref<128x128xf32, #tpu.memory_space<vmem>>, vector<128x128xf32>,
    %eq3A_19 = arith.constant 24 : i32
    %eq3A_20 = arith.cmpi eq, %arg0, %eq3A_19 : i32
    %convert_element_type3A_21 = arith.extui %eq3A_20 : i1 to i32
    %cond3A_22 = arith.constant 0 : i32
    %cond3A_23 = arith.cmpi ne, %convert_element_type3A_21, %cond3A_22 : i32
    scf.if %cond3A_23 {
      %get3A_24 = arith.constant 0 : index
      %get3A_25 = arith.constant 0 : index
      %get3A_26 = vector.load %arg8[%get3A_24, %get3A_25] : memref<128x128xf32, #tpu.memory_space<vmem>>, vector<128x128xf32>
      %get3A_27 = arith.constant 0 : index
      %get3A_28 = arith.constant 0 : index
      %get3A_29 = vector.load %arg3[%get3A_27, %get3A_28] : memref<128x128xf32, #tpu.memory_space<vmem>>, vector<128x128xf32>
      %dot_general3A_30 = arith.constant dense<0.000000e+00> : vector<128x128xf32>
      %dot_general3A_31 = tpu.matmul %get3A_26, %get3A_29, %dot_general3A_30 {dimension_numbers = #tpu.dot_dimension_numbers<[1], [0], [0], [1], [0, 0, 1, 1], [], []>, transpose_lhs_hint = false} : vector<128x128xf32>, vector<128x128xf32>, vector<128x128xf32> -> vector<128x128xf32>
      %get3A_32 = arith.constant 0 : index
      %get3A_33 = arith.constant 0 : index
      %get3A_34 = vector.load %arg4[%get3A_32, %get3A_33] : memref<1x128xf32, #tpu.memory_space<vmem>>, vector<1x128xf32>
      %add3A_35 = vector.broadcast %get3A_34 : vector<1x128xf32> to vector<128x128xf32>
      %add3A_36 = arith.addf %dot_general3A_31, %add3A_35 : vector<128x128xf32>
      %max3A = arith.constant 0.000000e+00 : f32
      %max3A_37 = vector.broadcast %max3A : f32 to vector<128x128xf32>
      %max3A_38 = arith.maximumf %add3A_36, %max3A_37 : vector<128x128xf32>
      %get3A_39 = arith.constant 0 : index
      %get3A_40 = arith.constant 0 : index
      %get3A_41 = vector.load %arg5[%get3A_39, %get3A_40] : memref<128x128xf32, #tpu.memory_space<vmem>>, vector<128x128xf32>
      %dot_general3A_42 = arith.constant dense<0.000000e+00> : vector<128x128xf32>
      %dot_general3A_43 = tpu.matmul %max3A_38, %get3A_41, %dot_general3A_42 {dimension_numbers = #tpu.dot_dimension_numbers<[1], [0], [0], [1], [0, 0, 1, 1], [], []>, transpose_lhs_hint = false} : vector<128x128xf32>, vector<128x128xf32>, vector<128x128xf32> -> vector<128x128xf32>
      %get3A_44 = arith.constant 0 : index
      %get3A_45 = arith.constant 0 : index
      %get3A_46 = vector.load %arg6[%get3A_44, %get3A_45] : memref<1x128xf32, #tpu.memory_space<vmem>>, vector<1x128xf32>
      %add3A_47 = vector.broadcast %get3A_46 : vector<1x128xf32> to vector<128x128xf32>
      %add3A_48 = arith.addf %dot_general3A_43, %add3A_47 : vector<128x128xf32>
      %swap3A_49 = arith.constant 0 : index
      %swap3A_50 = arith.constant 0 : index
      %swap3A_51 = vector.load %arg7[%swap3A_49, %swap3A_50] : memref<128x128xf32, #tpu.memory_space<vmem>>, vector<128x128xf32>
      tpu.vector_store %arg7[%swap3A_49, %swap3A_50], %add3A_48 {strides = array<i32>} : memref<128x128xf32, #tpu.memory_space<vmem>>, vector<128x128xf32>,
    } else {
    }
    return
  }
  func.func @transform_0(%arg0: i32) -> (i32, i32) {
    %c0_i32 = arith.constant 0 : i32
    %c0_i32_0 = arith.constant 0 : i32
    return %arg0, %c0_i32 : i32, i32
  }
  func.func @transform_1(%arg0: i32) -> (i32, i32, i32) {
    %c0_i32 = arith.constant 0 : i32
    %c0_i32_0 = arith.constant 0 : i32
    %c0_i32_1 = arith.constant 0 : i32
    return %arg0, %c0_i32, %c0_i32_0 : i32, i32, i32
  }
  func.func @transform_2(%arg0: i32) -> (i32, i32) {
    %c0_i32 = arith.constant 0 : i32
    %c0_i32_0 = arith.constant 0 : i32
    %c0_i32_1 = arith.constant 0 : i32
    return %c0_i32, %c0_i32_0 : i32, i32
  }
  func.func @transform_3(%arg0: i32) -> (i32, i32) {
    %c0_i32 = arith.constant 0 : i32
    %c0_i32_0 = arith.constant 0 : i32
    %c0_i32_1 = arith.constant 0 : i32
    return %c0_i32, %c0_i32_0 : i32, i32
  }
  func.func @transform_4(%arg0: i32) -> (i32, i32) {
    %c0_i32 = arith.constant 0 : i32
    %c0_i32_0 = arith.constant 0 : i32
    %c0_i32_1 = arith.constant 0 : i32
    return %c0_i32, %c0_i32_0 : i32, i32
  }
  func.func @transform_5(%arg0: i32) -> (i32, i32) {
    %c0_i32 = arith.constant 0 : i32
    %c0_i32_0 = arith.constant 0 : i32
    %c0_i32_1 = arith.constant 0 : i32
    return %c0_i32, %c0_i32_0 : i32, i32
  }
  func.func @transform_6(%arg0: i32) -> (i32, i32) {
    %c0_i32 = arith.constant 0 : i32
    %c0_i32_0 = arith.constant 0 : i32
    %c0_i32_1 = arith.constant 0 : i32
    return %c0_i32, %c0_i32_0 : i32, i32
  }
}

</mosaic_0001>

<sc_bundles>
// kernel: kernel.12.cloned.1.call-start
scs
__scs_entry_jumppad:
0x0: {  	(pc) =	sbr.rel $0x88, $3  }
0x1: {  	(tag) =	ssettag $0x0;
	lr =	simm.s32 $0x1  }
0x2: {  	[smem:$0x3F75] =	sst lr;
	_ =	strace $0xD0000000  }
0x3: {  	_ = 	snop  }
0x4: {  	_ = 	snop  }
0x5: {  	_ = 	snop  }
0x6: {  	_ = 	snop  }
0x7: {  	_ = 	snop  }
__scs_overlays_trampoline_lowered:
0x8: {  	[smem:$0x3F84] =	sst s0  }
0x9: {  	[smem:$0x3F85] =	sst s1  }
0xa: {  	[smem:$0x3F86] =	sst s2  }
0xb: {  	[smem:$0x3F87] =	sst s3  }
0xc: {  	[smem:$0x3F88] =	sst s4  }
0xd: {  	[smem:$0x3F89] =	sst s5  }
0xe: {  	[smem:$0x3F8A] =	sst s6  }
0xf: {  	[smem:$0x3F8B] =	sst s7  }
0x10: {  	[smem:$0x3F8C] =	sst s8  }
0x11: {  	[smem:$0x3F8D] =	sst s9;
	s0 =	simm.s32 @!p0 $0x0  }
0x12: {  	s1 =	sld [smem:$0x3F73];
	s0 =	simm.s32 @p0 $0x1  }
0x13: {  	[smem:$0x3F8E] =	sst s0;
	s0 =	simm.s32 @!p1 $0x0  }
0x14: {  	s2 =	sld [smem:$0x3F72];
	s0 =	simm.s32 @p1 $0x1  }
0x15: {  	[smem:$0x3F8F] =	sst s0;
	s0 =	simm.s32 @!p2 $0x0  }
0x16: {  	s3 =	sld [smem:$0x3FDB];
	s0 =	simm.s32 @p2 $0x1  }
0x17: {  	s4 =	simm.s32 $0x1BF5;
	[smem:$0x3F91] =	sst s0  }
0x18: {  	s0 =	sld [smem:$0x3F74];
	_ =	swait.ge [sflag:s4], $0x0  }
0x19: {  	s7 =	sld [smem:$0x3F75]  }
0x1a: {  	s8 =	sadd.s32 $0xFFFFE003, lr  }
0x1b: {  	s9 =	sadd.s32 $0xFFFFFEF7, lr;
	s5 =	simm.s32 $0xFFFFFFFF;
	p2 =	slt.u32 s8, $0xFFFFF086  }
0x1c: {  	p1 =	slt.u32 s9, $0xF7A;
	s5 =	simm.s32 @!p2 $0x0  }
0x1d: {  	s5 =	simm.s32 @p1 $0x1;
	p0 =	seq.s32 s7, s2  }
0x1e: {  	s7 =	smul.u32 @!p0 $0xF7A, s2;
	p2 =	seq.s32 @!p0 s5, $0x0  }
0x1f: {  	s9 =	smul.u32 $0xF7A, s1;
	s8 =	simm.s32 @!p0 $0x1BF5;
	p2 =	por !p2, p0  }
0x20: {  	[sflag:s8] =	ssyncset.s32 @!p0 $0xFFFFF086;
	s6 =	sadd.s32 @!p0 s3, s7;
	s7 =	simm.s32 @!p0 $0x108  }
0x21: {  	s3 =	sadd.s32 s3, s9;
	s6 =	sadd.s32 @!p0 $0x88, s6;
	s7 =	simm.s32 @p2 $0x1082  }
0x22: {  	[simem:s7], [sflag:s8] =	dma.local @!p0 [hbm:s6], $0xF7A  }
0x23: {  	s9 =	sor.u32 $0xD0000000, s2;
	s6 =	simm.s32 $0x108;
	_ =	swait.ge @!p0 [sflag:s8], $0x0  }
0x24: {  	s3 =	sadd.s32 $0x88, s3;
	s6 =	simm.s32 @!p1 $0x1082;
	[sflag:s4] =	ssyncset.s32 $0xFFFFF086  }
0x25: {  	[simem:s6], [sflag:s4] =	dma.local [hbm:s3], $0xF7A  }
0x26: {  	[smem:$0x3F75] =	sst s1;
	(tag) =	ssettag s2;
	_ =	strace s9  }
0x27: {  	s1 =	sld [smem:$0x3F85]  }
0x28: {  	s2 =	sld [smem:$0x3F86]  }
0x29: {  	s4 =	sld [smem:$0x3F88]  }
0x2a: {  	p0 =	seq.s32 s5, $0x0;
	s5 =	sld [smem:$0x3F89]  }
0x2b: {  	s6 =	sld [smem:$0x3F8A]  }
0x2c: {  	s7 =	sld [smem:$0x3F8B]  }
0x2d: {  	s3 =	simm.s32 $0x108;
	s8 =	sld [smem:$0x3F8C]  }
0x2e: {  	s3 =	simm.s32 @!p0 $0x1082;
	s9 =	sld [smem:$0x3F8D]  }
0x2f: {  	lr =	sadd.s32 s0, s3;
	s0 =	sld [smem:$0x3F84]  }
0x30: {  	s3 =	sld [smem:$0x3F87]  }
0x31: {  	[smem:$0x3F90] =	sst s10  }
0x32: {  	s10 =	sld [smem:$0x3F8E];
	_ =	sdelay $0x3  }
0x33: {  	p0 =	seq.s32 s10, $0x1;
	s10 =	sld [smem:$0x3F90];
	_ =	sdelay $0x3  }
0x34: {  	[smem:$0x3F90] =	sst s10  }
0x35: {  	s10 =	sld [smem:$0x3F8F];
	_ =	sdelay $0x3  }
0x36: {  	p1 =	seq.s32 s10, $0x1;
	s10 =	sld [smem:$0x3F90];
	_ =	sdelay $0x3  }
0x37: {  	[smem:$0x3F90] =	sst s10  }
0x38: {  	s10 =	sld [smem:$0x3F91]  }
0x39: {  	_ = 	snop;
	(pc) =	sbr.ind lr, $3  }
0x3a: {  	_ = 	snop  }
0x3b: {  	_ = 	snop  }
0x3c: {  	p2 =	seq.s32 s10, $0x1;
	s10 =	sld [smem:$0x3F90]  }
0x3d: {  	_ =	shalt  }
0x3e: {  	_ =	shalt  }
0x3f: {  	_ =	shalt  }
0x40: {  	_ =	shalt  }
0x41: {  	_ =	shalt  }
0x42: {  	_ =	shalt  }
0x43: {  	_ =	shalt  }
0x44: {  	_ =	shalt  }
0x45: {  	_ =	shalt  }
0x46: {  	_ =	shalt  }
0x47: {  	_ =	shalt  }
0x48: {  	_ =	shalt  }
0x49: {  	_ =	shalt  }
0x4a: {  	_ =	shalt  }
0x4b: {  	_ =	shalt  }
0x4c: {  	_ =	shalt  }
0x4d: {  	_ =	shalt  }
0x4e: {  	_ =	shalt  }
0x4f: {  	_ =	shalt  }
0x50: {  	_ =	shalt  }
0x51: {  	_ =	shalt  }
0x52: {  	_ =	shalt  }
0x53: {  	_ =	shalt  }
0x54: {  	_ =	shalt  }
0x55: {  	_ =	shalt  }
0x56: {  	_ =	shalt  }
0x57: {  	_ =	shalt  }
0x58: {  	_ =	shalt  }
0x59: {  	_ =	shalt  }
0x5a: {  	_ =	shalt  }
0x5b: {  	_ =	shalt  }
0x5c: {  	_ =	shalt  }
0x5d: {  	_ =	shalt  }
0x5e: {  	_ =	shalt  }
0x5f: {  	_ =	shalt  }
0x60: {  	_ =	shalt  }
0x61: {  	_ =	shalt  }
0x62: {  	_ =	shalt  }
0x63: {  	_ =	shalt  }
0x64: {  	_ =	shalt  }
0x65: {  	_ =	shalt  }
0x66: {  	_ =	shalt  }
0x67: {  	_ =	shalt  }
0x68: {  	_ =	shalt  }
0x69: {  	_ =	shalt  }
0x6a: {  	_ =	shalt  }
0x6b: {  	_ =	shalt  }
0x6c: {  	_ =	shalt  }
0x6d: {  	_ =	shalt  }
0x6e: {  	_ =	shalt  }
0x6f: {  	_ =	shalt  }
0x70: {  	_ =	shalt  }
0x71: {  	_ =	shalt  }
0x72: {  	_ =	shalt  }
0x73: {  	_ =	shalt  }
0x74: {  	_ =	shalt  }
0x75: {  	_ =	shalt  }
0x76: {  	_ =	shalt  }
0x77: {  	_ =	shalt  }
0x78: {  	_ =	shalt  }
0x79: {  	_ =	shalt  }
0x7a: {  	_ =	shalt  }
0x7b: {  	_ =	shalt  }
0x7c: {  	_ =	shalt  }
0x7d: {  	_ =	shalt  }
0x7e: {  	_ =	shalt  }
0x7f: {  	_ =	shalt  }
0x80: {  	_ =	shalt  }
0x81: {  	_ =	shalt  }
0x82: {  	_ =	shalt  }
0x83: {  	_ =	shalt  }
0x84: {  	_ =	shalt  }
0x85: {  	_ =	shalt  }
0x86: {  	_ =	shalt  }
0x87: {  	_ =	shalt  }
.Lfunc_end0:
.L_simem_size_0:
called_computation.1_lowered:
.L_overlay_start_0:
0x88: {  	s2 =	sld [smem:$0x3FD9]  }
0x89: {  	s3 =	sld [smem:$0x3FFE];
	_ =	sdelay $0x1  }
0x8a: {  	s1 =	srdreg.scid  }
0x8b: {  	s0 =	sand.u32 $0x1, s1  }
0x8c: {  	s16 =	sshll.u32 s0, $0xA;
	s2 =	sadd.s32 s3, s2  }
0x8d: {  	s2 =	sadd.s32 s2, s16  }
0x8e: {  	[smem:$0x3F9C] =	sst s2  }
0x8f: {  	_ = 	snop  }
0x90: {  	(tm) =	ssettm $0x1  }
0x91: {  	s17 =	sld [smem:$0x3FFB];
	_ =	sdelay $0x3  }
0x92: {  	_ =	strace s17  }
0x93: {  	s2 =	sld [smem:$0x3FFC];
	_ =	sdelay $0x3  }
0x94: {  	_ =	strace s2  }
0x95: {  	s2 =	sld [smem:$0x3FFD];
	_ =	sdelay $0x3  }
0x96: {  	_ =	strace s2  }
0x97: {  	_ =	strace $0x8FFFFFFF  }
0x98: {  	s18 =	sld [smem:$0x3FDB];
	_ =	sdelay $0x1  }
0x99: {  	s19 =	simm.s32 $_scs_section_size  }
0x9a: {  	s4 =	simm.s32 $_size__tile_overlayer_lowered;
	s5 =	simm.s32 $_tile_overlayer_lowered  }
0x9b: {  	s22 =	simm.s32 $0x1BFF;
	s21 =	sshll.u32 s5, $0x1;
	s2 =	sadd.s32 s19, s18  }
0x9c: {  	s6 =	simm.s32 $0x0;
	s20 =	sshll.u32 s4, $0x1;
	s4 =	sadd.s32 s21, s2  }
0x9d: {  	[timem:s6], [sflag:s22] =	dma.local [hbm:s4], s20  }
0x9e: {  	_ =	swait.ge [sflag:s22], s20  }
0x9f: {  	s3 =	ssub.s32 $0x0, s20;
	[sflag:s22] =	ssyncset.done $0x0  }
0xa0: {  	[sflag:s22] =	ssyncadd.s32 s3;
	_ =	sdelay $0x1  }
0xa1: {  	s23 =	simm.s32 $0x1B8B  }
0xa2: {  	_ =	swait.ge [sflag:s23], $0x1  }
0xa3: {  	[sflag:s23] =	ssyncset.done $0x0  }
0xa4: {  	s25 =	simm.s32 $0x1B8E;
	s24 =	sld [smem:$0x3FFE];
	[sflag:s23] =	ssyncadd.s32 $0xFFFFFFFF  }
0xa5: {  	s26 =	simm.s32 $execute0_lowered;
	[smem:$0x3FD2] =	sst s25  }
0xa6: {  	s4 =	sshll.u32 s26, $0x1;
	_ =	strace $0x80000049;
	[dreg:$0x1] =	wrdreg $0xFFFFFFFF  }
0xa7: {  	s28 =	simm.s32 $_size_execute0_lowered;
	s2 =	sadd.s32 s2, s4;
	[dreg:$0x0] =	wrdreg $0x0  }
0xa8: {  	s4 =	sshll.u32 s28, $0x1;
	[dreg:$0x2] =	wrdreg s2  }
0xa9: {  	[dreg:$0x3] =	wrdreg s4  }
0xaa: {  	[dreg:$0x4] =	wrdreg $0xC0  }
0xab: {  	_ =	task [dreg:s6], $0x5FFFF  }
0xac: {  	[dreg:$0x1] =	wrdreg $0xFFFFFFFF  }
0xad: {  	[dreg:$0x0] =	wrdreg $0x60  }
0xae: {  	[dreg:$0x2] =	wrdreg s24  }
0xaf: {  	[dreg:$0x3] =	wrdreg $0x0  }
0xb0: {  	[dreg:$0x4] =	wrdreg $0x9  }
0xb1: {  	_ =	task.clear_ibuf [dreg:s6], $0x5FFFF;
	_ =	strace $0x90000049  }
0xb2: {  	s29 =	simm.s32 $0x9;
	_ =	strace $0x8000004B  }
0xb3: {  	_ =	swait.ge [sflag:s29], $0x1  }
0xb4: {  	[sflag:s29] =	ssyncadd.s32 $0xFFFFFFFF  }
0xb5: {  	_ =	strace $0x9000004B  }
0xb6: {  	_ =	sfence  }
0xb7: {  	s30 =	sld [smem:$0x0];
	_ =	sdelay $0x2  }
0xb8: {  	s31 =	sshll.u32 s1, $0xD;
	s1 =	sshrl.u32 s1, $0x2  }
0xb9: {  	s3 =	sand.u32 $0x4000, s31;
	s1 =	sadd.s32 s1, s30  }
0xba: {  	s0 =	sor.u32 s3, s0;
	s1 =	sshll.u32 s1, $0x11  }
0xbb: {  	s0 =	sor.u32 s1, s0  }
0xbc: {  	s0 =	sadd.s32 $0x8F2B, s0  }
0xbd: {  	[sflag:s0] =	ssyncadd.remote.s32 $0x1  }
0xbe: {  	_ =	sfence.sel $0xFFFF  }
0xbf: {  	[dreg:$0x0] =	wrdreg $0xFFFFFFFF;
	(pc) =	sbr.abs _section_cstart, $3  }
0xc0: {  	[dreg:$0x1] =	wrdreg $0xFFFFFFFF  }
0xc1: {  	_ =	task.clear_ibuf [dreg:s6], $0x2FFFF;
	_ =	strace $0x9FFFFFFF  }
0xc2: {  	(tm) =	ssettm $0x7FFFFFFF  }
0xc3: {  	_ =	shalt  }
tec
execute0_lowered:
.L_overlay_start_1:
0x0: {  	(tag) =	ssettag $0x1  }
0x1: {  	s0 =	srdreg.scid;
	s14 =	stileid.u32  }
0x2: {  	s6 =	sand.u32 $0x1, s0;
	s3 =	smul.u32 $0xA000, s14  }
0x3: {  	s0 =	smul.u32 $0xA0000, s6  }
0x4: {  	s1 =	rddreg [dreg:$0x0]  }
0x5: {  	s2 =	rddreg [dreg:$0x1];
	s0 =	sadd.s32 s3, s0;
	s3 =	simm.s32 $0x0  }
0x6: {  	s12 =	simm.s32 $0x13C80;
	[smem:$0x7FF] =	sst s3  }
0x7: {  	s13 =	simm.s32 $0x13D00;
	_ =	strace $0x8000004A;
	[dreg:$0x4] =	wrdreg s12  }
0x8: {  	s15 =	simm.s32 $0x14480;
	[dreg:$0x5] =	wrdreg s13  }
0x9: {  	s16 =	simm.s32 $0x13D80;
	[dreg:$0x6] =	wrdreg s15  }
0xa: {  	s17 =	simm.s32 $0x14500;
	[dreg:$0x7] =	wrdreg s16  }
0xb: {  	s18 =	simm.s32 $0x13E00;
	[dreg:$0x8] =	wrdreg s17  }
0xc: {  	s19 =	simm.s32 $0x14580;
	[dreg:$0x9] =	wrdreg s18  }
0xd: {  	s20 =	simm.s32 $0x13E80;
	[dreg:$0xa] =	wrdreg s19  }
0xe: {  	s21 =	simm.s32 $0x14600;
	[dreg:$0xb] =	wrdreg s20  }
0xf: {  	s22 =	simm.s32 $0x13F00;
	[dreg:$0xc] =	wrdreg s21  }
0x10: {  	s23 =	simm.s32 $0x14680;
	[dreg:$0xd] =	wrdreg s22  }
0x11: {  	s24 =	simm.s32 $0x13F80;
	[dreg:$0xe] =	wrdreg s23  }
0x12: {  	s25 =	simm.s32 $0x14700;
	[dreg:$0xf] =	wrdreg s24  }
0x13: {  	s26 =	simm.s32 $0x14000;
	[dreg:$0x10] =	wrdreg s25  }
0x14: {  	s7 =	simm.s32 $0x14780;
	[dreg:$0x11] =	wrdreg s26  }
0x15: {  	s8 =	simm.s32 $0x14080;
	[dreg:$0x12] =	wrdreg s7  }
0x16: {  	s9 =	simm.s32 $0x14800;
	[dreg:$0x13] =	wrdreg s8  }
0x17: {  	s10 =	simm.s32 $0x14100;
	[dreg:$0x14] =	wrdreg s9  }
0x18: {  	s11 =	simm.s32 $0x14880;
	[dreg:$0x15] =	wrdreg s10  }
0x19: {  	[dreg:$0x16] =	wrdreg s11;
	s12 =	simm.s32 $0x14180  }
0x1a: {  	s13 =	simm.s32 $0x14900;
	[dreg:$0x17] =	wrdreg s12  }
0x1b: {  	s15 =	simm.s32 $0x14200;
	[dreg:$0x18] =	wrdreg s13  }
0x1c: {  	s16 =	simm.s32 $0x14980;
	[dreg:$0x19] =	wrdreg s15  }
0x1d: {  	s17 =	simm.s32 $0x14280;
	[dreg:$0x1a] =	wrdreg s16  }
0x1e: {  	s18 =	simm.s32 $0x14A00;
	[dreg:$0x1b] =	wrdreg s17  }
0x1f: {  	s7 =	simm.s32 $0x14300;
	[dreg:$0x1c] =	wrdreg s18  }
0x20: {  	s28 =	simm.s32 $0x15380;
	s8 =	sadd.s32 $0x31E00, s1;
	[dreg:$0x1d] =	wrdreg s7  }
0x21: {  	s29 =	simm.s32 $0x15B00;
	s19 =	simm.s32 $0x14A80;
	[smem:$0x7DD] =	sst s8  }
0x22: {  	s30 =	simm.s32 $0x15B80;
	s20 =	simm.s32 $0x14380;
	[dreg:$0x1e] =	wrdreg s19  }
0x23: {  	s31 =	simm.s32 $0x0;
	s22 =	simm.s32 $0x14B00;
	[dreg:$0x1f] =	wrdreg s20  }
0x24: {  	s4 =	sadd.s32 $0x9E00, s1;
	s23 =	simm.s32 $0x14B80;
	[smem:$0x7DE] =	sst s22  }
0x25: {  	s5 =	sor.u32 $0x1000, s0;
	s24 =	simm.s32 $0x14C80;
	[smem:$0x7DF] =	sst s23  }
0x26: {  	s5 =	sshrl.u32 s5, $0x3;
	s25 =	simm.s32 $0x14D00;
	[smem:$0x7E0] =	sst s24  }
0x27: {  	p0 =	seq.s32 s6, $0x1;
	s5 =	sadd.s32 s5, s4;
	[smem:$0x7E1] =	sst s25  }
0x28: {  	s21 =	ssub.s32 $0x2, s6;
	s15 =	simm.s32 $0x15500;
	[dreg:$0x3] =	wrdreg s5  }
0x29: {  	s10 =	smul.u32 $0x4F000, s14;
	s16 =	simm.s32 $0x14E00;
	[smem:$0x7E4] =	sst s15  }
0x2a: {  	s9 =	sshrl.u32 s21, $0x1;
	s18 =	simm.s32 $0x15580;
	[smem:$0x7E5] =	sst s16  }
0x2b: {  	s12 =	sshll.u32 s14, $0x6;
	s20 =	simm.s32 $0x15600;
	[smem:$0x7E7] =	sst s18  }
0x2c: {  	s17 =	sshrl.u32 s0, $0x3;
	s22 =	simm.s32 $0x14F00;
	[smem:$0x7EA] =	sst s20  }
0x2d: {  	s23 =	simm.s32 $0x15680;
	s24 =	smul.u32 $0x2780, s14;
	[smem:$0x7EB] =	sst s22  }
0x2e: {  	s25 =	simm.s32 $0x14F80;
	s8 =	simm.s32 $0x15700;
	[smem:$0x7EC] =	sst s23  }
0x2f: {  	s14 =	simm.s32 $0x83000;
	s0 =	sadd.s32 $0x2000, s0;
	[smem:$0x7EE] =	sst s25  }
0x30: {  	s11 =	ssub.s32 s21, s9;
	s9 =	simm.s32 $0x15480;
	[smem:$0x7EF] =	sst s8  }
0x31: {  	s26 =	sshrl.u32 s10, $0x2;
	s10 =	simm.s32 $0x14D80;
	[smem:$0x7E2] =	sst s9  }
0x32: {  	s5 =	sadd.s32 $0x34600, s1;
	s19 =	sadd.s32 s4, s17;
	[smem:$0x7E3] =	sst s10  }
0x33: {  	s7 =	sor.u32 $0x1C05, s12;
	s12 =	simm.s32 $0x14E80;
	[smem:$0x7E6] =	sst s19  }
0x34: {  	s14 =	simm.s32 @!p0 $0x5B800;
	s15 =	simm.s32 $0x15080;
	[smem:$0x7E8] =	sst s12  }
0x35: {  	s16 =	simm.s32 $0x15800;
	s18 =	simm.s32 $0x15880;
	[smem:$0x7F2] =	sst s15  }
0x36: {  	s20 =	simm.s32 $0x15900;
	s22 =	simm.s32 $0x15980;
	[smem:$0x7F3] =	sst s16  }
0x37: {  	s23 =	simm.s32 $0x15280;
	s25 =	simm.s32 $0x15300;
	[smem:$0x7F5] =	sst s18  }
0x38: {  	s13 =	sadd.s32 s26, s2;
	s9 =	sadd.s32 $0x9F00, s1;
	[smem:$0x7F7] =	sst s20  }
0x39: {  	s26 =	smax.u32 s11, $0x1;
	s10 =	simm.s32 $0x15000;
	[smem:$0x7F9] =	sst s22  }
0x3a: {  	s11 =	simm.s32 $0x15780;
	s1 =	sadd.s32 s14, s1;
	[smem:$0x7FA] =	sst s23  }
0x3b: {  	s15 =	simm.s32 $0x5;
	s19 =	simm.s32 $0x15180;
	[smem:$0x7FC] =	sst s25  }
0x3c: {  	s16 =	simm.s32 $0x13C00;
	s18 =	simm.s32 $0x1;
	[smem:$0x7ED] =	sst s26  }
0x3d: {  	s20 =	simm.s32 $0x15400;
	s22 =	simm.s32 $0x15C00;
	[smem:$0x7F0] =	sst s10  }
0x3e: {  	s23 =	simm.s32 $0x19C00;
	s25 =	simm.s32 $0x4;
	[smem:$0x7F1] =	sst s11  }
0x3f: {  	s21 =	sadd.s32 s17, s9;
	s12 =	sadd.s32 s1, s24;
	[smem:$0x7F6] =	sst s19  }
0x40: {  	s17 =	simm.s32 $0x15100;
	s14 =	sshrl.u32 s13, $0x3;
	[smem:$0x7E9] =	sst s21  }
0x41: {  	s19 =	simm.s32 $0x14C00;
	s24 =	simm.s32 $0x15A00;
	[smem:$0x7F4] =	sst s17  }
0x42: {  	s26 =	simm.s32 $0x15A80;
	s17 =	simm.s32 $0x14400;
	[smem:$0x7FB] =	sst s24  }
0x43: {  	s21 =	simm.s32 $0x15200;
	s24 =	simm.s32 $0x3;
	[smem:$0x7FD] =	sst s26  }
0x44: {  	s26 =	simm.s32 $0x2;
	[smem:$0x7F8] =	sst s21;
	s21 =	simm.s32 $0x80  }
.LBB2_1:
0x45: {  	s1 =	sld [smem:$0x7DD];
	_ =	sdelay $0x2  }
0x46: {  	[spmem:s14], [sflag:s7] =	dma.local [hbm:s1], $0x2780  }
0x47: {  	_ =	swait.ge [sflag:s15], $0x2780  }
0x48: {  	[sflag:s15] =	ssyncset.done $0x0  }
0x49: {  	[sflag:s15] =	ssyncadd.s32 $0xFFFFD880  }
0x4a: {  	[bflag:$0x0] =	sbarrier.arrive $0xFFFF  }
0x4b: {  	s6 =	sld [smem:$0x7E6];
	_ =	sdelay $0x1  }
0x4c: {  	s8 =	sld [smem:$0x7E9]  }
0x4d: {  	[tilespmem:s16], [sflag:$0x1] =	stream.linear.gather [hbm4b:s6+s3], $0x800, $0x38;
	[tilespmem:$0x1DC00] =	vst v63  }
0x4e: {  	_ = 	snop  }
0x4f: {  	[tilespmem:s17], [sflag:$0x1] =	stream.linear.gather [hbm4b:s8+s3], $0x800, $0x38;
	[tilespmem:$0x1DC00] =	vst v63  }
0x50: {  	_ =	swait.ge [sflag:s18], $0x800  }
0x51: {  	[sflag:s18] =	ssyncset.done $0x0  }
0x52: {  	[sflag:s18] =	ssyncadd.s32 $0xFFFFF800  }
0x53: {  	_ =	swait.ge [sflag:s18], $0x800  }
0x54: {  	s10 =	rddreg [dreg:$0x3];
	[sflag:s18] =	ssyncset.done $0x0  }
0x55: {  	[sflag:s18] =	ssyncadd.s32 $0xFFFFF800;
	s1 =	sadd.s32 $0x0, s10  }
0x56: {  	[tilespmem:s19], [sflag:$0x2] =	stream.linear.gather [hbm4b:s1+s3], $0x800, $0x38;
	[tilespmem:$0x1DC00] =	vst v63  }
0x57: {  	s1 =	sadd.s32 $0x100, s1  }
0x58: {  	[tilespmem:s20], [sflag:$0x2] =	stream.linear.gather [hbm4b:s1+s3], $0x800, $0x38;
	[tilespmem:$0x1DC00] =	vst v63  }
0x59: {  	_ = 	snop  }
0x5a: {  	[tilespmem:s22], [sflag:$0x3] =	stream.indirect.gather [hbm4b:s5+s21], $0x80, s16, s21, $0xb8;
	[tilespmem:$0x1DC00] =	vst v63  }
0x5b: {  	s11 =	rddreg [dreg:$0x4]  }
0x5c: {  	[tilespmem:s23], [sflag:$0x4] =	stream.indirect.gather [hbm4b:s5+s21], $0x80, s11, s21, $0xb8;
	[tilespmem:$0x1DC00] =	vst v63  }
0x5d: {  	_ =	swait.ge [sflag:s24], $0x4000  }
0x5e: {  	[sflag:s24] =	ssyncset.done $0x0  }
0x5f: {  	[sflag:s24] =	ssyncadd.s32 $0xFFFFC000  }
0x60: {  	[spmem:s2] =	stream.indirect.scatter.add.f32 [tilespmem:s22], [sflag:$0x5], $0x80, s17, s21, $0xb8;
	[tilespmem:$0x1DC00] =	vst v63  }
0x61: {  	_ =	swait.ge [sflag:s15], $0x4000  }
0x62: {  	[sflag:s15] =	ssyncset.done $0x0  }
0x63: {  	s13 =	rddreg [dreg:$0x5];
	[sflag:s15] =	ssyncadd.s32 $0xFFFFC000  }
0x64: {  	[tilespmem:s22], [sflag:$0x3] =	stream.indirect.gather [hbm4b:s5+s21], $0x80, s13, s21, $0xb8;
	[tilespmem:$0x1DC00] =	vst v63  }
0x65: {  	_ =	swait.ge [sflag:s25], $0x4000  }
0x66: {  	[sflag:s25] =	ssyncset.done $0x0  }
0x67: {  	s6 =	rddreg [dreg:$0x6];
	[sflag:s25] =	ssyncadd.s32 $0xFFFFC000  }
0x68: {  	[spmem:s2] =	stream.indirect.scatter.add.f32 [tilespmem:s23], [sflag:$0x5], $0x80, s6, s21, $0xb8;
	[tilespmem:$0x1DC00] =	vst v63  }
0x69: {  	_ =	swait.ge [sflag:s15], $0x4000  }
0x6a: {  	[sflag:s15] =	ssyncset.done $0x0  }
0x6b: {  	s8 =	rddreg [dreg:$0x7];
	[sflag:s15] =	ssyncadd.s32 $0xFFFFC000  }
0x6c: {  	[tilespmem:s23], [sflag:$0x4] =	stream.indirect.gather [hbm4b:s5+s21], $0x80, s8, s21, $0xb8;
	[tilespmem:$0x1DC00] =	vst v63  }
0x6d: {  	_ =	swait.ge [sflag:s24], $0x4000  }
0x6e: {  	[sflag:s24] =	ssyncset.done $0x0  }
0x6f: {  	s10 =	rddreg [dreg:$0x8];
	[sflag:s24] =	ssyncadd.s32 $0xFFFFC000  }
0x70: {  	[spmem:s2] =	stream.indirect.scatter.add.f32 [tilespmem:s22], [sflag:$0x5], $0x80, s10, s21, $0xb8;
	[tilespmem:$0x1DC00] =	vst v63  }
0x71: {  	_ =	swait.ge [sflag:s15], $0x4000  }
0x72: {  	[sflag:s15] =	ssyncset.done $0x0  }
0x73: {  	s11 =	rddreg [dreg:$0x9];
	[sflag:s15] =	ssyncadd.s32 $0xFFFFC000  }
0x74: {  	[tilespmem:s22], [sflag:$0x3] =	stream.indirect.gather [hbm4b:s5+s21], $0x80, s11, s21, $0xb8;
	[tilespmem:$0x1DC00] =	vst v63  }
0x75: {  	_ =	swait.ge [sflag:s25], $0x4000  }
0x76: {  	[sflag:s25] =	ssyncset.done $0x0  }
0x77: {  	s13 =	rddreg [dreg:$0xa];
	[sflag:s25] =	ssyncadd.s32 $0xFFFFC000  }
0x78: {  	[spmem:s2] =	stream.indirect.scatter.add.f32 [tilespmem:s23], [sflag:$0x5], $0x80, s13, s21, $0xb8;
	[tilespmem:$0x1DC00] =	vst v63  }
0x79: {  	_ =	swait.ge [sflag:s15], $0x4000  }
0x7a: {  	[sflag:s15] =	ssyncset.done $0x0  }
0x7b: {  	s6 =	rddreg [dreg:$0xb];
	[sflag:s15] =	ssyncadd.s32 $0xFFFFC000  }
0x7c: {  	[tilespmem:s23], [sflag:$0x4] =	stream.indirect.gather [hbm4b:s5+s21], $0x80, s6, s21, $0xb8;
	[tilespmem:$0x1DC00] =	vst v63  }
0x7d: {  	_ =	swait.ge [sflag:s24], $0x4000  }
0x7e: {  	[sflag:s24] =	ssyncset.done $0x0  }
0x7f: {  	s8 =	rddreg [dreg:$0xc];
	[sflag:s24] =	ssyncadd.s32 $0xFFFFC000  }
0x80: {  	[spmem:s2] =	stream.indirect.scatter.add.f32 [tilespmem:s22], [sflag:$0x5], $0x80, s8, s21, $0xb8;
	[tilespmem:$0x1DC00] =	vst v63  }
0x81: {  	_ =	swait.ge [sflag:s15], $0x4000  }
0x82: {  	[sflag:s15] =	ssyncset.done $0x0  }
0x83: {  	s10 =	rddreg [dreg:$0xd];
	[sflag:s15] =	ssyncadd.s32 $0xFFFFC000  }
0x84: {  	[tilespmem:s22], [sflag:$0x3] =	stream.indirect.gather [hbm4b:s5+s21], $0x80, s10, s21, $0xb8;
	[tilespmem:$0x1DC00] =	vst v63  }
0x85: {  	_ =	swait.ge [sflag:s25], $0x4000  }
0x86: {  	[sflag:s25] =	ssyncset.done $0x0  }
0x87: {  	s11 =	rddreg [dreg:$0xe];
	[sflag:s25] =	ssyncadd.s32 $0xFFFFC000  }
0x88: {  	[spmem:s2] =	stream.indirect.scatter.add.f32 [tilespmem:s23], [sflag:$0x5], $0x80, s11, s21, $0xb8;
	[tilespmem:$0x1DC00] =	vst v63  }
0x89: {  	_ =	swait.ge [sflag:s15], $0x4000  }
0x8a: {  	[sflag:s15] =	ssyncset.done $0x0  }
0x8b: {  	s13 =	rddreg [dreg:$0xf];
	[sflag:s15] =	ssyncadd.s32 $0xFFFFC000  }
0x8c: {  	[tilespmem:s23], [sflag:$0x4] =	stream.indirect.gather [hbm4b:s5+s21], $0x80, s13, s21, $0xb8;
	[tilespmem:$0x1DC00] =	vst v63  }
0x8d: {  	_ =	swait.ge [sflag:s24], $0x4000  }
0x8e: {  	[sflag:s24] =	ssyncset.done $0x0  }
0x8f: {  	s6 =	rddreg [dreg:$0x10];
	[sflag:s24] =	ssyncadd.s32 $0xFFFFC000  }
0x90: {  	[spmem:s2] =	stream.indirect.scatter.add.f32 [tilespmem:s22], [sflag:$0x5], $0x80, s6, s21, $0xb8;
	[tilespmem:$0x1DC00] =	vst v63  }
0x91: {  	_ =	swait.ge [sflag:s15], $0x4000  }
0x92: {  	[sflag:s15] =	ssyncset.done $0x0  }
0x93: {  	s8 =	rddreg [dreg:$0x11];
	[sflag:s15] =	ssyncadd.s32 $0xFFFFC000  }
0x94: {  	[tilespmem:s22], [sflag:$0x3] =	stream.indirect.gather [hbm4b:s5+s21], $0x80, s8, s21, $0xb8;
	[tilespmem:$0x1DC00] =	vst v63  }
0x95: {  	_ =	swait.ge [sflag:s25], $0x4000  }
0x96: {  	[sflag:s25] =	ssyncset.done $0x0  }
0x97: {  	s10 =	rddreg [dreg:$0x12];
	[sflag:s25] =	ssyncadd.s32 $0xFFFFC000  }
0x98: {  	[spmem:s2] =	stream.indirect.scatter.add.f32 [tilespmem:s23], [sflag:$0x5], $0x80, s10, s21, $0xb8;
	[tilespmem:$0x1DC00] =	vst v63  }
0x99: {  	_ =	swait.ge [sflag:s15], $0x4000  }
0x9a: {  	[sflag:s15] =	ssyncset.done $0x0  }
0x9b: {  	s11 =	rddreg [dreg:$0x13];
	[sflag:s15] =	ssyncadd.s32 $0xFFFFC000  }
0x9c: {  	[tilespmem:s23], [sflag:$0x4] =	stream.indirect.gather [hbm4b:s5+s21], $0x80, s11, s21, $0xb8;
	[tilespmem:$0x1DC00] =	vst v63  }
0x9d: {  	_ =	swait.ge [sflag:s24], $0x4000  }
0x9e: {  	[sflag:s24] =	ssyncset.done $0x0  }
0x9f: {  	s13 =	rddreg [dreg:$0x14];
	[sflag:s24] =	ssyncadd.s32 $0xFFFFC000  }
0xa0: {  	[spmem:s2] =	stream.indirect.scatter.add.f32 [tilespmem:s22], [sflag:$0x5], $0x80, s13, s21, $0xb8;
	[tilespmem:$0x1DC00] =	vst v63  }
0xa1: {  	_ =	swait.ge [sflag:s15], $0x4000  }
0xa2: {  	[sflag:s15] =	ssyncset.done $0x0  }
0xa3: {  	s6 =	rddreg [dreg:$0x15];
	[sflag:s15] =	ssyncadd.s32 $0xFFFFC000  }
0xa4: {  	[tilespmem:s22], [sflag:$0x3] =	stream.indirect.gather [hbm4b:s5+s21], $0x80, s6, s21, $0xb8;
	[tilespmem:$0x1DC00] =	vst v63  }
0xa5: {  	_ =	swait.ge [sflag:s25], $0x4000  }
0xa6: {  	[sflag:s25] =	ssyncset.done $0x0  }
0xa7: {  	s8 =	rddreg [dreg:$0x16];
	[sflag:s25] =	ssyncadd.s32 $0xFFFFC000  }
0xa8: {  	[spmem:s2] =	stream.indirect.scatter.add.f32 [tilespmem:s23], [sflag:$0x5], $0x80, s8, s21, $0xb8;
	[tilespmem:$0x1DC00] =	vst v63  }
0xa9: {  	_ =	swait.ge [sflag:s15], $0x4000  }
0xaa: {  	[sflag:s15] =	ssyncset.done $0x0  }
0xab: {  	s10 =	rddreg [dreg:$0x17];
	[sflag:s15] =	ssyncadd.s32 $0xFFFFC000  }
0xac: {  	[tilespmem:s23], [sflag:$0x4] =	stream.indirect.gather [hbm4b:s5+s21], $0x80, s10, s21, $0xb8;
	[tilespmem:$0x1DC00] =	vst v63  }
0xad: {  	_ =	swait.ge [sflag:s24], $0x4000  }
0xae: {  	[sflag:s24] =	ssyncset.done $0x0  }
0xaf: {  	s11 =	rddreg [dreg:$0x18];
	[sflag:s24] =	ssyncadd.s32 $0xFFFFC000  }
0xb0: {  	[spmem:s2] =	stream.indirect.scatter.add.f32 [tilespmem:s22], [sflag:$0x5], $0x80, s11, s21, $0xb8;
	[tilespmem:$0x1DC00] =	vst v63  }
0xb1: {  	_ =	swait.ge [sflag:s15], $0x4000  }
0xb2: {  	[sflag:s15] =	ssyncset.done $0x0  }
0xb3: {  	s13 =	rddreg [dreg:$0x19];
	[sflag:s15] =	ssyncadd.s32 $0xFFFFC000  }
0xb4: {  	[tilespmem:s22], [sflag:$0x3] =	stream.indirect.gather [hbm4b:s5+s21], $0x80, s13, s21, $0xb8;
	[tilespmem:$0x1DC00] =	vst v63  }
0xb5: {  	_ =	swait.ge [sflag:s25], $0x4000  }
0xb6: {  	[sflag:s25] =	ssyncset.done $0x0  }
0xb7: {  	s6 =	rddreg [dreg:$0x1a];
	[sflag:s25] =	ssyncadd.s32 $0xFFFFC000  }
0xb8: {  	[spmem:s2] =	stream.indirect.scatter.add.f32 [tilespmem:s23], [sflag:$0x5], $0x80, s6, s21, $0xb8;
	[tilespmem:$0x1DC00] =	vst v63  }
0xb9: {  	_ =	swait.ge [sflag:s15], $0x4000  }
0xba: {  	[sflag:s15] =	ssyncset.done $0x0  }
0xbb: {  	s8 =	rddreg [dreg:$0x1b];
	[sflag:s15] =	ssyncadd.s32 $0xFFFFC000  }
0xbc: {  	[tilespmem:s23], [sflag:$0x4] =	stream.indirect.gather [hbm4b:s5+s21], $0x80, s8, s21, $0xb8;
	[tilespmem:$0x1DC00] =	vst v63  }
0xbd: {  	_ =	swait.ge [sflag:s24], $0x4000  }
0xbe: {  	[sflag:s24] =	ssyncset.done $0x0  }
0xbf: {  	s10 =	rddreg [dreg:$0x1c];
	[sflag:s24] =	ssyncadd.s32 $0xFFFFC000  }
0xc0: {  	[spmem:s2] =	stream.indirect.scatter.add.f32 [tilespmem:s22], [sflag:$0x5], $0x80, s10, s21, $0xb8;
	[tilespmem:$0x1DC00] =	vst v63  }
0xc1: {  	_ =	swait.ge [sflag:s15], $0x4000  }
0xc2: {  	[sflag:s15] =	ssyncset.done $0x0  }
0xc3: {  	s11 =	rddreg [dreg:$0x1d];
	[sflag:s15] =	ssyncadd.s32 $0xFFFFC000  }
0xc4: {  	[tilespmem:s22], [sflag:$0x3] =	stream.indirect.gather [hbm4b:s5+s21], $0x80, s11, s21, $0xb8;
	[tilespmem:$0x1DC00] =	vst v63  }
0xc5: {  	_ =	swait.ge [sflag:s25], $0x4000  }
0xc6: {  	[sflag:s25] =	ssyncset.done $0x0  }
0xc7: {  	s13 =	rddreg [dreg:$0x1e];
	[sflag:s25] =	ssyncadd.s32 $0xFFFFC000  }
0xc8: {  	[spmem:s2] =	stream.indirect.scatter.add.f32 [tilespmem:s23], [sflag:$0x5], $0x80, s13, s21, $0xb8;
	[tilespmem:$0x1DC00] =	vst v63  }
0xc9: {  	_ =	swait.ge [sflag:s15], $0x4000  }
0xca: {  	[sflag:s15] =	ssyncset.done $0x0  }
0xcb: {  	s6 =	rddreg [dreg:$0x1f];
	[sflag:s15] =	ssyncadd.s32 $0xFFFFC000  }
0xcc: {  	[tilespmem:s23], [sflag:$0x4] =	stream.indirect.gather [hbm4b:s5+s21], $0x80, s6, s21, $0xb8;
	[tilespmem:$0x1DC00] =	vst v63  }
0xcd: {  	_ =	swait.ge [sflag:s24], $0x4000  }
0xce: {  	s8 =	sld [smem:$0x7DE]  }
0xcf: {  	[sflag:s24] =	ssyncset.done $0x0  }
0xd0: {  	[sflag:s24] =	ssyncadd.s32 $0xFFFFC000  }
0xd1: {  	[spmem:s2] =	stream.indirect.scatter.add.f32 [tilespmem:s22], [sflag:$0x5], $0x80, s8, s21, $0xb8;
	[tilespmem:$0x1DC00] =	vst v63  }
0xd2: {  	_ =	swait.ge [sflag:s15], $0x4000  }
0xd3: {  	[sflag:s15] =	ssyncset.done $0x0  }
0xd4: {  	[sflag:s15] =	ssyncadd.s32 $0xFFFFC000  }
0xd5: {  	_ =	swait.ge [sflag:s25], $0x4000  }
0xd6: {  	s10 =	sld [smem:$0x7DF]  }
0xd7: {  	[sflag:s25] =	ssyncset.done $0x0  }
0xd8: {  	[sflag:s25] =	ssyncadd.s32 $0xFFFFC000  }
0xd9: {  	[spmem:s2] =	stream.indirect.scatter.add.f32 [tilespmem:s23], [sflag:$0x5], $0x80, s10, s21, $0xb8;
	[tilespmem:$0x1DC00] =	vst v63  }
0xda: {  	_ =	swait.ge [sflag:s15], $0x4000  }
0xdb: {  	[sflag:s15] =	ssyncset.done $0x0  }
0xdc: {  	[sflag:s15] =	ssyncadd.s32 $0xFFFFC000  }
0xdd: {  	_ =	swait.ge [sflag:s26], $0x800  }
0xde: {  	[sflag:s26] =	ssyncset.done $0x0  }
0xdf: {  	p0 =	por $0x0, $0x0;
	[sflag:s26] =	ssyncadd.s32 $0xFFFFF800  }
0xe0: {  	s1 =	sshrl.u32 @!p0 s0, $0x3;
	_ =	swait.ge [sflag:s26], $0x800  }
0xe1: {  	s13 =	sadd.s32 @!p0 s4, s1;
	[sflag:s26] =	ssyncset.done $0x0  }
0xe2: {  	s6 =	simm.s32 @!p0 $0x13C00;
	s8 =	simm.s32 @!p0 $0x0;
	[sflag:s26] =	ssyncadd.s32 $0xFFFFF800  }
0xe3: {  	[tilespmem:s6], [sflag:$0x1] =	stream.linear.gather @!p0 [hbm4b:s13+s8], $0x800, $0x38;
	[tilespmem:$0x1DC00] =	vst v63  }
0xe4: {  	s1 =	sadd.s32 @!p0 s1, s9;
	s6 =	simm.s32 @!p0 $0x14400  }
0xe5: {  	[tilespmem:s6], [sflag:$0x1] =	stream.linear.gather @!p0 [hbm4b:s1+s8], $0x800, $0x38;
	[tilespmem:$0x1DC00] =	vst v63  }
0xe6: {  	s11 =	sld [smem:$0x7E0]  }
0xe7: {  	[tilespmem:s22], [sflag:$0x3] =	stream.indirect.gather [hbm4b:s5+s21], $0x80, s19, s21, $0xb8;
	[tilespmem:$0x1DC00] =	vst v63  }
0xe8: {  	_ = 	snop  }
0xe9: {  	[tilespmem:s23], [sflag:$0x4] =	stream.indirect.gather [hbm4b:s5+s21], $0x80, s11, s21, $0xb8;
	[tilespmem:$0x1DC00] =	vst v63  }
0xea: {  	_ =	swait.ge [sflag:s24], $0x4000  }
0xeb: {  	[sflag:s24] =	ssyncset.done $0x0  }
0xec: {  	[sflag:s24] =	ssyncadd.s32 $0xFFFFC000  }
0xed: {  	[spmem:s2] =	stream.indirect.scatter.add.f32 [tilespmem:s22], [sflag:$0x5], $0x80, s20, s21, $0xb8;
	[tilespmem:$0x1DC00] =	vst v63  }
0xee: {  	_ =	swait.ge [sflag:s15], $0x4000  }
0xef: {  	s13 =	sld [smem:$0x7E1]  }
0xf0: {  	[sflag:s15] =	ssyncset.done $0x0  }
0xf1: {  	[sflag:s15] =	ssyncadd.s32 $0xFFFFC000  }
0xf2: {  	[tilespmem:s22], [sflag:$0x3] =	stream.indirect.gather [hbm4b:s5+s21], $0x80, s13, s21, $0xb8;
	[tilespmem:$0x1DC00] =	vst v63  }
0xf3: {  	_ =	swait.ge [sflag:s25], $0x4000  }
0xf4: {  	s6 =	sld [smem:$0x7E2]  }
0xf5: {  	[sflag:s25] =	ssyncset.done $0x0  }
0xf6: {  	[sflag:s25] =	ssyncadd.s32 $0xFFFFC000  }
0xf7: {  	[spmem:s2] =	stream.indirect.scatter.add.f32 [tilespmem:s23], [sflag:$0x5], $0x80, s6, s21, $0xb8;
	[tilespmem:$0x1DC00] =	vst v63  }
0xf8: {  	_ =	swait.ge [sflag:s15], $0x4000  }
0xf9: {  	s8 =	sld [smem:$0x7E3]  }
0xfa: {  	[sflag:s15] =	ssyncset.done $0x0  }
0xfb: {  	[sflag:s15] =	ssyncadd.s32 $0xFFFFC000  }
0xfc: {  	[tilespmem:s23], [sflag:$0x4] =	stream.indirect.gather [hbm4b:s5+s21], $0x80, s8, s21, $0xb8;
	[tilespmem:$0x1DC00] =	vst v63  }
0xfd: {  	_ =	swait.ge [sflag:s24], $0x4000  }
0xfe: {  	s10 =	sld [smem:$0x7E4]  }
0xff: {  	[sflag:s24] =	ssyncset.done $0x0  }
0x100: {  	[sflag:s24] =	ssyncadd.s32 $0xFFFFC000  }
0x101: {  	[spmem:s2] =	stream.indirect.scatter.add.f32 [tilespmem:s22], [sflag:$0x5], $0x80, s10, s21, $0xb8;
	[tilespmem:$0x1DC00] =	vst v63  }
0x102: {  	_ =	swait.ge [sflag:s15], $0x4000  }
0x103: {  	s11 =	sld [smem:$0x7E5]  }
0x104: {  	[sflag:s15] =	ssyncset.done $0x0  }
0x105: {  	[sflag:s15] =	ssyncadd.s32 $0xFFFFC000  }
0x106: {  	[tilespmem:s22], [sflag:$0x3] =	stream.indirect.gather [hbm4b:s5+s21], $0x80, s11, s21, $0xb8;
	[tilespmem:$0x1DC00] =	vst v63  }
0x107: {  	_ =	swait.ge [sflag:s25], $0x4000  }
0x108: {  	s13 =	sld [smem:$0x7E7]  }
0x109: {  	[sflag:s25] =	ssyncset.done $0x0  }
0x10a: {  	[sflag:s25] =	ssyncadd.s32 $0xFFFFC000  }
0x10b: {  	[spmem:s2] =	stream.indirect.scatter.add.f32 [tilespmem:s23], [sflag:$0x5], $0x80, s13, s21, $0xb8;
	[tilespmem:$0x1DC00] =	vst v63  }
0x10c: {  	_ =	swait.ge [sflag:s15], $0x4000  }
0x10d: {  	s6 =	sld [smem:$0x7E8]  }
0x10e: {  	[sflag:s15] =	ssyncset.done $0x0  }
0x10f: {  	[sflag:s15] =	ssyncadd.s32 $0xFFFFC000  }
0x110: {  	[tilespmem:s23], [sflag:$0x4] =	stream.indirect.gather [hbm4b:s5+s21], $0x80, s6, s21, $0xb8;
	[tilespmem:$0x1DC00] =	vst v63  }
0x111: {  	_ =	swait.ge [sflag:s24], $0x4000  }
0x112: {  	s8 =	sld [smem:$0x7EA]  }
0x113: {  	[sflag:s24] =	ssyncset.done $0x0  }
0x114: {  	[sflag:s24] =	ssyncadd.s32 $0xFFFFC000  }
0x115: {  	[spmem:s2] =	stream.indirect.scatter.add.f32 [tilespmem:s22], [sflag:$0x5], $0x80, s8, s21, $0xb8;
	[tilespmem:$0x1DC00] =	vst v63  }
0x116: {  	_ =	swait.ge [sflag:s15], $0x4000  }
0x117: {  	s10 =	sld [smem:$0x7EB]  }
0x118: {  	[sflag:s15] =	ssyncset.done $0x0  }
0x119: {  	[sflag:s15] =	ssyncadd.s32 $0xFFFFC000  }
0x11a: {  	[tilespmem:s22], [sflag:$0x3] =	stream.indirect.gather [hbm4b:s5+s21], $0x80, s10, s21, $0xb8;
	[tilespmem:$0x1DC00] =	vst v63  }
0x11b: {  	_ =	swait.ge [sflag:s25], $0x4000  }
0x11c: {  	s11 =	sld [smem:$0x7EC]  }
0x11d: {  	[sflag:s25] =	ssyncset.done $0x0  }
0x11e: {  	[sflag:s25] =	ssyncadd.s32 $0xFFFFC000  }
0x11f: {  	[spmem:s2] =	stream.indirect.scatter.add.f32 [tilespmem:s23], [sflag:$0x5], $0x80, s11, s21, $0xb8;
	[tilespmem:$0x1DC00] =	vst v63  }
0x120: {  	_ =	swait.ge [sflag:s15], $0x4000  }
0x121: {  	s13 =	sld [smem:$0x7EE]  }
0x122: {  	[sflag:s15] =	ssyncset.done $0x0  }
0x123: {  	[sflag:s15] =	ssyncadd.s32 $0xFFFFC000  }
0x124: {  	[tilespmem:s23], [sflag:$0x4] =	stream.indirect.gather [hbm4b:s5+s21], $0x80, s13, s21, $0xb8;
	[tilespmem:$0x1DC00] =	vst v63  }
0x125: {  	_ =	swait.ge [sflag:s24], $0x4000  }
0x126: {  	s6 =	sld [smem:$0x7EF]  }
0x127: {  	[sflag:s24] =	ssyncset.done $0x0  }
0x128: {  	[sflag:s24] =	ssyncadd.s32 $0xFFFFC000  }
0x129: {  	[spmem:s2] =	stream.indirect.scatter.add.f32 [tilespmem:s22], [sflag:$0x5], $0x80, s6, s21, $0xb8;
	[tilespmem:$0x1DC00] =	vst v63  }
0x12a: {  	_ =	swait.ge [sflag:s15], $0x4000  }
0x12b: {  	s8 =	sld [smem:$0x7F0]  }
0x12c: {  	[sflag:s15] =	ssyncset.done $0x0  }
0x12d: {  	[sflag:s15] =	ssyncadd.s32 $0xFFFFC000  }
0x12e: {  	[tilespmem:s22], [sflag:$0x3] =	stream.indirect.gather [hbm4b:s5+s21], $0x80, s8, s21, $0xb8;
	[tilespmem:$0x1DC00] =	vst v63  }
0x12f: {  	_ =	swait.ge [sflag:s25], $0x4000  }
0x130: {  	s10 =	sld [smem:$0x7F1]  }
0x131: {  	[sflag:s25] =	ssyncset.done $0x0  }
0x132: {  	[sflag:s25] =	ssyncadd.s32 $0xFFFFC000  }
0x133: {  	[spmem:s2] =	stream.indirect.scatter.add.f32 [tilespmem:s23], [sflag:$0x5], $0x80, s10, s21, $0xb8;
	[tilespmem:$0x1DC00] =	vst v63  }
0x134: {  	_ =	swait.ge [sflag:s15], $0x4000  }
0x135: {  	s11 =	sld [smem:$0x7F2]  }
0x136: {  	[sflag:s15] =	ssyncset.done $0x0  }
0x137: {  	[sflag:s15] =	ssyncadd.s32 $0xFFFFC000  }
0x138: {  	[tilespmem:s23], [sflag:$0x4] =	stream.indirect.gather [hbm4b:s5+s21], $0x80, s11, s21, $0xb8;
	[tilespmem:$0x1DC00] =	vst v63  }
0x139: {  	_ =	swait.ge [sflag:s24], $0x4000  }
0x13a: {  	s13 =	sld [smem:$0x7F3]  }
0x13b: {  	[sflag:s24] =	ssyncset.done $0x0  }
0x13c: {  	[sflag:s24] =	ssyncadd.s32 $0xFFFFC000  }
0x13d: {  	[spmem:s2] =	stream.indirect.scatter.add.f32 [tilespmem:s22], [sflag:$0x5], $0x80, s13, s21, $0xb8;
	[tilespmem:$0x1DC00] =	vst v63  }
0x13e: {  	_ =	swait.ge [sflag:s15], $0x4000  }
0x13f: {  	s6 =	sld [smem:$0x7F4]  }
0x140: {  	[sflag:s15] =	ssyncset.done $0x0  }
0x141: {  	[sflag:s15] =	ssyncadd.s32 $0xFFFFC000  }
0x142: {  	[tilespmem:s22], [sflag:$0x3] =	stream.indirect.gather [hbm4b:s5+s21], $0x80, s6, s21, $0xb8;
	[tilespmem:$0x1DC00] =	vst v63  }
0x143: {  	_ =	swait.ge [sflag:s25], $0x4000  }
0x144: {  	s8 =	sld [smem:$0x7F5]  }
0x145: {  	[sflag:s25] =	ssyncset.done $0x0  }
0x146: {  	[sflag:s25] =	ssyncadd.s32 $0xFFFFC000  }
0x147: {  	[spmem:s2] =	stream.indirect.scatter.add.f32 [tilespmem:s23], [sflag:$0x5], $0x80, s8, s21, $0xb8;
	[tilespmem:$0x1DC00] =	vst v63  }
0x148: {  	_ =	swait.ge [sflag:s15], $0x4000  }
0x149: {  	s10 =	sld [smem:$0x7F6]  }
0x14a: {  	[sflag:s15] =	ssyncset.done $0x0  }
0x14b: {  	[sflag:s15] =	ssyncadd.s32 $0xFFFFC000  }
0x14c: {  	[tilespmem:s23], [sflag:$0x4] =	stream.indirect.gather [hbm4b:s5+s21], $0x80, s10, s21, $0xb8;
	[tilespmem:$0x1DC00] =	vst v63  }
0x14d: {  	_ =	swait.ge [sflag:s24], $0x4000  }
0x14e: {  	s11 =	sld [smem:$0x7F7]  }
0x14f: {  	[sflag:s24] =	ssyncset.done $0x0  }
0x150: {  	[sflag:s24] =	ssyncadd.s32 $0xFFFFC000  }
0x151: {  	[spmem:s2] =	stream.indirect.scatter.add.f32 [tilespmem:s22], [sflag:$0x5], $0x80, s11, s21, $0xb8;
	[tilespmem:$0x1DC00] =	vst v63  }
0x152: {  	_ =	swait.ge [sflag:s15], $0x4000  }
0x153: {  	s13 =	sld [smem:$0x7F8]  }
0x154: {  	[sflag:s15] =	ssyncset.done $0x0  }
0x155: {  	[sflag:s15] =	ssyncadd.s32 $0xFFFFC000  }
0x156: {  	[tilespmem:s22], [sflag:$0x3] =	stream.indirect.gather [hbm4b:s5+s21], $0x80, s13, s21, $0xb8;
	[tilespmem:$0x1DC00] =	vst v63  }
0x157: {  	_ =	swait.ge [sflag:s25], $0x4000  }
0x158: {  	s6 =	sld [smem:$0x7F9]  }
0x159: {  	[sflag:s25] =	ssyncset.done $0x0  }
0x15a: {  	[sflag:s25] =	ssyncadd.s32 $0xFFFFC000  }
0x15b: {  	[spmem:s2] =	stream.indirect.scatter.add.f32 [tilespmem:s23], [sflag:$0x5], $0x80, s6, s21, $0xb8;
	[tilespmem:$0x1DC00] =	vst v63  }
0x15c: {  	_ =	swait.ge [sflag:s15], $0x4000  }
0x15d: {  	s8 =	sld [smem:$0x7FA]  }
0x15e: {  	[sflag:s15] =	ssyncset.done $0x0  }
0x15f: {  	[sflag:s15] =	ssyncadd.s32 $0xFFFFC000  }
0x160: {  	[tilespmem:s23], [sflag:$0x4] =	stream.indirect.gather [hbm4b:s5+s21], $0x80, s8, s21, $0xb8;
	[tilespmem:$0x1DC00] =	vst v63  }
0x161: {  	_ =	swait.ge [sflag:s24], $0x4000  }
0x162: {  	s10 =	sld [smem:$0x7FB]  }
0x163: {  	[sflag:s24] =	ssyncset.done $0x0  }
0x164: {  	[sflag:s24] =	ssyncadd.s32 $0xFFFFC000  }
0x165: {  	[spmem:s2] =	stream.indirect.scatter.add.f32 [tilespmem:s22], [sflag:$0x5], $0x80, s10, s21, $0xb8;
	[tilespmem:$0x1DC00] =	vst v63  }
0x166: {  	_ =	swait.ge [sflag:s15], $0x4000  }
0x167: {  	s11 =	sld [smem:$0x7FC]  }
0x168: {  	[sflag:s15] =	ssyncset.done $0x0  }
0x169: {  	[sflag:s15] =	ssyncadd.s32 $0xFFFFC000  }
0x16a: {  	[tilespmem:s22], [sflag:$0x3] =	stream.indirect.gather [hbm4b:s5+s21], $0x80, s11, s21, $0xb8;
	[tilespmem:$0x1DC00] =	vst v63  }
0x16b: {  	_ =	swait.ge [sflag:s25], $0x4000  }
0x16c: {  	s13 =	sld [smem:$0x7FD]  }
0x16d: {  	[sflag:s25] =	ssyncset.done $0x0  }
0x16e: {  	[sflag:s25] =	ssyncadd.s32 $0xFFFFC000  }
0x16f: {  	[spmem:s2] =	stream.indirect.scatter.add.f32 [tilespmem:s23], [sflag:$0x5], $0x80, s13, s21, $0xb8;
	[tilespmem:$0x1DC00] =	vst v63  }
0x170: {  	_ =	swait.ge [sflag:s15], $0x4000  }
0x171: {  	[sflag:s15] =	ssyncset.done $0x0  }
0x172: {  	[sflag:s15] =	ssyncadd.s32 $0xFFFFC000  }
0x173: {  	[tilespmem:s23], [sflag:$0x4] =	stream.indirect.gather [hbm4b:s5+s21], $0x80, s28, s21, $0xb8;
	[tilespmem:$0x1DC00] =	vst v63  }
0x174: {  	_ =	swait.ge [sflag:s24], $0x4000  }
0x175: {  	[sflag:s24] =	ssyncset.done $0x0  }
0x176: {  	[sflag:s24] =	ssyncadd.s32 $0xFFFFC000  }
0x177: {  	[spmem:s2] =	stream.indirect.scatter.add.f32 [tilespmem:s22], [sflag:$0x5], $0x80, s29, s21, $0xb8;
	[tilespmem:$0x1DC00] =	vst v63  }
0x178: {  	_ =	swait.ge [sflag:s15], $0x4000  }
0x179: {  	[sflag:s15] =	ssyncset.done $0x0  }
0x17a: {  	[sflag:s15] =	ssyncadd.s32 $0xFFFFC000  }
0x17b: {  	_ =	swait.ge [sflag:s25], $0x4000  }
0x17c: {  	[sflag:s25] =	ssyncset.done $0x0  }
0x17d: {  	[sflag:s25] =	ssyncadd.s32 $0xFFFFC000  }
0x17e: {  	[spmem:s2] =	stream.indirect.scatter.add.f32 [tilespmem:s23], [sflag:$0x5], $0x80, s30, s21, $0xb8;
	[tilespmem:$0x1DC00] =	vst v63  }
0x17f: {  	_ =	swait.ge [sflag:s15], $0x4000  }
0x180: {  	s1 =	simm.s32 $0x400;
	s13 =	smov.u32 s0;
	[sflag:s15] =	ssyncset.done $0x0  }
.LBB2_2:
0x181: {  	[sflag:s15] =	ssyncadd.s32 $0xFFFFC000  }
0x182: {  	_ =	swait.ge [sflag:s18], $0x800  }
0x183: {  	[sflag:s18] =	ssyncset.done $0x0  }
0x184: {  	[sflag:s18] =	ssyncadd.s32 $0xFFFFF800  }
0x185: {  	_ =	swait.ge [sflag:s18], $0x800  }
0x186: {  	s6 =	smov.u32 s1;
	s8 =	rddreg [dreg:$0x3];
	[sflag:s18] =	ssyncset.done $0x0  }
0x187: {  	[sflag:s18] =	ssyncadd.s32 $0xFFFFF800;
	s8 =	sadd.s32 s6, s8  }
0x188: {  	[tilespmem:s19], [sflag:$0x2] =	stream.linear.gather [hbm4b:s8+s3], $0x800, $0x38;
	[tilespmem:$0x1DC00] =	vst v63  }
0x189: {  	s8 =	sadd.s32 $0x100, s8  }
0x18a: {  	[tilespmem:s20], [sflag:$0x2] =	stream.linear.gather [hbm4b:s8+s3], $0x800, $0x38;
	[tilespmem:$0x1DC00] =	vst v63  }
0x18b: {  	_ = 	snop  }
0x18c: {  	[tilespmem:s22], [sflag:$0x3] =	stream.indirect.gather [hbm4b:s5+s21], $0x80, s16, s21, $0xb8;
	[tilespmem:$0x1DC00] =	vst v63  }
0x18d: {  	s10 =	rddreg [dreg:$0x4]  }
0x18e: {  	[tilespmem:s23], [sflag:$0x4] =	stream.indirect.gather [hbm4b:s5+s21], $0x80, s10, s21, $0xb8;
	[tilespmem:$0x1DC00] =	vst v63  }
0x18f: {  	_ =	swait.ge [sflag:s24], $0x4000  }
0x190: {  	[sflag:s24] =	ssyncset.done $0x0  }
0x191: {  	[sflag:s24] =	ssyncadd.s32 $0xFFFFC000  }
0x192: {  	[spmem:s2] =	stream.indirect.scatter.add.f32 [tilespmem:s22], [sflag:$0x5], $0x80, s17, s21, $0xb8;
	[tilespmem:$0x1DC00] =	vst v63  }
0x193: {  	_ =	swait.ge [sflag:s15], $0x4000  }
0x194: {  	[sflag:s15] =	ssyncset.done $0x0  }
0x195: {  	s11 =	rddreg [dreg:$0x5];
	[sflag:s15] =	ssyncadd.s32 $0xFFFFC000  }
0x196: {  	[tilespmem:s22], [sflag:$0x3] =	stream.indirect.gather [hbm4b:s5+s21], $0x80, s11, s21, $0xb8;
	[tilespmem:$0x1DC00] =	vst v63  }
0x197: {  	_ =	swait.ge [sflag:s25], $0x4000  }
0x198: {  	[sflag:s25] =	ssyncset.done $0x0  }
0x199: {  	s10 =	rddreg [dreg:$0x6];
	[sflag:s25] =	ssyncadd.s32 $0xFFFFC000  }
0x19a: {  	[spmem:s2] =	stream.indirect.scatter.add.f32 [tilespmem:s23], [sflag:$0x5], $0x80, s10, s21, $0xb8;
	[tilespmem:$0x1DC00] =	vst v63  }
0x19b: {  	_ =	swait.ge [sflag:s15], $0x4000  }
0x19c: {  	[sflag:s15] =	ssyncset.done $0x0  }
0x19d: {  	s11 =	rddreg [dreg:$0x7];
	[sflag:s15] =	ssyncadd.s32 $0xFFFFC000  }
0x19e: {  	[tilespmem:s23], [sflag:$0x4] =	stream.indirect.gather [hbm4b:s5+s21], $0x80, s11, s21, $0xb8;
	[tilespmem:$0x1DC00] =	vst v63  }
0x19f: {  	_ =	swait.ge [sflag:s24], $0x4000  }
0x1a0: {  	[sflag:s24] =	ssyncset.done $0x0  }
0x1a1: {  	s10 =	rddreg [dreg:$0x8];
	[sflag:s24] =	ssyncadd.s32 $0xFFFFC000  }
0x1a2: {  	[spmem:s2] =	stream.indirect.scatter.add.f32 [tilespmem:s22], [sflag:$0x5], $0x80, s10, s21, $0xb8;
	[tilespmem:$0x1DC00] =	vst v63  }
0x1a3: {  	_ =	swait.ge [sflag:s15], $0x4000  }
0x1a4: {  	[sflag:s15] =	ssyncset.done $0x0  }
0x1a5: {  	s11 =	rddreg [dreg:$0x9];
	[sflag:s15] =	ssyncadd.s32 $0xFFFFC000  }
0x1a6: {  	[tilespmem:s22], [sflag:$0x3] =	stream.indirect.gather [hbm4b:s5+s21], $0x80, s11, s21, $0xb8;
	[tilespmem:$0x1DC00] =	vst v63  }
0x1a7: {  	_ =	swait.ge [sflag:s25], $0x4000  }
0x1a8: {  	[sflag:s25] =	ssyncset.done $0x0  }
0x1a9: {  	s10 =	rddreg [dreg:$0xa];
	[sflag:s25] =	ssyncadd.s32 $0xFFFFC000  }
0x1aa: {  	[spmem:s2] =	stream.indirect.scatter.add.f32 [tilespmem:s23], [sflag:$0x5], $0x80, s10, s21, $0xb8;
	[tilespmem:$0x1DC00] =	vst v63  }
0x1ab: {  	_ =	swait.ge [sflag:s15], $0x4000  }
0x1ac: {  	[sflag:s15] =	ssyncset.done $0x0  }
0x1ad: {  	s11 =	rddreg [dreg:$0xb];
	[sflag:s15] =	ssyncadd.s32 $0xFFFFC000  }
0x1ae: {  	[tilespmem:s23], [sflag:$0x4] =	stream.indirect.gather [hbm4b:s5+s21], $0x80, s11, s21, $0xb8;
	[tilespmem:$0x1DC00] =	vst v63  }
0x1af: {  	_ =	swait.ge [sflag:s24], $0x4000  }
0x1b0: {  	[sflag:s24] =	ssyncset.done $0x0  }
0x1b1: {  	s10 =	rddreg [dreg:$0xc];
	[sflag:s24] =	ssyncadd.s32 $0xFFFFC000  }
0x1b2: {  	[spmem:s2] =	stream.indirect.scatter.add.f32 [tilespmem:s22], [sflag:$0x5], $0x80, s10, s21, $0xb8;
	[tilespmem:$0x1DC00] =	vst v63  }
0x1b3: {  	_ =	swait.ge [sflag:s15], $0x4000  }
0x1b4: {  	[sflag:s15] =	ssyncset.done $0x0  }
0x1b5: {  	s11 =	rddreg [dreg:$0xd];
	[sflag:s15] =	ssyncadd.s32 $0xFFFFC000  }
0x1b6: {  	[tilespmem:s22], [sflag:$0x3] =	stream.indirect.gather [hbm4b:s5+s21], $0x80, s11, s21, $0xb8;
	[tilespmem:$0x1DC00] =	vst v63  }
0x1b7: {  	_ =	swait.ge [sflag:s25], $0x4000  }
0x1b8: {  	[sflag:s25] =	ssyncset.done $0x0  }
0x1b9: {  	s10 =	rddreg [dreg:$0xe];
	[sflag:s25] =	ssyncadd.s32 $0xFFFFC000  }
0x1ba: {  	[spmem:s2] =	stream.indirect.scatter.add.f32 [tilespmem:s23], [sflag:$0x5], $0x80, s10, s21, $0xb8;
	[tilespmem:$0x1DC00] =	vst v63  }
0x1bb: {  	_ =	swait.ge [sflag:s15], $0x4000  }
0x1bc: {  	[sflag:s15] =	ssyncset.done $0x0  }
0x1bd: {  	s11 =	rddreg [dreg:$0xf];
	[sflag:s15] =	ssyncadd.s32 $0xFFFFC000  }
0x1be: {  	[tilespmem:s23], [sflag:$0x4] =	stream.indirect.gather [hbm4b:s5+s21], $0x80, s11, s21, $0xb8;
	[tilespmem:$0x1DC00] =	vst v63  }
0x1bf: {  	_ =	swait.ge [sflag:s24], $0x4000  }
0x1c0: {  	[sflag:s24] =	ssyncset.done $0x0  }
0x1c1: {  	s10 =	rddreg [dreg:$0x10];
	[sflag:s24] =	ssyncadd.s32 $0xFFFFC000  }
0x1c2: {  	[spmem:s2] =	stream.indirect.scatter.add.f32 [tilespmem:s22], [sflag:$0x5], $0x80, s10, s21, $0xb8;
	[tilespmem:$0x1DC00] =	vst v63  }
0x1c3: {  	_ =	swait.ge [sflag:s15], $0x4000  }
0x1c4: {  	[sflag:s15] =	ssyncset.done $0x0  }
0x1c5: {  	s11 =	rddreg [dreg:$0x11];
	[sflag:s15] =	ssyncadd.s32 $0xFFFFC000  }
0x1c6: {  	[tilespmem:s22], [sflag:$0x3] =	stream.indirect.gather [hbm4b:s5+s21], $0x80, s11, s21, $0xb8;
	[tilespmem:$0x1DC00] =	vst v63  }
0x1c7: {  	_ =	swait.ge [sflag:s25], $0x4000  }
0x1c8: {  	[sflag:s25] =	ssyncset.done $0x0  }
0x1c9: {  	s10 =	rddreg [dreg:$0x12];
	[sflag:s25] =	ssyncadd.s32 $0xFFFFC000  }
0x1ca: {  	[spmem:s2] =	stream.indirect.scatter.add.f32 [tilespmem:s23], [sflag:$0x5], $0x80, s10, s21, $0xb8;
	[tilespmem:$0x1DC00] =	vst v63  }
0x1cb: {  	_ =	swait.ge [sflag:s15], $0x4000  }
0x1cc: {  	[sflag:s15] =	ssyncset.done $0x0  }
0x1cd: {  	s11 =	rddreg [dreg:$0x13];
	[sflag:s15] =	ssyncadd.s32 $0xFFFFC000  }
0x1ce: {  	[tilespmem:s23], [sflag:$0x4] =	stream.indirect.gather [hbm4b:s5+s21], $0x80, s11, s21, $0xb8;
	[tilespmem:$0x1DC00] =	vst v63  }
0x1cf: {  	_ =	swait.ge [sflag:s24], $0x4000  }
0x1d0: {  	[sflag:s24] =	ssyncset.done $0x0  }
0x1d1: {  	s10 =	rddreg [dreg:$0x14];
	[sflag:s24] =	ssyncadd.s32 $0xFFFFC000  }
0x1d2: {  	[spmem:s2] =	stream.indirect.scatter.add.f32 [tilespmem:s22], [sflag:$0x5], $0x80, s10, s21, $0xb8;
	[tilespmem:$0x1DC00] =	vst v63  }
0x1d3: {  	_ =	swait.ge [sflag:s15], $0x4000  }
0x1d4: {  	[sflag:s15] =	ssyncset.done $0x0  }
0x1d5: {  	s11 =	rddreg [dreg:$0x15];
	[sflag:s15] =	ssyncadd.s32 $0xFFFFC000  }
0x1d6: {  	[tilespmem:s22], [sflag:$0x3] =	stream.indirect.gather [hbm4b:s5+s21], $0x80, s11, s21, $0xb8;
	[tilespmem:$0x1DC00] =	vst v63  }
0x1d7: {  	_ =	swait.ge [sflag:s25], $0x4000  }
0x1d8: {  	[sflag:s25] =	ssyncset.done $0x0  }
0x1d9: {  	s10 =	rddreg [dreg:$0x16];
	[sflag:s25] =	ssyncadd.s32 $0xFFFFC000  }
0x1da: {  	[spmem:s2] =	stream.indirect.scatter.add.f32 [tilespmem:s23], [sflag:$0x5], $0x80, s10, s21, $0xb8;
	[tilespmem:$0x1DC00] =	vst v63  }
0x1db: {  	_ =	swait.ge [sflag:s15], $0x4000  }
0x1dc: {  	[sflag:s15] =	ssyncset.done $0x0  }
0x1dd: {  	s11 =	rddreg [dreg:$0x17];
	[sflag:s15] =	ssyncadd.s32 $0xFFFFC000  }
0x1de: {  	[tilespmem:s23], [sflag:$0x4] =	stream.indirect.gather [hbm4b:s5+s21], $0x80, s11, s21, $0xb8;
	[tilespmem:$0x1DC00] =	vst v63  }
0x1df: {  	_ =	swait.ge [sflag:s24], $0x4000  }
0x1e0: {  	[sflag:s24] =	ssyncset.done $0x0  }
0x1e1: {  	s10 =	rddreg [dreg:$0x18];
	[sflag:s24] =	ssyncadd.s32 $0xFFFFC000  }
0x1e2: {  	[spmem:s2] =	stream.indirect.scatter.add.f32 [tilespmem:s22], [sflag:$0x5], $0x80, s10, s21, $0xb8;
	[tilespmem:$0x1DC00] =	vst v63  }
0x1e3: {  	_ =	swait.ge [sflag:s15], $0x4000  }
0x1e4: {  	[sflag:s15] =	ssyncset.done $0x0  }
0x1e5: {  	s11 =	rddreg [dreg:$0x19];
	[sflag:s15] =	ssyncadd.s32 $0xFFFFC000  }
0x1e6: {  	[tilespmem:s22], [sflag:$0x3] =	stream.indirect.gather [hbm4b:s5+s21], $0x80, s11, s21, $0xb8;
	[tilespmem:$0x1DC00] =	vst v63  }
0x1e7: {  	_ =	swait.ge [sflag:s25], $0x4000  }
0x1e8: {  	[sflag:s25] =	ssyncset.done $0x0  }
0x1e9: {  	s10 =	rddreg [dreg:$0x1a];
	[sflag:s25] =	ssyncadd.s32 $0xFFFFC000  }
0x1ea: {  	[spmem:s2] =	stream.indirect.scatter.add.f32 [tilespmem:s23], [sflag:$0x5], $0x80, s10, s21, $0xb8;
	[tilespmem:$0x1DC00] =	vst v63  }
0x1eb: {  	_ =	swait.ge [sflag:s15], $0x4000  }
0x1ec: {  	[sflag:s15] =	ssyncset.done $0x0  }
0x1ed: {  	s11 =	rddreg [dreg:$0x1b];
	[sflag:s15] =	ssyncadd.s32 $0xFFFFC000  }
0x1ee: {  	[tilespmem:s23], [sflag:$0x4] =	stream.indirect.gather [hbm4b:s5+s21], $0x80, s11, s21, $0xb8;
	[tilespmem:$0x1DC00] =	vst v63  }
0x1ef: {  	_ =	swait.ge [sflag:s24], $0x4000  }
0x1f0: {  	[sflag:s24] =	ssyncset.done $0x0  }
0x1f1: {  	s10 =	rddreg [dreg:$0x1c];
	[sflag:s24] =	ssyncadd.s32 $0xFFFFC000  }
0x1f2: {  	[spmem:s2] =	stream.indirect.scatter.add.f32 [tilespmem:s22], [sflag:$0x5], $0x80, s10, s21, $0xb8;
	[tilespmem:$0x1DC00] =	vst v63  }
0x1f3: {  	_ =	swait.ge [sflag:s15], $0x4000  }
0x1f4: {  	[sflag:s15] =	ssyncset.done $0x0  }
0x1f5: {  	s11 =	rddreg [dreg:$0x1d];
	[sflag:s15] =	ssyncadd.s32 $0xFFFFC000  }
0x1f6: {  	[tilespmem:s22], [sflag:$0x3] =	stream.indirect.gather [hbm4b:s5+s21], $0x80, s11, s21, $0xb8;
	[tilespmem:$0x1DC00] =	vst v63  }
0x1f7: {  	_ =	swait.ge [sflag:s25], $0x4000  }
0x1f8: {  	[sflag:s25] =	ssyncset.done $0x0  }
0x1f9: {  	s10 =	rddreg [dreg:$0x1e];
	[sflag:s25] =	ssyncadd.s32 $0xFFFFC000  }
0x1fa: {  	[spmem:s2] =	stream.indirect.scatter.add.f32 [tilespmem:s23], [sflag:$0x5], $0x80, s10, s21, $0xb8;
	[tilespmem:$0x1DC00] =	vst v63  }
0x1fb: {  	_ =	swait.ge [sflag:s15], $0x4000  }
0x1fc: {  	[sflag:s15] =	ssyncset.done $0x0  }
0x1fd: {  	s11 =	rddreg [dreg:$0x1f];
	[sflag:s15] =	ssyncadd.s32 $0xFFFFC000  }
0x1fe: {  	[tilespmem:s23], [sflag:$0x4] =	stream.indirect.gather [hbm4b:s5+s21], $0x80, s11, s21, $0xb8;
	[tilespmem:$0x1DC00] =	vst v63  }
0x1ff: {  	_ =	swait.ge [sflag:s24], $0x4000  }
0x200: {  	s10 =	sld [smem:$0x7DE]  }
0x201: {  	[sflag:s24] =	ssyncset.done $0x0  }
0x202: {  	[sflag:s24] =	ssyncadd.s32 $0xFFFFC000  }
0x203: {  	[spmem:s2] =	stream.indirect.scatter.add.f32 [tilespmem:s22], [sflag:$0x5], $0x80, s10, s21, $0xb8;
	[tilespmem:$0x1DC00] =	vst v63  }
0x204: {  	_ =	swait.ge [sflag:s15], $0x4000  }
0x205: {  	[sflag:s15] =	ssyncset.done $0x0  }
0x206: {  	[sflag:s15] =	ssyncadd.s32 $0xFFFFC000  }
0x207: {  	_ =	swait.ge [sflag:s25], $0x4000  }
0x208: {  	s11 =	sld [smem:$0x7DF]  }
0x209: {  	[sflag:s25] =	ssyncset.done $0x0  }
0x20a: {  	[sflag:s25] =	ssyncadd.s32 $0xFFFFC000  }
0x20b: {  	[spmem:s2] =	stream.indirect.scatter.add.f32 [tilespmem:s23], [sflag:$0x5], $0x80, s11, s21, $0xb8;
	[tilespmem:$0x1DC00] =	vst v63  }
0x20c: {  	_ =	swait.ge [sflag:s15], $0x4000  }
0x20d: {  	[sflag:s15] =	ssyncset.done $0x0  }
0x20e: {  	[sflag:s15] =	ssyncadd.s32 $0xFFFFC000  }
0x20f: {  	_ =	swait.ge [sflag:s26], $0x800  }
0x210: {  	[sflag:s26] =	ssyncset.done $0x0  }
0x211: {  	[sflag:s26] =	ssyncadd.s32 $0xFFFFF800  }
0x212: {  	s13 =	sadd.s32 $0x2000, s13;
	p1 =	seq.s32 s6, $0x1000;
	_ =	swait.ge [sflag:s26], $0x800  }
0x213: {  	s6 =	sshrl.u32 @!p1 s13, $0x3;
	s8 =	simm.s32 @!p1 $0x13C00;
	[sflag:s26] =	ssyncset.done $0x0  }
0x214: {  	s10 =	sadd.s32 @!p1 s4, s6;
	s11 =	simm.s32 @!p1 $0x0;
	[sflag:s26] =	ssyncadd.s32 $0xFFFFF800  }
0x215: {  	[tilespmem:s8], [sflag:$0x1] =	stream.linear.gather @!p1 [hbm4b:s10+s11], $0x800, $0x38;
	[tilespmem:$0x1DC00] =	vst v63  }
0x216: {  	s6 =	sadd.s32 @!p1 s6, s9;
	s8 =	simm.s32 @!p1 $0x14400  }
0x217: {  	[tilespmem:s8], [sflag:$0x1] =	stream.linear.gather @!p1 [hbm4b:s6+s11], $0x800, $0x38;
	[tilespmem:$0x1DC00] =	vst v63  }
0x218: {  	s8 =	sld [smem:$0x7E0]  }
0x219: {  	[tilespmem:s22], [sflag:$0x3] =	stream.indirect.gather [hbm4b:s5+s21], $0x80, s19, s21, $0xb8;
	[tilespmem:$0x1DC00] =	vst v63  }
0x21a: {  	_ = 	snop  }
0x21b: {  	[tilespmem:s23], [sflag:$0x4] =	stream.indirect.gather [hbm4b:s5+s21], $0x80, s8, s21, $0xb8;
	[tilespmem:$0x1DC00] =	vst v63  }
0x21c: {  	_ =	swait.ge [sflag:s24], $0x4000  }
0x21d: {  	[sflag:s24] =	ssyncset.done $0x0  }
0x21e: {  	[sflag:s24] =	ssyncadd.s32 $0xFFFFC000  }
0x21f: {  	[spmem:s2] =	stream.indirect.scatter.add.f32 [tilespmem:s22], [sflag:$0x5], $0x80, s20, s21, $0xb8;
	[tilespmem:$0x1DC00] =	vst v63  }
0x220: {  	_ =	swait.ge [sflag:s15], $0x4000  }
0x221: {  	s10 =	sld [smem:$0x7E1]  }
0x222: {  	[sflag:s15] =	ssyncset.done $0x0  }
0x223: {  	[sflag:s15] =	ssyncadd.s32 $0xFFFFC000  }
0x224: {  	[tilespmem:s22], [sflag:$0x3] =	stream.indirect.gather [hbm4b:s5+s21], $0x80, s10, s21, $0xb8;
	[tilespmem:$0x1DC00] =	vst v63  }
0x225: {  	_ =	swait.ge [sflag:s25], $0x4000  }
0x226: {  	s11 =	sld [smem:$0x7E2]  }
0x227: {  	[sflag:s25] =	ssyncset.done $0x0  }
0x228: {  	[sflag:s25] =	ssyncadd.s32 $0xFFFFC000  }
0x229: {  	[spmem:s2] =	stream.indirect.scatter.add.f32 [tilespmem:s23], [sflag:$0x5], $0x80, s11, s21, $0xb8;
	[tilespmem:$0x1DC00] =	vst v63  }
0x22a: {  	_ =	swait.ge [sflag:s15], $0x4000  }
0x22b: {  	s8 =	sld [smem:$0x7E3]  }
0x22c: {  	[sflag:s15] =	ssyncset.done $0x0  }
0x22d: {  	[sflag:s15] =	ssyncadd.s32 $0xFFFFC000  }
0x22e: {  	[tilespmem:s23], [sflag:$0x4] =	stream.indirect.gather [hbm4b:s5+s21], $0x80, s8, s21, $0xb8;
	[tilespmem:$0x1DC00] =	vst v63  }
0x22f: {  	_ =	swait.ge [sflag:s24], $0x4000  }
0x230: {  	s10 =	sld [smem:$0x7E4]  }
0x231: {  	[sflag:s24] =	ssyncset.done $0x0  }
0x232: {  	[sflag:s24] =	ssyncadd.s32 $0xFFFFC000  }
0x233: {  	[spmem:s2] =	stream.indirect.scatter.add.f32 [tilespmem:s22], [sflag:$0x5], $0x80, s10, s21, $0xb8;
	[tilespmem:$0x1DC00] =	vst v63  }
0x234: {  	_ =	swait.ge [sflag:s15], $0x4000  }
0x235: {  	s11 =	sld [smem:$0x7E5]  }
0x236: {  	[sflag:s15] =	ssyncset.done $0x0  }
0x237: {  	[sflag:s15] =	ssyncadd.s32 $0xFFFFC000  }
0x238: {  	[tilespmem:s22], [sflag:$0x3] =	stream.indirect.gather [hbm4b:s5+s21], $0x80, s11, s21, $0xb8;
	[tilespmem:$0x1DC00] =	vst v63  }
0x239: {  	_ =	swait.ge [sflag:s25], $0x4000  }
0x23a: {  	s8 =	sld [smem:$0x7E7]  }
0x23b: {  	[sflag:s25] =	ssyncset.done $0x0  }
0x23c: {  	[sflag:s25] =	ssyncadd.s32 $0xFFFFC000  }
0x23d: {  	[spmem:s2] =	stream.indirect.scatter.add.f32 [tilespmem:s23], [sflag:$0x5], $0x80, s8, s21, $0xb8;
	[tilespmem:$0x1DC00] =	vst v63  }
0x23e: {  	_ =	swait.ge [sflag:s15], $0x4000  }
0x23f: {  	s10 =	sld [smem:$0x7E8]  }
0x240: {  	[sflag:s15] =	ssyncset.done $0x0  }
0x241: {  	[sflag:s15] =	ssyncadd.s32 $0xFFFFC000  }
0x242: {  	[tilespmem:s23], [sflag:$0x4] =	stream.indirect.gather [hbm4b:s5+s21], $0x80, s10, s21, $0xb8;
	[tilespmem:$0x1DC00] =	vst v63  }
0x243: {  	_ =	swait.ge [sflag:s24], $0x4000  }
0x244: {  	s11 =	sld [smem:$0x7EA]  }
0x245: {  	[sflag:s24] =	ssyncset.done $0x0  }
0x246: {  	[sflag:s24] =	ssyncadd.s32 $0xFFFFC000  }
0x247: {  	[spmem:s2] =	stream.indirect.scatter.add.f32 [tilespmem:s22], [sflag:$0x5], $0x80, s11, s21, $0xb8;
	[tilespmem:$0x1DC00] =	vst v63  }
0x248: {  	_ =	swait.ge [sflag:s15], $0x4000  }
0x249: {  	s8 =	sld [smem:$0x7EB]  }
0x24a: {  	[sflag:s15] =	ssyncset.done $0x0  }
0x24b: {  	[sflag:s15] =	ssyncadd.s32 $0xFFFFC000  }
0x24c: {  	[tilespmem:s22], [sflag:$0x3] =	stream.indirect.gather [hbm4b:s5+s21], $0x80, s8, s21, $0xb8;
	[tilespmem:$0x1DC00] =	vst v63  }
0x24d: {  	_ =	swait.ge [sflag:s25], $0x4000  }
0x24e: {  	s10 =	sld [smem:$0x7EC]  }
0x24f: {  	[sflag:s25] =	ssyncset.done $0x0  }
0x250: {  	[sflag:s25] =	ssyncadd.s32 $0xFFFFC000  }
0x251: {  	[spmem:s2] =	stream.indirect.scatter.add.f32 [tilespmem:s23], [sflag:$0x5], $0x80, s10, s21, $0xb8;
	[tilespmem:$0x1DC00] =	vst v63  }
0x252: {  	_ =	swait.ge [sflag:s15], $0x4000  }
0x253: {  	s11 =	sld [smem:$0x7EE]  }
0x254: {  	[sflag:s15] =	ssyncset.done $0x0  }
0x255: {  	[sflag:s15] =	ssyncadd.s32 $0xFFFFC000  }
0x256: {  	[tilespmem:s23], [sflag:$0x4] =	stream.indirect.gather [hbm4b:s5+s21], $0x80, s11, s21, $0xb8;
	[tilespmem:$0x1DC00] =	vst v63  }
0x257: {  	_ =	swait.ge [sflag:s24], $0x4000  }
0x258: {  	s8 =	sld [smem:$0x7EF]  }
0x259: {  	[sflag:s24] =	ssyncset.done $0x0  }
0x25a: {  	[sflag:s24] =	ssyncadd.s32 $0xFFFFC000  }
0x25b: {  	[spmem:s2] =	stream.indirect.scatter.add.f32 [tilespmem:s22], [sflag:$0x5], $0x80, s8, s21, $0xb8;
	[tilespmem:$0x1DC00] =	vst v63  }
0x25c: {  	_ =	swait.ge [sflag:s15], $0x4000  }
0x25d: {  	s10 =	sld [smem:$0x7F0]  }
0x25e: {  	[sflag:s15] =	ssyncset.done $0x0  }
0x25f: {  	[sflag:s15] =	ssyncadd.s32 $0xFFFFC000  }
0x260: {  	[tilespmem:s22], [sflag:$0x3] =	stream.indirect.gather [hbm4b:s5+s21], $0x80, s10, s21, $0xb8;
	[tilespmem:$0x1DC00] =	vst v63  }
0x261: {  	_ =	swait.ge [sflag:s25], $0x4000  }
0x262: {  	s11 =	sld [smem:$0x7F1]  }
0x263: {  	[sflag:s25] =	ssyncset.done $0x0  }
0x264: {  	[sflag:s25] =	ssyncadd.s32 $0xFFFFC000  }
0x265: {  	[spmem:s2] =	stream.indirect.scatter.add.f32 [tilespmem:s23], [sflag:$0x5], $0x80, s11, s21, $0xb8;
	[tilespmem:$0x1DC00] =	vst v63  }
0x266: {  	_ =	swait.ge [sflag:s15], $0x4000  }
0x267: {  	s8 =	sld [smem:$0x7F2]  }
0x268: {  	[sflag:s15] =	ssyncset.done $0x0  }
0x269: {  	[sflag:s15] =	ssyncadd.s32 $0xFFFFC000  }
0x26a: {  	[tilespmem:s23], [sflag:$0x4] =	stream.indirect.gather [hbm4b:s5+s21], $0x80, s8, s21, $0xb8;
	[tilespmem:$0x1DC00] =	vst v63  }
0x26b: {  	_ =	swait.ge [sflag:s24], $0x4000  }
0x26c: {  	s10 =	sld [smem:$0x7F3]  }
0x26d: {  	[sflag:s24] =	ssyncset.done $0x0  }
0x26e: {  	[sflag:s24] =	ssyncadd.s32 $0xFFFFC000  }
0x26f: {  	[spmem:s2] =	stream.indirect.scatter.add.f32 [tilespmem:s22], [sflag:$0x5], $0x80, s10, s21, $0xb8;
	[tilespmem:$0x1DC00] =	vst v63  }
0x270: {  	_ =	swait.ge [sflag:s15], $0x4000  }
0x271: {  	s11 =	sld [smem:$0x7F4]  }
0x272: {  	[sflag:s15] =	ssyncset.done $0x0  }
0x273: {  	[sflag:s15] =	ssyncadd.s32 $0xFFFFC000  }
0x274: {  	[tilespmem:s22], [sflag:$0x3] =	stream.indirect.gather [hbm4b:s5+s21], $0x80, s11, s21, $0xb8;
	[tilespmem:$0x1DC00] =	vst v63  }
0x275: {  	_ =	swait.ge [sflag:s25], $0x4000  }
0x276: {  	s8 =	sld [smem:$0x7F5]  }
0x277: {  	[sflag:s25] =	ssyncset.done $0x0  }
0x278: {  	[sflag:s25] =	ssyncadd.s32 $0xFFFFC000  }
0x279: {  	[spmem:s2] =	stream.indirect.scatter.add.f32 [tilespmem:s23], [sflag:$0x5], $0x80, s8, s21, $0xb8;
	[tilespmem:$0x1DC00] =	vst v63  }
0x27a: {  	_ =	swait.ge [sflag:s15], $0x4000  }
0x27b: {  	s10 =	sld [smem:$0x7F6]  }
0x27c: {  	[sflag:s15] =	ssyncset.done $0x0  }
0x27d: {  	[sflag:s15] =	ssyncadd.s32 $0xFFFFC000  }
0x27e: {  	[tilespmem:s23], [sflag:$0x4] =	stream.indirect.gather [hbm4b:s5+s21], $0x80, s10, s21, $0xb8;
	[tilespmem:$0x1DC00] =	vst v63  }
0x27f: {  	_ =	swait.ge [sflag:s24], $0x4000  }
0x280: {  	s11 =	sld [smem:$0x7F7]  }
0x281: {  	[sflag:s24] =	ssyncset.done $0x0  }
0x282: {  	[sflag:s24] =	ssyncadd.s32 $0xFFFFC000  }
0x283: {  	[spmem:s2] =	stream.indirect.scatter.add.f32 [tilespmem:s22], [sflag:$0x5], $0x80, s11, s21, $0xb8;
	[tilespmem:$0x1DC00] =	vst v63  }
0x284: {  	_ =	swait.ge [sflag:s15], $0x4000  }
0x285: {  	s8 =	sld [smem:$0x7F8]  }
0x286: {  	[sflag:s15] =	ssyncset.done $0x0  }
0x287: {  	[sflag:s15] =	ssyncadd.s32 $0xFFFFC000  }
0x288: {  	[tilespmem:s22], [sflag:$0x3] =	stream.indirect.gather [hbm4b:s5+s21], $0x80, s8, s21, $0xb8;
	[tilespmem:$0x1DC00] =	vst v63  }
0x289: {  	_ =	swait.ge [sflag:s25], $0x4000  }
0x28a: {  	s10 =	sld [smem:$0x7F9]  }
0x28b: {  	[sflag:s25] =	ssyncset.done $0x0  }
0x28c: {  	[sflag:s25] =	ssyncadd.s32 $0xFFFFC000  }
0x28d: {  	[spmem:s2] =	stream.indirect.scatter.add.f32 [tilespmem:s23], [sflag:$0x5], $0x80, s10, s21, $0xb8;
	[tilespmem:$0x1DC00] =	vst v63  }
0x28e: {  	_ =	swait.ge [sflag:s15], $0x4000  }
0x28f: {  	s11 =	sld [smem:$0x7FA]  }
0x290: {  	[sflag:s15] =	ssyncset.done $0x0  }
0x291: {  	[sflag:s15] =	ssyncadd.s32 $0xFFFFC000  }
0x292: {  	[tilespmem:s23], [sflag:$0x4] =	stream.indirect.gather [hbm4b:s5+s21], $0x80, s11, s21, $0xb8;
	[tilespmem:$0x1DC00] =	vst v63  }
0x293: {  	_ =	swait.ge [sflag:s24], $0x4000  }
0x294: {  	s8 =	sld [smem:$0x7FB]  }
0x295: {  	[sflag:s24] =	ssyncset.done $0x0  }
0x296: {  	[sflag:s24] =	ssyncadd.s32 $0xFFFFC000  }
0x297: {  	[spmem:s2] =	stream.indirect.scatter.add.f32 [tilespmem:s22], [sflag:$0x5], $0x80, s8, s21, $0xb8;
	[tilespmem:$0x1DC00] =	vst v63  }
0x298: {  	_ =	swait.ge [sflag:s15], $0x4000  }
0x299: {  	s10 =	sld [smem:$0x7FC]  }
0x29a: {  	[sflag:s15] =	ssyncset.done $0x0  }
0x29b: {  	[sflag:s15] =	ssyncadd.s32 $0xFFFFC000  }
0x29c: {  	[tilespmem:s22], [sflag:$0x3] =	stream.indirect.gather [hbm4b:s5+s21], $0x80, s10, s21, $0xb8;
	[tilespmem:$0x1DC00] =	vst v63  }
0x29d: {  	_ =	swait.ge [sflag:s25], $0x4000  }
0x29e: {  	s11 =	sld [smem:$0x7FD]  }
0x29f: {  	[sflag:s25] =	ssyncset.done $0x0  }
0x2a0: {  	[sflag:s25] =	ssyncadd.s32 $0xFFFFC000  }
0x2a1: {  	[spmem:s2] =	stream.indirect.scatter.add.f32 [tilespmem:s23], [sflag:$0x5], $0x80, s11, s21, $0xb8;
	[tilespmem:$0x1DC00] =	vst v63  }
0x2a2: {  	_ =	swait.ge [sflag:s15], $0x4000  }
0x2a3: {  	[sflag:s15] =	ssyncset.done $0x0  }
0x2a4: {  	[sflag:s15] =	ssyncadd.s32 $0xFFFFC000  }
0x2a5: {  	[tilespmem:s23], [sflag:$0x4] =	stream.indirect.gather [hbm4b:s5+s21], $0x80, s28, s21, $0xb8;
	[tilespmem:$0x1DC00] =	vst v63  }
0x2a6: {  	_ =	swait.ge [sflag:s24], $0x4000  }
0x2a7: {  	[sflag:s24] =	ssyncset.done $0x0  }
0x2a8: {  	[sflag:s24] =	ssyncadd.s32 $0xFFFFC000  }
0x2a9: {  	[spmem:s2] =	stream.indirect.scatter.add.f32 [tilespmem:s22], [sflag:$0x5], $0x80, s29, s21, $0xb8;
	[tilespmem:$0x1DC00] =	vst v63  }
0x2aa: {  	_ =	swait.ge [sflag:s15], $0x4000  }
0x2ab: {  	[sflag:s15] =	ssyncset.done $0x0  }
0x2ac: {  	s1 =	sadd.s32 $0x400, s1;
	[sflag:s15] =	ssyncadd.s32 $0xFFFFC000  }
0x2ad: {  	p0 =	sne.s32 s1, $0x1400;
	_ =	swait.ge [sflag:s25], $0x4000  }
.Ltmp0:
0x2ae: {  	[sflag:s25] =	ssyncset.done $0x0;
	(pc) =	sbr.rel @p0 .LBB2_2-.Ltmp0, $4  }
0x2af: {  	[sflag:s25] =	ssyncadd.s32 $0xFFFFC000  }
0x2b0: {  	[spmem:s2] =	stream.indirect.scatter.add.f32 [tilespmem:s23], [sflag:$0x5], $0x80, s30, s21, $0xb8;
	[tilespmem:$0x1DC00] =	vst v63  }
0x2b1: {  	_ =	swait.ge [sflag:s15], $0x4000  }
0x2b2: {  	[sflag:s15] =	ssyncset.done $0x0  }
0x2b3: {  	[sflag:s15] =	ssyncadd.s32 $0xFFFFC000  }
0x2b4: {  	[bflag:$0x0] =	sbarrier.arrive $0xFFFF  }
0x2b5: {  	[hbm:s12], [sflag:s7] =	dma.local [spmem:s14], $0x2780  }
0x2b6: {  	_ =	swait.ge [sflag:s15], $0x2780  }
0x2b7: {  	s1 =	sld [smem:$0x7ED];
	_ =	sdelay $0x1  }
0x2b8: {  	s31 =	sadd.s32 $0x1, s31  }
0x2b9: {  	p0 =	sne.s32 s31, s1  }
.Ltmp1:
0x2ba: {  	_ = 	snop;
	(pc) =	sbr.rel @p0 .LBB2_1-.Ltmp1, $3  }
0x2bb: {  	_ =	sdelay $0x1  }
0x2bc: {  	[sflag:s15] =	ssyncset.done $0x0  }
0x2bd: {  	[sflag:s15] =	ssyncadd.s32 $0xFFFFD880  }
0x2be: {  	_ =	sfence.sel $0x180000  }
0x2bf: {  	[bflag:$0x0] =	sbarrier.arrive $0xFFFF  }
0x2c0: {  	_ =	strace $0x9000004A  }
0x2c1: {  	s0 =	stileid.u32;
	[bflag:$0x2] =	sbarrier.arrive $0xFFFF  }
0x2c2: {  	p0 =	sne.s32 s0, $0x0;
	s0 =	rddreg [dreg:$0x2]  }
0x2c3: {  	s0 =	sadd.s32 @!p0 $0x100000, s0  }
0x2c4: {  	[sflag:s0] =	ssyncadd.tile.s32 @!p0 $0x1;
	_ =	shalt  }
.Lfunc_end2:
_tile_overlayer_lowered:
.L_overlay_start_2:
0x2c5: {  	(tag) =	ssettag $0x2  }
0x2c6: {  	s0 =	rddreg [dreg:$0x0];
	s2 =	stileid.u32  }
0x2c7: {  	s1 =	rddreg [dreg:$0x1];
	p0 =	sne.s32 s2, $0x0  }
0x2c8: {  	s3 =	rddreg [dreg:$0x2];
	[bflag:$0x3] =	sbarrier.arrive $0xFFFF;
	s2 =	simm.s32 @!p0 $0x1C05  }
0x2c9: {  	[timem:s3], [sflag:s2] =	dma.local @!p0 [hbm:s0], s1  }
0x2ca: {  	s0 =	simm.s32 @!p0 $0x5  }
0x2cb: {  	_ =	swait.ge @!p0 [sflag:s0], s1  }
0x2cc: {  	s1 =	ssub.s32 @!p0 $0x0, s1;
	[sflag:s0] =	ssyncset.done @!p0 $0x0  }
0x2cd: {  	[sflag:s0] =	ssyncadd.s32 @!p0 s1  }
0x2ce: {  	[bflag:$0x3] =	sbarrier.arrive $0xFFFF  }
0x2cf: {  	_ =	shalt  }

// kernel: kernel.15.cloned.1.call-start
scs
__scs_entry_jumppad:
0x0: {  	(pc) =	sbr.rel $0x88, $3  }
0x1: {  	(tag) =	ssettag $0x0;
	lr =	simm.s32 $0x1  }
0x2: {  	[smem:$0x3F75] =	sst lr;
	_ =	strace $0xD0000000  }
0x3: {  	_ = 	snop  }
0x4: {  	_ = 	snop  }
0x5: {  	_ = 	snop  }
0x6: {  	_ = 	snop  }
0x7: {  	_ = 	snop  }
__scs_overlays_trampoline_lowered:
0x8: {  	[smem:$0x3F84] =	sst s0  }
0x9: {  	[smem:$0x3F85] =	sst s1  }
0xa: {  	[smem:$0x3F86] =	sst s2  }
0xb: {  	[smem:$0x3F87] =	sst s3  }
0xc: {  	[smem:$0x3F88] =	sst s4  }
0xd: {  	[smem:$0x3F89] =	sst s5  }
0xe: {  	[smem:$0x3F8A] =	sst s6  }
0xf: {  	[smem:$0x3F8B] =	sst s7  }
0x10: {  	[smem:$0x3F8C] =	sst s8  }
0x11: {  	[smem:$0x3F8D] =	sst s9;
	s0 =	simm.s32 @!p0 $0x0  }
0x12: {  	s1 =	sld [smem:$0x3F73];
	s0 =	simm.s32 @p0 $0x1  }
0x13: {  	[smem:$0x3F8E] =	sst s0;
	s0 =	simm.s32 @!p1 $0x0  }
0x14: {  	s2 =	sld [smem:$0x3F72];
	s0 =	simm.s32 @p1 $0x1  }
0x15: {  	[smem:$0x3F8F] =	sst s0;
	s0 =	simm.s32 @!p2 $0x0  }
0x16: {  	s3 =	sld [smem:$0x3FDB];
	s0 =	simm.s32 @p2 $0x1  }
0x17: {  	s4 =	simm.s32 $0x1BF5;
	[smem:$0x3F91] =	sst s0  }
0x18: {  	s0 =	sld [smem:$0x3F74];
	_ =	swait.ge [sflag:s4], $0x0  }
0x19: {  	s7 =	sld [smem:$0x3F75]  }
0x1a: {  	s8 =	sadd.s32 $0xFFFFE003, lr  }
0x1b: {  	s9 =	sadd.s32 $0xFFFFFEF7, lr;
	s5 =	simm.s32 $0xFFFFFFFF;
	p2 =	slt.u32 s8, $0xFFFFF086  }
0x1c: {  	p1 =	slt.u32 s9, $0xF7A;
	s5 =	simm.s32 @!p2 $0x0  }
0x1d: {  	s5 =	simm.s32 @p1 $0x1;
	p0 =	seq.s32 s7, s2  }
0x1e: {  	s7 =	smul.u32 @!p0 $0xF7A, s2;
	p2 =	seq.s32 @!p0 s5, $0x0  }
0x1f: {  	s9 =	smul.u32 $0xF7A, s1;
	s8 =	simm.s32 @!p0 $0x1BF5;
	p2 =	por !p2, p0  }
0x20: {  	[sflag:s8] =	ssyncset.s32 @!p0 $0xFFFFF086;
	s6 =	sadd.s32 @!p0 s3, s7;
	s7 =	simm.s32 @!p0 $0x108  }
0x21: {  	s3 =	sadd.s32 s3, s9;
	s6 =	sadd.s32 @!p0 $0x88, s6;
	s7 =	simm.s32 @p2 $0x1082  }
0x22: {  	[simem:s7], [sflag:s8] =	dma.local @!p0 [hbm:s6], $0xF7A  }
0x23: {  	s9 =	sor.u32 $0xD0000000, s2;
	s6 =	simm.s32 $0x108;
	_ =	swait.ge @!p0 [sflag:s8], $0x0  }
0x24: {  	s3 =	sadd.s32 $0x88, s3;
	s6 =	simm.s32 @!p1 $0x1082;
	[sflag:s4] =	ssyncset.s32 $0xFFFFF086  }
0x25: {  	[simem:s6], [sflag:s4] =	dma.local [hbm:s3], $0xF7A  }
0x26: {  	[smem:$0x3F75] =	sst s1;
	(tag) =	ssettag s2;
	_ =	strace s9  }
0x27: {  	s1 =	sld [smem:$0x3F85]  }
0x28: {  	s2 =	sld [smem:$0x3F86]  }
0x29: {  	s4 =	sld [smem:$0x3F88]  }
0x2a: {  	p0 =	seq.s32 s5, $0x0;
	s5 =	sld [smem:$0x3F89]  }
0x2b: {  	s6 =	sld [smem:$0x3F8A]  }
0x2c: {  	s7 =	sld [smem:$0x3F8B]  }
0x2d: {  	s3 =	simm.s32 $0x108;
	s8 =	sld [smem:$0x3F8C]  }
0x2e: {  	s3 =	simm.s32 @!p0 $0x1082;
	s9 =	sld [smem:$0x3F8D]  }
0x2f: {  	lr =	sadd.s32 s0, s3;
	s0 =	sld [smem:$0x3F84]  }
0x30: {  	s3 =	sld [smem:$0x3F87]  }
0x31: {  	[smem:$0x3F90] =	sst s10  }
0x32: {  	s10 =	sld [smem:$0x3F8E];
	_ =	sdelay $0x3  }
0x33: {  	p0 =	seq.s32 s10, $0x1;
	s10 =	sld [smem:$0x3F90];
	_ =	sdelay $0x3  }
0x34: {  	[smem:$0x3F90] =	sst s10  }
0x35: {  	s10 =	sld [smem:$0x3F8F];
	_ =	sdelay $0x3  }
0x36: {  	p1 =	seq.s32 s10, $0x1;
	s10 =	sld [smem:$0x3F90];
	_ =	sdelay $0x3  }
0x37: {  	[smem:$0x3F90] =	sst s10  }
0x38: {  	s10 =	sld [smem:$0x3F91]  }
0x39: {  	_ = 	snop;
	(pc) =	sbr.ind lr, $3  }
0x3a: {  	_ = 	snop  }
0x3b: {  	_ = 	snop  }
0x3c: {  	p2 =	seq.s32 s10, $0x1;
	s10 =	sld [smem:$0x3F90]  }
0x3d: {  	_ =	shalt  }
0x3e: {  	_ =	shalt  }
0x3f: {  	_ =	shalt  }
0x40: {  	_ =	shalt  }
0x41: {  	_ =	shalt  }
0x42: {  	_ =	shalt  }
0x43: {  	_ =	shalt  }
0x44: {  	_ =	shalt  }
0x45: {  	_ =	shalt  }
0x46: {  	_ =	shalt  }
0x47: {  	_ =	shalt  }
0x48: {  	_ =	shalt  }
0x49: {  	_ =	shalt  }
0x4a: {  	_ =	shalt  }
0x4b: {  	_ =	shalt  }
0x4c: {  	_ =	shalt  }
0x4d: {  	_ =	shalt  }
0x4e: {  	_ =	shalt  }
0x4f: {  	_ =	shalt  }
0x50: {  	_ =	shalt  }
0x51: {  	_ =	shalt  }
0x52: {  	_ =	shalt  }
0x53: {  	_ =	shalt  }
0x54: {  	_ =	shalt  }
0x55: {  	_ =	shalt  }
0x56: {  	_ =	shalt  }
0x57: {  	_ =	shalt  }
0x58: {  	_ =	shalt  }
0x59: {  	_ =	shalt  }
0x5a: {  	_ =	shalt  }
0x5b: {  	_ =	shalt  }
0x5c: {  	_ =	shalt  }
0x5d: {  	_ =	shalt  }
0x5e: {  	_ =	shalt  }
0x5f: {  	_ =	shalt  }
0x60: {  	_ =	shalt  }
0x61: {  	_ =	shalt  }
0x62: {  	_ =	shalt  }
0x63: {  	_ =	shalt  }
0x64: {  	_ =	shalt  }
0x65: {  	_ =	shalt  }
0x66: {  	_ =	shalt  }
0x67: {  	_ =	shalt  }
0x68: {  	_ =	shalt  }
0x69: {  	_ =	shalt  }
0x6a: {  	_ =	shalt  }
0x6b: {  	_ =	shalt  }
0x6c: {  	_ =	shalt  }
0x6d: {  	_ =	shalt  }
0x6e: {  	_ =	shalt  }
0x6f: {  	_ =	shalt  }
0x70: {  	_ =	shalt  }
0x71: {  	_ =	shalt  }
0x72: {  	_ =	shalt  }
0x73: {  	_ =	shalt  }
0x74: {  	_ =	shalt  }
0x75: {  	_ =	shalt  }
0x76: {  	_ =	shalt  }
0x77: {  	_ =	shalt  }
0x78: {  	_ =	shalt  }
0x79: {  	_ =	shalt  }
0x7a: {  	_ =	shalt  }
0x7b: {  	_ =	shalt  }
0x7c: {  	_ =	shalt  }
0x7d: {  	_ =	shalt  }
0x7e: {  	_ =	shalt  }
0x7f: {  	_ =	shalt  }
0x80: {  	_ =	shalt  }
0x81: {  	_ =	shalt  }
0x82: {  	_ =	shalt  }
0x83: {  	_ =	shalt  }
0x84: {  	_ =	shalt  }
0x85: {  	_ =	shalt  }
0x86: {  	_ =	shalt  }
0x87: {  	_ =	shalt  }
.Lfunc_end0:
.L_simem_size_0:
called_computation.2_lowered:
.L_overlay_start_0:
0x88: {  	s2 =	sld [smem:$0x3FD9]  }
0x89: {  	s3 =	sld [smem:$0x3FFE];
	_ =	sdelay $0x1  }
0x8a: {  	s1 =	srdreg.scid  }
0x8b: {  	s0 =	sand.u32 $0x1, s1  }
0x8c: {  	s16 =	sshll.u32 s0, $0xA;
	s2 =	sadd.s32 s3, s2  }
0x8d: {  	s2 =	sadd.s32 s2, s16  }
0x8e: {  	[smem:$0x3F9C] =	sst s2  }
0x8f: {  	_ = 	snop  }
0x90: {  	(tm) =	ssettm $0x1  }
0x91: {  	s17 =	sld [smem:$0x3FFB];
	_ =	sdelay $0x3  }
0x92: {  	_ =	strace s17  }
0x93: {  	s2 =	sld [smem:$0x3FFC];
	_ =	sdelay $0x3  }
0x94: {  	_ =	strace s2  }
0x95: {  	s2 =	sld [smem:$0x3FFD];
	_ =	sdelay $0x3  }
0x96: {  	_ =	strace s2  }
0x97: {  	_ =	strace $0x8FFFFFFF  }
0x98: {  	s18 =	sld [smem:$0x3FDB];
	_ =	sdelay $0x1  }
0x99: {  	s19 =	simm.s32 $_scs_section_size  }
0x9a: {  	s4 =	simm.s32 $_size__tile_overlayer_lowered;
	s5 =	simm.s32 $_tile_overlayer_lowered  }
0x9b: {  	s22 =	simm.s32 $0x1BFF;
	s21 =	sshll.u32 s5, $0x1;
	s2 =	sadd.s32 s19, s18  }
0x9c: {  	s6 =	simm.s32 $0x0;
	s20 =	sshll.u32 s4, $0x1;
	s4 =	sadd.s32 s21, s2  }
0x9d: {  	[timem:s6], [sflag:s22] =	dma.local [hbm:s4], s20  }
0x9e: {  	_ =	swait.ge [sflag:s22], s20  }
0x9f: {  	s3 =	ssub.s32 $0x0, s20;
	[sflag:s22] =	ssyncset.done $0x0  }
0xa0: {  	[sflag:s22] =	ssyncadd.s32 s3;
	_ =	sdelay $0x1  }
0xa1: {  	s23 =	simm.s32 $0x1B8B  }
0xa2: {  	_ =	swait.ge [sflag:s23], $0x1  }
0xa3: {  	[sflag:s23] =	ssyncset.done $0x0  }
0xa4: {  	s25 =	simm.s32 $0x1B8E;
	s24 =	sld [smem:$0x3FFE];
	[sflag:s23] =	ssyncadd.s32 $0xFFFFFFFF  }
0xa5: {  	s26 =	simm.s32 $execute0_lowered;
	[smem:$0x3FD2] =	sst s25  }
0xa6: {  	s4 =	sshll.u32 s26, $0x1;
	_ =	strace $0x8000004C;
	[dreg:$0x1] =	wrdreg $0xFFFFFFFF  }
0xa7: {  	s28 =	simm.s32 $_size_execute0_lowered;
	s2 =	sadd.s32 s2, s4;
	[dreg:$0x0] =	wrdreg $0x0  }
0xa8: {  	s4 =	sshll.u32 s28, $0x1;
	[dreg:$0x2] =	wrdreg s2  }
0xa9: {  	[dreg:$0x3] =	wrdreg s4  }
0xaa: {  	[dreg:$0x4] =	wrdreg $0xC0  }
0xab: {  	_ =	task [dreg:s6], $0x5FFFF  }
0xac: {  	[dreg:$0x1] =	wrdreg $0xFFFFFFFF  }
0xad: {  	[dreg:$0x0] =	wrdreg $0x60  }
0xae: {  	[dreg:$0x2] =	wrdreg s24  }
0xaf: {  	[dreg:$0x3] =	wrdreg $0x0  }
0xb0: {  	[dreg:$0x4] =	wrdreg $0x9  }
0xb1: {  	_ =	task.clear_ibuf [dreg:s6], $0x5FFFF;
	_ =	strace $0x9000004C  }
0xb2: {  	s29 =	simm.s32 $0x9;
	_ =	strace $0x8000004E  }
0xb3: {  	_ =	swait.ge [sflag:s29], $0x1  }
0xb4: {  	[sflag:s29] =	ssyncadd.s32 $0xFFFFFFFF  }
0xb5: {  	_ =	strace $0x9000004E  }
0xb6: {  	_ =	sfence  }
0xb7: {  	s30 =	sld [smem:$0x0];
	_ =	sdelay $0x2  }
0xb8: {  	s31 =	sshll.u32 s1, $0xD;
	s1 =	sshrl.u32 s1, $0x2  }
0xb9: {  	s3 =	sand.u32 $0x4000, s31;
	s1 =	sadd.s32 s1, s30  }
0xba: {  	s0 =	sor.u32 s3, s0;
	s1 =	sshll.u32 s1, $0x11  }
0xbb: {  	s0 =	sor.u32 s1, s0  }
0xbc: {  	s0 =	sadd.s32 $0x8F2B, s0  }
0xbd: {  	[sflag:s0] =	ssyncadd.remote.s32 $0x1  }
0xbe: {  	_ =	sfence.sel $0xFFFF  }
0xbf: {  	[dreg:$0x0] =	wrdreg $0xFFFFFFFF;
	(pc) =	sbr.abs _section_cstart, $3  }
0xc0: {  	[dreg:$0x1] =	wrdreg $0xFFFFFFFF  }
0xc1: {  	_ =	task.clear_ibuf [dreg:s6], $0x2FFFF;
	_ =	strace $0x9FFFFFFF  }
0xc2: {  	(tm) =	ssettm $0x7FFFFFFF  }
0xc3: {  	_ =	shalt  }
tec
execute0_lowered:
.L_overlay_start_1:
0x0: {  	(tag) =	ssettag $0x1  }
0x1: {  	s0 =	srdreg.scid;
	s14 =	stileid.u32  }
0x2: {  	s6 =	sand.u32 $0x1, s0;
	s3 =	smul.u32 $0xA000, s14  }
0x3: {  	s0 =	smul.u32 $0xA0000, s6  }
0x4: {  	s1 =	rddreg [dreg:$0x0]  }
0x5: {  	s2 =	rddreg [dreg:$0x1];
	s0 =	sadd.s32 s3, s0;
	s3 =	simm.s32 $0x0  }
0x6: {  	s12 =	simm.s32 $0x13C80;
	[smem:$0x7FF] =	sst s3  }
0x7: {  	s13 =	simm.s32 $0x13D00;
	_ =	strace $0x8000004D;
	[dreg:$0x4] =	wrdreg s12  }
0x8: {  	s15 =	simm.s32 $0x14480;
	[dreg:$0x5] =	wrdreg s13  }
0x9: {  	s16 =	simm.s32 $0x13D80;
	[dreg:$0x6] =	wrdreg s15  }
0xa: {  	s17 =	simm.s32 $0x14500;
	[dreg:$0x7] =	wrdreg s16  }
0xb: {  	s18 =	simm.s32 $0x13E00;
	[dreg:$0x8] =	wrdreg s17  }
0xc: {  	s19 =	simm.s32 $0x14580;
	[dreg:$0x9] =	wrdreg s18  }
0xd: {  	s20 =	simm.s32 $0x13E80;
	[dreg:$0xa] =	wrdreg s19  }
0xe: {  	s21 =	simm.s32 $0x14600;
	[dreg:$0xb] =	wrdreg s20  }
0xf: {  	s22 =	simm.s32 $0x13F00;
	[dreg:$0xc] =	wrdreg s21  }
0x10: {  	s23 =	simm.s32 $0x14680;
	[dreg:$0xd] =	wrdreg s22  }
0x11: {  	s24 =	simm.s32 $0x13F80;
	[dreg:$0xe] =	wrdreg s23  }
0x12: {  	s25 =	simm.s32 $0x14700;
	[dreg:$0xf] =	wrdreg s24  }
0x13: {  	s26 =	simm.s32 $0x14000;
	[dreg:$0x10] =	wrdreg s25  }
0x14: {  	s7 =	simm.s32 $0x14780;
	[dreg:$0x11] =	wrdreg s26  }
0x15: {  	s8 =	simm.s32 $0x14080;
	[dreg:$0x12] =	wrdreg s7  }
0x16: {  	s9 =	simm.s32 $0x14800;
	[dreg:$0x13] =	wrdreg s8  }
0x17: {  	s10 =	simm.s32 $0x14100;
	[dreg:$0x14] =	wrdreg s9  }
0x18: {  	s11 =	simm.s32 $0x14880;
	[dreg:$0x15] =	wrdreg s10  }
0x19: {  	[dreg:$0x16] =	wrdreg s11;
	s12 =	simm.s32 $0x14180  }
0x1a: {  	s13 =	simm.s32 $0x14900;
	[dreg:$0x17] =	wrdreg s12  }
0x1b: {  	s15 =	simm.s32 $0x14200;
	[dreg:$0x18] =	wrdreg s13  }
0x1c: {  	s16 =	simm.s32 $0x14980;
	[dreg:$0x19] =	wrdreg s15  }
0x1d: {  	s17 =	simm.s32 $0x14280;
	[dreg:$0x1a] =	wrdreg s16  }
0x1e: {  	s18 =	simm.s32 $0x14A00;
	[dreg:$0x1b] =	wrdreg s17  }
0x1f: {  	s7 =	simm.s32 $0x14300;
	[dreg:$0x1c] =	wrdreg s18  }
0x20: {  	s28 =	simm.s32 $0x15380;
	s8 =	sadd.s32 $0x31E00, s1;
	[dreg:$0x1d] =	wrdreg s7  }
0x21: {  	s29 =	simm.s32 $0x15B00;
	s19 =	simm.s32 $0x14A80;
	[smem:$0x7DD] =	sst s8  }
0x22: {  	s30 =	simm.s32 $0x15B80;
	s20 =	simm.s32 $0x14380;
	[dreg:$0x1e] =	wrdreg s19  }
0x23: {  	s31 =	simm.s32 $0x0;
	s22 =	simm.s32 $0x14B00;
	[dreg:$0x1f] =	wrdreg s20  }
0x24: {  	s4 =	sadd.s32 $0x9E00, s1;
	s23 =	simm.s32 $0x14B80;
	[smem:$0x7DE] =	sst s22  }
0x25: {  	s5 =	sor.u32 $0x1000, s0;
	s24 =	simm.s32 $0x14C80;
	[smem:$0x7DF] =	sst s23  }
0x26: {  	s5 =	sshrl.u32 s5, $0x3;
	s25 =	simm.s32 $0x14D00;
	[smem:$0x7E0] =	sst s24  }
0x27: {  	p0 =	seq.s32 s6, $0x1;
	s5 =	sadd.s32 s5, s4;
	[smem:$0x7E1] =	sst s25  }
0x28: {  	s21 =	ssub.s32 $0x2, s6;
	s15 =	simm.s32 $0x15500;
	[dreg:$0x3] =	wrdreg s5  }
0x29: {  	s10 =	smul.u32 $0x4F000, s14;
	s16 =	simm.s32 $0x14E00;
	[smem:$0x7E4] =	sst s15  }
0x2a: {  	s9 =	sshrl.u32 s21, $0x1;
	s18 =	simm.s32 $0x15580;
	[smem:$0x7E5] =	sst s16  }
0x2b: {  	s12 =	sshll.u32 s14, $0x6;
	s20 =	simm.s32 $0x15600;
	[smem:$0x7E7] =	sst s18  }
0x2c: {  	s17 =	sshrl.u32 s0, $0x3;
	s22 =	simm.s32 $0x14F00;
	[smem:$0x7EA] =	sst s20  }
0x2d: {  	s23 =	simm.s32 $0x15680;
	s24 =	smul.u32 $0x2780, s14;
	[smem:$0x7EB] =	sst s22  }
0x2e: {  	s25 =	simm.s32 $0x14F80;
	s8 =	simm.s32 $0x15700;
	[smem:$0x7EC] =	sst s23  }
0x2f: {  	s14 =	simm.s32 $0x83000;
	s0 =	sadd.s32 $0x2000, s0;
	[smem:$0x7EE] =	sst s25  }
0x30: {  	s11 =	ssub.s32 s21, s9;
	s9 =	simm.s32 $0x15480;
	[smem:$0x7EF] =	sst s8  }
0x31: {  	s26 =	sshrl.u32 s10, $0x2;
	s10 =	simm.s32 $0x14D80;
	[smem:$0x7E2] =	sst s9  }
0x32: {  	s5 =	sadd.s32 $0x34600, s1;
	s19 =	sadd.s32 s4, s17;
	[smem:$0x7E3] =	sst s10  }
0x33: {  	s7 =	sor.u32 $0x1C05, s12;
	s12 =	simm.s32 $0x14E80;
	[smem:$0x7E6] =	sst s19  }
0x34: {  	s14 =	simm.s32 @!p0 $0x5B800;
	s15 =	simm.s32 $0x15080;
	[smem:$0x7E8] =	sst s12  }
0x35: {  	s16 =	simm.s32 $0x15800;
	s18 =	simm.s32 $0x15880;
	[smem:$0x7F2] =	sst s15  }
0x36: {  	s20 =	simm.s32 $0x15900;
	s22 =	simm.s32 $0x15980;
	[smem:$0x7F3] =	sst s16  }
0x37: {  	s23 =	simm.s32 $0x15280;
	s25 =	simm.s32 $0x15300;
	[smem:$0x7F5] =	sst s18  }
0x38: {  	s13 =	sadd.s32 s26, s2;
	s9 =	sadd.s32 $0x9F00, s1;
	[smem:$0x7F7] =	sst s20  }
0x39: {  	s26 =	smax.u32 s11, $0x1;
	s10 =	simm.s32 $0x15000;
	[smem:$0x7F9] =	sst s22  }
0x3a: {  	s11 =	simm.s32 $0x15780;
	s1 =	sadd.s32 s14, s1;
	[smem:$0x7FA] =	sst s23  }
0x3b: {  	s15 =	simm.s32 $0x5;
	s19 =	simm.s32 $0x15180;
	[smem:$0x7FC] =	sst s25  }
0x3c: {  	s16 =	simm.s32 $0x13C00;
	s18 =	simm.s32 $0x1;
	[smem:$0x7ED] =	sst s26  }
0x3d: {  	s20 =	simm.s32 $0x15400;
	s22 =	simm.s32 $0x15C00;
	[smem:$0x7F0] =	sst s10  }
0x3e: {  	s23 =	simm.s32 $0x19C00;
	s25 =	simm.s32 $0x4;
	[smem:$0x7F1] =	sst s11  }
0x3f: {  	s21 =	sadd.s32 s17, s9;
	s12 =	sadd.s32 s1, s24;
	[smem:$0x7F6] =	sst s19  }
0x40: {  	s17 =	simm.s32 $0x15100;
	s14 =	sshrl.u32 s13, $0x3;
	[smem:$0x7E9] =	sst s21  }
0x41: {  	s19 =	simm.s32 $0x14C00;
	s24 =	simm.s32 $0x15A00;
	[smem:$0x7F4] =	sst s17  }
0x42: {  	s26 =	simm.s32 $0x15A80;
	s17 =	simm.s32 $0x14400;
	[smem:$0x7FB] =	sst s24  }
0x43: {  	s21 =	simm.s32 $0x15200;
	s24 =	simm.s32 $0x3;
	[smem:$0x7FD] =	sst s26  }
0x44: {  	s26 =	simm.s32 $0x2;
	[smem:$0x7F8] =	sst s21;
	s21 =	simm.s32 $0x80  }
.LBB2_1:
0x45: {  	s1 =	sld [smem:$0x7DD];
	_ =	sdelay $0x2  }
0x46: {  	[spmem:s14], [sflag:s7] =	dma.local [hbm:s1], $0x2780  }
0x47: {  	_ =	swait.ge [sflag:s15], $0x2780  }
0x48: {  	[sflag:s15] =	ssyncset.done $0x0  }
0x49: {  	[sflag:s15] =	ssyncadd.s32 $0xFFFFD880  }
0x4a: {  	[bflag:$0x0] =	sbarrier.arrive $0xFFFF  }
0x4b: {  	s6 =	sld [smem:$0x7E6];
	_ =	sdelay $0x1  }
0x4c: {  	s8 =	sld [smem:$0x7E9]  }
0x4d: {  	[tilespmem:s16], [sflag:$0x1] =	stream.linear.gather [hbm4b:s6+s3], $0x800, $0x38;
	[tilespmem:$0x1DC00] =	vst v63  }
0x4e: {  	_ = 	snop  }
0x4f: {  	[tilespmem:s17], [sflag:$0x1] =	stream.linear.gather [hbm4b:s8+s3], $0x800, $0x38;
	[tilespmem:$0x1DC00] =	vst v63  }
0x50: {  	_ =	swait.ge [sflag:s18], $0x800  }
0x51: {  	[sflag:s18] =	ssyncset.done $0x0  }
0x52: {  	[sflag:s18] =	ssyncadd.s32 $0xFFFFF800  }
0x53: {  	_ =	swait.ge [sflag:s18], $0x800  }
0x54: {  	s10 =	rddreg [dreg:$0x3];
	[sflag:s18] =	ssyncset.done $0x0  }
0x55: {  	[sflag:s18] =	ssyncadd.s32 $0xFFFFF800;
	s1 =	sadd.s32 $0x0, s10  }
0x56: {  	[tilespmem:s19], [sflag:$0x2] =	stream.linear.gather [hbm4b:s1+s3], $0x800, $0x38;
	[tilespmem:$0x1DC00] =	vst v63  }
0x57: {  	s1 =	sadd.s32 $0x100, s1  }
0x58: {  	[tilespmem:s20], [sflag:$0x2] =	stream.linear.gather [hbm4b:s1+s3], $0x800, $0x38;
	[tilespmem:$0x1DC00] =	vst v63  }
0x59: {  	_ = 	snop  }
0x5a: {  	[tilespmem:s22], [sflag:$0x3] =	stream.indirect.gather [hbm4b:s5+s21], $0x80, s16, s21, $0xb8;
	[tilespmem:$0x1DC00] =	vst v63  }
0x5b: {  	s11 =	rddreg [dreg:$0x4]  }
0x5c: {  	[tilespmem:s23], [sflag:$0x4] =	stream.indirect.gather [hbm4b:s5+s21], $0x80, s11, s21, $0xb8;
	[tilespmem:$0x1DC00] =	vst v63  }
0x5d: {  	_ =	swait.ge [sflag:s24], $0x4000  }
0x5e: {  	[sflag:s24] =	ssyncset.done $0x0  }
0x5f: {  	[sflag:s24] =	ssyncadd.s32 $0xFFFFC000  }
0x60: {  	[spmem:s2] =	stream.indirect.scatter.add.f32 [tilespmem:s22], [sflag:$0x5], $0x80, s17, s21, $0xb8;
	[tilespmem:$0x1DC00] =	vst v63  }
0x61: {  	_ =	swait.ge [sflag:s15], $0x4000  }
0x62: {  	[sflag:s15] =	ssyncset.done $0x0  }
0x63: {  	s13 =	rddreg [dreg:$0x5];
	[sflag:s15] =	ssyncadd.s32 $0xFFFFC000  }
0x64: {  	[tilespmem:s22], [sflag:$0x3] =	stream.indirect.gather [hbm4b:s5+s21], $0x80, s13, s21, $0xb8;
	[tilespmem:$0x1DC00] =	vst v63  }
0x65: {  	_ =	swait.ge [sflag:s25], $0x4000  }
0x66: {  	[sflag:s25] =	ssyncset.done $0x0  }
0x67: {  	s6 =	rddreg [dreg:$0x6];
	[sflag:s25] =	ssyncadd.s32 $0xFFFFC000  }
0x68: {  	[spmem:s2] =	stream.indirect.scatter.add.f32 [tilespmem:s23], [sflag:$0x5], $0x80, s6, s21, $0xb8;
	[tilespmem:$0x1DC00] =	vst v63  }
0x69: {  	_ =	swait.ge [sflag:s15], $0x4000  }
0x6a: {  	[sflag:s15] =	ssyncset.done $0x0  }
0x6b: {  	s8 =	rddreg [dreg:$0x7];
	[sflag:s15] =	ssyncadd.s32 $0xFFFFC000  }
0x6c: {  	[tilespmem:s23], [sflag:$0x4] =	stream.indirect.gather [hbm4b:s5+s21], $0x80, s8, s21, $0xb8;
	[tilespmem:$0x1DC00] =	vst v63  }
0x6d: {  	_ =	swait.ge [sflag:s24], $0x4000  }
0x6e: {  	[sflag:s24] =	ssyncset.done $0x0  }
0x6f: {  	s10 =	rddreg [dreg:$0x8];
	[sflag:s24] =	ssyncadd.s32 $0xFFFFC000  }
0x70: {  	[spmem:s2] =	stream.indirect.scatter.add.f32 [tilespmem:s22], [sflag:$0x5], $0x80, s10, s21, $0xb8;
	[tilespmem:$0x1DC00] =	vst v63  }
0x71: {  	_ =	swait.ge [sflag:s15], $0x4000  }
0x72: {  	[sflag:s15] =	ssyncset.done $0x0  }
0x73: {  	s11 =	rddreg [dreg:$0x9];
	[sflag:s15] =	ssyncadd.s32 $0xFFFFC000  }
0x74: {  	[tilespmem:s22], [sflag:$0x3] =	stream.indirect.gather [hbm4b:s5+s21], $0x80, s11, s21, $0xb8;
	[tilespmem:$0x1DC00] =	vst v63  }
0x75: {  	_ =	swait.ge [sflag:s25], $0x4000  }
0x76: {  	[sflag:s25] =	ssyncset.done $0x0  }
0x77: {  	s13 =	rddreg [dreg:$0xa];
	[sflag:s25] =	ssyncadd.s32 $0xFFFFC000  }
0x78: {  	[spmem:s2] =	stream.indirect.scatter.add.f32 [tilespmem:s23], [sflag:$0x5], $0x80, s13, s21, $0xb8;
	[tilespmem:$0x1DC00] =	vst v63  }
0x79: {  	_ =	swait.ge [sflag:s15], $0x4000  }
0x7a: {  	[sflag:s15] =	ssyncset.done $0x0  }
0x7b: {  	s6 =	rddreg [dreg:$0xb];
	[sflag:s15] =	ssyncadd.s32 $0xFFFFC000  }
0x7c: {  	[tilespmem:s23], [sflag:$0x4] =	stream.indirect.gather [hbm4b:s5+s21], $0x80, s6, s21, $0xb8;
	[tilespmem:$0x1DC00] =	vst v63  }
0x7d: {  	_ =	swait.ge [sflag:s24], $0x4000  }
0x7e: {  	[sflag:s24] =	ssyncset.done $0x0  }
0x7f: {  	s8 =	rddreg [dreg:$0xc];
	[sflag:s24] =	ssyncadd.s32 $0xFFFFC000  }
0x80: {  	[spmem:s2] =	stream.indirect.scatter.add.f32 [tilespmem:s22], [sflag:$0x5], $0x80, s8, s21, $0xb8;
	[tilespmem:$0x1DC00] =	vst v63  }
0x81: {  	_ =	swait.ge [sflag:s15], $0x4000  }
0x82: {  	[sflag:s15] =	ssyncset.done $0x0  }
0x83: {  	s10 =	rddreg [dreg:$0xd];
	[sflag:s15] =	ssyncadd.s32 $0xFFFFC000  }
0x84: {  	[tilespmem:s22], [sflag:$0x3] =	stream.indirect.gather [hbm4b:s5+s21], $0x80, s10, s21, $0xb8;
	[tilespmem:$0x1DC00] =	vst v63  }
0x85: {  	_ =	swait.ge [sflag:s25], $0x4000  }
0x86: {  	[sflag:s25] =	ssyncset.done $0x0  }
0x87: {  	s11 =	rddreg [dreg:$0xe];
	[sflag:s25] =	ssyncadd.s32 $0xFFFFC000  }
0x88: {  	[spmem:s2] =	stream.indirect.scatter.add.f32 [tilespmem:s23], [sflag:$0x5], $0x80, s11, s21, $0xb8;
	[tilespmem:$0x1DC00] =	vst v63  }
0x89: {  	_ =	swait.ge [sflag:s15], $0x4000  }
0x8a: {  	[sflag:s15] =	ssyncset.done $0x0  }
0x8b: {  	s13 =	rddreg [dreg:$0xf];
	[sflag:s15] =	ssyncadd.s32 $0xFFFFC000  }
0x8c: {  	[tilespmem:s23], [sflag:$0x4] =	stream.indirect.gather [hbm4b:s5+s21], $0x80, s13, s21, $0xb8;
	[tilespmem:$0x1DC00] =	vst v63  }
0x8d: {  	_ =	swait.ge [sflag:s24], $0x4000  }
0x8e: {  	[sflag:s24] =	ssyncset.done $0x0  }
0x8f: {  	s6 =	rddreg [dreg:$0x10];
	[sflag:s24] =	ssyncadd.s32 $0xFFFFC000  }
0x90: {  	[spmem:s2] =	stream.indirect.scatter.add.f32 [tilespmem:s22], [sflag:$0x5], $0x80, s6, s21, $0xb8;
	[tilespmem:$0x1DC00] =	vst v63  }
0x91: {  	_ =	swait.ge [sflag:s15], $0x4000  }
0x92: {  	[sflag:s15] =	ssyncset.done $0x0  }
0x93: {  	s8 =	rddreg [dreg:$0x11];
	[sflag:s15] =	ssyncadd.s32 $0xFFFFC000  }
0x94: {  	[tilespmem:s22], [sflag:$0x3] =	stream.indirect.gather [hbm4b:s5+s21], $0x80, s8, s21, $0xb8;
	[tilespmem:$0x1DC00] =	vst v63  }
0x95: {  	_ =	swait.ge [sflag:s25], $0x4000  }
0x96: {  	[sflag:s25] =	ssyncset.done $0x0  }
0x97: {  	s10 =	rddreg [dreg:$0x12];
	[sflag:s25] =	ssyncadd.s32 $0xFFFFC000  }
0x98: {  	[spmem:s2] =	stream.indirect.scatter.add.f32 [tilespmem:s23], [sflag:$0x5], $0x80, s10, s21, $0xb8;
	[tilespmem:$0x1DC00] =	vst v63  }
0x99: {  	_ =	swait.ge [sflag:s15], $0x4000  }
0x9a: {  	[sflag:s15] =	ssyncset.done $0x0  }
0x9b: {  	s11 =	rddreg [dreg:$0x13];
	[sflag:s15] =	ssyncadd.s32 $0xFFFFC000  }
0x9c: {  	[tilespmem:s23], [sflag:$0x4] =	stream.indirect.gather [hbm4b:s5+s21], $0x80, s11, s21, $0xb8;
	[tilespmem:$0x1DC00] =	vst v63  }
0x9d: {  	_ =	swait.ge [sflag:s24], $0x4000  }
0x9e: {  	[sflag:s24] =	ssyncset.done $0x0  }
0x9f: {  	s13 =	rddreg [dreg:$0x14];
	[sflag:s24] =	ssyncadd.s32 $0xFFFFC000  }
0xa0: {  	[spmem:s2] =	stream.indirect.scatter.add.f32 [tilespmem:s22], [sflag:$0x5], $0x80, s13, s21, $0xb8;
	[tilespmem:$0x1DC00] =	vst v63  }
0xa1: {  	_ =	swait.ge [sflag:s15], $0x4000  }
0xa2: {  	[sflag:s15] =	ssyncset.done $0x0  }
0xa3: {  	s6 =	rddreg [dreg:$0x15];
	[sflag:s15] =	ssyncadd.s32 $0xFFFFC000  }
0xa4: {  	[tilespmem:s22], [sflag:$0x3] =	stream.indirect.gather [hbm4b:s5+s21], $0x80, s6, s21, $0xb8;
	[tilespmem:$0x1DC00] =	vst v63  }
0xa5: {  	_ =	swait.ge [sflag:s25], $0x4000  }
0xa6: {  	[sflag:s25] =	ssyncset.done $0x0  }
0xa7: {  	s8 =	rddreg [dreg:$0x16];
	[sflag:s25] =	ssyncadd.s32 $0xFFFFC000  }
0xa8: {  	[spmem:s2] =	stream.indirect.scatter.add.f32 [tilespmem:s23], [sflag:$0x5], $0x80, s8, s21, $0xb8;
	[tilespmem:$0x1DC00] =	vst v63  }
0xa9: {  	_ =	swait.ge [sflag:s15], $0x4000  }
0xaa: {  	[sflag:s15] =	ssyncset.done $0x0  }
0xab: {  	s10 =	rddreg [dreg:$0x17];
	[sflag:s15] =	ssyncadd.s32 $0xFFFFC000  }
0xac: {  	[tilespmem:s23], [sflag:$0x4] =	stream.indirect.gather [hbm4b:s5+s21], $0x80, s10, s21, $0xb8;
	[tilespmem:$0x1DC00] =	vst v63  }
0xad: {  	_ =	swait.ge [sflag:s24], $0x4000  }
0xae: {  	[sflag:s24] =	ssyncset.done $0x0  }
0xaf: {  	s11 =	rddreg [dreg:$0x18];
	[sflag:s24] =	ssyncadd.s32 $0xFFFFC000  }
0xb0: {  	[spmem:s2] =	stream.indirect.scatter.add.f32 [tilespmem:s22], [sflag:$0x5], $0x80, s11, s21, $0xb8;
	[tilespmem:$0x1DC00] =	vst v63  }
0xb1: {  	_ =	swait.ge [sflag:s15], $0x4000  }
0xb2: {  	[sflag:s15] =	ssyncset.done $0x0  }
0xb3: {  	s13 =	rddreg [dreg:$0x19];
	[sflag:s15] =	ssyncadd.s32 $0xFFFFC000  }
0xb4: {  	[tilespmem:s22], [sflag:$0x3] =	stream.indirect.gather [hbm4b:s5+s21], $0x80, s13, s21, $0xb8;
	[tilespmem:$0x1DC00] =	vst v63  }
0xb5: {  	_ =	swait.ge [sflag:s25], $0x4000  }
0xb6: {  	[sflag:s25] =	ssyncset.done $0x0  }
0xb7: {  	s6 =	rddreg [dreg:$0x1a];
	[sflag:s25] =	ssyncadd.s32 $0xFFFFC000  }
0xb8: {  	[spmem:s2] =	stream.indirect.scatter.add.f32 [tilespmem:s23], [sflag:$0x5], $0x80, s6, s21, $0xb8;
	[tilespmem:$0x1DC00] =	vst v63  }
0xb9: {  	_ =	swait.ge [sflag:s15], $0x4000  }
0xba: {  	[sflag:s15] =	ssyncset.done $0x0  }
0xbb: {  	s8 =	rddreg [dreg:$0x1b];
	[sflag:s15] =	ssyncadd.s32 $0xFFFFC000  }
0xbc: {  	[tilespmem:s23], [sflag:$0x4] =	stream.indirect.gather [hbm4b:s5+s21], $0x80, s8, s21, $0xb8;
	[tilespmem:$0x1DC00] =	vst v63  }
0xbd: {  	_ =	swait.ge [sflag:s24], $0x4000  }
0xbe: {  	[sflag:s24] =	ssyncset.done $0x0  }
0xbf: {  	s10 =	rddreg [dreg:$0x1c];
	[sflag:s24] =	ssyncadd.s32 $0xFFFFC000  }
0xc0: {  	[spmem:s2] =	stream.indirect.scatter.add.f32 [tilespmem:s22], [sflag:$0x5], $0x80, s10, s21, $0xb8;
	[tilespmem:$0x1DC00] =	vst v63  }
0xc1: {  	_ =	swait.ge [sflag:s15], $0x4000  }
0xc2: {  	[sflag:s15] =	ssyncset.done $0x0  }
0xc3: {  	s11 =	rddreg [dreg:$0x1d];
	[sflag:s15] =	ssyncadd.s32 $0xFFFFC000  }
0xc4: {  	[tilespmem:s22], [sflag:$0x3] =	stream.indirect.gather [hbm4b:s5+s21], $0x80, s11, s21, $0xb8;
	[tilespmem:$0x1DC00] =	vst v63  }
0xc5: {  	_ =	swait.ge [sflag:s25], $0x4000  }
0xc6: {  	[sflag:s25] =	ssyncset.done $0x0  }
0xc7: {  	s13 =	rddreg [dreg:$0x1e];
	[sflag:s25] =	ssyncadd.s32 $0xFFFFC000  }
0xc8: {  	[spmem:s2] =	stream.indirect.scatter.add.f32 [tilespmem:s23], [sflag:$0x5], $0x80, s13, s21, $0xb8;
	[tilespmem:$0x1DC00] =	vst v63  }
0xc9: {  	_ =	swait.ge [sflag:s15], $0x4000  }
0xca: {  	[sflag:s15] =	ssyncset.done $0x0  }
0xcb: {  	s6 =	rddreg [dreg:$0x1f];
	[sflag:s15] =	ssyncadd.s32 $0xFFFFC000  }
0xcc: {  	[tilespmem:s23], [sflag:$0x4] =	stream.indirect.gather [hbm4b:s5+s21], $0x80, s6, s21, $0xb8;
	[tilespmem:$0x1DC00] =	vst v63  }
0xcd: {  	_ =	swait.ge [sflag:s24], $0x4000  }
0xce: {  	s8 =	sld [smem:$0x7DE]  }
0xcf: {  	[sflag:s24] =	ssyncset.done $0x0  }
0xd0: {  	[sflag:s24] =	ssyncadd.s32 $0xFFFFC000  }
0xd1: {  	[spmem:s2] =	stream.indirect.scatter.add.f32 [tilespmem:s22], [sflag:$0x5], $0x80, s8, s21, $0xb8;
	[tilespmem:$0x1DC00] =	vst v63  }
0xd2: {  	_ =	swait.ge [sflag:s15], $0x4000  }
0xd3: {  	[sflag:s15] =	ssyncset.done $0x0  }
0xd4: {  	[sflag:s15] =	ssyncadd.s32 $0xFFFFC000  }
0xd5: {  	_ =	swait.ge [sflag:s25], $0x4000  }
0xd6: {  	s10 =	sld [smem:$0x7DF]  }
0xd7: {  	[sflag:s25] =	ssyncset.done $0x0  }
0xd8: {  	[sflag:s25] =	ssyncadd.s32 $0xFFFFC000  }
0xd9: {  	[spmem:s2] =	stream.indirect.scatter.add.f32 [tilespmem:s23], [sflag:$0x5], $0x80, s10, s21, $0xb8;
	[tilespmem:$0x1DC00] =	vst v63  }
0xda: {  	_ =	swait.ge [sflag:s15], $0x4000  }
0xdb: {  	[sflag:s15] =	ssyncset.done $0x0  }
0xdc: {  	[sflag:s15] =	ssyncadd.s32 $0xFFFFC000  }
0xdd: {  	_ =	swait.ge [sflag:s26], $0x800  }
0xde: {  	[sflag:s26] =	ssyncset.done $0x0  }
0xdf: {  	p0 =	por $0x0, $0x0;
	[sflag:s26] =	ssyncadd.s32 $0xFFFFF800  }
0xe0: {  	s1 =	sshrl.u32 @!p0 s0, $0x3;
	_ =	swait.ge [sflag:s26], $0x800  }
0xe1: {  	s13 =	sadd.s32 @!p0 s4, s1;
	[sflag:s26] =	ssyncset.done $0x0  }
0xe2: {  	s6 =	simm.s32 @!p0 $0x13C00;
	s8 =	simm.s32 @!p0 $0x0;
	[sflag:s26] =	ssyncadd.s32 $0xFFFFF800  }
0xe3: {  	[tilespmem:s6], [sflag:$0x1] =	stream.linear.gather @!p0 [hbm4b:s13+s8], $0x800, $0x38;
	[tilespmem:$0x1DC00] =	vst v63  }
0xe4: {  	s1 =	sadd.s32 @!p0 s1, s9;
	s6 =	simm.s32 @!p0 $0x14400  }
0xe5: {  	[tilespmem:s6], [sflag:$0x1] =	stream.linear.gather @!p0 [hbm4b:s1+s8], $0x800, $0x38;
	[tilespmem:$0x1DC00] =	vst v63  }
0xe6: {  	s11 =	sld [smem:$0x7E0]  }
0xe7: {  	[tilespmem:s22], [sflag:$0x3] =	stream.indirect.gather [hbm4b:s5+s21], $0x80, s19, s21, $0xb8;
	[tilespmem:$0x1DC00] =	vst v63  }
0xe8: {  	_ = 	snop  }
0xe9: {  	[tilespmem:s23], [sflag:$0x4] =	stream.indirect.gather [hbm4b:s5+s21], $0x80, s11, s21, $0xb8;
	[tilespmem:$0x1DC00] =	vst v63  }
0xea: {  	_ =	swait.ge [sflag:s24], $0x4000  }
0xeb: {  	[sflag:s24] =	ssyncset.done $0x0  }
0xec: {  	[sflag:s24] =	ssyncadd.s32 $0xFFFFC000  }
0xed: {  	[spmem:s2] =	stream.indirect.scatter.add.f32 [tilespmem:s22], [sflag:$0x5], $0x80, s20, s21, $0xb8;
	[tilespmem:$0x1DC00] =	vst v63  }
0xee: {  	_ =	swait.ge [sflag:s15], $0x4000  }
0xef: {  	s13 =	sld [smem:$0x7E1]  }
0xf0: {  	[sflag:s15] =	ssyncset.done $0x0  }
0xf1: {  	[sflag:s15] =	ssyncadd.s32 $0xFFFFC000  }
0xf2: {  	[tilespmem:s22], [sflag:$0x3] =	stream.indirect.gather [hbm4b:s5+s21], $0x80, s13, s21, $0xb8;
	[tilespmem:$0x1DC00] =	vst v63  }
0xf3: {  	_ =	swait.ge [sflag:s25], $0x4000  }
0xf4: {  	s6 =	sld [smem:$0x7E2]  }
0xf5: {  	[sflag:s25] =	ssyncset.done $0x0  }
0xf6: {  	[sflag:s25] =	ssyncadd.s32 $0xFFFFC000  }
0xf7: {  	[spmem:s2] =	stream.indirect.scatter.add.f32 [tilespmem:s23], [sflag:$0x5], $0x80, s6, s21, $0xb8;
	[tilespmem:$0x1DC00] =	vst v63  }
0xf8: {  	_ =	swait.ge [sflag:s15], $0x4000  }
0xf9: {  	s8 =	sld [smem:$0x7E3]  }
0xfa: {  	[sflag:s15] =	ssyncset.done $0x0  }
0xfb: {  	[sflag:s15] =	ssyncadd.s32 $0xFFFFC000  }
0xfc: {  	[tilespmem:s23], [sflag:$0x4] =	stream.indirect.gather [hbm4b:s5+s21], $0x80, s8, s21, $0xb8;
	[tilespmem:$0x1DC00] =	vst v63  }
0xfd: {  	_ =	swait.ge [sflag:s24], $0x4000  }
0xfe: {  	s10 =	sld [smem:$0x7E4]  }
0xff: {  	[sflag:s24] =	ssyncset.done $0x0  }
0x100: {  	[sflag:s24] =	ssyncadd.s32 $0xFFFFC000  }
0x101: {  	[spmem:s2] =	stream.indirect.scatter.add.f32 [tilespmem:s22], [sflag:$0x5], $0x80, s10, s21, $0xb8;
	[tilespmem:$0x1DC00] =	vst v63  }
0x102: {  	_ =	swait.ge [sflag:s15], $0x4000  }
0x103: {  	s11 =	sld [smem:$0x7E5]  }
0x104: {  	[sflag:s15] =	ssyncset.done $0x0  }
0x105: {  	[sflag:s15] =	ssyncadd.s32 $0xFFFFC000  }
0x106: {  	[tilespmem:s22], [sflag:$0x3] =	stream.indirect.gather [hbm4b:s5+s21], $0x80, s11, s21, $0xb8;
	[tilespmem:$0x1DC00] =	vst v63  }
0x107: {  	_ =	swait.ge [sflag:s25], $0x4000  }
0x108: {  	s13 =	sld [smem:$0x7E7]  }
0x109: {  	[sflag:s25] =	ssyncset.done $0x0  }
0x10a: {  	[sflag:s25] =	ssyncadd.s32 $0xFFFFC000  }
0x10b: {  	[spmem:s2] =	stream.indirect.scatter.add.f32 [tilespmem:s23], [sflag:$0x5], $0x80, s13, s21, $0xb8;
	[tilespmem:$0x1DC00] =	vst v63  }
0x10c: {  	_ =	swait.ge [sflag:s15], $0x4000  }
0x10d: {  	s6 =	sld [smem:$0x7E8]  }
0x10e: {  	[sflag:s15] =	ssyncset.done $0x0  }
0x10f: {  	[sflag:s15] =	ssyncadd.s32 $0xFFFFC000  }
0x110: {  	[tilespmem:s23], [sflag:$0x4] =	stream.indirect.gather [hbm4b:s5+s21], $0x80, s6, s21, $0xb8;
	[tilespmem:$0x1DC00] =	vst v63  }
0x111: {  	_ =	swait.ge [sflag:s24], $0x4000  }
0x112: {  	s8 =	sld [smem:$0x7EA]  }
0x113: {  	[sflag:s24] =	ssyncset.done $0x0  }
0x114: {  	[sflag:s24] =	ssyncadd.s32 $0xFFFFC000  }
0x115: {  	[spmem:s2] =	stream.indirect.scatter.add.f32 [tilespmem:s22], [sflag:$0x5], $0x80, s8, s21, $0xb8;
	[tilespmem:$0x1DC00] =	vst v63  }
0x116: {  	_ =	swait.ge [sflag:s15], $0x4000  }
0x117: {  	s10 =	sld [smem:$0x7EB]  }
0x118: {  	[sflag:s15] =	ssyncset.done $0x0  }
0x119: {  	[sflag:s15] =	ssyncadd.s32 $0xFFFFC000  }
0x11a: {  	[tilespmem:s22], [sflag:$0x3] =	stream.indirect.gather [hbm4b:s5+s21], $0x80, s10, s21, $0xb8;
	[tilespmem:$0x1DC00] =	vst v63  }
0x11b: {  	_ =	swait.ge [sflag:s25], $0x4000  }
0x11c: {  	s11 =	sld [smem:$0x7EC]  }
0x11d: {  	[sflag:s25] =	ssyncset.done $0x0  }
0x11e: {  	[sflag:s25] =	ssyncadd.s32 $0xFFFFC000  }
0x11f: {  	[spmem:s2] =	stream.indirect.scatter.add.f32 [tilespmem:s23], [sflag:$0x5], $0x80, s11, s21, $0xb8;
	[tilespmem:$0x1DC00] =	vst v63  }
0x120: {  	_ =	swait.ge [sflag:s15], $0x4000  }
0x121: {  	s13 =	sld [smem:$0x7EE]  }
0x122: {  	[sflag:s15] =	ssyncset.done $0x0  }
0x123: {  	[sflag:s15] =	ssyncadd.s32 $0xFFFFC000  }
0x124: {  	[tilespmem:s23], [sflag:$0x4] =	stream.indirect.gather [hbm4b:s5+s21], $0x80, s13, s21, $0xb8;
	[tilespmem:$0x1DC00] =	vst v63  }
0x125: {  	_ =	swait.ge [sflag:s24], $0x4000  }
0x126: {  	s6 =	sld [smem:$0x7EF]  }
0x127: {  	[sflag:s24] =	ssyncset.done $0x0  }
0x128: {  	[sflag:s24] =	ssyncadd.s32 $0xFFFFC000  }
0x129: {  	[spmem:s2] =	stream.indirect.scatter.add.f32 [tilespmem:s22], [sflag:$0x5], $0x80, s6, s21, $0xb8;
	[tilespmem:$0x1DC00] =	vst v63  }
0x12a: {  	_ =	swait.ge [sflag:s15], $0x4000  }
0x12b: {  	s8 =	sld [smem:$0x7F0]  }
0x12c: {  	[sflag:s15] =	ssyncset.done $0x0  }
0x12d: {  	[sflag:s15] =	ssyncadd.s32 $0xFFFFC000  }
0x12e: {  	[tilespmem:s22], [sflag:$0x3] =	stream.indirect.gather [hbm4b:s5+s21], $0x80, s8, s21, $0xb8;
	[tilespmem:$0x1DC00] =	vst v63  }
0x12f: {  	_ =	swait.ge [sflag:s25], $0x4000  }
0x130: {  	s10 =	sld [smem:$0x7F1]  }
0x131: {  	[sflag:s25] =	ssyncset.done $0x0  }
0x132: {  	[sflag:s25] =	ssyncadd.s32 $0xFFFFC000  }
0x133: {  	[spmem:s2] =	stream.indirect.scatter.add.f32 [tilespmem:s23], [sflag:$0x5], $0x80, s10, s21, $0xb8;
	[tilespmem:$0x1DC00] =	vst v63  }
0x134: {  	_ =	swait.ge [sflag:s15], $0x4000  }
0x135: {  	s11 =	sld [smem:$0x7F2]  }
0x136: {  	[sflag:s15] =	ssyncset.done $0x0  }
0x137: {  	[sflag:s15] =	ssyncadd.s32 $0xFFFFC000  }
0x138: {  	[tilespmem:s23], [sflag:$0x4] =	stream.indirect.gather [hbm4b:s5+s21], $0x80, s11, s21, $0xb8;
	[tilespmem:$0x1DC00] =	vst v63  }
0x139: {  	_ =	swait.ge [sflag:s24], $0x4000  }
0x13a: {  	s13 =	sld [smem:$0x7F3]  }
0x13b: {  	[sflag:s24] =	ssyncset.done $0x0  }
0x13c: {  	[sflag:s24] =	ssyncadd.s32 $0xFFFFC000  }
0x13d: {  	[spmem:s2] =	stream.indirect.scatter.add.f32 [tilespmem:s22], [sflag:$0x5], $0x80, s13, s21, $0xb8;
	[tilespmem:$0x1DC00] =	vst v63  }
0x13e: {  	_ =	swait.ge [sflag:s15], $0x4000  }
0x13f: {  	s6 =	sld [smem:$0x7F4]  }
0x140: {  	[sflag:s15] =	ssyncset.done $0x0  }
0x141: {  	[sflag:s15] =	ssyncadd.s32 $0xFFFFC000  }
0x142: {  	[tilespmem:s22], [sflag:$0x3] =	stream.indirect.gather [hbm4b:s5+s21], $0x80, s6, s21, $0xb8;
	[tilespmem:$0x1DC00] =	vst v63  }
0x143: {  	_ =	swait.ge [sflag:s25], $0x4000  }
0x144: {  	s8 =	sld [smem:$0x7F5]  }
0x145: {  	[sflag:s25] =	ssyncset.done $0x0  }
0x146: {  	[sflag:s25] =	ssyncadd.s32 $0xFFFFC000  }
0x147: {  	[spmem:s2] =	stream.indirect.scatter.add.f32 [tilespmem:s23], [sflag:$0x5], $0x80, s8, s21, $0xb8;
	[tilespmem:$0x1DC00] =	vst v63  }
0x148: {  	_ =	swait.ge [sflag:s15], $0x4000  }
0x149: {  	s10 =	sld [smem:$0x7F6]  }
0x14a: {  	[sflag:s15] =	ssyncset.done $0x0  }
0x14b: {  	[sflag:s15] =	ssyncadd.s32 $0xFFFFC000  }
0x14c: {  	[tilespmem:s23], [sflag:$0x4] =	stream.indirect.gather [hbm4b:s5+s21], $0x80, s10, s21, $0xb8;
	[tilespmem:$0x1DC00] =	vst v63  }
0x14d: {  	_ =	swait.ge [sflag:s24], $0x4000  }
0x14e: {  	s11 =	sld [smem:$0x7F7]  }
0x14f: {  	[sflag:s24] =	ssyncset.done $0x0  }
0x150: {  	[sflag:s24] =	ssyncadd.s32 $0xFFFFC000  }
0x151: {  	[spmem:s2] =	stream.indirect.scatter.add.f32 [tilespmem:s22], [sflag:$0x5], $0x80, s11, s21, $0xb8;
	[tilespmem:$0x1DC00] =	vst v63  }
0x152: {  	_ =	swait.ge [sflag:s15], $0x4000  }
0x153: {  	s13 =	sld [smem:$0x7F8]  }
0x154: {  	[sflag:s15] =	ssyncset.done $0x0  }
0x155: {  	[sflag:s15] =	ssyncadd.s32 $0xFFFFC000  }
0x156: {  	[tilespmem:s22], [sflag:$0x3] =	stream.indirect.gather [hbm4b:s5+s21], $0x80, s13, s21, $0xb8;
	[tilespmem:$0x1DC00] =	vst v63  }
0x157: {  	_ =	swait.ge [sflag:s25], $0x4000  }
0x158: {  	s6 =	sld [smem:$0x7F9]  }
0x159: {  	[sflag:s25] =	ssyncset.done $0x0  }
0x15a: {  	[sflag:s25] =	ssyncadd.s32 $0xFFFFC000  }
0x15b: {  	[spmem:s2] =	stream.indirect.scatter.add.f32 [tilespmem:s23], [sflag:$0x5], $0x80, s6, s21, $0xb8;
	[tilespmem:$0x1DC00] =	vst v63  }
0x15c: {  	_ =	swait.ge [sflag:s15], $0x4000  }
0x15d: {  	s8 =	sld [smem:$0x7FA]  }
0x15e: {  	[sflag:s15] =	ssyncset.done $0x0  }
0x15f: {  	[sflag:s15] =	ssyncadd.s32 $0xFFFFC000  }
0x160: {  	[tilespmem:s23], [sflag:$0x4] =	stream.indirect.gather [hbm4b:s5+s21], $0x80, s8, s21, $0xb8;
	[tilespmem:$0x1DC00] =	vst v63  }
0x161: {  	_ =	swait.ge [sflag:s24], $0x4000  }
0x162: {  	s10 =	sld [smem:$0x7FB]  }
0x163: {  	[sflag:s24] =	ssyncset.done $0x0  }
0x164: {  	[sflag:s24] =	ssyncadd.s32 $0xFFFFC000  }
0x165: {  	[spmem:s2] =	stream.indirect.scatter.add.f32 [tilespmem:s22], [sflag:$0x5], $0x80, s10, s21, $0xb8;
	[tilespmem:$0x1DC00] =	vst v63  }
0x166: {  	_ =	swait.ge [sflag:s15], $0x4000  }
0x167: {  	s11 =	sld [smem:$0x7FC]  }
0x168: {  	[sflag:s15] =	ssyncset.done $0x0  }
0x169: {  	[sflag:s15] =	ssyncadd.s32 $0xFFFFC000  }
0x16a: {  	[tilespmem:s22], [sflag:$0x3] =	stream.indirect.gather [hbm4b:s5+s21], $0x80, s11, s21, $0xb8;
	[tilespmem:$0x1DC00] =	vst v63  }
0x16b: {  	_ =	swait.ge [sflag:s25], $0x4000  }
0x16c: {  	s13 =	sld [smem:$0x7FD]  }
0x16d: {  	[sflag:s25] =	ssyncset.done $0x0  }
0x16e: {  	[sflag:s25] =	ssyncadd.s32 $0xFFFFC000  }
0x16f: {  	[spmem:s2] =	stream.indirect.scatter.add.f32 [tilespmem:s23], [sflag:$0x5], $0x80, s13, s21, $0xb8;
	[tilespmem:$0x1DC00] =	vst v63  }
0x170: {  	_ =	swait.ge [sflag:s15], $0x4000  }
0x171: {  	[sflag:s15] =	ssyncset.done $0x0  }
0x172: {  	[sflag:s15] =	ssyncadd.s32 $0xFFFFC000  }
0x173: {  	[tilespmem:s23], [sflag:$0x4] =	stream.indirect.gather [hbm4b:s5+s21], $0x80, s28, s21, $0xb8;
	[tilespmem:$0x1DC00] =	vst v63  }
0x174: {  	_ =	swait.ge [sflag:s24], $0x4000  }
0x175: {  	[sflag:s24] =	ssyncset.done $0x0  }
0x176: {  	[sflag:s24] =	ssyncadd.s32 $0xFFFFC000  }
0x177: {  	[spmem:s2] =	stream.indirect.scatter.add.f32 [tilespmem:s22], [sflag:$0x5], $0x80, s29, s21, $0xb8;
	[tilespmem:$0x1DC00] =	vst v63  }
0x178: {  	_ =	swait.ge [sflag:s15], $0x4000  }
0x179: {  	[sflag:s15] =	ssyncset.done $0x0  }
0x17a: {  	[sflag:s15] =	ssyncadd.s32 $0xFFFFC000  }
0x17b: {  	_ =	swait.ge [sflag:s25], $0x4000  }
0x17c: {  	[sflag:s25] =	ssyncset.done $0x0  }
0x17d: {  	[sflag:s25] =	ssyncadd.s32 $0xFFFFC000  }
0x17e: {  	[spmem:s2] =	stream.indirect.scatter.add.f32 [tilespmem:s23], [sflag:$0x5], $0x80, s30, s21, $0xb8;
	[tilespmem:$0x1DC00] =	vst v63  }
0x17f: {  	_ =	swait.ge [sflag:s15], $0x4000  }
0x180: {  	s1 =	simm.s32 $0x400;
	s13 =	smov.u32 s0;
	[sflag:s15] =	ssyncset.done $0x0  }
.LBB2_2:
0x181: {  	[sflag:s15] =	ssyncadd.s32 $0xFFFFC000  }
0x182: {  	_ =	swait.ge [sflag:s18], $0x800  }
0x183: {  	[sflag:s18] =	ssyncset.done $0x0  }
0x184: {  	[sflag:s18] =	ssyncadd.s32 $0xFFFFF800  }
0x185: {  	_ =	swait.ge [sflag:s18], $0x800  }
0x186: {  	s6 =	smov.u32 s1;
	s8 =	rddreg [dreg:$0x3];
	[sflag:s18] =	ssyncset.done $0x0  }
0x187: {  	[sflag:s18] =	ssyncadd.s32 $0xFFFFF800;
	s8 =	sadd.s32 s6, s8  }
0x188: {  	[tilespmem:s19], [sflag:$0x2] =	stream.linear.gather [hbm4b:s8+s3], $0x800, $0x38;
	[tilespmem:$0x1DC00] =	vst v63  }
0x189: {  	s8 =	sadd.s32 $0x100, s8  }
0x18a: {  	[tilespmem:s20], [sflag:$0x2] =	stream.linear.gather [hbm4b:s8+s3], $0x800, $0x38;
	[tilespmem:$0x1DC00] =	vst v63  }
0x18b: {  	_ = 	snop  }
0x18c: {  	[tilespmem:s22], [sflag:$0x3] =	stream.indirect.gather [hbm4b:s5+s21], $0x80, s16, s21, $0xb8;
	[tilespmem:$0x1DC00] =	vst v63  }
0x18d: {  	s10 =	rddreg [dreg:$0x4]  }
0x18e: {  	[tilespmem:s23], [sflag:$0x4] =	stream.indirect.gather [hbm4b:s5+s21], $0x80, s10, s21, $0xb8;
	[tilespmem:$0x1DC00] =	vst v63  }
0x18f: {  	_ =	swait.ge [sflag:s24], $0x4000  }
0x190: {  	[sflag:s24] =	ssyncset.done $0x0  }
0x191: {  	[sflag:s24] =	ssyncadd.s32 $0xFFFFC000  }
0x192: {  	[spmem:s2] =	stream.indirect.scatter.add.f32 [tilespmem:s22], [sflag:$0x5], $0x80, s17, s21, $0xb8;
	[tilespmem:$0x1DC00] =	vst v63  }
0x193: {  	_ =	swait.ge [sflag:s15], $0x4000  }
0x194: {  	[sflag:s15] =	ssyncset.done $0x0  }
0x195: {  	s11 =	rddreg [dreg:$0x5];
	[sflag:s15] =	ssyncadd.s32 $0xFFFFC000  }
0x196: {  	[tilespmem:s22], [sflag:$0x3] =	stream.indirect.gather [hbm4b:s5+s21], $0x80, s11, s21, $0xb8;
	[tilespmem:$0x1DC00] =	vst v63  }
0x197: {  	_ =	swait.ge [sflag:s25], $0x4000  }
0x198: {  	[sflag:s25] =	ssyncset.done $0x0  }
0x199: {  	s10 =	rddreg [dreg:$0x6];
	[sflag:s25] =	ssyncadd.s32 $0xFFFFC000  }
0x19a: {  	[spmem:s2] =	stream.indirect.scatter.add.f32 [tilespmem:s23], [sflag:$0x5], $0x80, s10, s21, $0xb8;
	[tilespmem:$0x1DC00] =	vst v63  }
0x19b: {  	_ =	swait.ge [sflag:s15], $0x4000  }
0x19c: {  	[sflag:s15] =	ssyncset.done $0x0  }
0x19d: {  	s11 =	rddreg [dreg:$0x7];
	[sflag:s15] =	ssyncadd.s32 $0xFFFFC000  }
0x19e: {  	[tilespmem:s23], [sflag:$0x4] =	stream.indirect.gather [hbm4b:s5+s21], $0x80, s11, s21, $0xb8;
	[tilespmem:$0x1DC00] =	vst v63  }
0x19f: {  	_ =	swait.ge [sflag:s24], $0x4000  }
0x1a0: {  	[sflag:s24] =	ssyncset.done $0x0  }
0x1a1: {  	s10 =	rddreg [dreg:$0x8];
	[sflag:s24] =	ssyncadd.s32 $0xFFFFC000  }
0x1a2: {  	[spmem:s2] =	stream.indirect.scatter.add.f32 [tilespmem:s22], [sflag:$0x5], $0x80, s10, s21, $0xb8;
	[tilespmem:$0x1DC00] =	vst v63  }
0x1a3: {  	_ =	swait.ge [sflag:s15], $0x4000  }
0x1a4: {  	[sflag:s15] =	ssyncset.done $0x0  }
0x1a5: {  	s11 =	rddreg [dreg:$0x9];
	[sflag:s15] =	ssyncadd.s32 $0xFFFFC000  }
0x1a6: {  	[tilespmem:s22], [sflag:$0x3] =	stream.indirect.gather [hbm4b:s5+s21], $0x80, s11, s21, $0xb8;
	[tilespmem:$0x1DC00] =	vst v63  }
0x1a7: {  	_ =	swait.ge [sflag:s25], $0x4000  }
0x1a8: {  	[sflag:s25] =	ssyncset.done $0x0  }
0x1a9: {  	s10 =	rddreg [dreg:$0xa];
	[sflag:s25] =	ssyncadd.s32 $0xFFFFC000  }
0x1aa: {  	[spmem:s2] =	stream.indirect.scatter.add.f32 [tilespmem:s23], [sflag:$0x5], $0x80, s10, s21, $0xb8;
	[tilespmem:$0x1DC00] =	vst v63  }
0x1ab: {  	_ =	swait.ge [sflag:s15], $0x4000  }
0x1ac: {  	[sflag:s15] =	ssyncset.done $0x0  }
0x1ad: {  	s11 =	rddreg [dreg:$0xb];
	[sflag:s15] =	ssyncadd.s32 $0xFFFFC000  }
0x1ae: {  	[tilespmem:s23], [sflag:$0x4] =	stream.indirect.gather [hbm4b:s5+s21], $0x80, s11, s21, $0xb8;
	[tilespmem:$0x1DC00] =	vst v63  }
0x1af: {  	_ =	swait.ge [sflag:s24], $0x4000  }
0x1b0: {  	[sflag:s24] =	ssyncset.done $0x0  }
0x1b1: {  	s10 =	rddreg [dreg:$0xc];
	[sflag:s24] =	ssyncadd.s32 $0xFFFFC000  }
0x1b2: {  	[spmem:s2] =	stream.indirect.scatter.add.f32 [tilespmem:s22], [sflag:$0x5], $0x80, s10, s21, $0xb8;
	[tilespmem:$0x1DC00] =	vst v63  }
0x1b3: {  	_ =	swait.ge [sflag:s15], $0x4000  }
0x1b4: {  	[sflag:s15] =	ssyncset.done $0x0  }
0x1b5: {  	s11 =	rddreg [dreg:$0xd];
	[sflag:s15] =	ssyncadd.s32 $0xFFFFC000  }
0x1b6: {  	[tilespmem:s22], [sflag:$0x3] =	stream.indirect.gather [hbm4b:s5+s21], $0x80, s11, s21, $0xb8;
	[tilespmem:$0x1DC00] =	vst v63  }
0x1b7: {  	_ =	swait.ge [sflag:s25], $0x4000  }
0x1b8: {  	[sflag:s25] =	ssyncset.done $0x0  }
0x1b9: {  	s10 =	rddreg [dreg:$0xe];
	[sflag:s25] =	ssyncadd.s32 $0xFFFFC000  }
0x1ba: {  	[spmem:s2] =	stream.indirect.scatter.add.f32 [tilespmem:s23], [sflag:$0x5], $0x80, s10, s21, $0xb8;
	[tilespmem:$0x1DC00] =	vst v63  }
0x1bb: {  	_ =	swait.ge [sflag:s15], $0x4000  }
0x1bc: {  	[sflag:s15] =	ssyncset.done $0x0  }
0x1bd: {  	s11 =	rddreg [dreg:$0xf];
	[sflag:s15] =	ssyncadd.s32 $0xFFFFC000  }
0x1be: {  	[tilespmem:s23], [sflag:$0x4] =	stream.indirect.gather [hbm4b:s5+s21], $0x80, s11, s21, $0xb8;
	[tilespmem:$0x1DC00] =	vst v63  }
0x1bf: {  	_ =	swait.ge [sflag:s24], $0x4000  }
0x1c0: {  	[sflag:s24] =	ssyncset.done $0x0  }
0x1c1: {  	s10 =	rddreg [dreg:$0x10];
	[sflag:s24] =	ssyncadd.s32 $0xFFFFC000  }
0x1c2: {  	[spmem:s2] =	stream.indirect.scatter.add.f32 [tilespmem:s22], [sflag:$0x5], $0x80, s10, s21, $0xb8;
	[tilespmem:$0x1DC00] =	vst v63  }
0x1c3: {  	_ =	swait.ge [sflag:s15], $0x4000  }
0x1c4: {  	[sflag:s15] =	ssyncset.done $0x0  }
0x1c5: {  	s11 =	rddreg [dreg:$0x11];
	[sflag:s15] =	ssyncadd.s32 $0xFFFFC000  }
0x1c6: {  	[tilespmem:s22], [sflag:$0x3] =	stream.indirect.gather [hbm4b:s5+s21], $0x80, s11, s21, $0xb8;
	[tilespmem:$0x1DC00] =	vst v63  }
0x1c7: {  	_ =	swait.ge [sflag:s25], $0x4000  }
0x1c8: {  	[sflag:s25] =	ssyncset.done $0x0  }
0x1c9: {  	s10 =	rddreg [dreg:$0x12];
	[sflag:s25] =	ssyncadd.s32 $0xFFFFC000  }
0x1ca: {  	[spmem:s2] =	stream.indirect.scatter.add.f32 [tilespmem:s23], [sflag:$0x5], $0x80, s10, s21, $0xb8;
	[tilespmem:$0x1DC00] =	vst v63  }
0x1cb: {  	_ =	swait.ge [sflag:s15], $0x4000  }
0x1cc: {  	[sflag:s15] =	ssyncset.done $0x0  }
0x1cd: {  	s11 =	rddreg [dreg:$0x13];
	[sflag:s15] =	ssyncadd.s32 $0xFFFFC000  }
0x1ce: {  	[tilespmem:s23], [sflag:$0x4] =	stream.indirect.gather [hbm4b:s5+s21], $0x80, s11, s21, $0xb8;
	[tilespmem:$0x1DC00] =	vst v63  }
0x1cf: {  	_ =	swait.ge [sflag:s24], $0x4000  }
0x1d0: {  	[sflag:s24] =	ssyncset.done $0x0  }
0x1d1: {  	s10 =	rddreg [dreg:$0x14];
	[sflag:s24] =	ssyncadd.s32 $0xFFFFC000  }
0x1d2: {  	[spmem:s2] =	stream.indirect.scatter.add.f32 [tilespmem:s22], [sflag:$0x5], $0x80, s10, s21, $0xb8;
	[tilespmem:$0x1DC00] =	vst v63  }
0x1d3: {  	_ =	swait.ge [sflag:s15], $0x4000  }
0x1d4: {  	[sflag:s15] =	ssyncset.done $0x0  }
0x1d5: {  	s11 =	rddreg [dreg:$0x15];
	[sflag:s15] =	ssyncadd.s32 $0xFFFFC000  }
0x1d6: {  	[tilespmem:s22], [sflag:$0x3] =	stream.indirect.gather [hbm4b:s5+s21], $0x80, s11, s21, $0xb8;
	[tilespmem:$0x1DC00] =	vst v63  }
0x1d7: {  	_ =	swait.ge [sflag:s25], $0x4000  }
0x1d8: {  	[sflag:s25] =	ssyncset.done $0x0  }
0x1d9: {  	s10 =	rddreg [dreg:$0x16];
	[sflag:s25] =	ssyncadd.s32 $0xFFFFC000  }
0x1da: {  	[spmem:s2] =	stream.indirect.scatter.add.f32 [tilespmem:s23], [sflag:$0x5], $0x80, s10, s21, $0xb8;
	[tilespmem:$0x1DC00] =	vst v63  }
0x1db: {  	_ =	swait.ge [sflag:s15], $0x4000  }
0x1dc: {  	[sflag:s15] =	ssyncset.done $0x0  }
0x1dd: {  	s11 =	rddreg [dreg:$0x17];
	[sflag:s15] =	ssyncadd.s32 $0xFFFFC000  }
0x1de: {  	[tilespmem:s23], [sflag:$0x4] =	stream.indirect.gather [hbm4b:s5+s21], $0x80, s11, s21, $0xb8;
	[tilespmem:$0x1DC00] =	vst v63  }
0x1df: {  	_ =	swait.ge [sflag:s24], $0x4000  }
0x1e0: {  	[sflag:s24] =	ssyncset.done $0x0  }
0x1e1: {  	s10 =	rddreg [dreg:$0x18];
	[sflag:s24] =	ssyncadd.s32 $0xFFFFC000  }
0x1e2: {  	[spmem:s2] =	stream.indirect.scatter.add.f32 [tilespmem:s22], [sflag:$0x5], $0x80, s10, s21, $0xb8;
	[tilespmem:$0x1DC00] =	vst v63  }
0x1e3: {  	_ =	swait.ge [sflag:s15], $0x4000  }
0x1e4: {  	[sflag:s15] =	ssyncset.done $0x0  }
0x1e5: {  	s11 =	rddreg [dreg:$0x19];
	[sflag:s15] =	ssyncadd.s32 $0xFFFFC000  }
0x1e6: {  	[tilespmem:s22], [sflag:$0x3] =	stream.indirect.gather [hbm4b:s5+s21], $0x80, s11, s21, $0xb8;
	[tilespmem:$0x1DC00] =	vst v63  }
0x1e7: {  	_ =	swait.ge [sflag:s25], $0x4000  }
0x1e8: {  	[sflag:s25] =	ssyncset.done $0x0  }
0x1e9: {  	s10 =	rddreg [dreg:$0x1a];
	[sflag:s25] =	ssyncadd.s32 $0xFFFFC000  }
0x1ea: {  	[spmem:s2] =	stream.indirect.scatter.add.f32 [tilespmem:s23], [sflag:$0x5], $0x80, s10, s21, $0xb8;
	[tilespmem:$0x1DC00] =	vst v63  }
0x1eb: {  	_ =	swait.ge [sflag:s15], $0x4000  }
0x1ec: {  	[sflag:s15] =	ssyncset.done $0x0  }
0x1ed: {  	s11 =	rddreg [dreg:$0x1b];
	[sflag:s15] =	ssyncadd.s32 $0xFFFFC000  }
0x1ee: {  	[tilespmem:s23], [sflag:$0x4] =	stream.indirect.gather [hbm4b:s5+s21], $0x80, s11, s21, $0xb8;
	[tilespmem:$0x1DC00] =	vst v63  }
0x1ef: {  	_ =	swait.ge [sflag:s24], $0x4000  }
0x1f0: {  	[sflag:s24] =	ssyncset.done $0x0  }
0x1f1: {  	s10 =	rddreg [dreg:$0x1c];
	[sflag:s24] =	ssyncadd.s32 $0xFFFFC000  }
0x1f2: {  	[spmem:s2] =	stream.indirect.scatter.add.f32 [tilespmem:s22], [sflag:$0x5], $0x80, s10, s21, $0xb8;
	[tilespmem:$0x1DC00] =	vst v63  }
0x1f3: {  	_ =	swait.ge [sflag:s15], $0x4000  }
0x1f4: {  	[sflag:s15] =	ssyncset.done $0x0  }
0x1f5: {  	s11 =	rddreg [dreg:$0x1d];
	[sflag:s15] =	ssyncadd.s32 $0xFFFFC000  }
0x1f6: {  	[tilespmem:s22], [sflag:$0x3] =	stream.indirect.gather [hbm4b:s5+s21], $0x80, s11, s21, $0xb8;
	[tilespmem:$0x1DC00] =	vst v63  }
0x1f7: {  	_ =	swait.ge [sflag:s25], $0x4000  }
0x1f8: {  	[sflag:s25] =	ssyncset.done $0x0  }
0x1f9: {  	s10 =	rddreg [dreg:$0x1e];
	[sflag:s25] =	ssyncadd.s32 $0xFFFFC000  }
0x1fa: {  	[spmem:s2] =	stream.indirect.scatter.add.f32 [tilespmem:s23], [sflag:$0x5], $0x80, s10, s21, $0xb8;
	[tilespmem:$0x1DC00] =	vst v63  }
0x1fb: {  	_ =	swait.ge [sflag:s15], $0x4000  }
0x1fc: {  	[sflag:s15] =	ssyncset.done $0x0  }
0x1fd: {  	s11 =	rddreg [dreg:$0x1f];
	[sflag:s15] =	ssyncadd.s32 $0xFFFFC000  }
0x1fe: {  	[tilespmem:s23], [sflag:$0x4] =	stream.indirect.gather [hbm4b:s5+s21], $0x80, s11, s21, $0xb8;
	[tilespmem:$0x1DC00] =	vst v63  }
0x1ff: {  	_ =	swait.ge [sflag:s24], $0x4000  }
0x200: {  	s10 =	sld [smem:$0x7DE]  }
0x201: {  	[sflag:s24] =	ssyncset.done $0x0  }
0x202: {  	[sflag:s24] =	ssyncadd.s32 $0xFFFFC000  }
0x203: {  	[spmem:s2] =	stream.indirect.scatter.add.f32 [tilespmem:s22], [sflag:$0x5], $0x80, s10, s21, $0xb8;
	[tilespmem:$0x1DC00] =	vst v63  }
0x204: {  	_ =	swait.ge [sflag:s15], $0x4000  }
0x205: {  	[sflag:s15] =	ssyncset.done $0x0  }
0x206: {  	[sflag:s15] =	ssyncadd.s32 $0xFFFFC000  }
0x207: {  	_ =	swait.ge [sflag:s25], $0x4000  }
0x208: {  	s11 =	sld [smem:$0x7DF]  }
0x209: {  	[sflag:s25] =	ssyncset.done $0x0  }
0x20a: {  	[sflag:s25] =	ssyncadd.s32 $0xFFFFC000  }
0x20b: {  	[spmem:s2] =	stream.indirect.scatter.add.f32 [tilespmem:s23], [sflag:$0x5], $0x80, s11, s21, $0xb8;
	[tilespmem:$0x1DC00] =	vst v63  }
0x20c: {  	_ =	swait.ge [sflag:s15], $0x4000  }
0x20d: {  	[sflag:s15] =	ssyncset.done $0x0  }
0x20e: {  	[sflag:s15] =	ssyncadd.s32 $0xFFFFC000  }
0x20f: {  	_ =	swait.ge [sflag:s26], $0x800  }
0x210: {  	[sflag:s26] =	ssyncset.done $0x0  }
0x211: {  	[sflag:s26] =	ssyncadd.s32 $0xFFFFF800  }
0x212: {  	s13 =	sadd.s32 $0x2000, s13;
	p1 =	seq.s32 s6, $0x1000;
	_ =	swait.ge [sflag:s26], $0x800  }
0x213: {  	s6 =	sshrl.u32 @!p1 s13, $0x3;
	s8 =	simm.s32 @!p1 $0x13C00;
	[sflag:s26] =	ssyncset.done $0x0  }
0x214: {  	s10 =	sadd.s32 @!p1 s4, s6;
	s11 =	simm.s32 @!p1 $0x0;
	[sflag:s26] =	ssyncadd.s32 $0xFFFFF800  }
0x215: {  	[tilespmem:s8], [sflag:$0x1] =	stream.linear.gather @!p1 [hbm4b:s10+s11], $0x800, $0x38;
	[tilespmem:$0x1DC00] =	vst v63  }
0x216: {  	s6 =	sadd.s32 @!p1 s6, s9;
	s8 =	simm.s32 @!p1 $0x14400  }
0x217: {  	[tilespmem:s8], [sflag:$0x1] =	stream.linear.gather @!p1 [hbm4b:s6+s11], $0x800, $0x38;
	[tilespmem:$0x1DC00] =	vst v63  }
0x218: {  	s8 =	sld [smem:$0x7E0]  }
0x219: {  	[tilespmem:s22], [sflag:$0x3] =	stream.indirect.gather [hbm4b:s5+s21], $0x80, s19, s21, $0xb8;
	[tilespmem:$0x1DC00] =	vst v63  }
0x21a: {  	_ = 	snop  }
0x21b: {  	[tilespmem:s23], [sflag:$0x4] =	stream.indirect.gather [hbm4b:s5+s21], $0x80, s8, s21, $0xb8;
	[tilespmem:$0x1DC00] =	vst v63  }
0x21c: {  	_ =	swait.ge [sflag:s24], $0x4000  }
0x21d: {  	[sflag:s24] =	ssyncset.done $0x0  }
0x21e: {  	[sflag:s24] =	ssyncadd.s32 $0xFFFFC000  }
0x21f: {  	[spmem:s2] =	stream.indirect.scatter.add.f32 [tilespmem:s22], [sflag:$0x5], $0x80, s20, s21, $0xb8;
	[tilespmem:$0x1DC00] =	vst v63  }
0x220: {  	_ =	swait.ge [sflag:s15], $0x4000  }
0x221: {  	s10 =	sld [smem:$0x7E1]  }
0x222: {  	[sflag:s15] =	ssyncset.done $0x0  }
0x223: {  	[sflag:s15] =	ssyncadd.s32 $0xFFFFC000  }
0x224: {  	[tilespmem:s22], [sflag:$0x3] =	stream.indirect.gather [hbm4b:s5+s21], $0x80, s10, s21, $0xb8;
	[tilespmem:$0x1DC00] =	vst v63  }
0x225: {  	_ =	swait.ge [sflag:s25], $0x4000  }
0x226: {  	s11 =	sld [smem:$0x7E2]  }
0x227: {  	[sflag:s25] =	ssyncset.done $0x0  }
0x228: {  	[sflag:s25] =	ssyncadd.s32 $0xFFFFC000  }
0x229: {  	[spmem:s2] =	stream.indirect.scatter.add.f32 [tilespmem:s23], [sflag:$0x5], $0x80, s11, s21, $0xb8;
	[tilespmem:$0x1DC00] =	vst v63  }
0x22a: {  	_ =	swait.ge [sflag:s15], $0x4000  }
0x22b: {  	s8 =	sld [smem:$0x7E3]  }
0x22c: {  	[sflag:s15] =	ssyncset.done $0x0  }
0x22d: {  	[sflag:s15] =	ssyncadd.s32 $0xFFFFC000  }
0x22e: {  	[tilespmem:s23], [sflag:$0x4] =	stream.indirect.gather [hbm4b:s5+s21], $0x80, s8, s21, $0xb8;
	[tilespmem:$0x1DC00] =	vst v63  }
0x22f: {  	_ =	swait.ge [sflag:s24], $0x4000  }
0x230: {  	s10 =	sld [smem:$0x7E4]  }
0x231: {  	[sflag:s24] =	ssyncset.done $0x0  }
0x232: {  	[sflag:s24] =	ssyncadd.s32 $0xFFFFC000  }
0x233: {  	[spmem:s2] =	stream.indirect.scatter.add.f32 [tilespmem:s22], [sflag:$0x5], $0x80, s10, s21, $0xb8;
	[tilespmem:$0x1DC00] =	vst v63  }
0x234: {  	_ =	swait.ge [sflag:s15], $0x4000  }
0x235: {  	s11 =	sld [smem:$0x7E5]  }
0x236: {  	[sflag:s15] =	ssyncset.done $0x0  }
0x237: {  	[sflag:s15] =	ssyncadd.s32 $0xFFFFC000  }
0x238: {  	[tilespmem:s22], [sflag:$0x3] =	stream.indirect.gather [hbm4b:s5+s21], $0x80, s11, s21, $0xb8;
	[tilespmem:$0x1DC00] =	vst v63  }
0x239: {  	_ =	swait.ge [sflag:s25], $0x4000  }
0x23a: {  	s8 =	sld [smem:$0x7E7]  }
0x23b: {  	[sflag:s25] =	ssyncset.done $0x0  }
0x23c: {  	[sflag:s25] =	ssyncadd.s32 $0xFFFFC000  }
0x23d: {  	[spmem:s2] =	stream.indirect.scatter.add.f32 [tilespmem:s23], [sflag:$0x5], $0x80, s8, s21, $0xb8;
	[tilespmem:$0x1DC00] =	vst v63  }
0x23e: {  	_ =	swait.ge [sflag:s15], $0x4000  }
0x23f: {  	s10 =	sld [smem:$0x7E8]  }
0x240: {  	[sflag:s15] =	ssyncset.done $0x0  }
0x241: {  	[sflag:s15] =	ssyncadd.s32 $0xFFFFC000  }
0x242: {  	[tilespmem:s23], [sflag:$0x4] =	stream.indirect.gather [hbm4b:s5+s21], $0x80, s10, s21, $0xb8;
	[tilespmem:$0x1DC00] =	vst v63  }
0x243: {  	_ =	swait.ge [sflag:s24], $0x4000  }
0x244: {  	s11 =	sld [smem:$0x7EA]  }
0x245: {  	[sflag:s24] =	ssyncset.done $0x0  }
0x246: {  	[sflag:s24] =	ssyncadd.s32 $0xFFFFC000  }
0x247: {  	[spmem:s2] =	stream.indirect.scatter.add.f32 [tilespmem:s22], [sflag:$0x5], $0x80, s11, s21, $0xb8;
	[tilespmem:$0x1DC00] =	vst v63  }
0x248: {  	_ =	swait.ge [sflag:s15], $0x4000  }
0x249: {  	s8 =	sld [smem:$0x7EB]  }
0x24a: {  	[sflag:s15] =	ssyncset.done $0x0  }
0x24b: {  	[sflag:s15] =	ssyncadd.s32 $0xFFFFC000  }
0x24c: {  	[tilespmem:s22], [sflag:$0x3] =	stream.indirect.gather [hbm4b:s5+s21], $0x80, s8, s21, $0xb8;
	[tilespmem:$0x1DC00] =	vst v63  }
0x24d: {  	_ =	swait.ge [sflag:s25], $0x4000  }
0x24e: {  	s10 =	sld [smem:$0x7EC]  }
0x24f: {  	[sflag:s25] =	ssyncset.done $0x0  }
0x250: {  	[sflag:s25] =	ssyncadd.s32 $0xFFFFC000  }
0x251: {  	[spmem:s2] =	stream.indirect.scatter.add.f32 [tilespmem:s23], [sflag:$0x5], $0x80, s10, s21, $0xb8;
	[tilespmem:$0x1DC00] =	vst v63  }
0x252: {  	_ =	swait.ge [sflag:s15], $0x4000  }
0x253: {  	s11 =	sld [smem:$0x7EE]  }
0x254: {  	[sflag:s15] =	ssyncset.done $0x0  }
0x255: {  	[sflag:s15] =	ssyncadd.s32 $0xFFFFC000  }
0x256: {  	[tilespmem:s23], [sflag:$0x4] =	stream.indirect.gather [hbm4b:s5+s21], $0x80, s11, s21, $0xb8;
	[tilespmem:$0x1DC00] =	vst v63  }
0x257: {  	_ =	swait.ge [sflag:s24], $0x4000  }
0x258: {  	s8 =	sld [smem:$0x7EF]  }
0x259: {  	[sflag:s24] =	ssyncset.done $0x0  }
0x25a: {  	[sflag:s24] =	ssyncadd.s32 $0xFFFFC000  }
0x25b: {  	[spmem:s2] =	stream.indirect.scatter.add.f32 [tilespmem:s22], [sflag:$0x5], $0x80, s8, s21, $0xb8;
	[tilespmem:$0x1DC00] =	vst v63  }
0x25c: {  	_ =	swait.ge [sflag:s15], $0x4000  }
0x25d: {  	s10 =	sld [smem:$0x7F0]  }
0x25e: {  	[sflag:s15] =	ssyncset.done $0x0  }
0x25f: {  	[sflag:s15] =	ssyncadd.s32 $0xFFFFC000  }
0x260: {  	[tilespmem:s22], [sflag:$0x3] =	stream.indirect.gather [hbm4b:s5+s21], $0x80, s10, s21, $0xb8;
	[tilespmem:$0x1DC00] =	vst v63  }
0x261: {  	_ =	swait.ge [sflag:s25], $0x4000  }
0x262: {  	s11 =	sld [smem:$0x7F1]  }
0x263: {  	[sflag:s25] =	ssyncset.done $0x0  }
0x264: {  	[sflag:s25] =	ssyncadd.s32 $0xFFFFC000  }
0x265: {  	[spmem:s2] =	stream.indirect.scatter.add.f32 [tilespmem:s23], [sflag:$0x5], $0x80, s11, s21, $0xb8;
	[tilespmem:$0x1DC00] =	vst v63  }
0x266: {  	_ =	swait.ge [sflag:s15], $0x4000  }
0x267: {  	s8 =	sld [smem:$0x7F2]  }
0x268: {  	[sflag:s15] =	ssyncset.done $0x0  }
0x269: {  	[sflag:s15] =	ssyncadd.s32 $0xFFFFC000  }
0x26a: {  	[tilespmem:s23], [sflag:$0x4] =	stream.indirect.gather [hbm4b:s5+s21], $0x80, s8, s21, $0xb8;
	[tilespmem:$0x1DC00] =	vst v63  }
0x26b: {  	_ =	swait.ge [sflag:s24], $0x4000  }
0x26c: {  	s10 =	sld [smem:$0x7F3]  }
0x26d: {  	[sflag:s24] =	ssyncset.done $0x0  }
0x26e: {  	[sflag:s24] =	ssyncadd.s32 $0xFFFFC000  }
0x26f: {  	[spmem:s2] =	stream.indirect.scatter.add.f32 [tilespmem:s22], [sflag:$0x5], $0x80, s10, s21, $0xb8;
	[tilespmem:$0x1DC00] =	vst v63  }
0x270: {  	_ =	swait.ge [sflag:s15], $0x4000  }
0x271: {  	s11 =	sld [smem:$0x7F4]  }
0x272: {  	[sflag:s15] =	ssyncset.done $0x0  }
0x273: {  	[sflag:s15] =	ssyncadd.s32 $0xFFFFC000  }
0x274: {  	[tilespmem:s22], [sflag:$0x3] =	stream.indirect.gather [hbm4b:s5+s21], $0x80, s11, s21, $0xb8;
	[tilespmem:$0x1DC00] =	vst v63  }
0x275: {  	_ =	swait.ge [sflag:s25], $0x4000  }
0x276: {  	s8 =	sld [smem:$0x7F5]  }
0x277: {  	[sflag:s25] =	ssyncset.done $0x0  }
0x278: {  	[sflag:s25] =	ssyncadd.s32 $0xFFFFC000  }
0x279: {  	[spmem:s2] =	stream.indirect.scatter.add.f32 [tilespmem:s23], [sflag:$0x5], $0x80, s8, s21, $0xb8;
	[tilespmem:$0x1DC00] =	vst v63  }
0x27a: {  	_ =	swait.ge [sflag:s15], $0x4000  }
0x27b: {  	s10 =	sld [smem:$0x7F6]  }
0x27c: {  	[sflag:s15] =	ssyncset.done $0x0  }
0x27d: {  	[sflag:s15] =	ssyncadd.s32 $0xFFFFC000  }
0x27e: {  	[tilespmem:s23], [sflag:$0x4] =	stream.indirect.gather [hbm4b:s5+s21], $0x80, s10, s21, $0xb8;
	[tilespmem:$0x1DC00] =	vst v63  }
0x27f: {  	_ =	swait.ge [sflag:s24], $0x4000  }
0x280: {  	s11 =	sld [smem:$0x7F7]  }
0x281: {  	[sflag:s24] =	ssyncset.done $0x0  }
0x282: {  	[sflag:s24] =	ssyncadd.s32 $0xFFFFC000  }
0x283: {  	[spmem:s2] =	stream.indirect.scatter.add.f32 [tilespmem:s22], [sflag:$0x5], $0x80, s11, s21, $0xb8;
	[tilespmem:$0x1DC00] =	vst v63  }
0x284: {  	_ =	swait.ge [sflag:s15], $0x4000  }
0x285: {  	s8 =	sld [smem:$0x7F8]  }
0x286: {  	[sflag:s15] =	ssyncset.done $0x0  }
0x287: {  	[sflag:s15] =	ssyncadd.s32 $0xFFFFC000  }
0x288: {  	[tilespmem:s22], [sflag:$0x3] =	stream.indirect.gather [hbm4b:s5+s21], $0x80, s8, s21, $0xb8;
	[tilespmem:$0x1DC00] =	vst v63  }
0x289: {  	_ =	swait.ge [sflag:s25], $0x4000  }
0x28a: {  	s10 =	sld [smem:$0x7F9]  }
0x28b: {  	[sflag:s25] =	ssyncset.done $0x0  }
0x28c: {  	[sflag:s25] =	ssyncadd.s32 $0xFFFFC000  }
0x28d: {  	[spmem:s2] =	stream.indirect.scatter.add.f32 [tilespmem:s23], [sflag:$0x5], $0x80, s10, s21, $0xb8;
	[tilespmem:$0x1DC00] =	vst v63  }
0x28e: {  	_ =	swait.ge [sflag:s15], $0x4000  }
0x28f: {  	s11 =	sld [smem:$0x7FA]  }
0x290: {  	[sflag:s15] =	ssyncset.done $0x0  }
0x291: {  	[sflag:s15] =	ssyncadd.s32 $0xFFFFC000  }
0x292: {  	[tilespmem:s23], [sflag:$0x4] =	stream.indirect.gather [hbm4b:s5+s21], $0x80, s11, s21, $0xb8;
	[tilespmem:$0x1DC00] =	vst v63  }
0x293: {  	_ =	swait.ge [sflag:s24], $0x4000  }
0x294: {  	s8 =	sld [smem:$0x7FB]  }
0x295: {  	[sflag:s24] =	ssyncset.done $0x0  }
0x296: {  	[sflag:s24] =	ssyncadd.s32 $0xFFFFC000  }
0x297: {  	[spmem:s2] =	stream.indirect.scatter.add.f32 [tilespmem:s22], [sflag:$0x5], $0x80, s8, s21, $0xb8;
	[tilespmem:$0x1DC00] =	vst v63  }
0x298: {  	_ =	swait.ge [sflag:s15], $0x4000  }
0x299: {  	s10 =	sld [smem:$0x7FC]  }
0x29a: {  	[sflag:s15] =	ssyncset.done $0x0  }
0x29b: {  	[sflag:s15] =	ssyncadd.s32 $0xFFFFC000  }
0x29c: {  	[tilespmem:s22], [sflag:$0x3] =	stream.indirect.gather [hbm4b:s5+s21], $0x80, s10, s21, $0xb8;
	[tilespmem:$0x1DC00] =	vst v63  }
0x29d: {  	_ =	swait.ge [sflag:s25], $0x4000  }
0x29e: {  	s11 =	sld [smem:$0x7FD]  }
0x29f: {  	[sflag:s25] =	ssyncset.done $0x0  }
0x2a0: {  	[sflag:s25] =	ssyncadd.s32 $0xFFFFC000  }
0x2a1: {  	[spmem:s2] =	stream.indirect.scatter.add.f32 [tilespmem:s23], [sflag:$0x5], $0x80, s11, s21, $0xb8;
	[tilespmem:$0x1DC00] =	vst v63  }
0x2a2: {  	_ =	swait.ge [sflag:s15], $0x4000  }
0x2a3: {  	[sflag:s15] =	ssyncset.done $0x0  }
0x2a4: {  	[sflag:s15] =	ssyncadd.s32 $0xFFFFC000  }
0x2a5: {  	[tilespmem:s23], [sflag:$0x4] =	stream.indirect.gather [hbm4b:s5+s21], $0x80, s28, s21, $0xb8;
	[tilespmem:$0x1DC00] =	vst v63  }
0x2a6: {  	_ =	swait.ge [sflag:s24], $0x4000  }
0x2a7: {  	[sflag:s24] =	ssyncset.done $0x0  }
0x2a8: {  	[sflag:s24] =	ssyncadd.s32 $0xFFFFC000  }
0x2a9: {  	[spmem:s2] =	stream.indirect.scatter.add.f32 [tilespmem:s22], [sflag:$0x5], $0x80, s29, s21, $0xb8;
	[tilespmem:$0x1DC00] =	vst v63  }
0x2aa: {  	_ =	swait.ge [sflag:s15], $0x4000  }
0x2ab: {  	[sflag:s15] =	ssyncset.done $0x0  }
0x2ac: {  	s1 =	sadd.s32 $0x400, s1;
	[sflag:s15] =	ssyncadd.s32 $0xFFFFC000  }
0x2ad: {  	p0 =	sne.s32 s1, $0x1400;
	_ =	swait.ge [sflag:s25], $0x4000  }
.Ltmp0:
0x2ae: {  	[sflag:s25] =	ssyncset.done $0x0;
	(pc) =	sbr.rel @p0 .LBB2_2-.Ltmp0, $4  }
0x2af: {  	[sflag:s25] =	ssyncadd.s32 $0xFFFFC000  }
0x2b0: {  	[spmem:s2] =	stream.indirect.scatter.add.f32 [tilespmem:s23], [sflag:$0x5], $0x80, s30, s21, $0xb8;
	[tilespmem:$0x1DC00] =	vst v63  }
0x2b1: {  	_ =	swait.ge [sflag:s15], $0x4000  }
0x2b2: {  	[sflag:s15] =	ssyncset.done $0x0  }
0x2b3: {  	[sflag:s15] =	ssyncadd.s32 $0xFFFFC000  }
0x2b4: {  	[bflag:$0x0] =	sbarrier.arrive $0xFFFF  }
0x2b5: {  	[hbm:s12], [sflag:s7] =	dma.local [spmem:s14], $0x2780  }
0x2b6: {  	_ =	swait.ge [sflag:s15], $0x2780  }
0x2b7: {  	s1 =	sld [smem:$0x7ED];
	_ =	sdelay $0x1  }
0x2b8: {  	s31 =	sadd.s32 $0x1, s31  }
0x2b9: {  	p0 =	sne.s32 s31, s1  }
.Ltmp1:
0x2ba: {  	_ = 	snop;
	(pc) =	sbr.rel @p0 .LBB2_1-.Ltmp1, $3  }
0x2bb: {  	_ =	sdelay $0x1  }
0x2bc: {  	[sflag:s15] =	ssyncset.done $0x0  }
0x2bd: {  	[sflag:s15] =	ssyncadd.s32 $0xFFFFD880  }
0x2be: {  	_ =	sfence.sel $0x180000  }
0x2bf: {  	[bflag:$0x0] =	sbarrier.arrive $0xFFFF  }
0x2c0: {  	_ =	strace $0x9000004D  }
0x2c1: {  	s0 =	stileid.u32;
	[bflag:$0x2] =	sbarrier.arrive $0xFFFF  }
0x2c2: {  	p0 =	sne.s32 s0, $0x0;
	s0 =	rddreg [dreg:$0x2]  }
0x2c3: {  	s0 =	sadd.s32 @!p0 $0x100000, s0  }
0x2c4: {  	[sflag:s0] =	ssyncadd.tile.s32 @!p0 $0x1;
	_ =	shalt  }
.Lfunc_end2:
_tile_overlayer_lowered:
.L_overlay_start_2:
0x2c5: {  	(tag) =	ssettag $0x2  }
0x2c6: {  	s0 =	rddreg [dreg:$0x0];
	s2 =	stileid.u32  }
0x2c7: {  	s1 =	rddreg [dreg:$0x1];
	p0 =	sne.s32 s2, $0x0  }
0x2c8: {  	s3 =	rddreg [dreg:$0x2];
	[bflag:$0x3] =	sbarrier.arrive $0xFFFF;
	s2 =	simm.s32 @!p0 $0x1C05  }
0x2c9: {  	[timem:s3], [sflag:s2] =	dma.local @!p0 [hbm:s0], s1  }
0x2ca: {  	s0 =	simm.s32 @!p0 $0x5  }
0x2cb: {  	_ =	swait.ge @!p0 [sflag:s0], s1  }
0x2cc: {  	s1 =	ssub.s32 @!p0 $0x0, s1;
	[sflag:s0] =	ssyncset.done @!p0 $0x0  }
0x2cd: {  	[sflag:s0] =	ssyncadd.s32 @!p0 s1  }
0x2ce: {  	[bflag:$0x3] =	sbarrier.arrive $0xFFFF  }
0x2cf: {  	_ =	shalt  }

// kernel: kernel.9.cloned.1.call-start
scs
__scs_entry_jumppad:
0x0: {  	(pc) =	sbr.rel $0x88, $3  }
0x1: {  	(tag) =	ssettag $0x0;
	lr =	simm.s32 $0x1  }
0x2: {  	[smem:$0x3F75] =	sst lr;
	_ =	strace $0xD0000000  }
0x3: {  	_ = 	snop  }
0x4: {  	_ = 	snop  }
0x5: {  	_ = 	snop  }
0x6: {  	_ = 	snop  }
0x7: {  	_ = 	snop  }
__scs_overlays_trampoline_lowered:
0x8: {  	[smem:$0x3F84] =	sst s0  }
0x9: {  	[smem:$0x3F85] =	sst s1  }
0xa: {  	[smem:$0x3F86] =	sst s2  }
0xb: {  	[smem:$0x3F87] =	sst s3  }
0xc: {  	[smem:$0x3F88] =	sst s4  }
0xd: {  	[smem:$0x3F89] =	sst s5  }
0xe: {  	[smem:$0x3F8A] =	sst s6  }
0xf: {  	[smem:$0x3F8B] =	sst s7  }
0x10: {  	[smem:$0x3F8C] =	sst s8  }
0x11: {  	[smem:$0x3F8D] =	sst s9;
	s0 =	simm.s32 @!p0 $0x0  }
0x12: {  	s1 =	sld [smem:$0x3F73];
	s0 =	simm.s32 @p0 $0x1  }
0x13: {  	[smem:$0x3F8E] =	sst s0;
	s0 =	simm.s32 @!p1 $0x0  }
0x14: {  	s2 =	sld [smem:$0x3F72];
	s0 =	simm.s32 @p1 $0x1  }
0x15: {  	[smem:$0x3F8F] =	sst s0;
	s0 =	simm.s32 @!p2 $0x0  }
0x16: {  	s3 =	sld [smem:$0x3FDB];
	s0 =	simm.s32 @p2 $0x1  }
0x17: {  	s4 =	simm.s32 $0x1BF5;
	[smem:$0x3F91] =	sst s0  }
0x18: {  	s0 =	sld [smem:$0x3F74];
	_ =	swait.ge [sflag:s4], $0x0  }
0x19: {  	s7 =	sld [smem:$0x3F75]  }
0x1a: {  	s8 =	sadd.s32 $0xFFFFE003, lr  }
0x1b: {  	s9 =	sadd.s32 $0xFFFFFEF7, lr;
	s5 =	simm.s32 $0xFFFFFFFF;
	p2 =	slt.u32 s8, $0xFFFFF086  }
0x1c: {  	p1 =	slt.u32 s9, $0xF7A;
	s5 =	simm.s32 @!p2 $0x0  }
0x1d: {  	s5 =	simm.s32 @p1 $0x1;
	p0 =	seq.s32 s7, s2  }
0x1e: {  	s7 =	smul.u32 @!p0 $0xF7A, s2;
	p2 =	seq.s32 @!p0 s5, $0x0  }
0x1f: {  	s9 =	smul.u32 $0xF7A, s1;
	s8 =	simm.s32 @!p0 $0x1BF5;
	p2 =	por !p2, p0  }
0x20: {  	[sflag:s8] =	ssyncset.s32 @!p0 $0xFFFFF086;
	s6 =	sadd.s32 @!p0 s3, s7;
	s7 =	simm.s32 @!p0 $0x108  }
0x21: {  	s3 =	sadd.s32 s3, s9;
	s6 =	sadd.s32 @!p0 $0x88, s6;
	s7 =	simm.s32 @p2 $0x1082  }
0x22: {  	[simem:s7], [sflag:s8] =	dma.local @!p0 [hbm:s6], $0xF7A  }
0x23: {  	s9 =	sor.u32 $0xD0000000, s2;
	s6 =	simm.s32 $0x108;
	_ =	swait.ge @!p0 [sflag:s8], $0x0  }
0x24: {  	s3 =	sadd.s32 $0x88, s3;
	s6 =	simm.s32 @!p1 $0x1082;
	[sflag:s4] =	ssyncset.s32 $0xFFFFF086  }
0x25: {  	[simem:s6], [sflag:s4] =	dma.local [hbm:s3], $0xF7A  }
0x26: {  	[smem:$0x3F75] =	sst s1;
	(tag) =	ssettag s2;
	_ =	strace s9  }
0x27: {  	s1 =	sld [smem:$0x3F85]  }
0x28: {  	s2 =	sld [smem:$0x3F86]  }
0x29: {  	s4 =	sld [smem:$0x3F88]  }
0x2a: {  	p0 =	seq.s32 s5, $0x0;
	s5 =	sld [smem:$0x3F89]  }
0x2b: {  	s6 =	sld [smem:$0x3F8A]  }
0x2c: {  	s7 =	sld [smem:$0x3F8B]  }
0x2d: {  	s3 =	simm.s32 $0x108;
	s8 =	sld [smem:$0x3F8C]  }
0x2e: {  	s3 =	simm.s32 @!p0 $0x1082;
	s9 =	sld [smem:$0x3F8D]  }
0x2f: {  	lr =	sadd.s32 s0, s3;
	s0 =	sld [smem:$0x3F84]  }
0x30: {  	s3 =	sld [smem:$0x3F87]  }
0x31: {  	[smem:$0x3F90] =	sst s10  }
0x32: {  	s10 =	sld [smem:$0x3F8E];
	_ =	sdelay $0x3  }
0x33: {  	p0 =	seq.s32 s10, $0x1;
	s10 =	sld [smem:$0x3F90];
	_ =	sdelay $0x3  }
0x34: {  	[smem:$0x3F90] =	sst s10  }
0x35: {  	s10 =	sld [smem:$0x3F8F];
	_ =	sdelay $0x3  }
0x36: {  	p1 =	seq.s32 s10, $0x1;
	s10 =	sld [smem:$0x3F90];
	_ =	sdelay $0x3  }
0x37: {  	[smem:$0x3F90] =	sst s10  }
0x38: {  	s10 =	sld [smem:$0x3F91]  }
0x39: {  	_ = 	snop;
	(pc) =	sbr.ind lr, $3  }
0x3a: {  	_ = 	snop  }
0x3b: {  	_ = 	snop  }
0x3c: {  	p2 =	seq.s32 s10, $0x1;
	s10 =	sld [smem:$0x3F90]  }
0x3d: {  	_ =	shalt  }
0x3e: {  	_ =	shalt  }
0x3f: {  	_ =	shalt  }
0x40: {  	_ =	shalt  }
0x41: {  	_ =	shalt  }
0x42: {  	_ =	shalt  }
0x43: {  	_ =	shalt  }
0x44: {  	_ =	shalt  }
0x45: {  	_ =	shalt  }
0x46: {  	_ =	shalt  }
0x47: {  	_ =	shalt  }
0x48: {  	_ =	shalt  }
0x49: {  	_ =	shalt  }
0x4a: {  	_ =	shalt  }
0x4b: {  	_ =	shalt  }
0x4c: {  	_ =	shalt  }
0x4d: {  	_ =	shalt  }
0x4e: {  	_ =	shalt  }
0x4f: {  	_ =	shalt  }
0x50: {  	_ =	shalt  }
0x51: {  	_ =	shalt  }
0x52: {  	_ =	shalt  }
0x53: {  	_ =	shalt  }
0x54: {  	_ =	shalt  }
0x55: {  	_ =	shalt  }
0x56: {  	_ =	shalt  }
0x57: {  	_ =	shalt  }
0x58: {  	_ =	shalt  }
0x59: {  	_ =	shalt  }
0x5a: {  	_ =	shalt  }
0x5b: {  	_ =	shalt  }
0x5c: {  	_ =	shalt  }
0x5d: {  	_ =	shalt  }
0x5e: {  	_ =	shalt  }
0x5f: {  	_ =	shalt  }
0x60: {  	_ =	shalt  }
0x61: {  	_ =	shalt  }
0x62: {  	_ =	shalt  }
0x63: {  	_ =	shalt  }
0x64: {  	_ =	shalt  }
0x65: {  	_ =	shalt  }
0x66: {  	_ =	shalt  }
0x67: {  	_ =	shalt  }
0x68: {  	_ =	shalt  }
0x69: {  	_ =	shalt  }
0x6a: {  	_ =	shalt  }
0x6b: {  	_ =	shalt  }
0x6c: {  	_ =	shalt  }
0x6d: {  	_ =	shalt  }
0x6e: {  	_ =	shalt  }
0x6f: {  	_ =	shalt  }
0x70: {  	_ =	shalt  }
0x71: {  	_ =	shalt  }
0x72: {  	_ =	shalt  }
0x73: {  	_ =	shalt  }
0x74: {  	_ =	shalt  }
0x75: {  	_ =	shalt  }
0x76: {  	_ =	shalt  }
0x77: {  	_ =	shalt  }
0x78: {  	_ =	shalt  }
0x79: {  	_ =	shalt  }
0x7a: {  	_ =	shalt  }
0x7b: {  	_ =	shalt  }
0x7c: {  	_ =	shalt  }
0x7d: {  	_ =	shalt  }
0x7e: {  	_ =	shalt  }
0x7f: {  	_ =	shalt  }
0x80: {  	_ =	shalt  }
0x81: {  	_ =	shalt  }
0x82: {  	_ =	shalt  }
0x83: {  	_ =	shalt  }
0x84: {  	_ =	shalt  }
0x85: {  	_ =	shalt  }
0x86: {  	_ =	shalt  }
0x87: {  	_ =	shalt  }
.Lfunc_end0:
.L_simem_size_0:
called_computation_lowered:
.L_overlay_start_0:
0x88: {  	s2 =	sld [smem:$0x3FD9]  }
0x89: {  	s3 =	sld [smem:$0x3FFE];
	_ =	sdelay $0x1  }
0x8a: {  	s1 =	srdreg.scid  }
0x8b: {  	s0 =	sand.u32 $0x1, s1  }
0x8c: {  	s17 =	sshll.u32 s0, $0xA;
	s2 =	sadd.s32 s3, s2  }
0x8d: {  	s2 =	sadd.s32 s2, s17  }
0x8e: {  	[smem:$0x3F9C] =	sst s2  }
0x8f: {  	_ = 	snop  }
0x90: {  	s2 =	sld [smem:$0x3FC9];
	(tm) =	ssettm $0x1  }
0x91: {  	s18 =	sld [smem:$0x3FFB];
	_ =	sdelay $0x3  }
0x92: {  	_ =	strace s18  }
0x93: {  	s3 =	sld [smem:$0x3FFC];
	_ =	sdelay $0x3  }
0x94: {  	_ =	strace s3  }
0x95: {  	s3 =	sld [smem:$0x3FFD];
	_ =	sdelay $0x3  }
0x96: {  	_ =	strace s3  }
0x97: {  	_ =	strace $0x8FFFFFFF  }
0x98: {  	s19 =	sld [smem:$0x3FDB];
	_ =	sdelay $0x1  }
0x99: {  	s4 =	simm.s32 $_scs_section_size  }
0x9a: {  	s5 =	simm.s32 $_size__tile_overlayer_lowered;
	s6 =	simm.s32 $_tile_overlayer_lowered  }
0x9b: {  	s22 =	simm.s32 $0x1BFF;
	s21 =	sshll.u32 s6, $0x1;
	s3 =	sadd.s32 s4, s19  }
0x9c: {  	s7 =	simm.s32 $0x0;
	s20 =	sshll.u32 s5, $0x1;
	s5 =	sadd.s32 s21, s3  }
0x9d: {  	[timem:s7], [sflag:s22] =	dma.local [hbm:s5], s20  }
0x9e: {  	_ =	swait.ge [sflag:s22], s20  }
0x9f: {  	s4 =	ssub.s32 $0x0, s20;
	[sflag:s22] =	ssyncset.done $0x0  }
0xa0: {  	[sflag:s22] =	ssyncadd.s32 s4;
	_ =	sdelay $0x1  }
0xa1: {  	s23 =	simm.s32 $0x1B8B  }
0xa2: {  	_ =	swait.ge [sflag:s23], $0x1  }
0xa3: {  	[sflag:s23] =	ssyncset.done $0x0  }
0xa4: {  	s25 =	simm.s32 $0x1B8E;
	s24 =	sld [smem:$0x3FFE];
	[sflag:s23] =	ssyncadd.s32 $0xFFFFFFFF  }
0xa5: {  	s26 =	simm.s32 $execute0_lowered;
	[smem:$0x3FD2] =	sst s25  }
0xa6: {  	s5 =	sshll.u32 s26, $0x1;
	_ =	strace $0x80000046;
	[dreg:$0x1] =	wrdreg $0xFFFFFFFF  }
0xa7: {  	s28 =	simm.s32 $_size_execute0_lowered;
	s3 =	sadd.s32 s3, s5;
	[dreg:$0x0] =	wrdreg $0x0  }
0xa8: {  	s5 =	sshll.u32 s28, $0x1;
	[dreg:$0x2] =	wrdreg s3  }
0xa9: {  	[dreg:$0x3] =	wrdreg s5  }
0xaa: {  	[dreg:$0x4] =	wrdreg $0xC0  }
0xab: {  	_ =	task [dreg:s7], $0x5FFFF  }
0xac: {  	[dreg:$0x1] =	wrdreg $0xFFFFFFFF  }
0xad: {  	[dreg:$0x0] =	wrdreg $0x60  }
0xae: {  	[dreg:$0x2] =	wrdreg s2  }
0xaf: {  	[dreg:$0x3] =	wrdreg s24  }
0xb0: {  	[dreg:$0x4] =	wrdreg $0x0  }
0xb1: {  	[dreg:$0x5] =	wrdreg $0x9  }
0xb2: {  	_ =	task.clear_ibuf [dreg:s7], $0x6FFFF;
	_ =	strace $0x90000046  }
0xb3: {  	s29 =	simm.s32 $0x9;
	_ =	strace $0x80000048  }
0xb4: {  	_ =	swait.ge [sflag:s29], $0x1  }
0xb5: {  	[sflag:s29] =	ssyncadd.s32 $0xFFFFFFFF  }
0xb6: {  	_ =	strace $0x90000048  }
0xb7: {  	_ =	sfence  }
0xb8: {  	s30 =	sld [smem:$0x0];
	_ =	sdelay $0x2  }
0xb9: {  	s31 =	sshll.u32 s1, $0xD;
	s1 =	sshrl.u32 s1, $0x2  }
0xba: {  	s3 =	sand.u32 $0x4000, s31;
	s1 =	sadd.s32 s1, s30  }
0xbb: {  	s0 =	sor.u32 s3, s0;
	s1 =	sshll.u32 s1, $0x11  }
0xbc: {  	s0 =	sor.u32 s1, s0  }
0xbd: {  	s0 =	sadd.s32 $0x8F2B, s0  }
0xbe: {  	[sflag:s0] =	ssyncadd.remote.s32 $0x1  }
0xbf: {  	_ =	sfence.sel $0xFFFF  }
0xc0: {  	[dreg:$0x0] =	wrdreg $0xFFFFFFFF;
	(pc) =	sbr.abs _section_cstart, $3  }
0xc1: {  	[dreg:$0x1] =	wrdreg $0xFFFFFFFF  }
0xc2: {  	_ =	task.clear_ibuf [dreg:s7], $0x2FFFF;
	_ =	strace $0x9FFFFFFF  }
0xc3: {  	(tm) =	ssettm $0x7FFFFFFF  }
tec
execute0_lowered:
.L_overlay_start_1:
0x0: {  	(tag) =	ssettag $0x1  }
0x1: {  	s0 =	srdreg.scid;
	s14 =	stileid.u32  }
0x2: {  	s6 =	sand.u32 $0x1, s0;
	s4 =	smul.u32 $0xA000, s14  }
0x3: {  	s2 =	rddreg [dreg:$0x0];
	s0 =	smul.u32 $0xA0000, s6  }
0x4: {  	s1 =	rddreg [dreg:$0x1]  }
0x5: {  	s3 =	rddreg [dreg:$0x2];
	s0 =	sadd.s32 s4, s0;
	s4 =	simm.s32 $0x0  }
0x6: {  	s10 =	simm.s32 $0x13C80;
	[smem:$0x7FF] =	sst s4  }
0x7: {  	s11 =	simm.s32 $0x13D00;
	_ =	strace $0x80000047;
	[dreg:$0x5] =	wrdreg s10  }
0x8: {  	s12 =	simm.s32 $0x14480;
	[dreg:$0x6] =	wrdreg s11  }
0x9: {  	s13 =	simm.s32 $0x13D80;
	[dreg:$0x7] =	wrdreg s12  }
0xa: {  	s15 =	simm.s32 $0x14500;
	[dreg:$0x8] =	wrdreg s13  }
0xb: {  	s16 =	simm.s32 $0x13E00;
	[dreg:$0x9] =	wrdreg s15  }
0xc: {  	s17 =	simm.s32 $0x14580;
	[dreg:$0xa] =	wrdreg s16  }
0xd: {  	s18 =	simm.s32 $0x13E80;
	[dreg:$0xb] =	wrdreg s17  }
0xe: {  	s19 =	simm.s32 $0x14600;
	[dreg:$0xc] =	wrdreg s18  }
0xf: {  	s20 =	simm.s32 $0x13F00;
	[dreg:$0xd] =	wrdreg s19  }
0x10: {  	s21 =	simm.s32 $0x14680;
	[dreg:$0xe] =	wrdreg s20  }
0x11: {  	s22 =	simm.s32 $0x13F80;
	[dreg:$0xf] =	wrdreg s21  }
0x12: {  	s23 =	simm.s32 $0x14700;
	[dreg:$0x10] =	wrdreg s22  }
0x13: {  	s24 =	simm.s32 $0x14000;
	[dreg:$0x11] =	wrdreg s23  }
0x14: {  	s25 =	simm.s32 $0x14780;
	[dreg:$0x12] =	wrdreg s24  }
0x15: {  	s26 =	simm.s32 $0x14080;
	[dreg:$0x13] =	wrdreg s25  }
0x16: {  	s8 =	simm.s32 $0x14800;
	[dreg:$0x14] =	wrdreg s26  }
0x17: {  	s9 =	simm.s32 $0x14100;
	[dreg:$0x15] =	wrdreg s8  }
0x18: {  	[dreg:$0x16] =	wrdreg s9;
	s10 =	simm.s32 $0x14880  }
0x19: {  	s11 =	simm.s32 $0x14180;
	[dreg:$0x17] =	wrdreg s10  }
0x1a: {  	s12 =	simm.s32 $0x14900;
	[dreg:$0x18] =	wrdreg s11  }
0x1b: {  	s13 =	simm.s32 $0x14200;
	[dreg:$0x19] =	wrdreg s12  }
0x1c: {  	s15 =	simm.s32 $0x14980;
	[dreg:$0x1a] =	wrdreg s13  }
0x1d: {  	s16 =	simm.s32 $0x14280;
	[dreg:$0x1b] =	wrdreg s15  }
0x1e: {  	s17 =	simm.s32 $0x14A00;
	[dreg:$0x1c] =	wrdreg s16  }
0x1f: {  	s18 =	simm.s32 $0x14300;
	[dreg:$0x1d] =	wrdreg s17  }
0x20: {  	s8 =	sadd.s32 $0x31E00, s1;
	[dreg:$0x1e] =	wrdreg s18  }
0x21: {  	s28 =	simm.s32 $0x15380;
	s19 =	simm.s32 $0x14A80;
	[smem:$0x7DC] =	sst s8  }
0x22: {  	s29 =	simm.s32 $0x15B00;
	s20 =	simm.s32 $0x14380;
	[dreg:$0x1f] =	wrdreg s19  }
0x23: {  	s30 =	simm.s32 $0x15B80;
	s22 =	simm.s32 $0x14B00;
	[smem:$0x7DD] =	sst s20  }
0x24: {  	s5 =	sadd.s32 $0x9E00, s1;
	s23 =	simm.s32 $0x14B80;
	[smem:$0x7DE] =	sst s22  }
0x25: {  	s7 =	sor.u32 $0x1000, s0;
	s24 =	simm.s32 $0x14C80;
	[smem:$0x7DF] =	sst s23  }
0x26: {  	s7 =	sshrl.u32 s7, $0x3;
	s25 =	simm.s32 $0x14D00;
	[smem:$0x7E0] =	sst s24  }
0x27: {  	s31 =	simm.s32 $0x0;
	s7 =	sadd.s32 s7, s5;
	[smem:$0x7E1] =	sst s25  }
0x28: {  	p0 =	seq.s32 s6, $0x1;
	s15 =	simm.s32 $0x15500;
	[dreg:$0x4] =	wrdreg s7  }
0x29: {  	s21 =	ssub.s32 $0x2, s6;
	s16 =	simm.s32 $0x14E00;
	[smem:$0x7E4] =	sst s15  }
0x2a: {  	s9 =	sshrl.u32 s21, $0x1;
	s18 =	simm.s32 $0x15580;
	[smem:$0x7E5] =	sst s16  }
0x2b: {  	s10 =	smul.u32 $0x4F000, s14;
	s20 =	simm.s32 $0x15600;
	[smem:$0x7E7] =	sst s18  }
0x2c: {  	s12 =	sshll.u32 s14, $0x6;
	s22 =	simm.s32 $0x14F00;
	[smem:$0x7EA] =	sst s20  }
0x2d: {  	s17 =	sshrl.u32 s0, $0x3;
	s23 =	simm.s32 $0x15680;
	[smem:$0x7EB] =	sst s22  }
0x2e: {  	s24 =	smul.u32 $0x2780, s14;
	s25 =	simm.s32 $0x14F80;
	[smem:$0x7EC] =	sst s23  }
0x2f: {  	s8 =	simm.s32 $0x15700;
	s14 =	simm.s32 $0x5BE00;
	[smem:$0x7EE] =	sst s25  }
0x30: {  	s11 =	ssub.s32 s21, s9;
	s9 =	simm.s32 $0x15480;
	[smem:$0x7EF] =	sst s8  }
0x31: {  	s0 =	sadd.s32 $0x2000, s0;
	s19 =	sadd.s32 s5, s17;
	[smem:$0x7E2] =	sst s9  }
0x32: {  	s7 =	sor.u32 $0x1C05, s12;
	s12 =	simm.s32 $0x14E80;
	[smem:$0x7E6] =	sst s19  }
0x33: {  	s14 =	simm.s32 @!p0 $0x34600;
	s15 =	simm.s32 $0x15080;
	[smem:$0x7E8] =	sst s12  }
0x34: {  	s16 =	simm.s32 $0x15800;
	s18 =	simm.s32 $0x15880;
	[smem:$0x7F2] =	sst s15  }
0x35: {  	s20 =	simm.s32 $0x15900;
	s22 =	simm.s32 $0x15980;
	[smem:$0x7F3] =	sst s16  }
0x36: {  	s23 =	simm.s32 $0x15280;
	s25 =	simm.s32 $0x15300;
	[smem:$0x7F5] =	sst s18  }
0x37: {  	s26 =	sshrl.u32 s10, $0x2;
	s10 =	simm.s32 $0x14D80;
	[smem:$0x7F7] =	sst s20  }
0x38: {  	s9 =	sadd.s32 $0x9F00, s1;
	s1 =	sadd.s32 s14, s1;
	[smem:$0x7F9] =	sst s22  }
0x39: {  	s15 =	simm.s32 $0x5;
	s19 =	simm.s32 $0x15180;
	[smem:$0x7FA] =	sst s23  }
0x3a: {  	s16 =	simm.s32 $0x13C00;
	s18 =	simm.s32 $0x1;
	[smem:$0x7FC] =	sst s25  }
0x3b: {  	s20 =	simm.s32 $0x15400;
	s22 =	simm.s32 $0x15C00;
	[smem:$0x7E3] =	sst s10  }
0x3c: {  	s23 =	simm.s32 $0x19C00;
	s21 =	sadd.s32 s17, s9;
	[smem:$0x7F6] =	sst s19  }
0x3d: {  	s13 =	sadd.s32 s26, s3;
	s26 =	smax.u32 s11, $0x1;
	[smem:$0x7E9] =	sst s21  }
0x3e: {  	s25 =	simm.s32 $0x4;
	s10 =	simm.s32 $0x15000;
	[smem:$0x7ED] =	sst s26  }
0x3f: {  	s11 =	simm.s32 $0x15780;
	s12 =	sadd.s32 s1, s24;
	[smem:$0x7F0] =	sst s10  }
0x40: {  	s17 =	simm.s32 $0x15100;
	s19 =	simm.s32 $0x14C00;
	[smem:$0x7F1] =	sst s11  }
0x41: {  	s24 =	simm.s32 $0x15A00;
	s14 =	sshrl.u32 s13, $0x3;
	[smem:$0x7F4] =	sst s17  }
0x42: {  	s17 =	simm.s32 $0x14400;
	s21 =	simm.s32 $0x15200;
	[smem:$0x7FB] =	sst s24  }
0x43: {  	s26 =	simm.s32 $0x15A80;
	s24 =	simm.s32 $0x3;
	[smem:$0x7F8] =	sst s21  }
0x44: {  	s21 =	simm.s32 $0x80;
	[smem:$0x7FD] =	sst s26;
	s26 =	simm.s32 $0x2  }
.LBB2_1:
0x45: {  	s1 =	sld [smem:$0x7DC];
	_ =	sdelay $0x2  }
0x46: {  	[spmem:s14], [sflag:s7] =	dma.local [hbm:s1], $0x2780  }
0x47: {  	_ =	swait.ge [sflag:s15], $0x2780  }
0x48: {  	[sflag:s15] =	ssyncset.done $0x0  }
0x49: {  	[sflag:s15] =	ssyncadd.s32 $0xFFFFD880  }
0x4a: {  	[bflag:$0x0] =	sbarrier.arrive $0xFFFF  }
0x4b: {  	s6 =	sld [smem:$0x7E6];
	_ =	sdelay $0x1  }
0x4c: {  	s8 =	sld [smem:$0x7E9]  }
0x4d: {  	[tilespmem:s16], [sflag:$0x1] =	stream.linear.gather [hbm4b:s6+s4], $0x800, $0x38;
	[tilespmem:$0x1DC00] =	vst v63  }
0x4e: {  	_ = 	snop  }
0x4f: {  	[tilespmem:s17], [sflag:$0x1] =	stream.linear.gather [hbm4b:s8+s4], $0x800, $0x38;
	[tilespmem:$0x1DC00] =	vst v63  }
0x50: {  	_ =	swait.ge [sflag:s18], $0x800  }
0x51: {  	[sflag:s18] =	ssyncset.done $0x0  }
0x52: {  	[sflag:s18] =	ssyncadd.s32 $0xFFFFF800  }
0x53: {  	_ =	swait.ge [sflag:s18], $0x800  }
0x54: {  	s10 =	rddreg [dreg:$0x4];
	[sflag:s18] =	ssyncset.done $0x0  }
0x55: {  	[sflag:s18] =	ssyncadd.s32 $0xFFFFF800;
	s1 =	sadd.s32 $0x0, s10  }
0x56: {  	[tilespmem:s19], [sflag:$0x2] =	stream.linear.gather [hbm4b:s1+s4], $0x800, $0x38;
	[tilespmem:$0x1DC00] =	vst v63  }
0x57: {  	s1 =	sadd.s32 $0x100, s1  }
0x58: {  	[tilespmem:s20], [sflag:$0x2] =	stream.linear.gather [hbm4b:s1+s4], $0x800, $0x38;
	[tilespmem:$0x1DC00] =	vst v63  }
0x59: {  	_ = 	snop  }
0x5a: {  	[tilespmem:s22], [sflag:$0x3] =	stream.indirect.gather [hbm4b:s2+s21], $0x80, s16, s21, $0xb8;
	[tilespmem:$0x1DC00] =	vst v63  }
0x5b: {  	s11 =	rddreg [dreg:$0x5]  }
0x5c: {  	[tilespmem:s23], [sflag:$0x4] =	stream.indirect.gather [hbm4b:s2+s21], $0x80, s11, s21, $0xb8;
	[tilespmem:$0x1DC00] =	vst v63  }
0x5d: {  	_ =	swait.ge [sflag:s24], $0x4000  }
0x5e: {  	[sflag:s24] =	ssyncset.done $0x0  }
0x5f: {  	[sflag:s24] =	ssyncadd.s32 $0xFFFFC000  }
0x60: {  	[spmem:s3] =	stream.indirect.scatter.add.f32 [tilespmem:s22], [sflag:$0x5], $0x80, s17, s21, $0xb8;
	[tilespmem:$0x1DC00] =	vst v63  }
0x61: {  	_ =	swait.ge [sflag:s15], $0x4000  }
0x62: {  	[sflag:s15] =	ssyncset.done $0x0  }
0x63: {  	s13 =	rddreg [dreg:$0x6];
	[sflag:s15] =	ssyncadd.s32 $0xFFFFC000  }
0x64: {  	[tilespmem:s22], [sflag:$0x3] =	stream.indirect.gather [hbm4b:s2+s21], $0x80, s13, s21, $0xb8;
	[tilespmem:$0x1DC00] =	vst v63  }
0x65: {  	_ =	swait.ge [sflag:s25], $0x4000  }
0x66: {  	[sflag:s25] =	ssyncset.done $0x0  }
0x67: {  	s6 =	rddreg [dreg:$0x7];
	[sflag:s25] =	ssyncadd.s32 $0xFFFFC000  }
0x68: {  	[spmem:s3] =	stream.indirect.scatter.add.f32 [tilespmem:s23], [sflag:$0x5], $0x80, s6, s21, $0xb8;
	[tilespmem:$0x1DC00] =	vst v63  }
0x69: {  	_ =	swait.ge [sflag:s15], $0x4000  }
0x6a: {  	[sflag:s15] =	ssyncset.done $0x0  }
0x6b: {  	s8 =	rddreg [dreg:$0x8];
	[sflag:s15] =	ssyncadd.s32 $0xFFFFC000  }
0x6c: {  	[tilespmem:s23], [sflag:$0x4] =	stream.indirect.gather [hbm4b:s2+s21], $0x80, s8, s21, $0xb8;
	[tilespmem:$0x1DC00] =	vst v63  }
0x6d: {  	_ =	swait.ge [sflag:s24], $0x4000  }
0x6e: {  	[sflag:s24] =	ssyncset.done $0x0  }
0x6f: {  	s10 =	rddreg [dreg:$0x9];
	[sflag:s24] =	ssyncadd.s32 $0xFFFFC000  }
0x70: {  	[spmem:s3] =	stream.indirect.scatter.add.f32 [tilespmem:s22], [sflag:$0x5], $0x80, s10, s21, $0xb8;
	[tilespmem:$0x1DC00] =	vst v63  }
0x71: {  	_ =	swait.ge [sflag:s15], $0x4000  }
0x72: {  	[sflag:s15] =	ssyncset.done $0x0  }
0x73: {  	s11 =	rddreg [dreg:$0xa];
	[sflag:s15] =	ssyncadd.s32 $0xFFFFC000  }
0x74: {  	[tilespmem:s22], [sflag:$0x3] =	stream.indirect.gather [hbm4b:s2+s21], $0x80, s11, s21, $0xb8;
	[tilespmem:$0x1DC00] =	vst v63  }
0x75: {  	_ =	swait.ge [sflag:s25], $0x4000  }
0x76: {  	[sflag:s25] =	ssyncset.done $0x0  }
0x77: {  	s13 =	rddreg [dreg:$0xb];
	[sflag:s25] =	ssyncadd.s32 $0xFFFFC000  }
0x78: {  	[spmem:s3] =	stream.indirect.scatter.add.f32 [tilespmem:s23], [sflag:$0x5], $0x80, s13, s21, $0xb8;
	[tilespmem:$0x1DC00] =	vst v63  }
0x79: {  	_ =	swait.ge [sflag:s15], $0x4000  }
0x7a: {  	[sflag:s15] =	ssyncset.done $0x0  }
0x7b: {  	s6 =	rddreg [dreg:$0xc];
	[sflag:s15] =	ssyncadd.s32 $0xFFFFC000  }
0x7c: {  	[tilespmem:s23], [sflag:$0x4] =	stream.indirect.gather [hbm4b:s2+s21], $0x80, s6, s21, $0xb8;
	[tilespmem:$0x1DC00] =	vst v63  }
0x7d: {  	_ =	swait.ge [sflag:s24], $0x4000  }
0x7e: {  	[sflag:s24] =	ssyncset.done $0x0  }
0x7f: {  	s8 =	rddreg [dreg:$0xd];
	[sflag:s24] =	ssyncadd.s32 $0xFFFFC000  }
0x80: {  	[spmem:s3] =	stream.indirect.scatter.add.f32 [tilespmem:s22], [sflag:$0x5], $0x80, s8, s21, $0xb8;
	[tilespmem:$0x1DC00] =	vst v63  }
0x81: {  	_ =	swait.ge [sflag:s15], $0x4000  }
0x82: {  	[sflag:s15] =	ssyncset.done $0x0  }
0x83: {  	s10 =	rddreg [dreg:$0xe];
	[sflag:s15] =	ssyncadd.s32 $0xFFFFC000  }
0x84: {  	[tilespmem:s22], [sflag:$0x3] =	stream.indirect.gather [hbm4b:s2+s21], $0x80, s10, s21, $0xb8;
	[tilespmem:$0x1DC00] =	vst v63  }
0x85: {  	_ =	swait.ge [sflag:s25], $0x4000  }
0x86: {  	[sflag:s25] =	ssyncset.done $0x0  }
0x87: {  	s11 =	rddreg [dreg:$0xf];
	[sflag:s25] =	ssyncadd.s32 $0xFFFFC000  }
0x88: {  	[spmem:s3] =	stream.indirect.scatter.add.f32 [tilespmem:s23], [sflag:$0x5], $0x80, s11, s21, $0xb8;
	[tilespmem:$0x1DC00] =	vst v63  }
0x89: {  	_ =	swait.ge [sflag:s15], $0x4000  }
0x8a: {  	[sflag:s15] =	ssyncset.done $0x0  }
0x8b: {  	s13 =	rddreg [dreg:$0x10];
	[sflag:s15] =	ssyncadd.s32 $0xFFFFC000  }
0x8c: {  	[tilespmem:s23], [sflag:$0x4] =	stream.indirect.gather [hbm4b:s2+s21], $0x80, s13, s21, $0xb8;
	[tilespmem:$0x1DC00] =	vst v63  }
0x8d: {  	_ =	swait.ge [sflag:s24], $0x4000  }
0x8e: {  	[sflag:s24] =	ssyncset.done $0x0  }
0x8f: {  	s6 =	rddreg [dreg:$0x11];
	[sflag:s24] =	ssyncadd.s32 $0xFFFFC000  }
0x90: {  	[spmem:s3] =	stream.indirect.scatter.add.f32 [tilespmem:s22], [sflag:$0x5], $0x80, s6, s21, $0xb8;
	[tilespmem:$0x1DC00] =	vst v63  }
0x91: {  	_ =	swait.ge [sflag:s15], $0x4000  }
0x92: {  	[sflag:s15] =	ssyncset.done $0x0  }
0x93: {  	s8 =	rddreg [dreg:$0x12];
	[sflag:s15] =	ssyncadd.s32 $0xFFFFC000  }
0x94: {  	[tilespmem:s22], [sflag:$0x3] =	stream.indirect.gather [hbm4b:s2+s21], $0x80, s8, s21, $0xb8;
	[tilespmem:$0x1DC00] =	vst v63  }
0x95: {  	_ =	swait.ge [sflag:s25], $0x4000  }
0x96: {  	[sflag:s25] =	ssyncset.done $0x0  }
0x97: {  	s10 =	rddreg [dreg:$0x13];
	[sflag:s25] =	ssyncadd.s32 $0xFFFFC000  }
0x98: {  	[spmem:s3] =	stream.indirect.scatter.add.f32 [tilespmem:s23], [sflag:$0x5], $0x80, s10, s21, $0xb8;
	[tilespmem:$0x1DC00] =	vst v63  }
0x99: {  	_ =	swait.ge [sflag:s15], $0x4000  }
0x9a: {  	[sflag:s15] =	ssyncset.done $0x0  }
0x9b: {  	s11 =	rddreg [dreg:$0x14];
	[sflag:s15] =	ssyncadd.s32 $0xFFFFC000  }
0x9c: {  	[tilespmem:s23], [sflag:$0x4] =	stream.indirect.gather [hbm4b:s2+s21], $0x80, s11, s21, $0xb8;
	[tilespmem:$0x1DC00] =	vst v63  }
0x9d: {  	_ =	swait.ge [sflag:s24], $0x4000  }
0x9e: {  	[sflag:s24] =	ssyncset.done $0x0  }
0x9f: {  	s13 =	rddreg [dreg:$0x15];
	[sflag:s24] =	ssyncadd.s32 $0xFFFFC000  }
0xa0: {  	[spmem:s3] =	stream.indirect.scatter.add.f32 [tilespmem:s22], [sflag:$0x5], $0x80, s13, s21, $0xb8;
	[tilespmem:$0x1DC00] =	vst v63  }
0xa1: {  	_ =	swait.ge [sflag:s15], $0x4000  }
0xa2: {  	[sflag:s15] =	ssyncset.done $0x0  }
0xa3: {  	s6 =	rddreg [dreg:$0x16];
	[sflag:s15] =	ssyncadd.s32 $0xFFFFC000  }
0xa4: {  	[tilespmem:s22], [sflag:$0x3] =	stream.indirect.gather [hbm4b:s2+s21], $0x80, s6, s21, $0xb8;
	[tilespmem:$0x1DC00] =	vst v63  }
0xa5: {  	_ =	swait.ge [sflag:s25], $0x4000  }
0xa6: {  	[sflag:s25] =	ssyncset.done $0x0  }
0xa7: {  	s8 =	rddreg [dreg:$0x17];
	[sflag:s25] =	ssyncadd.s32 $0xFFFFC000  }
0xa8: {  	[spmem:s3] =	stream.indirect.scatter.add.f32 [tilespmem:s23], [sflag:$0x5], $0x80, s8, s21, $0xb8;
	[tilespmem:$0x1DC00] =	vst v63  }
0xa9: {  	_ =	swait.ge [sflag:s15], $0x4000  }
0xaa: {  	[sflag:s15] =	ssyncset.done $0x0  }
0xab: {  	s10 =	rddreg [dreg:$0x18];
	[sflag:s15] =	ssyncadd.s32 $0xFFFFC000  }
0xac: {  	[tilespmem:s23], [sflag:$0x4] =	stream.indirect.gather [hbm4b:s2+s21], $0x80, s10, s21, $0xb8;
	[tilespmem:$0x1DC00] =	vst v63  }
0xad: {  	_ =	swait.ge [sflag:s24], $0x4000  }
0xae: {  	[sflag:s24] =	ssyncset.done $0x0  }
0xaf: {  	s11 =	rddreg [dreg:$0x19];
	[sflag:s24] =	ssyncadd.s32 $0xFFFFC000  }
0xb0: {  	[spmem:s3] =	stream.indirect.scatter.add.f32 [tilespmem:s22], [sflag:$0x5], $0x80, s11, s21, $0xb8;
	[tilespmem:$0x1DC00] =	vst v63  }
0xb1: {  	_ =	swait.ge [sflag:s15], $0x4000  }
0xb2: {  	[sflag:s15] =	ssyncset.done $0x0  }
0xb3: {  	s13 =	rddreg [dreg:$0x1a];
	[sflag:s15] =	ssyncadd.s32 $0xFFFFC000  }
0xb4: {  	[tilespmem:s22], [sflag:$0x3] =	stream.indirect.gather [hbm4b:s2+s21], $0x80, s13, s21, $0xb8;
	[tilespmem:$0x1DC00] =	vst v63  }
0xb5: {  	_ =	swait.ge [sflag:s25], $0x4000  }
0xb6: {  	[sflag:s25] =	ssyncset.done $0x0  }
0xb7: {  	s6 =	rddreg [dreg:$0x1b];
	[sflag:s25] =	ssyncadd.s32 $0xFFFFC000  }
0xb8: {  	[spmem:s3] =	stream.indirect.scatter.add.f32 [tilespmem:s23], [sflag:$0x5], $0x80, s6, s21, $0xb8;
	[tilespmem:$0x1DC00] =	vst v63  }
0xb9: {  	_ =	swait.ge [sflag:s15], $0x4000  }
0xba: {  	[sflag:s15] =	ssyncset.done $0x0  }
0xbb: {  	s8 =	rddreg [dreg:$0x1c];
	[sflag:s15] =	ssyncadd.s32 $0xFFFFC000  }
0xbc: {  	[tilespmem:s23], [sflag:$0x4] =	stream.indirect.gather [hbm4b:s2+s21], $0x80, s8, s21, $0xb8;
	[tilespmem:$0x1DC00] =	vst v63  }
0xbd: {  	_ =	swait.ge [sflag:s24], $0x4000  }
0xbe: {  	[sflag:s24] =	ssyncset.done $0x0  }
0xbf: {  	s10 =	rddreg [dreg:$0x1d];
	[sflag:s24] =	ssyncadd.s32 $0xFFFFC000  }
0xc0: {  	[spmem:s3] =	stream.indirect.scatter.add.f32 [tilespmem:s22], [sflag:$0x5], $0x80, s10, s21, $0xb8;
	[tilespmem:$0x1DC00] =	vst v63  }
0xc1: {  	_ =	swait.ge [sflag:s15], $0x4000  }
0xc2: {  	[sflag:s15] =	ssyncset.done $0x0  }
0xc3: {  	s11 =	rddreg [dreg:$0x1e];
	[sflag:s15] =	ssyncadd.s32 $0xFFFFC000  }
0xc4: {  	[tilespmem:s22], [sflag:$0x3] =	stream.indirect.gather [hbm4b:s2+s21], $0x80, s11, s21, $0xb8;
	[tilespmem:$0x1DC00] =	vst v63  }
0xc5: {  	_ =	swait.ge [sflag:s25], $0x4000  }
0xc6: {  	[sflag:s25] =	ssyncset.done $0x0  }
0xc7: {  	s13 =	rddreg [dreg:$0x1f];
	[sflag:s25] =	ssyncadd.s32 $0xFFFFC000  }
0xc8: {  	[spmem:s3] =	stream.indirect.scatter.add.f32 [tilespmem:s23], [sflag:$0x5], $0x80, s13, s21, $0xb8;
	[tilespmem:$0x1DC00] =	vst v63  }
0xc9: {  	_ =	swait.ge [sflag:s15], $0x4000  }
0xca: {  	s6 =	sld [smem:$0x7DD]  }
0xcb: {  	[sflag:s15] =	ssyncset.done $0x0  }
0xcc: {  	[sflag:s15] =	ssyncadd.s32 $0xFFFFC000  }
0xcd: {  	[tilespmem:s23], [sflag:$0x4] =	stream.indirect.gather [hbm4b:s2+s21], $0x80, s6, s21, $0xb8;
	[tilespmem:$0x1DC00] =	vst v63  }
0xce: {  	_ =	swait.ge [sflag:s24], $0x4000  }
0xcf: {  	s8 =	sld [smem:$0x7DE]  }
0xd0: {  	[sflag:s24] =	ssyncset.done $0x0  }
0xd1: {  	[sflag:s24] =	ssyncadd.s32 $0xFFFFC000  }
0xd2: {  	[spmem:s3] =	stream.indirect.scatter.add.f32 [tilespmem:s22], [sflag:$0x5], $0x80, s8, s21, $0xb8;
	[tilespmem:$0x1DC00] =	vst v63  }
0xd3: {  	_ =	swait.ge [sflag:s15], $0x4000  }
0xd4: {  	[sflag:s15] =	ssyncset.done $0x0  }
0xd5: {  	[sflag:s15] =	ssyncadd.s32 $0xFFFFC000  }
0xd6: {  	_ =	swait.ge [sflag:s25], $0x4000  }
0xd7: {  	s10 =	sld [smem:$0x7DF]  }
0xd8: {  	[sflag:s25] =	ssyncset.done $0x0  }
0xd9: {  	[sflag:s25] =	ssyncadd.s32 $0xFFFFC000  }
0xda: {  	[spmem:s3] =	stream.indirect.scatter.add.f32 [tilespmem:s23], [sflag:$0x5], $0x80, s10, s21, $0xb8;
	[tilespmem:$0x1DC00] =	vst v63  }
0xdb: {  	_ =	swait.ge [sflag:s15], $0x4000  }
0xdc: {  	[sflag:s15] =	ssyncset.done $0x0  }
0xdd: {  	[sflag:s15] =	ssyncadd.s32 $0xFFFFC000  }
0xde: {  	_ =	swait.ge [sflag:s26], $0x800  }
0xdf: {  	[sflag:s26] =	ssyncset.done $0x0  }
0xe0: {  	p0 =	por $0x0, $0x0;
	[sflag:s26] =	ssyncadd.s32 $0xFFFFF800  }
0xe1: {  	s1 =	sshrl.u32 @!p0 s0, $0x3;
	_ =	swait.ge [sflag:s26], $0x800  }
0xe2: {  	s13 =	sadd.s32 @!p0 s5, s1;
	[sflag:s26] =	ssyncset.done $0x0  }
0xe3: {  	s6 =	simm.s32 @!p0 $0x13C00;
	s8 =	simm.s32 @!p0 $0x0;
	[sflag:s26] =	ssyncadd.s32 $0xFFFFF800  }
0xe4: {  	[tilespmem:s6], [sflag:$0x1] =	stream.linear.gather @!p0 [hbm4b:s13+s8], $0x800, $0x38;
	[tilespmem:$0x1DC00] =	vst v63  }
0xe5: {  	s1 =	sadd.s32 @!p0 s1, s9;
	s6 =	simm.s32 @!p0 $0x14400  }
0xe6: {  	[tilespmem:s6], [sflag:$0x1] =	stream.linear.gather @!p0 [hbm4b:s1+s8], $0x800, $0x38;
	[tilespmem:$0x1DC00] =	vst v63  }
0xe7: {  	s11 =	sld [smem:$0x7E0]  }
0xe8: {  	[tilespmem:s22], [sflag:$0x3] =	stream.indirect.gather [hbm4b:s2+s21], $0x80, s19, s21, $0xb8;
	[tilespmem:$0x1DC00] =	vst v63  }
0xe9: {  	_ = 	snop  }
0xea: {  	[tilespmem:s23], [sflag:$0x4] =	stream.indirect.gather [hbm4b:s2+s21], $0x80, s11, s21, $0xb8;
	[tilespmem:$0x1DC00] =	vst v63  }
0xeb: {  	_ =	swait.ge [sflag:s24], $0x4000  }
0xec: {  	[sflag:s24] =	ssyncset.done $0x0  }
0xed: {  	[sflag:s24] =	ssyncadd.s32 $0xFFFFC000  }
0xee: {  	[spmem:s3] =	stream.indirect.scatter.add.f32 [tilespmem:s22], [sflag:$0x5], $0x80, s20, s21, $0xb8;
	[tilespmem:$0x1DC00] =	vst v63  }
0xef: {  	_ =	swait.ge [sflag:s15], $0x4000  }
0xf0: {  	s13 =	sld [smem:$0x7E1]  }
0xf1: {  	[sflag:s15] =	ssyncset.done $0x0  }
0xf2: {  	[sflag:s15] =	ssyncadd.s32 $0xFFFFC000  }
0xf3: {  	[tilespmem:s22], [sflag:$0x3] =	stream.indirect.gather [hbm4b:s2+s21], $0x80, s13, s21, $0xb8;
	[tilespmem:$0x1DC00] =	vst v63  }
0xf4: {  	_ =	swait.ge [sflag:s25], $0x4000  }
0xf5: {  	s6 =	sld [smem:$0x7E2]  }
0xf6: {  	[sflag:s25] =	ssyncset.done $0x0  }
0xf7: {  	[sflag:s25] =	ssyncadd.s32 $0xFFFFC000  }
0xf8: {  	[spmem:s3] =	stream.indirect.scatter.add.f32 [tilespmem:s23], [sflag:$0x5], $0x80, s6, s21, $0xb8;
	[tilespmem:$0x1DC00] =	vst v63  }
0xf9: {  	_ =	swait.ge [sflag:s15], $0x4000  }
0xfa: {  	s8 =	sld [smem:$0x7E3]  }
0xfb: {  	[sflag:s15] =	ssyncset.done $0x0  }
0xfc: {  	[sflag:s15] =	ssyncadd.s32 $0xFFFFC000  }
0xfd: {  	[tilespmem:s23], [sflag:$0x4] =	stream.indirect.gather [hbm4b:s2+s21], $0x80, s8, s21, $0xb8;
	[tilespmem:$0x1DC00] =	vst v63  }
0xfe: {  	_ =	swait.ge [sflag:s24], $0x4000  }
0xff: {  	s10 =	sld [smem:$0x7E4]  }
0x100: {  	[sflag:s24] =	ssyncset.done $0x0  }
0x101: {  	[sflag:s24] =	ssyncadd.s32 $0xFFFFC000  }
0x102: {  	[spmem:s3] =	stream.indirect.scatter.add.f32 [tilespmem:s22], [sflag:$0x5], $0x80, s10, s21, $0xb8;
	[tilespmem:$0x1DC00] =	vst v63  }
0x103: {  	_ =	swait.ge [sflag:s15], $0x4000  }
0x104: {  	s11 =	sld [smem:$0x7E5]  }
0x105: {  	[sflag:s15] =	ssyncset.done $0x0  }
0x106: {  	[sflag:s15] =	ssyncadd.s32 $0xFFFFC000  }
0x107: {  	[tilespmem:s22], [sflag:$0x3] =	stream.indirect.gather [hbm4b:s2+s21], $0x80, s11, s21, $0xb8;
	[tilespmem:$0x1DC00] =	vst v63  }
0x108: {  	_ =	swait.ge [sflag:s25], $0x4000  }
0x109: {  	s13 =	sld [smem:$0x7E7]  }
0x10a: {  	[sflag:s25] =	ssyncset.done $0x0  }
0x10b: {  	[sflag:s25] =	ssyncadd.s32 $0xFFFFC000  }
0x10c: {  	[spmem:s3] =	stream.indirect.scatter.add.f32 [tilespmem:s23], [sflag:$0x5], $0x80, s13, s21, $0xb8;
	[tilespmem:$0x1DC00] =	vst v63  }
0x10d: {  	_ =	swait.ge [sflag:s15], $0x4000  }
0x10e: {  	s6 =	sld [smem:$0x7E8]  }
0x10f: {  	[sflag:s15] =	ssyncset.done $0x0  }
0x110: {  	[sflag:s15] =	ssyncadd.s32 $0xFFFFC000  }
0x111: {  	[tilespmem:s23], [sflag:$0x4] =	stream.indirect.gather [hbm4b:s2+s21], $0x80, s6, s21, $0xb8;
	[tilespmem:$0x1DC00] =	vst v63  }
0x112: {  	_ =	swait.ge [sflag:s24], $0x4000  }
0x113: {  	s8 =	sld [smem:$0x7EA]  }
0x114: {  	[sflag:s24] =	ssyncset.done $0x0  }
0x115: {  	[sflag:s24] =	ssyncadd.s32 $0xFFFFC000  }
0x116: {  	[spmem:s3] =	stream.indirect.scatter.add.f32 [tilespmem:s22], [sflag:$0x5], $0x80, s8, s21, $0xb8;
	[tilespmem:$0x1DC00] =	vst v63  }
0x117: {  	_ =	swait.ge [sflag:s15], $0x4000  }
0x118: {  	s10 =	sld [smem:$0x7EB]  }
0x119: {  	[sflag:s15] =	ssyncset.done $0x0  }
0x11a: {  	[sflag:s15] =	ssyncadd.s32 $0xFFFFC000  }
0x11b: {  	[tilespmem:s22], [sflag:$0x3] =	stream.indirect.gather [hbm4b:s2+s21], $0x80, s10, s21, $0xb8;
	[tilespmem:$0x1DC00] =	vst v63  }
0x11c: {  	_ =	swait.ge [sflag:s25], $0x4000  }
0x11d: {  	s11 =	sld [smem:$0x7EC]  }
0x11e: {  	[sflag:s25] =	ssyncset.done $0x0  }
0x11f: {  	[sflag:s25] =	ssyncadd.s32 $0xFFFFC000  }
0x120: {  	[spmem:s3] =	stream.indirect.scatter.add.f32 [tilespmem:s23], [sflag:$0x5], $0x80, s11, s21, $0xb8;
	[tilespmem:$0x1DC00] =	vst v63  }
0x121: {  	_ =	swait.ge [sflag:s15], $0x4000  }
0x122: {  	s13 =	sld [smem:$0x7EE]  }
0x123: {  	[sflag:s15] =	ssyncset.done $0x0  }
0x124: {  	[sflag:s15] =	ssyncadd.s32 $0xFFFFC000  }
0x125: {  	[tilespmem:s23], [sflag:$0x4] =	stream.indirect.gather [hbm4b:s2+s21], $0x80, s13, s21, $0xb8;
	[tilespmem:$0x1DC00] =	vst v63  }
0x126: {  	_ =	swait.ge [sflag:s24], $0x4000  }
0x127: {  	s6 =	sld [smem:$0x7EF]  }
0x128: {  	[sflag:s24] =	ssyncset.done $0x0  }
0x129: {  	[sflag:s24] =	ssyncadd.s32 $0xFFFFC000  }
0x12a: {  	[spmem:s3] =	stream.indirect.scatter.add.f32 [tilespmem:s22], [sflag:$0x5], $0x80, s6, s21, $0xb8;
	[tilespmem:$0x1DC00] =	vst v63  }
0x12b: {  	_ =	swait.ge [sflag:s15], $0x4000  }
0x12c: {  	s8 =	sld [smem:$0x7F0]  }
0x12d: {  	[sflag:s15] =	ssyncset.done $0x0  }
0x12e: {  	[sflag:s15] =	ssyncadd.s32 $0xFFFFC000  }
0x12f: {  	[tilespmem:s22], [sflag:$0x3] =	stream.indirect.gather [hbm4b:s2+s21], $0x80, s8, s21, $0xb8;
	[tilespmem:$0x1DC00] =	vst v63  }
0x130: {  	_ =	swait.ge [sflag:s25], $0x4000  }
0x131: {  	s10 =	sld [smem:$0x7F1]  }
0x132: {  	[sflag:s25] =	ssyncset.done $0x0  }
0x133: {  	[sflag:s25] =	ssyncadd.s32 $0xFFFFC000  }
0x134: {  	[spmem:s3] =	stream.indirect.scatter.add.f32 [tilespmem:s23], [sflag:$0x5], $0x80, s10, s21, $0xb8;
	[tilespmem:$0x1DC00] =	vst v63  }
0x135: {  	_ =	swait.ge [sflag:s15], $0x4000  }
0x136: {  	s11 =	sld [smem:$0x7F2]  }
0x137: {  	[sflag:s15] =	ssyncset.done $0x0  }
0x138: {  	[sflag:s15] =	ssyncadd.s32 $0xFFFFC000  }
0x139: {  	[tilespmem:s23], [sflag:$0x4] =	stream.indirect.gather [hbm4b:s2+s21], $0x80, s11, s21, $0xb8;
	[tilespmem:$0x1DC00] =	vst v63  }
0x13a: {  	_ =	swait.ge [sflag:s24], $0x4000  }
0x13b: {  	s13 =	sld [smem:$0x7F3]  }
0x13c: {  	[sflag:s24] =	ssyncset.done $0x0  }
0x13d: {  	[sflag:s24] =	ssyncadd.s32 $0xFFFFC000  }
0x13e: {  	[spmem:s3] =	stream.indirect.scatter.add.f32 [tilespmem:s22], [sflag:$0x5], $0x80, s13, s21, $0xb8;
	[tilespmem:$0x1DC00] =	vst v63  }
0x13f: {  	_ =	swait.ge [sflag:s15], $0x4000  }
0x140: {  	s6 =	sld [smem:$0x7F4]  }
0x141: {  	[sflag:s15] =	ssyncset.done $0x0  }
0x142: {  	[sflag:s15] =	ssyncadd.s32 $0xFFFFC000  }
0x143: {  	[tilespmem:s22], [sflag:$0x3] =	stream.indirect.gather [hbm4b:s2+s21], $0x80, s6, s21, $0xb8;
	[tilespmem:$0x1DC00] =	vst v63  }
0x144: {  	_ =	swait.ge [sflag:s25], $0x4000  }
0x145: {  	s8 =	sld [smem:$0x7F5]  }
0x146: {  	[sflag:s25] =	ssyncset.done $0x0  }
0x147: {  	[sflag:s25] =	ssyncadd.s32 $0xFFFFC000  }
0x148: {  	[spmem:s3] =	stream.indirect.scatter.add.f32 [tilespmem:s23], [sflag:$0x5], $0x80, s8, s21, $0xb8;
	[tilespmem:$0x1DC00] =	vst v63  }
0x149: {  	_ =	swait.ge [sflag:s15], $0x4000  }
0x14a: {  	s10 =	sld [smem:$0x7F6]  }
0x14b: {  	[sflag:s15] =	ssyncset.done $0x0  }
0x14c: {  	[sflag:s15] =	ssyncadd.s32 $0xFFFFC000  }
0x14d: {  	[tilespmem:s23], [sflag:$0x4] =	stream.indirect.gather [hbm4b:s2+s21], $0x80, s10, s21, $0xb8;
	[tilespmem:$0x1DC00] =	vst v63  }
0x14e: {  	_ =	swait.ge [sflag:s24], $0x4000  }
0x14f: {  	s11 =	sld [smem:$0x7F7]  }
0x150: {  	[sflag:s24] =	ssyncset.done $0x0  }
0x151: {  	[sflag:s24] =	ssyncadd.s32 $0xFFFFC000  }
0x152: {  	[spmem:s3] =	stream.indirect.scatter.add.f32 [tilespmem:s22], [sflag:$0x5], $0x80, s11, s21, $0xb8;
	[tilespmem:$0x1DC00] =	vst v63  }
0x153: {  	_ =	swait.ge [sflag:s15], $0x4000  }
0x154: {  	s13 =	sld [smem:$0x7F8]  }
0x155: {  	[sflag:s15] =	ssyncset.done $0x0  }
0x156: {  	[sflag:s15] =	ssyncadd.s32 $0xFFFFC000  }
0x157: {  	[tilespmem:s22], [sflag:$0x3] =	stream.indirect.gather [hbm4b:s2+s21], $0x80, s13, s21, $0xb8;
	[tilespmem:$0x1DC00] =	vst v63  }
0x158: {  	_ =	swait.ge [sflag:s25], $0x4000  }
0x159: {  	s6 =	sld [smem:$0x7F9]  }
0x15a: {  	[sflag:s25] =	ssyncset.done $0x0  }
0x15b: {  	[sflag:s25] =	ssyncadd.s32 $0xFFFFC000  }
0x15c: {  	[spmem:s3] =	stream.indirect.scatter.add.f32 [tilespmem:s23], [sflag:$0x5], $0x80, s6, s21, $0xb8;
	[tilespmem:$0x1DC00] =	vst v63  }
0x15d: {  	_ =	swait.ge [sflag:s15], $0x4000  }
0x15e: {  	s8 =	sld [smem:$0x7FA]  }
0x15f: {  	[sflag:s15] =	ssyncset.done $0x0  }
0x160: {  	[sflag:s15] =	ssyncadd.s32 $0xFFFFC000  }
0x161: {  	[tilespmem:s23], [sflag:$0x4] =	stream.indirect.gather [hbm4b:s2+s21], $0x80, s8, s21, $0xb8;
	[tilespmem:$0x1DC00] =	vst v63  }
0x162: {  	_ =	swait.ge [sflag:s24], $0x4000  }
0x163: {  	s10 =	sld [smem:$0x7FB]  }
0x164: {  	[sflag:s24] =	ssyncset.done $0x0  }
0x165: {  	[sflag:s24] =	ssyncadd.s32 $0xFFFFC000  }
0x166: {  	[spmem:s3] =	stream.indirect.scatter.add.f32 [tilespmem:s22], [sflag:$0x5], $0x80, s10, s21, $0xb8;
	[tilespmem:$0x1DC00] =	vst v63  }
0x167: {  	_ =	swait.ge [sflag:s15], $0x4000  }
0x168: {  	s11 =	sld [smem:$0x7FC]  }
0x169: {  	[sflag:s15] =	ssyncset.done $0x0  }
0x16a: {  	[sflag:s15] =	ssyncadd.s32 $0xFFFFC000  }
0x16b: {  	[tilespmem:s22], [sflag:$0x3] =	stream.indirect.gather [hbm4b:s2+s21], $0x80, s11, s21, $0xb8;
	[tilespmem:$0x1DC00] =	vst v63  }
0x16c: {  	_ =	swait.ge [sflag:s25], $0x4000  }
0x16d: {  	s13 =	sld [smem:$0x7FD]  }
0x16e: {  	[sflag:s25] =	ssyncset.done $0x0  }
0x16f: {  	[sflag:s25] =	ssyncadd.s32 $0xFFFFC000  }
0x170: {  	[spmem:s3] =	stream.indirect.scatter.add.f32 [tilespmem:s23], [sflag:$0x5], $0x80, s13, s21, $0xb8;
	[tilespmem:$0x1DC00] =	vst v63  }
0x171: {  	_ =	swait.ge [sflag:s15], $0x4000  }
0x172: {  	[sflag:s15] =	ssyncset.done $0x0  }
0x173: {  	[sflag:s15] =	ssyncadd.s32 $0xFFFFC000  }
0x174: {  	[tilespmem:s23], [sflag:$0x4] =	stream.indirect.gather [hbm4b:s2+s21], $0x80, s28, s21, $0xb8;
	[tilespmem:$0x1DC00] =	vst v63  }
0x175: {  	_ =	swait.ge [sflag:s24], $0x4000  }
0x176: {  	[sflag:s24] =	ssyncset.done $0x0  }
0x177: {  	[sflag:s24] =	ssyncadd.s32 $0xFFFFC000  }
0x178: {  	[spmem:s3] =	stream.indirect.scatter.add.f32 [tilespmem:s22], [sflag:$0x5], $0x80, s29, s21, $0xb8;
	[tilespmem:$0x1DC00] =	vst v63  }
0x179: {  	_ =	swait.ge [sflag:s15], $0x4000  }
0x17a: {  	[sflag:s15] =	ssyncset.done $0x0  }
0x17b: {  	[sflag:s15] =	ssyncadd.s32 $0xFFFFC000  }
0x17c: {  	_ =	swait.ge [sflag:s25], $0x4000  }
0x17d: {  	[sflag:s25] =	ssyncset.done $0x0  }
0x17e: {  	[sflag:s25] =	ssyncadd.s32 $0xFFFFC000  }
0x17f: {  	[spmem:s3] =	stream.indirect.scatter.add.f32 [tilespmem:s23], [sflag:$0x5], $0x80, s30, s21, $0xb8;
	[tilespmem:$0x1DC00] =	vst v63  }
0x180: {  	_ =	swait.ge [sflag:s15], $0x4000  }
0x181: {  	s1 =	simm.s32 $0x400;
	s13 =	smov.u32 s0;
	[sflag:s15] =	ssyncset.done $0x0  }
.LBB2_2:
0x182: {  	[sflag:s15] =	ssyncadd.s32 $0xFFFFC000  }
0x183: {  	_ =	swait.ge [sflag:s18], $0x800  }
0x184: {  	[sflag:s18] =	ssyncset.done $0x0  }
0x185: {  	[sflag:s18] =	ssyncadd.s32 $0xFFFFF800  }
0x186: {  	_ =	swait.ge [sflag:s18], $0x800  }
0x187: {  	s6 =	smov.u32 s1;
	s8 =	rddreg [dreg:$0x4];
	[sflag:s18] =	ssyncset.done $0x0  }
0x188: {  	[sflag:s18] =	ssyncadd.s32 $0xFFFFF800;
	s8 =	sadd.s32 s6, s8  }
0x189: {  	[tilespmem:s19], [sflag:$0x2] =	stream.linear.gather [hbm4b:s8+s4], $0x800, $0x38;
	[tilespmem:$0x1DC00] =	vst v63  }
0x18a: {  	s8 =	sadd.s32 $0x100, s8  }
0x18b: {  	[tilespmem:s20], [sflag:$0x2] =	stream.linear.gather [hbm4b:s8+s4], $0x800, $0x38;
	[tilespmem:$0x1DC00] =	vst v63  }
0x18c: {  	_ = 	snop  }
0x18d: {  	[tilespmem:s22], [sflag:$0x3] =	stream.indirect.gather [hbm4b:s2+s21], $0x80, s16, s21, $0xb8;
	[tilespmem:$0x1DC00] =	vst v63  }
0x18e: {  	s10 =	rddreg [dreg:$0x5]  }
0x18f: {  	[tilespmem:s23], [sflag:$0x4] =	stream.indirect.gather [hbm4b:s2+s21], $0x80, s10, s21, $0xb8;
	[tilespmem:$0x1DC00] =	vst v63  }
0x190: {  	_ =	swait.ge [sflag:s24], $0x4000  }
0x191: {  	[sflag:s24] =	ssyncset.done $0x0  }
0x192: {  	[sflag:s24] =	ssyncadd.s32 $0xFFFFC000  }
0x193: {  	[spmem:s3] =	stream.indirect.scatter.add.f32 [tilespmem:s22], [sflag:$0x5], $0x80, s17, s21, $0xb8;
	[tilespmem:$0x1DC00] =	vst v63  }
0x194: {  	_ =	swait.ge [sflag:s15], $0x4000  }
0x195: {  	[sflag:s15] =	ssyncset.done $0x0  }
0x196: {  	s11 =	rddreg [dreg:$0x6];
	[sflag:s15] =	ssyncadd.s32 $0xFFFFC000  }
0x197: {  	[tilespmem:s22], [sflag:$0x3] =	stream.indirect.gather [hbm4b:s2+s21], $0x80, s11, s21, $0xb8;
	[tilespmem:$0x1DC00] =	vst v63  }
0x198: {  	_ =	swait.ge [sflag:s25], $0x4000  }
0x199: {  	[sflag:s25] =	ssyncset.done $0x0  }
0x19a: {  	s10 =	rddreg [dreg:$0x7];
	[sflag:s25] =	ssyncadd.s32 $0xFFFFC000  }
0x19b: {  	[spmem:s3] =	stream.indirect.scatter.add.f32 [tilespmem:s23], [sflag:$0x5], $0x80, s10, s21, $0xb8;
	[tilespmem:$0x1DC00] =	vst v63  }
0x19c: {  	_ =	swait.ge [sflag:s15], $0x4000  }
0x19d: {  	[sflag:s15] =	ssyncset.done $0x0  }
0x19e: {  	s11 =	rddreg [dreg:$0x8];
	[sflag:s15] =	ssyncadd.s32 $0xFFFFC000  }
0x19f: {  	[tilespmem:s23], [sflag:$0x4] =	stream.indirect.gather [hbm4b:s2+s21], $0x80, s11, s21, $0xb8;
	[tilespmem:$0x1DC00] =	vst v63  }
0x1a0: {  	_ =	swait.ge [sflag:s24], $0x4000  }
0x1a1: {  	[sflag:s24] =	ssyncset.done $0x0  }
0x1a2: {  	s10 =	rddreg [dreg:$0x9];
	[sflag:s24] =	ssyncadd.s32 $0xFFFFC000  }
0x1a3: {  	[spmem:s3] =	stream.indirect.scatter.add.f32 [tilespmem:s22], [sflag:$0x5], $0x80, s10, s21, $0xb8;
	[tilespmem:$0x1DC00] =	vst v63  }
0x1a4: {  	_ =	swait.ge [sflag:s15], $0x4000  }
0x1a5: {  	[sflag:s15] =	ssyncset.done $0x0  }
0x1a6: {  	s11 =	rddreg [dreg:$0xa];
	[sflag:s15] =	ssyncadd.s32 $0xFFFFC000  }
0x1a7: {  	[tilespmem:s22], [sflag:$0x3] =	stream.indirect.gather [hbm4b:s2+s21], $0x80, s11, s21, $0xb8;
	[tilespmem:$0x1DC00] =	vst v63  }
0x1a8: {  	_ =	swait.ge [sflag:s25], $0x4000  }
0x1a9: {  	[sflag:s25] =	ssyncset.done $0x0  }
0x1aa: {  	s10 =	rddreg [dreg:$0xb];
	[sflag:s25] =	ssyncadd.s32 $0xFFFFC000  }
0x1ab: {  	[spmem:s3] =	stream.indirect.scatter.add.f32 [tilespmem:s23], [sflag:$0x5], $0x80, s10, s21, $0xb8;
	[tilespmem:$0x1DC00] =	vst v63  }
0x1ac: {  	_ =	swait.ge [sflag:s15], $0x4000  }
0x1ad: {  	[sflag:s15] =	ssyncset.done $0x0  }
0x1ae: {  	s11 =	rddreg [dreg:$0xc];
	[sflag:s15] =	ssyncadd.s32 $0xFFFFC000  }
0x1af: {  	[tilespmem:s23], [sflag:$0x4] =	stream.indirect.gather [hbm4b:s2+s21], $0x80, s11, s21, $0xb8;
	[tilespmem:$0x1DC00] =	vst v63  }
0x1b0: {  	_ =	swait.ge [sflag:s24], $0x4000  }
0x1b1: {  	[sflag:s24] =	ssyncset.done $0x0  }
0x1b2: {  	s10 =	rddreg [dreg:$0xd];
	[sflag:s24] =	ssyncadd.s32 $0xFFFFC000  }
0x1b3: {  	[spmem:s3] =	stream.indirect.scatter.add.f32 [tilespmem:s22], [sflag:$0x5], $0x80, s10, s21, $0xb8;
	[tilespmem:$0x1DC00] =	vst v63  }
0x1b4: {  	_ =	swait.ge [sflag:s15], $0x4000  }
0x1b5: {  	[sflag:s15] =	ssyncset.done $0x0  }
0x1b6: {  	s11 =	rddreg [dreg:$0xe];
	[sflag:s15] =	ssyncadd.s32 $0xFFFFC000  }
0x1b7: {  	[tilespmem:s22], [sflag:$0x3] =	stream.indirect.gather [hbm4b:s2+s21], $0x80, s11, s21, $0xb8;
	[tilespmem:$0x1DC00] =	vst v63  }
0x1b8: {  	_ =	swait.ge [sflag:s25], $0x4000  }
0x1b9: {  	[sflag:s25] =	ssyncset.done $0x0  }
0x1ba: {  	s10 =	rddreg [dreg:$0xf];
	[sflag:s25] =	ssyncadd.s32 $0xFFFFC000  }
0x1bb: {  	[spmem:s3] =	stream.indirect.scatter.add.f32 [tilespmem:s23], [sflag:$0x5], $0x80, s10, s21, $0xb8;
	[tilespmem:$0x1DC00] =	vst v63  }
0x1bc: {  	_ =	swait.ge [sflag:s15], $0x4000  }
0x1bd: {  	[sflag:s15] =	ssyncset.done $0x0  }
0x1be: {  	s11 =	rddreg [dreg:$0x10];
	[sflag:s15] =	ssyncadd.s32 $0xFFFFC000  }
0x1bf: {  	[tilespmem:s23], [sflag:$0x4] =	stream.indirect.gather [hbm4b:s2+s21], $0x80, s11, s21, $0xb8;
	[tilespmem:$0x1DC00] =	vst v63  }
0x1c0: {  	_ =	swait.ge [sflag:s24], $0x4000  }
0x1c1: {  	[sflag:s24] =	ssyncset.done $0x0  }
0x1c2: {  	s10 =	rddreg [dreg:$0x11];
	[sflag:s24] =	ssyncadd.s32 $0xFFFFC000  }
0x1c3: {  	[spmem:s3] =	stream.indirect.scatter.add.f32 [tilespmem:s22], [sflag:$0x5], $0x80, s10, s21, $0xb8;
	[tilespmem:$0x1DC00] =	vst v63  }
0x1c4: {  	_ =	swait.ge [sflag:s15], $0x4000  }
0x1c5: {  	[sflag:s15] =	ssyncset.done $0x0  }
0x1c6: {  	s11 =	rddreg [dreg:$0x12];
	[sflag:s15] =	ssyncadd.s32 $0xFFFFC000  }
0x1c7: {  	[tilespmem:s22], [sflag:$0x3] =	stream.indirect.gather [hbm4b:s2+s21], $0x80, s11, s21, $0xb8;
	[tilespmem:$0x1DC00] =	vst v63  }
0x1c8: {  	_ =	swait.ge [sflag:s25], $0x4000  }
0x1c9: {  	[sflag:s25] =	ssyncset.done $0x0  }
0x1ca: {  	s10 =	rddreg [dreg:$0x13];
	[sflag:s25] =	ssyncadd.s32 $0xFFFFC000  }
0x1cb: {  	[spmem:s3] =	stream.indirect.scatter.add.f32 [tilespmem:s23], [sflag:$0x5], $0x80, s10, s21, $0xb8;
	[tilespmem:$0x1DC00] =	vst v63  }
0x1cc: {  	_ =	swait.ge [sflag:s15], $0x4000  }
0x1cd: {  	[sflag:s15] =	ssyncset.done $0x0  }
0x1ce: {  	s11 =	rddreg [dreg:$0x14];
	[sflag:s15] =	ssyncadd.s32 $0xFFFFC000  }
0x1cf: {  	[tilespmem:s23], [sflag:$0x4] =	stream.indirect.gather [hbm4b:s2+s21], $0x80, s11, s21, $0xb8;
	[tilespmem:$0x1DC00] =	vst v63  }
0x1d0: {  	_ =	swait.ge [sflag:s24], $0x4000  }
0x1d1: {  	[sflag:s24] =	ssyncset.done $0x0  }
0x1d2: {  	s10 =	rddreg [dreg:$0x15];
	[sflag:s24] =	ssyncadd.s32 $0xFFFFC000  }
0x1d3: {  	[spmem:s3] =	stream.indirect.scatter.add.f32 [tilespmem:s22], [sflag:$0x5], $0x80, s10, s21, $0xb8;
	[tilespmem:$0x1DC00] =	vst v63  }
0x1d4: {  	_ =	swait.ge [sflag:s15], $0x4000  }
0x1d5: {  	[sflag:s15] =	ssyncset.done $0x0  }
0x1d6: {  	s11 =	rddreg [dreg:$0x16];
	[sflag:s15] =	ssyncadd.s32 $0xFFFFC000  }
0x1d7: {  	[tilespmem:s22], [sflag:$0x3] =	stream.indirect.gather [hbm4b:s2+s21], $0x80, s11, s21, $0xb8;
	[tilespmem:$0x1DC00] =	vst v63  }
0x1d8: {  	_ =	swait.ge [sflag:s25], $0x4000  }
0x1d9: {  	[sflag:s25] =	ssyncset.done $0x0  }
0x1da: {  	s10 =	rddreg [dreg:$0x17];
	[sflag:s25] =	ssyncadd.s32 $0xFFFFC000  }
0x1db: {  	[spmem:s3] =	stream.indirect.scatter.add.f32 [tilespmem:s23], [sflag:$0x5], $0x80, s10, s21, $0xb8;
	[tilespmem:$0x1DC00] =	vst v63  }
0x1dc: {  	_ =	swait.ge [sflag:s15], $0x4000  }
0x1dd: {  	[sflag:s15] =	ssyncset.done $0x0  }
0x1de: {  	s11 =	rddreg [dreg:$0x18];
	[sflag:s15] =	ssyncadd.s32 $0xFFFFC000  }
0x1df: {  	[tilespmem:s23], [sflag:$0x4] =	stream.indirect.gather [hbm4b:s2+s21], $0x80, s11, s21, $0xb8;
	[tilespmem:$0x1DC00] =	vst v63  }
0x1e0: {  	_ =	swait.ge [sflag:s24], $0x4000  }
0x1e1: {  	[sflag:s24] =	ssyncset.done $0x0  }
0x1e2: {  	s10 =	rddreg [dreg:$0x19];
	[sflag:s24] =	ssyncadd.s32 $0xFFFFC000  }
0x1e3: {  	[spmem:s3] =	stream.indirect.scatter.add.f32 [tilespmem:s22], [sflag:$0x5], $0x80, s10, s21, $0xb8;
	[tilespmem:$0x1DC00] =	vst v63  }
0x1e4: {  	_ =	swait.ge [sflag:s15], $0x4000  }
0x1e5: {  	[sflag:s15] =	ssyncset.done $0x0  }
0x1e6: {  	s11 =	rddreg [dreg:$0x1a];
	[sflag:s15] =	ssyncadd.s32 $0xFFFFC000  }
0x1e7: {  	[tilespmem:s22], [sflag:$0x3] =	stream.indirect.gather [hbm4b:s2+s21], $0x80, s11, s21, $0xb8;
	[tilespmem:$0x1DC00] =	vst v63  }
0x1e8: {  	_ =	swait.ge [sflag:s25], $0x4000  }
0x1e9: {  	[sflag:s25] =	ssyncset.done $0x0  }
0x1ea: {  	s10 =	rddreg [dreg:$0x1b];
	[sflag:s25] =	ssyncadd.s32 $0xFFFFC000  }
0x1eb: {  	[spmem:s3] =	stream.indirect.scatter.add.f32 [tilespmem:s23], [sflag:$0x5], $0x80, s10, s21, $0xb8;
	[tilespmem:$0x1DC00] =	vst v63  }
0x1ec: {  	_ =	swait.ge [sflag:s15], $0x4000  }
0x1ed: {  	[sflag:s15] =	ssyncset.done $0x0  }
0x1ee: {  	s11 =	rddreg [dreg:$0x1c];
	[sflag:s15] =	ssyncadd.s32 $0xFFFFC000  }
0x1ef: {  	[tilespmem:s23], [sflag:$0x4] =	stream.indirect.gather [hbm4b:s2+s21], $0x80, s11, s21, $0xb8;
	[tilespmem:$0x1DC00] =	vst v63  }
0x1f0: {  	_ =	swait.ge [sflag:s24], $0x4000  }
0x1f1: {  	[sflag:s24] =	ssyncset.done $0x0  }
0x1f2: {  	s10 =	rddreg [dreg:$0x1d];
	[sflag:s24] =	ssyncadd.s32 $0xFFFFC000  }
0x1f3: {  	[spmem:s3] =	stream.indirect.scatter.add.f32 [tilespmem:s22], [sflag:$0x5], $0x80, s10, s21, $0xb8;
	[tilespmem:$0x1DC00] =	vst v63  }
0x1f4: {  	_ =	swait.ge [sflag:s15], $0x4000  }
0x1f5: {  	[sflag:s15] =	ssyncset.done $0x0  }
0x1f6: {  	s11 =	rddreg [dreg:$0x1e];
	[sflag:s15] =	ssyncadd.s32 $0xFFFFC000  }
0x1f7: {  	[tilespmem:s22], [sflag:$0x3] =	stream.indirect.gather [hbm4b:s2+s21], $0x80, s11, s21, $0xb8;
	[tilespmem:$0x1DC00] =	vst v63  }
0x1f8: {  	_ =	swait.ge [sflag:s25], $0x4000  }
0x1f9: {  	[sflag:s25] =	ssyncset.done $0x0  }
0x1fa: {  	s10 =	rddreg [dreg:$0x1f];
	[sflag:s25] =	ssyncadd.s32 $0xFFFFC000  }
0x1fb: {  	[spmem:s3] =	stream.indirect.scatter.add.f32 [tilespmem:s23], [sflag:$0x5], $0x80, s10, s21, $0xb8;
	[tilespmem:$0x1DC00] =	vst v63  }
0x1fc: {  	_ =	swait.ge [sflag:s15], $0x4000  }
0x1fd: {  	s11 =	sld [smem:$0x7DD]  }
0x1fe: {  	[sflag:s15] =	ssyncset.done $0x0  }
0x1ff: {  	[sflag:s15] =	ssyncadd.s32 $0xFFFFC000  }
0x200: {  	[tilespmem:s23], [sflag:$0x4] =	stream.indirect.gather [hbm4b:s2+s21], $0x80, s11, s21, $0xb8;
	[tilespmem:$0x1DC00] =	vst v63  }
0x201: {  	_ =	swait.ge [sflag:s24], $0x4000  }
0x202: {  	s10 =	sld [smem:$0x7DE]  }
0x203: {  	[sflag:s24] =	ssyncset.done $0x0  }
0x204: {  	[sflag:s24] =	ssyncadd.s32 $0xFFFFC000  }
0x205: {  	[spmem:s3] =	stream.indirect.scatter.add.f32 [tilespmem:s22], [sflag:$0x5], $0x80, s10, s21, $0xb8;
	[tilespmem:$0x1DC00] =	vst v63  }
0x206: {  	_ =	swait.ge [sflag:s15], $0x4000  }
0x207: {  	[sflag:s15] =	ssyncset.done $0x0  }
0x208: {  	[sflag:s15] =	ssyncadd.s32 $0xFFFFC000  }
0x209: {  	_ =	swait.ge [sflag:s25], $0x4000  }
0x20a: {  	s11 =	sld [smem:$0x7DF]  }
0x20b: {  	[sflag:s25] =	ssyncset.done $0x0  }
0x20c: {  	[sflag:s25] =	ssyncadd.s32 $0xFFFFC000  }
0x20d: {  	[spmem:s3] =	stream.indirect.scatter.add.f32 [tilespmem:s23], [sflag:$0x5], $0x80, s11, s21, $0xb8;
	[tilespmem:$0x1DC00] =	vst v63  }
0x20e: {  	_ =	swait.ge [sflag:s15], $0x4000  }
0x20f: {  	[sflag:s15] =	ssyncset.done $0x0  }
0x210: {  	[sflag:s15] =	ssyncadd.s32 $0xFFFFC000  }
0x211: {  	_ =	swait.ge [sflag:s26], $0x800  }
0x212: {  	[sflag:s26] =	ssyncset.done $0x0  }
0x213: {  	[sflag:s26] =	ssyncadd.s32 $0xFFFFF800  }
0x214: {  	s13 =	sadd.s32 $0x2000, s13;
	p1 =	seq.s32 s6, $0x1000;
	_ =	swait.ge [sflag:s26], $0x800  }
0x215: {  	s6 =	sshrl.u32 @!p1 s13, $0x3;
	s8 =	simm.s32 @!p1 $0x13C00;
	[sflag:s26] =	ssyncset.done $0x0  }
0x216: {  	s10 =	sadd.s32 @!p1 s5, s6;
	s11 =	simm.s32 @!p1 $0x0;
	[sflag:s26] =	ssyncadd.s32 $0xFFFFF800  }
0x217: {  	[tilespmem:s8], [sflag:$0x1] =	stream.linear.gather @!p1 [hbm4b:s10+s11], $0x800, $0x38;
	[tilespmem:$0x1DC00] =	vst v63  }
0x218: {  	s6 =	sadd.s32 @!p1 s6, s9;
	s8 =	simm.s32 @!p1 $0x14400  }
0x219: {  	[tilespmem:s8], [sflag:$0x1] =	stream.linear.gather @!p1 [hbm4b:s6+s11], $0x800, $0x38;
	[tilespmem:$0x1DC00] =	vst v63  }
0x21a: {  	s8 =	sld [smem:$0x7E0]  }
0x21b: {  	[tilespmem:s22], [sflag:$0x3] =	stream.indirect.gather [hbm4b:s2+s21], $0x80, s19, s21, $0xb8;
	[tilespmem:$0x1DC00] =	vst v63  }
0x21c: {  	_ = 	snop  }
0x21d: {  	[tilespmem:s23], [sflag:$0x4] =	stream.indirect.gather [hbm4b:s2+s21], $0x80, s8, s21, $0xb8;
	[tilespmem:$0x1DC00] =	vst v63  }
0x21e: {  	_ =	swait.ge [sflag:s24], $0x4000  }
0x21f: {  	[sflag:s24] =	ssyncset.done $0x0  }
0x220: {  	[sflag:s24] =	ssyncadd.s32 $0xFFFFC000  }
0x221: {  	[spmem:s3] =	stream.indirect.scatter.add.f32 [tilespmem:s22], [sflag:$0x5], $0x80, s20, s21, $0xb8;
	[tilespmem:$0x1DC00] =	vst v63  }
0x222: {  	_ =	swait.ge [sflag:s15], $0x4000  }
0x223: {  	s10 =	sld [smem:$0x7E1]  }
0x224: {  	[sflag:s15] =	ssyncset.done $0x0  }
0x225: {  	[sflag:s15] =	ssyncadd.s32 $0xFFFFC000  }
0x226: {  	[tilespmem:s22], [sflag:$0x3] =	stream.indirect.gather [hbm4b:s2+s21], $0x80, s10, s21, $0xb8;
	[tilespmem:$0x1DC00] =	vst v63  }
0x227: {  	_ =	swait.ge [sflag:s25], $0x4000  }
0x228: {  	s11 =	sld [smem:$0x7E2]  }
0x229: {  	[sflag:s25] =	ssyncset.done $0x0  }
0x22a: {  	[sflag:s25] =	ssyncadd.s32 $0xFFFFC000  }
0x22b: {  	[spmem:s3] =	stream.indirect.scatter.add.f32 [tilespmem:s23], [sflag:$0x5], $0x80, s11, s21, $0xb8;
	[tilespmem:$0x1DC00] =	vst v63  }
0x22c: {  	_ =	swait.ge [sflag:s15], $0x4000  }
0x22d: {  	s8 =	sld [smem:$0x7E3]  }
0x22e: {  	[sflag:s15] =	ssyncset.done $0x0  }
0x22f: {  	[sflag:s15] =	ssyncadd.s32 $0xFFFFC000  }
0x230: {  	[tilespmem:s23], [sflag:$0x4] =	stream.indirect.gather [hbm4b:s2+s21], $0x80, s8, s21, $0xb8;
	[tilespmem:$0x1DC00] =	vst v63  }
0x231: {  	_ =	swait.ge [sflag:s24], $0x4000  }
0x232: {  	s10 =	sld [smem:$0x7E4]  }
0x233: {  	[sflag:s24] =	ssyncset.done $0x0  }
0x234: {  	[sflag:s24] =	ssyncadd.s32 $0xFFFFC000  }
0x235: {  	[spmem:s3] =	stream.indirect.scatter.add.f32 [tilespmem:s22], [sflag:$0x5], $0x80, s10, s21, $0xb8;
	[tilespmem:$0x1DC00] =	vst v63  }
0x236: {  	_ =	swait.ge [sflag:s15], $0x4000  }
0x237: {  	s11 =	sld [smem:$0x7E5]  }
0x238: {  	[sflag:s15] =	ssyncset.done $0x0  }
0x239: {  	[sflag:s15] =	ssyncadd.s32 $0xFFFFC000  }
0x23a: {  	[tilespmem:s22], [sflag:$0x3] =	stream.indirect.gather [hbm4b:s2+s21], $0x80, s11, s21, $0xb8;
	[tilespmem:$0x1DC00] =	vst v63  }
0x23b: {  	_ =	swait.ge [sflag:s25], $0x4000  }
0x23c: {  	s8 =	sld [smem:$0x7E7]  }
0x23d: {  	[sflag:s25] =	ssyncset.done $0x0  }
0x23e: {  	[sflag:s25] =	ssyncadd.s32 $0xFFFFC000  }
0x23f: {  	[spmem:s3] =	stream.indirect.scatter.add.f32 [tilespmem:s23], [sflag:$0x5], $0x80, s8, s21, $0xb8;
	[tilespmem:$0x1DC00] =	vst v63  }
0x240: {  	_ =	swait.ge [sflag:s15], $0x4000  }
0x241: {  	s10 =	sld [smem:$0x7E8]  }
0x242: {  	[sflag:s15] =	ssyncset.done $0x0  }
0x243: {  	[sflag:s15] =	ssyncadd.s32 $0xFFFFC000  }
0x244: {  	[tilespmem:s23], [sflag:$0x4] =	stream.indirect.gather [hbm4b:s2+s21], $0x80, s10, s21, $0xb8;
	[tilespmem:$0x1DC00] =	vst v63  }
0x245: {  	_ =	swait.ge [sflag:s24], $0x4000  }
0x246: {  	s11 =	sld [smem:$0x7EA]  }
0x247: {  	[sflag:s24] =	ssyncset.done $0x0  }
0x248: {  	[sflag:s24] =	ssyncadd.s32 $0xFFFFC000  }
0x249: {  	[spmem:s3] =	stream.indirect.scatter.add.f32 [tilespmem:s22], [sflag:$0x5], $0x80, s11, s21, $0xb8;
	[tilespmem:$0x1DC00] =	vst v63  }
0x24a: {  	_ =	swait.ge [sflag:s15], $0x4000  }
0x24b: {  	s8 =	sld [smem:$0x7EB]  }
0x24c: {  	[sflag:s15] =	ssyncset.done $0x0  }
0x24d: {  	[sflag:s15] =	ssyncadd.s32 $0xFFFFC000  }
0x24e: {  	[tilespmem:s22], [sflag:$0x3] =	stream.indirect.gather [hbm4b:s2+s21], $0x80, s8, s21, $0xb8;
	[tilespmem:$0x1DC00] =	vst v63  }
0x24f: {  	_ =	swait.ge [sflag:s25], $0x4000  }
0x250: {  	s10 =	sld [smem:$0x7EC]  }
0x251: {  	[sflag:s25] =	ssyncset.done $0x0  }
0x252: {  	[sflag:s25] =	ssyncadd.s32 $0xFFFFC000  }
0x253: {  	[spmem:s3] =	stream.indirect.scatter.add.f32 [tilespmem:s23], [sflag:$0x5], $0x80, s10, s21, $0xb8;
	[tilespmem:$0x1DC00] =	vst v63  }
0x254: {  	_ =	swait.ge [sflag:s15], $0x4000  }
0x255: {  	s11 =	sld [smem:$0x7EE]  }
0x256: {  	[sflag:s15] =	ssyncset.done $0x0  }
0x257: {  	[sflag:s15] =	ssyncadd.s32 $0xFFFFC000  }
0x258: {  	[tilespmem:s23], [sflag:$0x4] =	stream.indirect.gather [hbm4b:s2+s21], $0x80, s11, s21, $0xb8;
	[tilespmem:$0x1DC00] =	vst v63  }
0x259: {  	_ =	swait.ge [sflag:s24], $0x4000  }
0x25a: {  	s8 =	sld [smem:$0x7EF]  }
0x25b: {  	[sflag:s24] =	ssyncset.done $0x0  }
0x25c: {  	[sflag:s24] =	ssyncadd.s32 $0xFFFFC000  }
0x25d: {  	[spmem:s3] =	stream.indirect.scatter.add.f32 [tilespmem:s22], [sflag:$0x5], $0x80, s8, s21, $0xb8;
	[tilespmem:$0x1DC00] =	vst v63  }
0x25e: {  	_ =	swait.ge [sflag:s15], $0x4000  }
0x25f: {  	s10 =	sld [smem:$0x7F0]  }
0x260: {  	[sflag:s15] =	ssyncset.done $0x0  }
0x261: {  	[sflag:s15] =	ssyncadd.s32 $0xFFFFC000  }
0x262: {  	[tilespmem:s22], [sflag:$0x3] =	stream.indirect.gather [hbm4b:s2+s21], $0x80, s10, s21, $0xb8;
	[tilespmem:$0x1DC00] =	vst v63  }
0x263: {  	_ =	swait.ge [sflag:s25], $0x4000  }
0x264: {  	s11 =	sld [smem:$0x7F1]  }
0x265: {  	[sflag:s25] =	ssyncset.done $0x0  }
0x266: {  	[sflag:s25] =	ssyncadd.s32 $0xFFFFC000  }
0x267: {  	[spmem:s3] =	stream.indirect.scatter.add.f32 [tilespmem:s23], [sflag:$0x5], $0x80, s11, s21, $0xb8;
	[tilespmem:$0x1DC00] =	vst v63  }
0x268: {  	_ =	swait.ge [sflag:s15], $0x4000  }
0x269: {  	s8 =	sld [smem:$0x7F2]  }
0x26a: {  	[sflag:s15] =	ssyncset.done $0x0  }
0x26b: {  	[sflag:s15] =	ssyncadd.s32 $0xFFFFC000  }
0x26c: {  	[tilespmem:s23], [sflag:$0x4] =	stream.indirect.gather [hbm4b:s2+s21], $0x80, s8, s21, $0xb8;
	[tilespmem:$0x1DC00] =	vst v63  }
0x26d: {  	_ =	swait.ge [sflag:s24], $0x4000  }
0x26e: {  	s10 =	sld [smem:$0x7F3]  }
0x26f: {  	[sflag:s24] =	ssyncset.done $0x0  }
0x270: {  	[sflag:s24] =	ssyncadd.s32 $0xFFFFC000  }
0x271: {  	[spmem:s3] =	stream.indirect.scatter.add.f32 [tilespmem:s22], [sflag:$0x5], $0x80, s10, s21, $0xb8;
	[tilespmem:$0x1DC00] =	vst v63  }
0x272: {  	_ =	swait.ge [sflag:s15], $0x4000  }
0x273: {  	s11 =	sld [smem:$0x7F4]  }
0x274: {  	[sflag:s15] =	ssyncset.done $0x0  }
0x275: {  	[sflag:s15] =	ssyncadd.s32 $0xFFFFC000  }
0x276: {  	[tilespmem:s22], [sflag:$0x3] =	stream.indirect.gather [hbm4b:s2+s21], $0x80, s11, s21, $0xb8;
	[tilespmem:$0x1DC00] =	vst v63  }
0x277: {  	_ =	swait.ge [sflag:s25], $0x4000  }
0x278: {  	s8 =	sld [smem:$0x7F5]  }
0x279: {  	[sflag:s25] =	ssyncset.done $0x0  }
0x27a: {  	[sflag:s25] =	ssyncadd.s32 $0xFFFFC000  }
0x27b: {  	[spmem:s3] =	stream.indirect.scatter.add.f32 [tilespmem:s23], [sflag:$0x5], $0x80, s8, s21, $0xb8;
	[tilespmem:$0x1DC00] =	vst v63  }
0x27c: {  	_ =	swait.ge [sflag:s15], $0x4000  }
0x27d: {  	s10 =	sld [smem:$0x7F6]  }
0x27e: {  	[sflag:s15] =	ssyncset.done $0x0  }
0x27f: {  	[sflag:s15] =	ssyncadd.s32 $0xFFFFC000  }
0x280: {  	[tilespmem:s23], [sflag:$0x4] =	stream.indirect.gather [hbm4b:s2+s21], $0x80, s10, s21, $0xb8;
	[tilespmem:$0x1DC00] =	vst v63  }
0x281: {  	_ =	swait.ge [sflag:s24], $0x4000  }
0x282: {  	s11 =	sld [smem:$0x7F7]  }
0x283: {  	[sflag:s24] =	ssyncset.done $0x0  }
0x284: {  	[sflag:s24] =	ssyncadd.s32 $0xFFFFC000  }
0x285: {  	[spmem:s3] =	stream.indirect.scatter.add.f32 [tilespmem:s22], [sflag:$0x5], $0x80, s11, s21, $0xb8;
	[tilespmem:$0x1DC00] =	vst v63  }
0x286: {  	_ =	swait.ge [sflag:s15], $0x4000  }
0x287: {  	s8 =	sld [smem:$0x7F8]  }
0x288: {  	[sflag:s15] =	ssyncset.done $0x0  }
0x289: {  	[sflag:s15] =	ssyncadd.s32 $0xFFFFC000  }
0x28a: {  	[tilespmem:s22], [sflag:$0x3] =	stream.indirect.gather [hbm4b:s2+s21], $0x80, s8, s21, $0xb8;
	[tilespmem:$0x1DC00] =	vst v63  }
0x28b: {  	_ =	swait.ge [sflag:s25], $0x4000  }
0x28c: {  	s10 =	sld [smem:$0x7F9]  }
0x28d: {  	[sflag:s25] =	ssyncset.done $0x0  }
0x28e: {  	[sflag:s25] =	ssyncadd.s32 $0xFFFFC000  }
0x28f: {  	[spmem:s3] =	stream.indirect.scatter.add.f32 [tilespmem:s23], [sflag:$0x5], $0x80, s10, s21, $0xb8;
	[tilespmem:$0x1DC00] =	vst v63  }
0x290: {  	_ =	swait.ge [sflag:s15], $0x4000  }
0x291: {  	s11 =	sld [smem:$0x7FA]  }
0x292: {  	[sflag:s15] =	ssyncset.done $0x0  }
0x293: {  	[sflag:s15] =	ssyncadd.s32 $0xFFFFC000  }
0x294: {  	[tilespmem:s23], [sflag:$0x4] =	stream.indirect.gather [hbm4b:s2+s21], $0x80, s11, s21, $0xb8;
	[tilespmem:$0x1DC00] =	vst v63  }
0x295: {  	_ =	swait.ge [sflag:s24], $0x4000  }
0x296: {  	s8 =	sld [smem:$0x7FB]  }
0x297: {  	[sflag:s24] =	ssyncset.done $0x0  }
0x298: {  	[sflag:s24] =	ssyncadd.s32 $0xFFFFC000  }
0x299: {  	[spmem:s3] =	stream.indirect.scatter.add.f32 [tilespmem:s22], [sflag:$0x5], $0x80, s8, s21, $0xb8;
	[tilespmem:$0x1DC00] =	vst v63  }
0x29a: {  	_ =	swait.ge [sflag:s15], $0x4000  }
0x29b: {  	s10 =	sld [smem:$0x7FC]  }
0x29c: {  	[sflag:s15] =	ssyncset.done $0x0  }
0x29d: {  	[sflag:s15] =	ssyncadd.s32 $0xFFFFC000  }
0x29e: {  	[tilespmem:s22], [sflag:$0x3] =	stream.indirect.gather [hbm4b:s2+s21], $0x80, s10, s21, $0xb8;
	[tilespmem:$0x1DC00] =	vst v63  }
0x29f: {  	_ =	swait.ge [sflag:s25], $0x4000  }
0x2a0: {  	s11 =	sld [smem:$0x7FD]  }
0x2a1: {  	[sflag:s25] =	ssyncset.done $0x0  }
0x2a2: {  	[sflag:s25] =	ssyncadd.s32 $0xFFFFC000  }
0x2a3: {  	[spmem:s3] =	stream.indirect.scatter.add.f32 [tilespmem:s23], [sflag:$0x5], $0x80, s11, s21, $0xb8;
	[tilespmem:$0x1DC00] =	vst v63  }
0x2a4: {  	_ =	swait.ge [sflag:s15], $0x4000  }
0x2a5: {  	[sflag:s15] =	ssyncset.done $0x0  }
0x2a6: {  	[sflag:s15] =	ssyncadd.s32 $0xFFFFC000  }
0x2a7: {  	[tilespmem:s23], [sflag:$0x4] =	stream.indirect.gather [hbm4b:s2+s21], $0x80, s28, s21, $0xb8;
	[tilespmem:$0x1DC00] =	vst v63  }
0x2a8: {  	_ =	swait.ge [sflag:s24], $0x4000  }
0x2a9: {  	[sflag:s24] =	ssyncset.done $0x0  }
0x2aa: {  	[sflag:s24] =	ssyncadd.s32 $0xFFFFC000  }
0x2ab: {  	[spmem:s3] =	stream.indirect.scatter.add.f32 [tilespmem:s22], [sflag:$0x5], $0x80, s29, s21, $0xb8;
	[tilespmem:$0x1DC00] =	vst v63  }
0x2ac: {  	_ =	swait.ge [sflag:s15], $0x4000  }
0x2ad: {  	[sflag:s15] =	ssyncset.done $0x0  }
0x2ae: {  	s1 =	sadd.s32 $0x400, s1;
	[sflag:s15] =	ssyncadd.s32 $0xFFFFC000  }
0x2af: {  	p0 =	sne.s32 s1, $0x1400;
	_ =	swait.ge [sflag:s25], $0x4000  }
.Ltmp0:
0x2b0: {  	[sflag:s25] =	ssyncset.done $0x0;
	(pc) =	sbr.rel @p0 .LBB2_2-.Ltmp0, $4  }
0x2b1: {  	[sflag:s25] =	ssyncadd.s32 $0xFFFFC000  }
0x2b2: {  	[spmem:s3] =	stream.indirect.scatter.add.f32 [tilespmem:s23], [sflag:$0x5], $0x80, s30, s21, $0xb8;
	[tilespmem:$0x1DC00] =	vst v63  }
0x2b3: {  	_ =	swait.ge [sflag:s15], $0x4000  }
0x2b4: {  	[sflag:s15] =	ssyncset.done $0x0  }
0x2b5: {  	[sflag:s15] =	ssyncadd.s32 $0xFFFFC000  }
0x2b6: {  	[bflag:$0x0] =	sbarrier.arrive $0xFFFF  }
0x2b7: {  	[hbm:s12], [sflag:s7] =	dma.local [spmem:s14], $0x2780  }
0x2b8: {  	_ =	swait.ge [sflag:s15], $0x2780  }
0x2b9: {  	s1 =	sld [smem:$0x7ED];
	_ =	sdelay $0x1  }
0x2ba: {  	s31 =	sadd.s32 $0x1, s31  }
0x2bb: {  	p0 =	sne.s32 s31, s1  }
.Ltmp1:
0x2bc: {  	_ = 	snop;
	(pc) =	sbr.rel @p0 .LBB2_1-.Ltmp1, $3  }
0x2bd: {  	_ =	sdelay $0x1  }
0x2be: {  	[sflag:s15] =	ssyncset.done $0x0  }
0x2bf: {  	[sflag:s15] =	ssyncadd.s32 $0xFFFFD880  }
0x2c0: {  	_ =	sfence.sel $0x180000  }
0x2c1: {  	[bflag:$0x0] =	sbarrier.arrive $0xFFFF  }
0x2c2: {  	_ =	strace $0x90000047  }
0x2c3: {  	s0 =	stileid.u32;
	[bflag:$0x2] =	sbarrier.arrive $0xFFFF  }
0x2c4: {  	p0 =	sne.s32 s0, $0x0;
	s0 =	rddreg [dreg:$0x3]  }
0x2c5: {  	s0 =	sadd.s32 @!p0 $0x100000, s0  }
0x2c6: {  	[sflag:s0] =	ssyncadd.tile.s32 @!p0 $0x1;
	_ =	shalt  }
.Lfunc_end2:
_tile_overlayer_lowered:
.L_overlay_start_2:
0x2c7: {  	(tag) =	ssettag $0x2  }
0x2c8: {  	s0 =	rddreg [dreg:$0x0];
	s2 =	stileid.u32  }
0x2c9: {  	s1 =	rddreg [dreg:$0x1];
	p0 =	sne.s32 s2, $0x0  }
0x2ca: {  	s3 =	rddreg [dreg:$0x2];
	[bflag:$0x3] =	sbarrier.arrive $0xFFFF;
	s2 =	simm.s32 @!p0 $0x1C05  }
0x2cb: {  	[timem:s3], [sflag:s2] =	dma.local @!p0 [hbm:s0], s1  }
0x2cc: {  	s0 =	simm.s32 @!p0 $0x5  }
0x2cd: {  	_ =	swait.ge @!p0 [sflag:s0], s1  }
0x2ce: {  	s1 =	ssub.s32 @!p0 $0x0, s1;
	[sflag:s0] =	ssyncset.done @!p0 $0x0  }
0x2cf: {  	[sflag:s0] =	ssyncadd.s32 @!p0 s1  }
0x2d0: {  	[bflag:$0x3] =	sbarrier.arrive $0xFFFF  }
0x2d1: {  	_ =	shalt  }

</sc_bundles>
